<compile_context>
chip_gen: v7x
topology: tpu7x:2x2x1
jax: 0.10.2.dev20260603
libtpu: 0.0.44.dev20260713+nightly
codegen_flags: <defaults>
</compile_context>

<pallas_src>
import functools

import jax
import jax.numpy as jnp
from jax import lax
from jax.experimental import pallas as pl
from jax.experimental.pallas import tpu as pltpu
from jax.experimental.pallas import tpu_sc as plsc

N = 10000
E = 320000
D = 128
DO = 256
DE = 16
EPS = 1e-5

NC = 2
NS = 16
NW = NC * NS
CB = 80
EHS = (51200, 102400, 102400, 64000)
NSPLIT = len(EHS)
NPAD = 10240
RPW = NPAD // NS

BE = 6400
BN_BLK = 2000


def _mesh():
    return plsc.VectorSubcoreMesh(core_axis_name="c", subcore_axis_name="s",
                                  num_cores=NC, num_subcores=NS)


@functools.cache
def _sc_gather_kernel(ne, eoff):
    epw = ne // NW
    nchunk = epw // CB
    npair = (nchunk - 1) // 2
    assert ne % (NW * CB) == 0

    @functools.partial(
        pl.kernel,
        out_type=(jax.ShapeDtypeStruct((ne, D), jnp.float32),
                  jax.ShapeDtypeStruct((ne, D), jnp.float32)),
        mesh=_mesh(),
        scratch_types=[
            pltpu.VMEM((epw,), jnp.int32),
            pltpu.VMEM((epw,), jnp.int32),
            pltpu.VMEM((CB, D), jnp.float32),
            pltpu.VMEM((CB, D), jnp.float32),
            pltpu.VMEM((CB, D), jnp.float32),
            pltpu.VMEM((CB, D), jnp.float32),
            pltpu.SemaphoreType.DMA,
            pltpu.SemaphoreType.DMA,
            pltpu.SemaphoreType.DMA,
            pltpu.SemaphoreType.DMA,
            pltpu.SemaphoreType.DMA,
            pltpu.SemaphoreType.DMA,
            pltpu.SemaphoreType.DMA,
            pltpu.SemaphoreType.DMA,
        ],
    )
    def _sc_gather_k(x_hbm, dst_hbm, src_hbm, gi_hbm, gj_hbm,
                     idxd_all, idxs_all, rowd0, rowd1, rows0, rows1,
                     gd0, gd1, gs0, gs1, wd0, wd1, ws0, ws1):
        wid = lax.axis_index("s") * NC + lax.axis_index("c")
        base0 = wid * epw
        pltpu.sync_copy(dst_hbm.at[pl.ds(eoff + base0, epw)], idxd_all)
        pltpu.sync_copy(src_hbm.at[pl.ds(eoff + base0, epw)], idxs_all)

        rowd = (rowd0, rowd1)
        rows = (rows0, rows1)
        gd = (gd0, gd1)
        gs = (gs0, gs1)
        wd = (wd0, wd1)
        ws = (ws0, ws1)

        def fire_gathers(ci, b):
            sl = pl.ds(ci * CB, CB)
            pltpu.async_copy(x_hbm.at[idxd_all.at[sl]], rowd[b], gd[b])
            pltpu.async_copy(x_hbm.at[idxs_all.at[sl]], rows[b], gs[b])

        def wait_gathers(b):
            sl = pl.ds(0, CB)
            pltpu.make_async_copy(x_hbm.at[idxd_all.at[sl]], rowd[b], gd[b]).wait()
            pltpu.make_async_copy(x_hbm.at[idxs_all.at[sl]], rows[b], gs[b]).wait()

        def fire_writes(ci, b):
            base = base0 + ci * CB
            pltpu.async_copy(rowd[b], gi_hbm.at[pl.ds(base, CB)], wd[b])
            pltpu.async_copy(rows[b], gj_hbm.at[pl.ds(base, CB)], ws[b])

        def wait_writes(b):
            pltpu.make_async_copy(rowd[b], gi_hbm.at[pl.ds(base0, CB)], wd[b]).wait()
            pltpu.make_async_copy(rows[b], gj_hbm.at[pl.ds(base0, CB)], ws[b]).wait()

        fire_gathers(0, 0)

        def body(k, carry):
            ci_a = 2 * k + 1
            ci_b = 2 * k + 2
            fire_gathers(ci_a, 1)
            wait_gathers(0)
            fire_writes(ci_a - 1, 0)
            wait_writes(0)
            fire_gathers(ci_b, 0)
            wait_gathers(1)
            fire_writes(ci_a, 1)
            wait_writes(1)
            return carry

        lax.fori_loop(0, npair, body, 0)
        if nchunk % 2 == 0:
            fire_gathers(nchunk - 1, 1)
            wait_gathers(0)
            fire_writes(nchunk - 2, 0)
            wait_writes(0)
            wait_gathers(1)
            fire_writes(nchunk - 1, 1)
            wait_writes(1)
        else:
            wait_gathers(0)
            fire_writes(nchunk - 1, 0)
            wait_writes(0)

    return _sc_gather_k


@functools.cache
def _sc_scatter_kernel(ne, eoff):
    epw = ne // NW
    nchunk = epw // CB
    npair = (nchunk - 1) // 2
    assert ne % (NW * CB) == 0

    @functools.partial(
        pl.kernel,
        out_type=jax.ShapeDtypeStruct((NC, NPAD, D), jnp.float32),
        mesh=_mesh(),
        scratch_types=[
            pltpu.VMEM((CB,), jnp.int32),
            pltpu.VMEM((CB,), jnp.int32),
            pltpu.VMEM((CB, D), jnp.float32),
            pltpu.VMEM((CB, D), jnp.float32),
            pltpu.VMEM_SHARED((NPAD, D), jnp.float32),
            pltpu.SemaphoreType.DMA,
            pltpu.SemaphoreType.DMA,
            pltpu.SemaphoreType.DMA,
            pltpu.SemaphoreType.DMA,
        ],
    )
    def _sc_scatter_k(m_hbm, dst_hbm, zeros_hbm, out_hbm,
                      idx0, idx1, row0, row1, agg_sh, l0, l1, i0, i1):
        c = lax.axis_index("c")
        s = lax.axis_index("s")
        wid = s * NC + c
        base0 = wid * epw
        pltpu.sync_copy(zeros_hbm.at[pl.ds(s * RPW, RPW)],
                        agg_sh.at[pl.ds(s * RPW, RPW)])
        plsc.subcore_barrier()

        row = (row0, row1)
        idx = (idx0, idx1)
        sem = (l0, l1)
        isem = (i0, i1)

        def fire_load(ci, b):
            base = base0 + ci * CB
            pltpu.async_copy(dst_hbm.at[pl.ds(eoff + base, CB)], idx[b], isem[b])
            pltpu.async_copy(m_hbm.at[pl.ds(base, CB)], row[b], sem[b])

        def scat(ci, b):
            pltpu.make_async_copy(dst_hbm.at[pl.ds(eoff, CB)], idx[b], isem[b]).wait()
            pltpu.make_async_copy(m_hbm.at[pl.ds(base0, CB)], row[b], sem[b]).wait()
            pltpu.sync_copy(row[b], agg_sh.at[idx[b]], add=True)

        fire_load(0, 0)

        def body(k, carry):
            ci_a = 2 * k + 1
            ci_b = 2 * k + 2
            fire_load(ci_a, 1)
            scat(ci_a - 1, 0)
            fire_load(ci_b, 0)
            scat(ci_a, 1)
            return carry

        lax.fori_loop(0, npair, body, 0)
        if nchunk % 2 == 0:
            fire_load(nchunk - 1, 1)
            scat(nchunk - 2, 0)
            scat(nchunk - 1, 1)
        else:
            scat(nchunk - 1, 0)
        plsc.subcore_barrier()
        pltpu.sync_copy(agg_sh.at[pl.ds(s * RPW, RPW)],
                        out_hbm.at[c].at[pl.ds(s * RPW, RPW)])

    return _sc_scatter_k


def _stats_body(gi_ref, gj_ref, ef_ref, wi_ref, wj_ref, we_ref, b1_ref,
                z_ref, sum_ref, sq_ref, acc_s, acc_q):
    k = pl.program_id(0)
    gib = gi_ref[...].astype(jnp.bfloat16)
    gjb = gj_ref[...].astype(jnp.bfloat16)
    efb = ef_ref[...].astype(jnp.bfloat16)
    z = (jnp.dot(gib, wi_ref[...], preferred_element_type=jnp.float32)
         + jnp.dot(gjb, wj_ref[...], preferred_element_type=jnp.float32)
         + lax.dot_general(efb, we_ref[...], (((0,), (0,)), ((), ())),
                           preferred_element_type=jnp.float32)
         + b1_ref[...])
    z_ref[...] = z.astype(jnp.bfloat16)

    @pl.when(k == 0)
    def _():
        acc_s[...] = jnp.zeros_like(acc_s)
        acc_q[...] = jnp.zeros_like(acc_q)

    acc_s[...] += jnp.sum(z, axis=0, keepdims=True)
    acc_q[...] += jnp.sum(z * z, axis=0, keepdims=True)

    @pl.when(k == pl.num_programs(0) - 1)
    def _():
        sum_ref[...] = acc_s[...]
        sq_ref[...] = acc_q[...]


def _stats_call(gi, gj, ef, eoff, wi, wj, we, b1):
    ne = gi.shape[0]
    boff = eoff // BE
    return pl.pallas_call(
        _stats_body,
        grid=(ne // BE,),
        in_specs=[
            pl.BlockSpec((BE, D), lambda k: (k, 0)),
            pl.BlockSpec((BE, D), lambda k: (k, 0)),
            pl.BlockSpec((DE, BE), lambda k: (0, k + boff)),
            pl.BlockSpec((D, DO), lambda k: (0, 0)),
            pl.BlockSpec((D, DO), lambda k: (0, 0)),
            pl.BlockSpec((DE, DO), lambda k: (0, 0)),
            pl.BlockSpec((1, DO), lambda k: (0, 0)),
        ],
        out_specs=(pl.BlockSpec((BE, DO), lambda k: (k, 0)),
                   pl.BlockSpec((1, DO), lambda k: (0, 0)),
                   pl.BlockSpec((1, DO), lambda k: (0, 0))),
        out_shape=(jax.ShapeDtypeStruct((ne, DO), jnp.bfloat16),
                   jax.ShapeDtypeStruct((1, DO), jnp.float32),
                   jax.ShapeDtypeStruct((1, DO), jnp.float32)),
        scratch_shapes=[pltpu.VMEM((1, DO), jnp.float32),
                        pltpu.VMEM((1, DO), jnp.float32)],
    )(gi, gj, ef, wi, wj, we, b1)


def _softplus(v):
    return jnp.maximum(v, 0.0) + jnp.log1p(jnp.exp(-jnp.abs(v)))


def _norm_body(sum_ref, sq_ref, z_ref, bng_ref, bnb_ref, m_ref):
    z = z_ref[...].astype(jnp.float32)
    mean = jnp.sum(sum_ref[...], axis=0, keepdims=True) / E
    sq = jnp.sum(sq_ref[...], axis=0, keepdims=True) / E
    var = jnp.maximum(sq - mean * mean, 0.0)
    scale = bng_ref[...] * lax.rsqrt(var + EPS)
    shift = bnb_ref[...] - mean * scale
    zh = z * scale + shift
    z1 = zh[:, :D]
    z2 = zh[:, D:]
    m_ref[...] = (1.0 / (1.0 + jnp.exp(-z1))) * _softplus(z2)


def _norm_call(ssum, ssq, z, bng, bnb):
    ne = z.shape[0]
    nsum = ssum.shape[0]
    full = lambda k: (0, 0)
    return pl.pallas_call(
        _norm_body,
        grid=(ne // BE,),
        in_specs=[
            pl.BlockSpec((nsum, DO), full),
            pl.BlockSpec((nsum, DO), full),
            pl.BlockSpec((BE, DO), lambda k: (k, 0)),
            pl.BlockSpec((1, DO), full),
            pl.BlockSpec((1, DO), full),
        ],
        out_specs=pl.BlockSpec((BE, D), lambda k: (k, 0)),
        out_shape=jax.ShapeDtypeStruct((ne, D), jnp.float32),
    )(ssum, ssq, z, bng, bnb)


def _final_body(*refs):
    prefs = refs[:NSPLIT]
    x_ref, lng_ref, lnb_ref, o_ref = refs[NSPLIT:]
    agg = prefs[0][0] + prefs[0][1]
    for p in prefs[1:]:
        agg = agg + p[0] + p[1]
    mu = jnp.mean(agg, axis=1, keepdims=True)
    dev = agg - mu
    var = jnp.mean(dev * dev, axis=1, keepdims=True)
    ln = dev * lax.rsqrt(var + EPS) * lng_ref[...] + lnb_ref[...]
    o_ref[...] = _softplus(ln + x_ref[...])


def _final_call(ps, x, lng, lnb):
    return pl.pallas_call(
        _final_body,
        grid=(N // BN_BLK,),
        in_specs=[pl.BlockSpec((NC, BN_BLK, D), lambda k: (0, k, 0))
                  for _ in range(NSPLIT)] + [
            pl.BlockSpec((BN_BLK, D), lambda k: (k, 0)),
            pl.BlockSpec((1, D), lambda k: (0, 0)),
            pl.BlockSpec((1, D), lambda k: (0, 0)),
        ],
        out_specs=pl.BlockSpec((BN_BLK, D), lambda k: (k, 0)),
        out_shape=jax.ShapeDtypeStruct((N, D), jnp.float32),
    )(*ps, x, lng, lnb)


def kernel(x, neighbors_index, neighbors_feats, W1, b1, bn_g, bn_b, ln_g, ln_b):
    src = neighbors_index[0]
    dst = neighbors_index[1]
    wi = W1[:D]
    wj = W1[D:2 * D]
    we = W1[2 * D:]
    b1r = b1.reshape(1, DO)
    bngr = bn_g.reshape(1, DO)
    bnbr = bn_b.reshape(1, DO)
    lngr = ln_g.reshape(1, D)
    lnbr = ln_b.reshape(1, D)
    wib = wi.astype(jnp.bfloat16)
    wjb = wj.astype(jnp.bfloat16)
    web = we.astype(jnp.bfloat16)
    zeros = jnp.zeros((NPAD, D), jnp.float32)

    eoffs = (0, EHS[0], EHS[0] + EHS[1], EHS[0] + EHS[1] + EHS[2])

    gs = [_sc_gather_kernel(EHS[h], eoffs[h])(x, dst, src)
          for h in range(NSPLIT)]
    eft = neighbors_feats.T
    st = [_stats_call(gs[h][0], gs[h][1], eft, eoffs[h],
                      wib, wjb, web, b1r)
          for h in range(NSPLIT)]
    ssum = jnp.concatenate([s[1] for s in st], axis=0)
    ssq = jnp.concatenate([s[2] for s in st], axis=0)
    ms = [_norm_call(ssum, ssq, st[h][0], bngr, bnbr) for h in range(NSPLIT)]
    ps = [_sc_scatter_kernel(EHS[h], eoffs[h])(ms[h], dst, zeros)
          for h in range(NSPLIT)]
    out = _final_call(ps, x, lngr, lnbr)
    return out

# --- scband reference (transcript-rebuilt; emitter-appended) ---
"""Pipeline reference for scband-cgcnn-62251255989043 (READ-ONLY COPY).

The authoritative reference and input builder live on the scoring server;
editing this copy changes nothing except your own understanding.
"""

import jax, jax.numpy as jnp
import numpy as np

N = 10000
E = 320000
D = 128
DE = 16
EPS = 1e-5


def setup_inputs(seed: int = 0) -> dict:
    key = jax.random.key(seed)
    ks = jax.random.split(key, 8)
    x = jax.random.normal(ks[0], (N, D), dtype=jnp.float32)
    neighbors_index = jax.random.randint(ks[1], (2, E), 0, N, dtype=jnp.int32)
    neighbors_feats = jax.random.normal(ks[2], (E, DE), dtype=jnp.float32)
    # lin1: Linear(2*D + DE -> 2*D), xavier_uniform init, zero bias
    fan_in, fan_out = 2 * D + DE, 2 * D
    limit = float(np.sqrt(6.0 / (fan_in + fan_out)))
    W1 = jax.random.uniform(ks[3], (fan_in, fan_out), dtype=jnp.float32, minval=-limit, maxval=limit)
    b1 = jnp.zeros((fan_out,), dtype=jnp.float32)
    # bn1: BatchNorm1d(2*D)
    bn_g = jnp.ones((fan_out,), dtype=jnp.float32)
    bn_b = jnp.zeros((fan_out,), dtype=jnp.float32)
    # ln1: LayerNorm(D)
    ln_g = jnp.ones((D,), dtype=jnp.float32)
    ln_b = jnp.zeros((D,), dtype=jnp.float32)
    return {"x": x, "neighbors_index": neighbors_index, "neighbors_feats": neighbors_feats,
            "W1": W1, "b1": b1, "bn_g": bn_g, "bn_b": bn_b, "ln_g": ln_g, "ln_b": ln_b}


def reference(x, neighbors_index, neighbors_feats, W1, b1, bn_g, bn_b, ln_g, ln_b):
    src = neighbors_index[0]  # j (source)
    dst = neighbors_index[1]  # i (target)
    x_i = jnp.take(x, dst, axis=0)  # [E, D]
    x_j = jnp.take(x, src, axis=0)  # [E, D]
    z = jnp.concatenate([x_i, x_j, neighbors_feats], axis=1) @ W1 + b1  # [E, 2D]
    # BatchNorm1d (training mode: batch statistics over edges)
    mean = jnp.mean(z, axis=0)
    var = jnp.var(z, axis=0)
    z = (z - mean) * jax.lax.rsqrt(var + EPS) * bn_g + bn_b
    z1, z2 = jnp.split(z, 2, axis=1)
    m = jax.nn.sigmoid(z1) * jax.nn.softplus(z2)  # [E, D]
    # aggr='add' scatter to target nodes
    agg = jax.ops.segment_sum(m, dst, num_segments=N)  # [N, D]
    # LayerNorm over feature dim
    mu = jnp.mean(agg, axis=-1, keepdims=True)
    sig2 = jnp.var(agg, axis=-1, keepdims=True)
    ln = (agg - mu) * jax.lax.rsqrt(sig2 + EPS) * ln_g + ln_b
    out = jax.nn.softplus(ln + x)
    return out

if __name__ == "__main__":
    import jax
    _d = setup_inputs()
    print(jax.jit(kernel)(*tuple(_d.values())))

</pallas_src>

<mosaic_0001>
#map = affine_map<(d0, d1) -> (0, 0)>
#map1 = affine_map<(d0, d1) -> (0)>
module attributes {stable_mosaic.version = 14 : i64} {
  func.func @_sc_gather_k(%arg0: i32, %arg1: i32, %arg2: memref<10000x128xf32, #tpu.memory_space<hbm>>, %arg3: memref<320000xi32, #tpu.memory_space<hbm>>, %arg4: memref<320000xi32, #tpu.memory_space<hbm>>, %arg5: memref<51200x128xf32, #tpu.memory_space<hbm>>, %arg6: memref<51200x128xf32, #tpu.memory_space<hbm>>, %arg7: memref<1600xi32, #tpu.memory_space<vmem>>, %arg8: memref<1600xi32, #tpu.memory_space<vmem>>, %arg9: memref<80x128xf32, #tpu.memory_space<vmem>>, %arg10: memref<80x128xf32, #tpu.memory_space<vmem>>, %arg11: memref<80x128xf32, #tpu.memory_space<vmem>>, %arg12: memref<80x128xf32, #tpu.memory_space<vmem>>, %arg13: memref<!tpu.dma_semaphore, #tpu.memory_space<semaphore_mem>>, %arg14: memref<!tpu.dma_semaphore, #tpu.memory_space<semaphore_mem>>, %arg15: memref<!tpu.dma_semaphore, #tpu.memory_space<semaphore_mem>>, %arg16: memref<!tpu.dma_semaphore, #tpu.memory_space<semaphore_mem>>, %arg17: memref<!tpu.dma_semaphore, #tpu.memory_space<semaphore_mem>>, %arg18: memref<!tpu.dma_semaphore, #tpu.memory_space<semaphore_mem>>, %arg19: memref<!tpu.dma_semaphore, #tpu.memory_space<semaphore_mem>>, %arg20: memref<!tpu.dma_semaphore, #tpu.memory_space<semaphore_mem>>) attributes {dimension_semantics = [#tpu.dimension_semantics<core_parallel>, #tpu.dimension_semantics<subcore_parallel>], iteration_bounds = array<i64: 2, 16>, scalar_prefetch = 0 : i64, scratch_operands = 14 : i64, tpu.core_type = #tpu.core_type<sc_vector_subcore>, window_params = [{transform_indices = #map}, {transform_indices = #map1}, {transform_indices = #map1}, {transform_indices = #map}, {transform_indices = #map}]} {
    %mul3A = arith.constant 2 : i32
    %mul3A_0 = arith.muli %arg1, %mul3A : i32
    %add3A = arith.addi %mul3A_0, %arg0 : i32
    %mul3A_1 = arith.constant 1600 : i32
    %mul3A_2 = arith.muli %add3A, %mul3A_1 : i32
    %add3A_3 = arith.constant 0 : i32
    %add3A_4 = arith.addi %add3A_3, %mul3A_2 : i32
    "tpu.region"() ({
      %run_scoped3A = tpu.sem_alloc : memref<!tpu.dma_semaphore, #tpu.memory_space<semaphore_mem>>
      %dma_start3A_86 = tpu.memref_slice %arg3[%add3A_4] : memref<320000xi32, #tpu.memory_space<hbm>> -> memref<1600xi32, #tpu.memory_space<hbm>>
      %dma_start3A_87 = tpu.memref_slice %arg3[%add3A_4] : memref<320000xi32, #tpu.memory_space<hbm>> -> memref<1600xi32, #tpu.memory_space<hbm>>
      tpu.enqueue_dma source(%dma_start3A_87 : memref<1600xi32, #tpu.memory_space<hbm>>) target(%arg7 : memref<1600xi32, #tpu.memory_space<vmem>>) target_semaphore(%run_scoped3A : memref<!tpu.dma_semaphore, #tpu.memory_space<semaphore_mem>>)
      %dma_wait3A_88 = tpu.memref_slice %arg3[%add3A_4] : memref<320000xi32, #tpu.memory_space<hbm>> -> memref<1600xi32, #tpu.memory_space<hbm>>
      %dma_wait3A_89 = tpu.memref_slice %arg3[%add3A_4] : memref<320000xi32, #tpu.memory_space<hbm>> -> memref<1600xi32, #tpu.memory_space<hbm>>
      tpu.wait_dma2 semaphore(%run_scoped3A : memref<!tpu.dma_semaphore, #tpu.memory_space<semaphore_mem>>) src(%dma_wait3A_89 : memref<1600xi32, #tpu.memory_space<hbm>>) dst(%arg7 : memref<1600xi32, #tpu.memory_space<vmem>>)
      tpu.yield
    }) : () -> ()
    %add3A_5 = arith.constant 0 : i32
    %add3A_6 = arith.addi %add3A_5, %mul3A_2 : i32
    "tpu.region"() ({
      %run_scoped3A = tpu.sem_alloc : memref<!tpu.dma_semaphore, #tpu.memory_space<semaphore_mem>>
      %dma_start3A_86 = tpu.memref_slice %arg4[%add3A_6] : memref<320000xi32, #tpu.memory_space<hbm>> -> memref<1600xi32, #tpu.memory_space<hbm>>
      %dma_start3A_87 = tpu.memref_slice %arg4[%add3A_6] : memref<320000xi32, #tpu.memory_space<hbm>> -> memref<1600xi32, #tpu.memory_space<hbm>>
      tpu.enqueue_dma source(%dma_start3A_87 : memref<1600xi32, #tpu.memory_space<hbm>>) target(%arg8 : memref<1600xi32, #tpu.memory_space<vmem>>) target_semaphore(%run_scoped3A : memref<!tpu.dma_semaphore, #tpu.memory_space<semaphore_mem>>)
      %dma_wait3A_88 = tpu.memref_slice %arg4[%add3A_6] : memref<320000xi32, #tpu.memory_space<hbm>> -> memref<1600xi32, #tpu.memory_space<hbm>>
      %dma_wait3A_89 = tpu.memref_slice %arg4[%add3A_6] : memref<320000xi32, #tpu.memory_space<hbm>> -> memref<1600xi32, #tpu.memory_space<hbm>>
      tpu.wait_dma2 semaphore(%run_scoped3A : memref<!tpu.dma_semaphore, #tpu.memory_space<semaphore_mem>>) src(%dma_wait3A_89 : memref<1600xi32, #tpu.memory_space<hbm>>) dst(%arg8 : memref<1600xi32, #tpu.memory_space<vmem>>)
      tpu.yield
    }) : () -> ()
    %dma_start3A = arith.constant 0 : i32
    %dma_start3A_7 = tpu.memref_slice %arg7[%dma_start3A] : memref<1600xi32, #tpu.memory_space<vmem>> -> memref<80xi32, #tpu.memory_space<vmem>>
    %dma_start3A_8 = arith.constant 0 : i32
    %dma_start3A_9 = arith.constant 0 : i32
    %dma_start3A_10 = tpu.memref_slice %arg2[%dma_start3A_8, %dma_start3A_9] : memref<10000x128xf32, #tpu.memory_space<hbm>> -> memref<10000x128xf32, #tpu.memory_space<hbm>>
    tpu.enqueue_indirect_dma source(%dma_start3A_10 : memref<10000x128xf32, #tpu.memory_space<hbm>>) target(%arg9 : memref<80x128xf32, #tpu.memory_space<vmem>>) offsets(%dma_start3A_7 : memref<80xi32, #tpu.memory_space<vmem>>) semaphore(%arg13 : memref<!tpu.dma_semaphore, #tpu.memory_space<semaphore_mem>>)
    %dma_start3A_11 = arith.constant 0 : i32
    %dma_start3A_12 = tpu.memref_slice %arg8[%dma_start3A_11] : memref<1600xi32, #tpu.memory_space<vmem>> -> memref<80xi32, #tpu.memory_space<vmem>>
    %dma_start3A_13 = arith.constant 0 : i32
    %dma_start3A_14 = arith.constant 0 : i32
    %dma_start3A_15 = tpu.memref_slice %arg2[%dma_start3A_13, %dma_start3A_14] : memref<10000x128xf32, #tpu.memory_space<hbm>> -> memref<10000x128xf32, #tpu.memory_space<hbm>>
    tpu.enqueue_indirect_dma source(%dma_start3A_15 : memref<10000x128xf32, #tpu.memory_space<hbm>>) target(%arg11 : memref<80x128xf32, #tpu.memory_space<vmem>>) offsets(%dma_start3A_12 : memref<80xi32, #tpu.memory_space<vmem>>) semaphore(%arg15 : memref<!tpu.dma_semaphore, #tpu.memory_space<semaphore_mem>>)
    %scan3A = arith.constant 0 : i32
    %scan3A_16 = arith.constant 0 : i32
    %scan3A_17 = arith.constant 9 : i32
    %scan3A_18 = arith.addi %scan3A_16, %scan3A_17 : i32
    %scan3A_19 = arith.constant 1 : i32
    scf.for %scan3A_86 = %scan3A_16 to %scan3A_18 step %scan3A_19  : i32 {
      %mul3A_87 = arith.constant 2 : i32
      %mul3A_88 = arith.muli %mul3A_87, %scan3A_86 : i32
      %add3A_89 = arith.constant 1 : i32
      %add3A_90 = arith.addi %mul3A_88, %add3A_89 : i32
      %mul3A_91 = arith.constant 2 : i32
      %mul3A_92 = arith.muli %mul3A_91, %scan3A_86 : i32
      %add3A_93 = arith.constant 2 : i32
      %add3A_94 = arith.addi %mul3A_92, %add3A_93 : i32
      %mul3A_95 = arith.constant 80 : i32
      %mul3A_96 = arith.muli %add3A_90, %mul3A_95 : i32
      %dma_start3A_97 = tpu.memref_slice %arg7[%mul3A_96] : memref<1600xi32, #tpu.memory_space<vmem>> -> memref<80xi32, #tpu.memory_space<vmem>>
      %dma_start3A_98 = arith.constant 0 : i32
      %dma_start3A_99 = arith.constant 0 : i32
      %dma_start3A_100 = tpu.memref_slice %arg2[%dma_start3A_98, %dma_start3A_99] : memref<10000x128xf32, #tpu.memory_space<hbm>> -> memref<10000x128xf32, #tpu.memory_space<hbm>>
      tpu.enqueue_indirect_dma source(%dma_start3A_100 : memref<10000x128xf32, #tpu.memory_space<hbm>>) target(%arg10 : memref<80x128xf32, #tpu.memory_space<vmem>>) offsets(%dma_start3A_97 : memref<80xi32, #tpu.memory_space<vmem>>) semaphore(%arg14 : memref<!tpu.dma_semaphore, #tpu.memory_space<semaphore_mem>>)
      %dma_start3A_101 = tpu.memref_slice %arg8[%mul3A_96] : memref<1600xi32, #tpu.memory_space<vmem>> -> memref<80xi32, #tpu.memory_space<vmem>>
      %dma_start3A_102 = arith.constant 0 : i32
      %dma_start3A_103 = arith.constant 0 : i32
      %dma_start3A_104 = tpu.memref_slice %arg2[%dma_start3A_102, %dma_start3A_103] : memref<10000x128xf32, #tpu.memory_space<hbm>> -> memref<10000x128xf32, #tpu.memory_space<hbm>>
      tpu.enqueue_indirect_dma source(%dma_start3A_104 : memref<10000x128xf32, #tpu.memory_space<hbm>>) target(%arg12 : memref<80x128xf32, #tpu.memory_space<vmem>>) offsets(%dma_start3A_101 : memref<80xi32, #tpu.memory_space<vmem>>) semaphore(%arg16 : memref<!tpu.dma_semaphore, #tpu.memory_space<semaphore_mem>>)
      %dma_wait3A_105 = arith.constant 0 : i32
      %dma_wait3A_106 = tpu.memref_slice %arg7[%dma_wait3A_105] : memref<1600xi32, #tpu.memory_space<vmem>> -> memref<80xi32, #tpu.memory_space<vmem>>
      %dma_wait3A_107 = arith.constant 0 : i32
      %dma_wait3A_108 = arith.constant 0 : i32
      %dma_wait3A_109 = tpu.memref_slice %arg2[%dma_wait3A_107, %dma_wait3A_108] : memref<10000x128xf32, #tpu.memory_space<hbm>> -> memref<10000x128xf32, #tpu.memory_space<hbm>>
      tpu.wait_indirect_dma semaphore(%arg13 : memref<!tpu.dma_semaphore, #tpu.memory_space<semaphore_mem>>) src(%dma_wait3A_109 : memref<10000x128xf32, #tpu.memory_space<hbm>>) dst(%arg9 : memref<80x128xf32, #tpu.memory_space<vmem>>)
      %dma_wait3A_110 = arith.constant 0 : i32
      %dma_wait3A_111 = tpu.memref_slice %arg8[%dma_wait3A_110] : memref<1600xi32, #tpu.memory_space<vmem>> -> memref<80xi32, #tpu.memory_space<vmem>>
      %dma_wait3A_112 = arith.constant 0 : i32
      %dma_wait3A_113 = arith.constant 0 : i32
      %dma_wait3A_114 = tpu.memref_slice %arg2[%dma_wait3A_112, %dma_wait3A_113] : memref<10000x128xf32, #tpu.memory_space<hbm>> -> memref<10000x128xf32, #tpu.memory_space<hbm>>
      tpu.wait_indirect_dma semaphore(%arg15 : memref<!tpu.dma_semaphore, #tpu.memory_space<semaphore_mem>>) src(%dma_wait3A_114 : memref<10000x128xf32, #tpu.memory_space<hbm>>) dst(%arg11 : memref<80x128xf32, #tpu.memory_space<vmem>>)
      %sub3A = arith.constant 1 : i32
      %sub3A_115 = arith.subi %add3A_90, %sub3A : i32
      %mul3A_116 = arith.constant 80 : i32
      %mul3A_117 = arith.muli %sub3A_115, %mul3A_116 : i32
      %add3A_118 = arith.addi %mul3A_2, %mul3A_117 : i32
      %dma_start3A_119 = arith.constant 0 : i32
      %dma_start3A_120 = tpu.memref_slice %arg5[%add3A_118, %dma_start3A_119] : memref<51200x128xf32, #tpu.memory_space<hbm>> -> memref<80x128xf32, #tpu.memory_space<hbm>>
      %dma_start3A_121 = arith.constant 0 : i32
      %dma_start3A_122 = tpu.memref_slice %arg5[%add3A_118, %dma_start3A_121] : memref<51200x128xf32, #tpu.memory_space<hbm>> -> memref<80x128xf32, #tpu.memory_space<hbm>>
      tpu.enqueue_dma source(%arg9 : memref<80x128xf32, #tpu.memory_space<vmem>>) target(%dma_start3A_122 : memref<80x128xf32, #tpu.memory_space<hbm>>) target_semaphore(%arg17 : memref<!tpu.dma_semaphore, #tpu.memory_space<semaphore_mem>>)
      %dma_start3A_123 = arith.constant 0 : i32
      %dma_start3A_124 = tpu.memref_slice %arg6[%add3A_118, %dma_start3A_123] : memref<51200x128xf32, #tpu.memory_space<hbm>> -> memref<80x128xf32, #tpu.memory_space<hbm>>
      %dma_start3A_125 = arith.constant 0 : i32
      %dma_start3A_126 = tpu.memref_slice %arg6[%add3A_118, %dma_start3A_125] : memref<51200x128xf32, #tpu.memory_space<hbm>> -> memref<80x128xf32, #tpu.memory_space<hbm>>
      tpu.enqueue_dma source(%arg11 : memref<80x128xf32, #tpu.memory_space<vmem>>) target(%dma_start3A_126 : memref<80x128xf32, #tpu.memory_space<hbm>>) target_semaphore(%arg19 : memref<!tpu.dma_semaphore, #tpu.memory_space<semaphore_mem>>)
      %dma_wait3A_127 = arith.constant 0 : i32
      %dma_wait3A_128 = tpu.memref_slice %arg5[%mul3A_2, %dma_wait3A_127] : memref<51200x128xf32, #tpu.memory_space<hbm>> -> memref<80x128xf32, #tpu.memory_space<hbm>>
      %dma_wait3A_129 = arith.constant 0 : i32
      %dma_wait3A_130 = tpu.memref_slice %arg5[%mul3A_2, %dma_wait3A_129] : memref<51200x128xf32, #tpu.memory_space<hbm>> -> memref<80x128xf32, #tpu.memory_space<hbm>>
      tpu.wait_dma2 semaphore(%arg17 : memref<!tpu.dma_semaphore, #tpu.memory_space<semaphore_mem>>) src(%arg9 : memref<80x128xf32, #tpu.memory_space<vmem>>) dst(%dma_wait3A_130 : memref<80x128xf32, #tpu.memory_space<hbm>>)
      %dma_wait3A_131 = arith.constant 0 : i32
      %dma_wait3A_132 = tpu.memref_slice %arg6[%mul3A_2, %dma_wait3A_131] : memref<51200x128xf32, #tpu.memory_space<hbm>> -> memref<80x128xf32, #tpu.memory_space<hbm>>
      %dma_wait3A_133 = arith.constant 0 : i32
      %dma_wait3A_134 = tpu.memref_slice %arg6[%mul3A_2, %dma_wait3A_133] : memref<51200x128xf32, #tpu.memory_space<hbm>> -> memref<80x128xf32, #tpu.memory_space<hbm>>
      tpu.wait_dma2 semaphore(%arg19 : memref<!tpu.dma_semaphore, #tpu.memory_space<semaphore_mem>>) src(%arg11 : memref<80x128xf32, #tpu.memory_space<vmem>>) dst(%dma_wait3A_134 : memref<80x128xf32, #tpu.memory_space<hbm>>)
      %mul3A_135 = arith.constant 80 : i32
      %mul3A_136 = arith.muli %add3A_94, %mul3A_135 : i32
      %dma_start3A_137 = tpu.memref_slice %arg7[%mul3A_136] : memref<1600xi32, #tpu.memory_space<vmem>> -> memref<80xi32, #tpu.memory_space<vmem>>
      %dma_start3A_138 = arith.constant 0 : i32
      %dma_start3A_139 = arith.constant 0 : i32
      %dma_start3A_140 = tpu.memref_slice %arg2[%dma_start3A_138, %dma_start3A_139] : memref<10000x128xf32, #tpu.memory_space<hbm>> -> memref<10000x128xf32, #tpu.memory_space<hbm>>
      tpu.enqueue_indirect_dma source(%dma_start3A_140 : memref<10000x128xf32, #tpu.memory_space<hbm>>) target(%arg9 : memref<80x128xf32, #tpu.memory_space<vmem>>) offsets(%dma_start3A_137 : memref<80xi32, #tpu.memory_space<vmem>>) semaphore(%arg13 : memref<!tpu.dma_semaphore, #tpu.memory_space<semaphore_mem>>)
      %dma_start3A_141 = tpu.memref_slice %arg8[%mul3A_136] : memref<1600xi32, #tpu.memory_space<vmem>> -> memref<80xi32, #tpu.memory_space<vmem>>
      %dma_start3A_142 = arith.constant 0 : i32
      %dma_start3A_143 = arith.constant 0 : i32
      %dma_start3A_144 = tpu.memref_slice %arg2[%dma_start3A_142, %dma_start3A_143] : memref<10000x128xf32, #tpu.memory_space<hbm>> -> memref<10000x128xf32, #tpu.memory_space<hbm>>
      tpu.enqueue_indirect_dma source(%dma_start3A_144 : memref<10000x128xf32, #tpu.memory_space<hbm>>) target(%arg11 : memref<80x128xf32, #tpu.memory_space<vmem>>) offsets(%dma_start3A_141 : memref<80xi32, #tpu.memory_space<vmem>>) semaphore(%arg15 : memref<!tpu.dma_semaphore, #tpu.memory_space<semaphore_mem>>)
      %dma_wait3A_145 = arith.constant 0 : i32
      %dma_wait3A_146 = tpu.memref_slice %arg7[%dma_wait3A_145] : memref<1600xi32, #tpu.memory_space<vmem>> -> memref<80xi32, #tpu.memory_space<vmem>>
      %dma_wait3A_147 = arith.constant 0 : i32
      %dma_wait3A_148 = arith.constant 0 : i32
      %dma_wait3A_149 = tpu.memref_slice %arg2[%dma_wait3A_147, %dma_wait3A_148] : memref<10000x128xf32, #tpu.memory_space<hbm>> -> memref<10000x128xf32, #tpu.memory_space<hbm>>
      tpu.wait_indirect_dma semaphore(%arg14 : memref<!tpu.dma_semaphore, #tpu.memory_space<semaphore_mem>>) src(%dma_wait3A_149 : memref<10000x128xf32, #tpu.memory_space<hbm>>) dst(%arg10 : memref<80x128xf32, #tpu.memory_space<vmem>>)
      %dma_wait3A_150 = arith.constant 0 : i32
      %dma_wait3A_151 = tpu.memref_slice %arg8[%dma_wait3A_150] : memref<1600xi32, #tpu.memory_space<vmem>> -> memref<80xi32, #tpu.memory_space<vmem>>
      %dma_wait3A_152 = arith.constant 0 : i32
      %dma_wait3A_153 = arith.constant 0 : i32
      %dma_wait3A_154 = tpu.memref_slice %arg2[%dma_wait3A_152, %dma_wait3A_153] : memref<10000x128xf32, #tpu.memory_space<hbm>> -> memref<10000x128xf32, #tpu.memory_space<hbm>>
      tpu.wait_indirect_dma semaphore(%arg16 : memref<!tpu.dma_semaphore, #tpu.memory_space<semaphore_mem>>) src(%dma_wait3A_154 : memref<10000x128xf32, #tpu.memory_space<hbm>>) dst(%arg12 : memref<80x128xf32, #tpu.memory_space<vmem>>)
      %mul3A_155 = arith.constant 80 : i32
      %mul3A_156 = arith.muli %add3A_90, %mul3A_155 : i32
      %add3A_157 = arith.addi %mul3A_2, %mul3A_156 : i32
      %dma_start3A_158 = arith.constant 0 : i32
      %dma_start3A_159 = tpu.memref_slice %arg5[%add3A_157, %dma_start3A_158] : memref<51200x128xf32, #tpu.memory_space<hbm>> -> memref<80x128xf32, #tpu.memory_space<hbm>>
      %dma_start3A_160 = arith.constant 0 : i32
      %dma_start3A_161 = tpu.memref_slice %arg5[%add3A_157, %dma_start3A_160] : memref<51200x128xf32, #tpu.memory_space<hbm>> -> memref<80x128xf32, #tpu.memory_space<hbm>>
      tpu.enqueue_dma source(%arg10 : memref<80x128xf32, #tpu.memory_space<vmem>>) target(%dma_start3A_161 : memref<80x128xf32, #tpu.memory_space<hbm>>) target_semaphore(%arg18 : memref<!tpu.dma_semaphore, #tpu.memory_space<semaphore_mem>>)
      %dma_start3A_162 = arith.constant 0 : i32
      %dma_start3A_163 = tpu.memref_slice %arg6[%add3A_157, %dma_start3A_162] : memref<51200x128xf32, #tpu.memory_space<hbm>> -> memref<80x128xf32, #tpu.memory_space<hbm>>
      %dma_start3A_164 = arith.constant 0 : i32
      %dma_start3A_165 = tpu.memref_slice %arg6[%add3A_157, %dma_start3A_164] : memref<51200x128xf32, #tpu.memory_space<hbm>> -> memref<80x128xf32, #tpu.memory_space<hbm>>
      tpu.enqueue_dma source(%arg12 : memref<80x128xf32, #tpu.memory_space<vmem>>) target(%dma_start3A_165 : memref<80x128xf32, #tpu.memory_space<hbm>>) target_semaphore(%arg20 : memref<!tpu.dma_semaphore, #tpu.memory_space<semaphore_mem>>)
      %dma_wait3A_166 = arith.constant 0 : i32
      %dma_wait3A_167 = tpu.memref_slice %arg5[%mul3A_2, %dma_wait3A_166] : memref<51200x128xf32, #tpu.memory_space<hbm>> -> memref<80x128xf32, #tpu.memory_space<hbm>>
      %dma_wait3A_168 = arith.constant 0 : i32
      %dma_wait3A_169 = tpu.memref_slice %arg5[%mul3A_2, %dma_wait3A_168] : memref<51200x128xf32, #tpu.memory_space<hbm>> -> memref<80x128xf32, #tpu.memory_space<hbm>>
      tpu.wait_dma2 semaphore(%arg18 : memref<!tpu.dma_semaphore, #tpu.memory_space<semaphore_mem>>) src(%arg10 : memref<80x128xf32, #tpu.memory_space<vmem>>) dst(%dma_wait3A_169 : memref<80x128xf32, #tpu.memory_space<hbm>>)
      %dma_wait3A_170 = arith.constant 0 : i32
      %dma_wait3A_171 = tpu.memref_slice %arg6[%mul3A_2, %dma_wait3A_170] : memref<51200x128xf32, #tpu.memory_space<hbm>> -> memref<80x128xf32, #tpu.memory_space<hbm>>
      %dma_wait3A_172 = arith.constant 0 : i32
      %dma_wait3A_173 = tpu.memref_slice %arg6[%mul3A_2, %dma_wait3A_172] : memref<51200x128xf32, #tpu.memory_space<hbm>> -> memref<80x128xf32, #tpu.memory_space<hbm>>
      tpu.wait_dma2 semaphore(%arg20 : memref<!tpu.dma_semaphore, #tpu.memory_space<semaphore_mem>>) src(%arg12 : memref<80x128xf32, #tpu.memory_space<vmem>>) dst(%dma_wait3A_173 : memref<80x128xf32, #tpu.memory_space<hbm>>)
    }
    %scan3A_20 = arith.constant 9 : i32
    %dma_start3A_21 = arith.constant 1520 : i32
    %dma_start3A_22 = tpu.memref_slice %arg7[%dma_start3A_21] : memref<1600xi32, #tpu.memory_space<vmem>> -> memref<80xi32, #tpu.memory_space<vmem>>
    %dma_start3A_23 = arith.constant 0 : i32
    %dma_start3A_24 = arith.constant 0 : i32
    %dma_start3A_25 = tpu.memref_slice %arg2[%dma_start3A_23, %dma_start3A_24] : memref<10000x128xf32, #tpu.memory_space<hbm>> -> memref<10000x128xf32, #tpu.memory_space<hbm>>
    tpu.enqueue_indirect_dma source(%dma_start3A_25 : memref<10000x128xf32, #tpu.memory_space<hbm>>) target(%arg10 : memref<80x128xf32, #tpu.memory_space<vmem>>) offsets(%dma_start3A_22 : memref<80xi32, #tpu.memory_space<vmem>>) semaphore(%arg14 : memref<!tpu.dma_semaphore, #tpu.memory_space<semaphore_mem>>)
    %dma_start3A_26 = arith.constant 1520 : i32
    %dma_start3A_27 = tpu.memref_slice %arg8[%dma_start3A_26] : memref<1600xi32, #tpu.memory_space<vmem>> -> memref<80xi32, #tpu.memory_space<vmem>>
    %dma_start3A_28 = arith.constant 0 : i32
    %dma_start3A_29 = arith.constant 0 : i32
    %dma_start3A_30 = tpu.memref_slice %arg2[%dma_start3A_28, %dma_start3A_29] : memref<10000x128xf32, #tpu.memory_space<hbm>> -> memref<10000x128xf32, #tpu.memory_space<hbm>>
    tpu.enqueue_indirect_dma source(%dma_start3A_30 : memref<10000x128xf32, #tpu.memory_space<hbm>>) target(%arg12 : memref<80x128xf32, #tpu.memory_space<vmem>>) offsets(%dma_start3A_27 : memref<80xi32, #tpu.memory_space<vmem>>) semaphore(%arg16 : memref<!tpu.dma_semaphore, #tpu.memory_space<semaphore_mem>>)
    %dma_wait3A = arith.constant 0 : i32
    %dma_wait3A_31 = tpu.memref_slice %arg7[%dma_wait3A] : memref<1600xi32, #tpu.memory_space<vmem>> -> memref<80xi32, #tpu.memory_space<vmem>>
    %dma_wait3A_32 = arith.constant 0 : i32
    %dma_wait3A_33 = arith.constant 0 : i32
    %dma_wait3A_34 = tpu.memref_slice %arg2[%dma_wait3A_32, %dma_wait3A_33] : memref<10000x128xf32, #tpu.memory_space<hbm>> -> memref<10000x128xf32, #tpu.memory_space<hbm>>
    tpu.wait_indirect_dma semaphore(%arg13 : memref<!tpu.dma_semaphore, #tpu.memory_space<semaphore_mem>>) src(%dma_wait3A_34 : memref<10000x128xf32, #tpu.memory_space<hbm>>) dst(%arg9 : memref<80x128xf32, #tpu.memory_space<vmem>>)
    %dma_wait3A_35 = arith.constant 0 : i32
    %dma_wait3A_36 = tpu.memref_slice %arg8[%dma_wait3A_35] : memref<1600xi32, #tpu.memory_space<vmem>> -> memref<80xi32, #tpu.memory_space<vmem>>
    %dma_wait3A_37 = arith.constant 0 : i32
    %dma_wait3A_38 = arith.constant 0 : i32
    %dma_wait3A_39 = tpu.memref_slice %arg2[%dma_wait3A_37, %dma_wait3A_38] : memref<10000x128xf32, #tpu.memory_space<hbm>> -> memref<10000x128xf32, #tpu.memory_space<hbm>>
    tpu.wait_indirect_dma semaphore(%arg15 : memref<!tpu.dma_semaphore, #tpu.memory_space<semaphore_mem>>) src(%dma_wait3A_39 : memref<10000x128xf32, #tpu.memory_space<hbm>>) dst(%arg11 : memref<80x128xf32, #tpu.memory_space<vmem>>)
    %add3A_40 = arith.constant 1440 : i32
    %add3A_41 = arith.addi %mul3A_2, %add3A_40 : i32
    %dma_start3A_42 = arith.constant 0 : i32
    %dma_start3A_43 = tpu.memref_slice %arg5[%add3A_41, %dma_start3A_42] : memref<51200x128xf32, #tpu.memory_space<hbm>> -> memref<80x128xf32, #tpu.memory_space<hbm>>
    %dma_start3A_44 = arith.constant 0 : i32
    %dma_start3A_45 = tpu.memref_slice %arg5[%add3A_41, %dma_start3A_44] : memref<51200x128xf32, #tpu.memory_space<hbm>> -> memref<80x128xf32, #tpu.memory_space<hbm>>
    tpu.enqueue_dma source(%arg9 : memref<80x128xf32, #tpu.memory_space<vmem>>) target(%dma_start3A_45 : memref<80x128xf32, #tpu.memory_space<hbm>>) target_semaphore(%arg17 : memref<!tpu.dma_semaphore, #tpu.memory_space<semaphore_mem>>)
    %dma_start3A_46 = arith.constant 0 : i32
    %dma_start3A_47 = tpu.memref_slice %arg6[%add3A_41, %dma_start3A_46] : memref<51200x128xf32, #tpu.memory_space<hbm>> -> memref<80x128xf32, #tpu.memory_space<hbm>>
    %dma_start3A_48 = arith.constant 0 : i32
    %dma_start3A_49 = tpu.memref_slice %arg6[%add3A_41, %dma_start3A_48] : memref<51200x128xf32, #tpu.memory_space<hbm>> -> memref<80x128xf32, #tpu.memory_space<hbm>>
    tpu.enqueue_dma source(%arg11 : memref<80x128xf32, #tpu.memory_space<vmem>>) target(%dma_start3A_49 : memref<80x128xf32, #tpu.memory_space<hbm>>) target_semaphore(%arg19 : memref<!tpu.dma_semaphore, #tpu.memory_space<semaphore_mem>>)
    %dma_wait3A_50 = arith.constant 0 : i32
    %dma_wait3A_51 = tpu.memref_slice %arg5[%mul3A_2, %dma_wait3A_50] : memref<51200x128xf32, #tpu.memory_space<hbm>> -> memref<80x128xf32, #tpu.memory_space<hbm>>
    %dma_wait3A_52 = arith.constant 0 : i32
    %dma_wait3A_53 = tpu.memref_slice %arg5[%mul3A_2, %dma_wait3A_52] : memref<51200x128xf32, #tpu.memory_space<hbm>> -> memref<80x128xf32, #tpu.memory_space<hbm>>
    tpu.wait_dma2 semaphore(%arg17 : memref<!tpu.dma_semaphore, #tpu.memory_space<semaphore_mem>>) src(%arg9 : memref<80x128xf32, #tpu.memory_space<vmem>>) dst(%dma_wait3A_53 : memref<80x128xf32, #tpu.memory_space<hbm>>)
    %dma_wait3A_54 = arith.constant 0 : i32
    %dma_wait3A_55 = tpu.memref_slice %arg6[%mul3A_2, %dma_wait3A_54] : memref<51200x128xf32, #tpu.memory_space<hbm>> -> memref<80x128xf32, #tpu.memory_space<hbm>>
    %dma_wait3A_56 = arith.constant 0 : i32
    %dma_wait3A_57 = tpu.memref_slice %arg6[%mul3A_2, %dma_wait3A_56] : memref<51200x128xf32, #tpu.memory_space<hbm>> -> memref<80x128xf32, #tpu.memory_space<hbm>>
    tpu.wait_dma2 semaphore(%arg19 : memref<!tpu.dma_semaphore, #tpu.memory_space<semaphore_mem>>) src(%arg11 : memref<80x128xf32, #tpu.memory_space<vmem>>) dst(%dma_wait3A_57 : memref<80x128xf32, #tpu.memory_space<hbm>>)
    %dma_wait3A_58 = arith.constant 0 : i32
    %dma_wait3A_59 = tpu.memref_slice %arg7[%dma_wait3A_58] : memref<1600xi32, #tpu.memory_space<vmem>> -> memref<80xi32, #tpu.memory_space<vmem>>
    %dma_wait3A_60 = arith.constant 0 : i32
    %dma_wait3A_61 = arith.constant 0 : i32
    %dma_wait3A_62 = tpu.memref_slice %arg2[%dma_wait3A_60, %dma_wait3A_61] : memref<10000x128xf32, #tpu.memory_space<hbm>> -> memref<10000x128xf32, #tpu.memory_space<hbm>>
    tpu.wait_indirect_dma semaphore(%arg14 : memref<!tpu.dma_semaphore, #tpu.memory_space<semaphore_mem>>) src(%dma_wait3A_62 : memref<10000x128xf32, #tpu.memory_space<hbm>>) dst(%arg10 : memref<80x128xf32, #tpu.memory_space<vmem>>)
    %dma_wait3A_63 = arith.constant 0 : i32
    %dma_wait3A_64 = tpu.memref_slice %arg8[%dma_wait3A_63] : memref<1600xi32, #tpu.memory_space<vmem>> -> memref<80xi32, #tpu.memory_space<vmem>>
    %dma_wait3A_65 = arith.constant 0 : i32
    %dma_wait3A_66 = arith.constant 0 : i32
    %dma_wait3A_67 = tpu.memref_slice %arg2[%dma_wait3A_65, %dma_wait3A_66] : memref<10000x128xf32, #tpu.memory_space<hbm>> -> memref<10000x128xf32, #tpu.memory_space<hbm>>
    tpu.wait_indirect_dma semaphore(%arg16 : memref<!tpu.dma_semaphore, #tpu.memory_space<semaphore_mem>>) src(%dma_wait3A_67 : memref<10000x128xf32, #tpu.memory_space<hbm>>) dst(%arg12 : memref<80x128xf32, #tpu.memory_space<vmem>>)
    %add3A_68 = arith.constant 1520 : i32
    %add3A_69 = arith.addi %mul3A_2, %add3A_68 : i32
    %dma_start3A_70 = arith.constant 0 : i32
    %dma_start3A_71 = tpu.memref_slice %arg5[%add3A_69, %dma_start3A_70] : memref<51200x128xf32, #tpu.memory_space<hbm>> -> memref<80x128xf32, #tpu.memory_space<hbm>>
    %dma_start3A_72 = arith.constant 0 : i32
    %dma_start3A_73 = tpu.memref_slice %arg5[%add3A_69, %dma_start3A_72] : memref<51200x128xf32, #tpu.memory_space<hbm>> -> memref<80x128xf32, #tpu.memory_space<hbm>>
    tpu.enqueue_dma source(%arg10 : memref<80x128xf32, #tpu.memory_space<vmem>>) target(%dma_start3A_73 : memref<80x128xf32, #tpu.memory_space<hbm>>) target_semaphore(%arg18 : memref<!tpu.dma_semaphore, #tpu.memory_space<semaphore_mem>>)
    %dma_start3A_74 = arith.constant 0 : i32
    %dma_start3A_75 = tpu.memref_slice %arg6[%add3A_69, %dma_start3A_74] : memref<51200x128xf32, #tpu.memory_space<hbm>> -> memref<80x128xf32, #tpu.memory_space<hbm>>
    %dma_start3A_76 = arith.constant 0 : i32
    %dma_start3A_77 = tpu.memref_slice %arg6[%add3A_69, %dma_start3A_76] : memref<51200x128xf32, #tpu.memory_space<hbm>> -> memref<80x128xf32, #tpu.memory_space<hbm>>
    tpu.enqueue_dma source(%arg12 : memref<80x128xf32, #tpu.memory_space<vmem>>) target(%dma_start3A_77 : memref<80x128xf32, #tpu.memory_space<hbm>>) target_semaphore(%arg20 : memref<!tpu.dma_semaphore, #tpu.memory_space<semaphore_mem>>)
    %dma_wait3A_78 = arith.constant 0 : i32
    %dma_wait3A_79 = tpu.memref_slice %arg5[%mul3A_2, %dma_wait3A_78] : memref<51200x128xf32, #tpu.memory_space<hbm>> -> memref<80x128xf32, #tpu.memory_space<hbm>>
    %dma_wait3A_80 = arith.constant 0 : i32
    %dma_wait3A_81 = tpu.memref_slice %arg5[%mul3A_2, %dma_wait3A_80] : memref<51200x128xf32, #tpu.memory_space<hbm>> -> memref<80x128xf32, #tpu.memory_space<hbm>>
    tpu.wait_dma2 semaphore(%arg18 : memref<!tpu.dma_semaphore, #tpu.memory_space<semaphore_mem>>) src(%arg10 : memref<80x128xf32, #tpu.memory_space<vmem>>) dst(%dma_wait3A_81 : memref<80x128xf32, #tpu.memory_space<hbm>>)
    %dma_wait3A_82 = arith.constant 0 : i32
    %dma_wait3A_83 = tpu.memref_slice %arg6[%mul3A_2, %dma_wait3A_82] : memref<51200x128xf32, #tpu.memory_space<hbm>> -> memref<80x128xf32, #tpu.memory_space<hbm>>
    %dma_wait3A_84 = arith.constant 0 : i32
    %dma_wait3A_85 = tpu.memref_slice %arg6[%mul3A_2, %dma_wait3A_84] : memref<51200x128xf32, #tpu.memory_space<hbm>> -> memref<80x128xf32, #tpu.memory_space<hbm>>
    tpu.wait_dma2 semaphore(%arg20 : memref<!tpu.dma_semaphore, #tpu.memory_space<semaphore_mem>>) src(%arg12 : memref<80x128xf32, #tpu.memory_space<vmem>>) dst(%dma_wait3A_85 : memref<80x128xf32, #tpu.memory_space<hbm>>)
    return
  }
}

#map = affine_map<(d0, d1) -> (0, 0)>
#map1 = affine_map<(d0, d1) -> (0)>
module attributes {stable_mosaic.version = 14 : i64} {
  func.func @_sc_gather_k(%arg0: i32, %arg1: i32, %arg2: memref<10000x128xf32, #tpu.memory_space<hbm>>, %arg3: memref<320000xi32, #tpu.memory_space<hbm>>, %arg4: memref<320000xi32, #tpu.memory_space<hbm>>, %arg5: memref<102400x128xf32, #tpu.memory_space<hbm>>, %arg6: memref<102400x128xf32, #tpu.memory_space<hbm>>, %arg7: memref<3200xi32, #tpu.memory_space<vmem>>, %arg8: memref<3200xi32, #tpu.memory_space<vmem>>, %arg9: memref<80x128xf32, #tpu.memory_space<vmem>>, %arg10: memref<80x128xf32, #tpu.memory_space<vmem>>, %arg11: memref<80x128xf32, #tpu.memory_space<vmem>>, %arg12: memref<80x128xf32, #tpu.memory_space<vmem>>, %arg13: memref<!tpu.dma_semaphore, #tpu.memory_space<semaphore_mem>>, %arg14: memref<!tpu.dma_semaphore, #tpu.memory_space<semaphore_mem>>, %arg15: memref<!tpu.dma_semaphore, #tpu.memory_space<semaphore_mem>>, %arg16: memref<!tpu.dma_semaphore, #tpu.memory_space<semaphore_mem>>, %arg17: memref<!tpu.dma_semaphore, #tpu.memory_space<semaphore_mem>>, %arg18: memref<!tpu.dma_semaphore, #tpu.memory_space<semaphore_mem>>, %arg19: memref<!tpu.dma_semaphore, #tpu.memory_space<semaphore_mem>>, %arg20: memref<!tpu.dma_semaphore, #tpu.memory_space<semaphore_mem>>) attributes {dimension_semantics = [#tpu.dimension_semantics<core_parallel>, #tpu.dimension_semantics<subcore_parallel>], iteration_bounds = array<i64: 2, 16>, scalar_prefetch = 0 : i64, scratch_operands = 14 : i64, tpu.core_type = #tpu.core_type<sc_vector_subcore>, window_params = [{transform_indices = #map}, {transform_indices = #map1}, {transform_indices = #map1}, {transform_indices = #map}, {transform_indices = #map}]} {
    %mul3A = arith.constant 2 : i32
    %mul3A_0 = arith.muli %arg1, %mul3A : i32
    %add3A = arith.addi %mul3A_0, %arg0 : i32
    %mul3A_1 = arith.constant 3200 : i32
    %mul3A_2 = arith.muli %add3A, %mul3A_1 : i32
    %add3A_3 = arith.constant 153600 : i32
    %add3A_4 = arith.addi %add3A_3, %mul3A_2 : i32
    "tpu.region"() ({
      %run_scoped3A = tpu.sem_alloc : memref<!tpu.dma_semaphore, #tpu.memory_space<semaphore_mem>>
      %dma_start3A_86 = tpu.memref_slice %arg3[%add3A_4] : memref<320000xi32, #tpu.memory_space<hbm>> -> memref<3200xi32, #tpu.memory_space<hbm>>
      %dma_start3A_87 = tpu.memref_slice %arg3[%add3A_4] : memref<320000xi32, #tpu.memory_space<hbm>> -> memref<3200xi32, #tpu.memory_space<hbm>>
      tpu.enqueue_dma source(%dma_start3A_87 : memref<3200xi32, #tpu.memory_space<hbm>>) target(%arg7 : memref<3200xi32, #tpu.memory_space<vmem>>) target_semaphore(%run_scoped3A : memref<!tpu.dma_semaphore, #tpu.memory_space<semaphore_mem>>)
      %dma_wait3A_88 = tpu.memref_slice %arg3[%add3A_4] : memref<320000xi32, #tpu.memory_space<hbm>> -> memref<3200xi32, #tpu.memory_space<hbm>>
      %dma_wait3A_89 = tpu.memref_slice %arg3[%add3A_4] : memref<320000xi32, #tpu.memory_space<hbm>> -> memref<3200xi32, #tpu.memory_space<hbm>>
      tpu.wait_dma2 semaphore(%run_scoped3A : memref<!tpu.dma_semaphore, #tpu.memory_space<semaphore_mem>>) src(%dma_wait3A_89 : memref<3200xi32, #tpu.memory_space<hbm>>) dst(%arg7 : memref<3200xi32, #tpu.memory_space<vmem>>)
      tpu.yield
    }) : () -> ()
    %add3A_5 = arith.constant 153600 : i32
    %add3A_6 = arith.addi %add3A_5, %mul3A_2 : i32
    "tpu.region"() ({
      %run_scoped3A = tpu.sem_alloc : memref<!tpu.dma_semaphore, #tpu.memory_space<semaphore_mem>>
      %dma_start3A_86 = tpu.memref_slice %arg4[%add3A_6] : memref<320000xi32, #tpu.memory_space<hbm>> -> memref<3200xi32, #tpu.memory_space<hbm>>
      %dma_start3A_87 = tpu.memref_slice %arg4[%add3A_6] : memref<320000xi32, #tpu.memory_space<hbm>> -> memref<3200xi32, #tpu.memory_space<hbm>>
      tpu.enqueue_dma source(%dma_start3A_87 : memref<3200xi32, #tpu.memory_space<hbm>>) target(%arg8 : memref<3200xi32, #tpu.memory_space<vmem>>) target_semaphore(%run_scoped3A : memref<!tpu.dma_semaphore, #tpu.memory_space<semaphore_mem>>)
      %dma_wait3A_88 = tpu.memref_slice %arg4[%add3A_6] : memref<320000xi32, #tpu.memory_space<hbm>> -> memref<3200xi32, #tpu.memory_space<hbm>>
      %dma_wait3A_89 = tpu.memref_slice %arg4[%add3A_6] : memref<320000xi32, #tpu.memory_space<hbm>> -> memref<3200xi32, #tpu.memory_space<hbm>>
      tpu.wait_dma2 semaphore(%run_scoped3A : memref<!tpu.dma_semaphore, #tpu.memory_space<semaphore_mem>>) src(%dma_wait3A_89 : memref<3200xi32, #tpu.memory_space<hbm>>) dst(%arg8 : memref<3200xi32, #tpu.memory_space<vmem>>)
      tpu.yield
    }) : () -> ()
    %dma_start3A = arith.constant 0 : i32
    %dma_start3A_7 = tpu.memref_slice %arg7[%dma_start3A] : memref<3200xi32, #tpu.memory_space<vmem>> -> memref<80xi32, #tpu.memory_space<vmem>>
    %dma_start3A_8 = arith.constant 0 : i32
    %dma_start3A_9 = arith.constant 0 : i32
    %dma_start3A_10 = tpu.memref_slice %arg2[%dma_start3A_8, %dma_start3A_9] : memref<10000x128xf32, #tpu.memory_space<hbm>> -> memref<10000x128xf32, #tpu.memory_space<hbm>>
    tpu.enqueue_indirect_dma source(%dma_start3A_10 : memref<10000x128xf32, #tpu.memory_space<hbm>>) target(%arg9 : memref<80x128xf32, #tpu.memory_space<vmem>>) offsets(%dma_start3A_7 : memref<80xi32, #tpu.memory_space<vmem>>) semaphore(%arg13 : memref<!tpu.dma_semaphore, #tpu.memory_space<semaphore_mem>>)
    %dma_start3A_11 = arith.constant 0 : i32
    %dma_start3A_12 = tpu.memref_slice %arg8[%dma_start3A_11] : memref<3200xi32, #tpu.memory_space<vmem>> -> memref<80xi32, #tpu.memory_space<vmem>>
    %dma_start3A_13 = arith.constant 0 : i32
    %dma_start3A_14 = arith.constant 0 : i32
    %dma_start3A_15 = tpu.memref_slice %arg2[%dma_start3A_13, %dma_start3A_14] : memref<10000x128xf32, #tpu.memory_space<hbm>> -> memref<10000x128xf32, #tpu.memory_space<hbm>>
    tpu.enqueue_indirect_dma source(%dma_start3A_15 : memref<10000x128xf32, #tpu.memory_space<hbm>>) target(%arg11 : memref<80x128xf32, #tpu.memory_space<vmem>>) offsets(%dma_start3A_12 : memref<80xi32, #tpu.memory_space<vmem>>) semaphore(%arg15 : memref<!tpu.dma_semaphore, #tpu.memory_space<semaphore_mem>>)
    %scan3A = arith.constant 0 : i32
    %scan3A_16 = arith.constant 0 : i32
    %scan3A_17 = arith.constant 19 : i32
    %scan3A_18 = arith.addi %scan3A_16, %scan3A_17 : i32
    %scan3A_19 = arith.constant 1 : i32
    scf.for %scan3A_86 = %scan3A_16 to %scan3A_18 step %scan3A_19  : i32 {
      %mul3A_87 = arith.constant 2 : i32
      %mul3A_88 = arith.muli %mul3A_87, %scan3A_86 : i32
      %add3A_89 = arith.constant 1 : i32
      %add3A_90 = arith.addi %mul3A_88, %add3A_89 : i32
      %mul3A_91 = arith.constant 2 : i32
      %mul3A_92 = arith.muli %mul3A_91, %scan3A_86 : i32
      %add3A_93 = arith.constant 2 : i32
      %add3A_94 = arith.addi %mul3A_92, %add3A_93 : i32
      %mul3A_95 = arith.constant 80 : i32
      %mul3A_96 = arith.muli %add3A_90, %mul3A_95 : i32
      %dma_start3A_97 = tpu.memref_slice %arg7[%mul3A_96] : memref<3200xi32, #tpu.memory_space<vmem>> -> memref<80xi32, #tpu.memory_space<vmem>>
      %dma_start3A_98 = arith.constant 0 : i32
      %dma_start3A_99 = arith.constant 0 : i32
      %dma_start3A_100 = tpu.memref_slice %arg2[%dma_start3A_98, %dma_start3A_99] : memref<10000x128xf32, #tpu.memory_space<hbm>> -> memref<10000x128xf32, #tpu.memory_space<hbm>>
      tpu.enqueue_indirect_dma source(%dma_start3A_100 : memref<10000x128xf32, #tpu.memory_space<hbm>>) target(%arg10 : memref<80x128xf32, #tpu.memory_space<vmem>>) offsets(%dma_start3A_97 : memref<80xi32, #tpu.memory_space<vmem>>) semaphore(%arg14 : memref<!tpu.dma_semaphore, #tpu.memory_space<semaphore_mem>>)
      %dma_start3A_101 = tpu.memref_slice %arg8[%mul3A_96] : memref<3200xi32, #tpu.memory_space<vmem>> -> memref<80xi32, #tpu.memory_space<vmem>>
      %dma_start3A_102 = arith.constant 0 : i32
      %dma_start3A_103 = arith.constant 0 : i32
      %dma_start3A_104 = tpu.memref_slice %arg2[%dma_start3A_102, %dma_start3A_103] : memref<10000x128xf32, #tpu.memory_space<hbm>> -> memref<10000x128xf32, #tpu.memory_space<hbm>>
      tpu.enqueue_indirect_dma source(%dma_start3A_104 : memref<10000x128xf32, #tpu.memory_space<hbm>>) target(%arg12 : memref<80x128xf32, #tpu.memory_space<vmem>>) offsets(%dma_start3A_101 : memref<80xi32, #tpu.memory_space<vmem>>) semaphore(%arg16 : memref<!tpu.dma_semaphore, #tpu.memory_space<semaphore_mem>>)
      %dma_wait3A_105 = arith.constant 0 : i32
      %dma_wait3A_106 = tpu.memref_slice %arg7[%dma_wait3A_105] : memref<3200xi32, #tpu.memory_space<vmem>> -> memref<80xi32, #tpu.memory_space<vmem>>
      %dma_wait3A_107 = arith.constant 0 : i32
      %dma_wait3A_108 = arith.constant 0 : i32
      %dma_wait3A_109 = tpu.memref_slice %arg2[%dma_wait3A_107, %dma_wait3A_108] : memref<10000x128xf32, #tpu.memory_space<hbm>> -> memref<10000x128xf32, #tpu.memory_space<hbm>>
      tpu.wait_indirect_dma semaphore(%arg13 : memref<!tpu.dma_semaphore, #tpu.memory_space<semaphore_mem>>) src(%dma_wait3A_109 : memref<10000x128xf32, #tpu.memory_space<hbm>>) dst(%arg9 : memref<80x128xf32, #tpu.memory_space<vmem>>)
      %dma_wait3A_110 = arith.constant 0 : i32
      %dma_wait3A_111 = tpu.memref_slice %arg8[%dma_wait3A_110] : memref<3200xi32, #tpu.memory_space<vmem>> -> memref<80xi32, #tpu.memory_space<vmem>>
      %dma_wait3A_112 = arith.constant 0 : i32
      %dma_wait3A_113 = arith.constant 0 : i32
      %dma_wait3A_114 = tpu.memref_slice %arg2[%dma_wait3A_112, %dma_wait3A_113] : memref<10000x128xf32, #tpu.memory_space<hbm>> -> memref<10000x128xf32, #tpu.memory_space<hbm>>
      tpu.wait_indirect_dma semaphore(%arg15 : memref<!tpu.dma_semaphore, #tpu.memory_space<semaphore_mem>>) src(%dma_wait3A_114 : memref<10000x128xf32, #tpu.memory_space<hbm>>) dst(%arg11 : memref<80x128xf32, #tpu.memory_space<vmem>>)
      %sub3A = arith.constant 1 : i32
      %sub3A_115 = arith.subi %add3A_90, %sub3A : i32
      %mul3A_116 = arith.constant 80 : i32
      %mul3A_117 = arith.muli %sub3A_115, %mul3A_116 : i32
      %add3A_118 = arith.addi %mul3A_2, %mul3A_117 : i32
      %dma_start3A_119 = arith.constant 0 : i32
      %dma_start3A_120 = tpu.memref_slice %arg5[%add3A_118, %dma_start3A_119] : memref<102400x128xf32, #tpu.memory_space<hbm>> -> memref<80x128xf32, #tpu.memory_space<hbm>>
      %dma_start3A_121 = arith.constant 0 : i32
      %dma_start3A_122 = tpu.memref_slice %arg5[%add3A_118, %dma_start3A_121] : memref<102400x128xf32, #tpu.memory_space<hbm>> -> memref<80x128xf32, #tpu.memory_space<hbm>>
      tpu.enqueue_dma source(%arg9 : memref<80x128xf32, #tpu.memory_space<vmem>>) target(%dma_start3A_122 : memref<80x128xf32, #tpu.memory_space<hbm>>) target_semaphore(%arg17 : memref<!tpu.dma_semaphore, #tpu.memory_space<semaphore_mem>>)
      %dma_start3A_123 = arith.constant 0 : i32
      %dma_start3A_124 = tpu.memref_slice %arg6[%add3A_118, %dma_start3A_123] : memref<102400x128xf32, #tpu.memory_space<hbm>> -> memref<80x128xf32, #tpu.memory_space<hbm>>
      %dma_start3A_125 = arith.constant 0 : i32
      %dma_start3A_126 = tpu.memref_slice %arg6[%add3A_118, %dma_start3A_125] : memref<102400x128xf32, #tpu.memory_space<hbm>> -> memref<80x128xf32, #tpu.memory_space<hbm>>
      tpu.enqueue_dma source(%arg11 : memref<80x128xf32, #tpu.memory_space<vmem>>) target(%dma_start3A_126 : memref<80x128xf32, #tpu.memory_space<hbm>>) target_semaphore(%arg19 : memref<!tpu.dma_semaphore, #tpu.memory_space<semaphore_mem>>)
      %dma_wait3A_127 = arith.constant 0 : i32
      %dma_wait3A_128 = tpu.memref_slice %arg5[%mul3A_2, %dma_wait3A_127] : memref<102400x128xf32, #tpu.memory_space<hbm>> -> memref<80x128xf32, #tpu.memory_space<hbm>>
      %dma_wait3A_129 = arith.constant 0 : i32
      %dma_wait3A_130 = tpu.memref_slice %arg5[%mul3A_2, %dma_wait3A_129] : memref<102400x128xf32, #tpu.memory_space<hbm>> -> memref<80x128xf32, #tpu.memory_space<hbm>>
      tpu.wait_dma2 semaphore(%arg17 : memref<!tpu.dma_semaphore, #tpu.memory_space<semaphore_mem>>) src(%arg9 : memref<80x128xf32, #tpu.memory_space<vmem>>) dst(%dma_wait3A_130 : memref<80x128xf32, #tpu.memory_space<hbm>>)
      %dma_wait3A_131 = arith.constant 0 : i32
      %dma_wait3A_132 = tpu.memref_slice %arg6[%mul3A_2, %dma_wait3A_131] : memref<102400x128xf32, #tpu.memory_space<hbm>> -> memref<80x128xf32, #tpu.memory_space<hbm>>
      %dma_wait3A_133 = arith.constant 0 : i32
      %dma_wait3A_134 = tpu.memref_slice %arg6[%mul3A_2, %dma_wait3A_133] : memref<102400x128xf32, #tpu.memory_space<hbm>> -> memref<80x128xf32, #tpu.memory_space<hbm>>
      tpu.wait_dma2 semaphore(%arg19 : memref<!tpu.dma_semaphore, #tpu.memory_space<semaphore_mem>>) src(%arg11 : memref<80x128xf32, #tpu.memory_space<vmem>>) dst(%dma_wait3A_134 : memref<80x128xf32, #tpu.memory_space<hbm>>)
      %mul3A_135 = arith.constant 80 : i32
      %mul3A_136 = arith.muli %add3A_94, %mul3A_135 : i32
      %dma_start3A_137 = tpu.memref_slice %arg7[%mul3A_136] : memref<3200xi32, #tpu.memory_space<vmem>> -> memref<80xi32, #tpu.memory_space<vmem>>
      %dma_start3A_138 = arith.constant 0 : i32
      %dma_start3A_139 = arith.constant 0 : i32
      %dma_start3A_140 = tpu.memref_slice %arg2[%dma_start3A_138, %dma_start3A_139] : memref<10000x128xf32, #tpu.memory_space<hbm>> -> memref<10000x128xf32, #tpu.memory_space<hbm>>
      tpu.enqueue_indirect_dma source(%dma_start3A_140 : memref<10000x128xf32, #tpu.memory_space<hbm>>) target(%arg9 : memref<80x128xf32, #tpu.memory_space<vmem>>) offsets(%dma_start3A_137 : memref<80xi32, #tpu.memory_space<vmem>>) semaphore(%arg13 : memref<!tpu.dma_semaphore, #tpu.memory_space<semaphore_mem>>)
      %dma_start3A_141 = tpu.memref_slice %arg8[%mul3A_136] : memref<3200xi32, #tpu.memory_space<vmem>> -> memref<80xi32, #tpu.memory_space<vmem>>
      %dma_start3A_142 = arith.constant 0 : i32
      %dma_start3A_143 = arith.constant 0 : i32
      %dma_start3A_144 = tpu.memref_slice %arg2[%dma_start3A_142, %dma_start3A_143] : memref<10000x128xf32, #tpu.memory_space<hbm>> -> memref<10000x128xf32, #tpu.memory_space<hbm>>
      tpu.enqueue_indirect_dma source(%dma_start3A_144 : memref<10000x128xf32, #tpu.memory_space<hbm>>) target(%arg11 : memref<80x128xf32, #tpu.memory_space<vmem>>) offsets(%dma_start3A_141 : memref<80xi32, #tpu.memory_space<vmem>>) semaphore(%arg15 : memref<!tpu.dma_semaphore, #tpu.memory_space<semaphore_mem>>)
      %dma_wait3A_145 = arith.constant 0 : i32
      %dma_wait3A_146 = tpu.memref_slice %arg7[%dma_wait3A_145] : memref<3200xi32, #tpu.memory_space<vmem>> -> memref<80xi32, #tpu.memory_space<vmem>>
      %dma_wait3A_147 = arith.constant 0 : i32
      %dma_wait3A_148 = arith.constant 0 : i32
      %dma_wait3A_149 = tpu.memref_slice %arg2[%dma_wait3A_147, %dma_wait3A_148] : memref<10000x128xf32, #tpu.memory_space<hbm>> -> memref<10000x128xf32, #tpu.memory_space<hbm>>
      tpu.wait_indirect_dma semaphore(%arg14 : memref<!tpu.dma_semaphore, #tpu.memory_space<semaphore_mem>>) src(%dma_wait3A_149 : memref<10000x128xf32, #tpu.memory_space<hbm>>) dst(%arg10 : memref<80x128xf32, #tpu.memory_space<vmem>>)
      %dma_wait3A_150 = arith.constant 0 : i32
      %dma_wait3A_151 = tpu.memref_slice %arg8[%dma_wait3A_150] : memref<3200xi32, #tpu.memory_space<vmem>> -> memref<80xi32, #tpu.memory_space<vmem>>
      %dma_wait3A_152 = arith.constant 0 : i32
      %dma_wait3A_153 = arith.constant 0 : i32
      %dma_wait3A_154 = tpu.memref_slice %arg2[%dma_wait3A_152, %dma_wait3A_153] : memref<10000x128xf32, #tpu.memory_space<hbm>> -> memref<10000x128xf32, #tpu.memory_space<hbm>>
      tpu.wait_indirect_dma semaphore(%arg16 : memref<!tpu.dma_semaphore, #tpu.memory_space<semaphore_mem>>) src(%dma_wait3A_154 : memref<10000x128xf32, #tpu.memory_space<hbm>>) dst(%arg12 : memref<80x128xf32, #tpu.memory_space<vmem>>)
      %mul3A_155 = arith.constant 80 : i32
      %mul3A_156 = arith.muli %add3A_90, %mul3A_155 : i32
      %add3A_157 = arith.addi %mul3A_2, %mul3A_156 : i32
      %dma_start3A_158 = arith.constant 0 : i32
      %dma_start3A_159 = tpu.memref_slice %arg5[%add3A_157, %dma_start3A_158] : memref<102400x128xf32, #tpu.memory_space<hbm>> -> memref<80x128xf32, #tpu.memory_space<hbm>>
      %dma_start3A_160 = arith.constant 0 : i32
      %dma_start3A_161 = tpu.memref_slice %arg5[%add3A_157, %dma_start3A_160] : memref<102400x128xf32, #tpu.memory_space<hbm>> -> memref<80x128xf32, #tpu.memory_space<hbm>>
      tpu.enqueue_dma source(%arg10 : memref<80x128xf32, #tpu.memory_space<vmem>>) target(%dma_start3A_161 : memref<80x128xf32, #tpu.memory_space<hbm>>) target_semaphore(%arg18 : memref<!tpu.dma_semaphore, #tpu.memory_space<semaphore_mem>>)
      %dma_start3A_162 = arith.constant 0 : i32
      %dma_start3A_163 = tpu.memref_slice %arg6[%add3A_157, %dma_start3A_162] : memref<102400x128xf32, #tpu.memory_space<hbm>> -> memref<80x128xf32, #tpu.memory_space<hbm>>
      %dma_start3A_164 = arith.constant 0 : i32
      %dma_start3A_165 = tpu.memref_slice %arg6[%add3A_157, %dma_start3A_164] : memref<102400x128xf32, #tpu.memory_space<hbm>> -> memref<80x128xf32, #tpu.memory_space<hbm>>
      tpu.enqueue_dma source(%arg12 : memref<80x128xf32, #tpu.memory_space<vmem>>) target(%dma_start3A_165 : memref<80x128xf32, #tpu.memory_space<hbm>>) target_semaphore(%arg20 : memref<!tpu.dma_semaphore, #tpu.memory_space<semaphore_mem>>)
      %dma_wait3A_166 = arith.constant 0 : i32
      %dma_wait3A_167 = tpu.memref_slice %arg5[%mul3A_2, %dma_wait3A_166] : memref<102400x128xf32, #tpu.memory_space<hbm>> -> memref<80x128xf32, #tpu.memory_space<hbm>>
      %dma_wait3A_168 = arith.constant 0 : i32
      %dma_wait3A_169 = tpu.memref_slice %arg5[%mul3A_2, %dma_wait3A_168] : memref<102400x128xf32, #tpu.memory_space<hbm>> -> memref<80x128xf32, #tpu.memory_space<hbm>>
      tpu.wait_dma2 semaphore(%arg18 : memref<!tpu.dma_semaphore, #tpu.memory_space<semaphore_mem>>) src(%arg10 : memref<80x128xf32, #tpu.memory_space<vmem>>) dst(%dma_wait3A_169 : memref<80x128xf32, #tpu.memory_space<hbm>>)
      %dma_wait3A_170 = arith.constant 0 : i32
      %dma_wait3A_171 = tpu.memref_slice %arg6[%mul3A_2, %dma_wait3A_170] : memref<102400x128xf32, #tpu.memory_space<hbm>> -> memref<80x128xf32, #tpu.memory_space<hbm>>
      %dma_wait3A_172 = arith.constant 0 : i32
      %dma_wait3A_173 = tpu.memref_slice %arg6[%mul3A_2, %dma_wait3A_172] : memref<102400x128xf32, #tpu.memory_space<hbm>> -> memref<80x128xf32, #tpu.memory_space<hbm>>
      tpu.wait_dma2 semaphore(%arg20 : memref<!tpu.dma_semaphore, #tpu.memory_space<semaphore_mem>>) src(%arg12 : memref<80x128xf32, #tpu.memory_space<vmem>>) dst(%dma_wait3A_173 : memref<80x128xf32, #tpu.memory_space<hbm>>)
    }
    %scan3A_20 = arith.constant 19 : i32
    %dma_start3A_21 = arith.constant 3120 : i32
    %dma_start3A_22 = tpu.memref_slice %arg7[%dma_start3A_21] : memref<3200xi32, #tpu.memory_space<vmem>> -> memref<80xi32, #tpu.memory_space<vmem>>
    %dma_start3A_23 = arith.constant 0 : i32
    %dma_start3A_24 = arith.constant 0 : i32
    %dma_start3A_25 = tpu.memref_slice %arg2[%dma_start3A_23, %dma_start3A_24] : memref<10000x128xf32, #tpu.memory_space<hbm>> -> memref<10000x128xf32, #tpu.memory_space<hbm>>
    tpu.enqueue_indirect_dma source(%dma_start3A_25 : memref<10000x128xf32, #tpu.memory_space<hbm>>) target(%arg10 : memref<80x128xf32, #tpu.memory_space<vmem>>) offsets(%dma_start3A_22 : memref<80xi32, #tpu.memory_space<vmem>>) semaphore(%arg14 : memref<!tpu.dma_semaphore, #tpu.memory_space<semaphore_mem>>)
    %dma_start3A_26 = arith.constant 3120 : i32
    %dma_start3A_27 = tpu.memref_slice %arg8[%dma_start3A_26] : memref<3200xi32, #tpu.memory_space<vmem>> -> memref<80xi32, #tpu.memory_space<vmem>>
    %dma_start3A_28 = arith.constant 0 : i32
    %dma_start3A_29 = arith.constant 0 : i32
    %dma_start3A_30 = tpu.memref_slice %arg2[%dma_start3A_28, %dma_start3A_29] : memref<10000x128xf32, #tpu.memory_space<hbm>> -> memref<10000x128xf32, #tpu.memory_space<hbm>>
    tpu.enqueue_indirect_dma source(%dma_start3A_30 : memref<10000x128xf32, #tpu.memory_space<hbm>>) target(%arg12 : memref<80x128xf32, #tpu.memory_space<vmem>>) offsets(%dma_start3A_27 : memref<80xi32, #tpu.memory_space<vmem>>) semaphore(%arg16 : memref<!tpu.dma_semaphore, #tpu.memory_space<semaphore_mem>>)
    %dma_wait3A = arith.constant 0 : i32
    %dma_wait3A_31 = tpu.memref_slice %arg7[%dma_wait3A] : memref<3200xi32, #tpu.memory_space<vmem>> -> memref<80xi32, #tpu.memory_space<vmem>>
    %dma_wait3A_32 = arith.constant 0 : i32
    %dma_wait3A_33 = arith.constant 0 : i32
    %dma_wait3A_34 = tpu.memref_slice %arg2[%dma_wait3A_32, %dma_wait3A_33] : memref<10000x128xf32, #tpu.memory_space<hbm>> -> memref<10000x128xf32, #tpu.memory_space<hbm>>
    tpu.wait_indirect_dma semaphore(%arg13 : memref<!tpu.dma_semaphore, #tpu.memory_space<semaphore_mem>>) src(%dma_wait3A_34 : memref<10000x128xf32, #tpu.memory_space<hbm>>) dst(%arg9 : memref<80x128xf32, #tpu.memory_space<vmem>>)
    %dma_wait3A_35 = arith.constant 0 : i32
    %dma_wait3A_36 = tpu.memref_slice %arg8[%dma_wait3A_35] : memref<3200xi32, #tpu.memory_space<vmem>> -> memref<80xi32, #tpu.memory_space<vmem>>
    %dma_wait3A_37 = arith.constant 0 : i32
    %dma_wait3A_38 = arith.constant 0 : i32
    %dma_wait3A_39 = tpu.memref_slice %arg2[%dma_wait3A_37, %dma_wait3A_38] : memref<10000x128xf32, #tpu.memory_space<hbm>> -> memref<10000x128xf32, #tpu.memory_space<hbm>>
    tpu.wait_indirect_dma semaphore(%arg15 : memref<!tpu.dma_semaphore, #tpu.memory_space<semaphore_mem>>) src(%dma_wait3A_39 : memref<10000x128xf32, #tpu.memory_space<hbm>>) dst(%arg11 : memref<80x128xf32, #tpu.memory_space<vmem>>)
    %add3A_40 = arith.constant 3040 : i32
    %add3A_41 = arith.addi %mul3A_2, %add3A_40 : i32
    %dma_start3A_42 = arith.constant 0 : i32
    %dma_start3A_43 = tpu.memref_slice %arg5[%add3A_41, %dma_start3A_42] : memref<102400x128xf32, #tpu.memory_space<hbm>> -> memref<80x128xf32, #tpu.memory_space<hbm>>
    %dma_start3A_44 = arith.constant 0 : i32
    %dma_start3A_45 = tpu.memref_slice %arg5[%add3A_41, %dma_start3A_44] : memref<102400x128xf32, #tpu.memory_space<hbm>> -> memref<80x128xf32, #tpu.memory_space<hbm>>
    tpu.enqueue_dma source(%arg9 : memref<80x128xf32, #tpu.memory_space<vmem>>) target(%dma_start3A_45 : memref<80x128xf32, #tpu.memory_space<hbm>>) target_semaphore(%arg17 : memref<!tpu.dma_semaphore, #tpu.memory_space<semaphore_mem>>)
    %dma_start3A_46 = arith.constant 0 : i32
    %dma_start3A_47 = tpu.memref_slice %arg6[%add3A_41, %dma_start3A_46] : memref<102400x128xf32, #tpu.memory_space<hbm>> -> memref<80x128xf32, #tpu.memory_space<hbm>>
    %dma_start3A_48 = arith.constant 0 : i32
    %dma_start3A_49 = tpu.memref_slice %arg6[%add3A_41, %dma_start3A_48] : memref<102400x128xf32, #tpu.memory_space<hbm>> -> memref<80x128xf32, #tpu.memory_space<hbm>>
    tpu.enqueue_dma source(%arg11 : memref<80x128xf32, #tpu.memory_space<vmem>>) target(%dma_start3A_49 : memref<80x128xf32, #tpu.memory_space<hbm>>) target_semaphore(%arg19 : memref<!tpu.dma_semaphore, #tpu.memory_space<semaphore_mem>>)
    %dma_wait3A_50 = arith.constant 0 : i32
    %dma_wait3A_51 = tpu.memref_slice %arg5[%mul3A_2, %dma_wait3A_50] : memref<102400x128xf32, #tpu.memory_space<hbm>> -> memref<80x128xf32, #tpu.memory_space<hbm>>
    %dma_wait3A_52 = arith.constant 0 : i32
    %dma_wait3A_53 = tpu.memref_slice %arg5[%mul3A_2, %dma_wait3A_52] : memref<102400x128xf32, #tpu.memory_space<hbm>> -> memref<80x128xf32, #tpu.memory_space<hbm>>
    tpu.wait_dma2 semaphore(%arg17 : memref<!tpu.dma_semaphore, #tpu.memory_space<semaphore_mem>>) src(%arg9 : memref<80x128xf32, #tpu.memory_space<vmem>>) dst(%dma_wait3A_53 : memref<80x128xf32, #tpu.memory_space<hbm>>)
    %dma_wait3A_54 = arith.constant 0 : i32
    %dma_wait3A_55 = tpu.memref_slice %arg6[%mul3A_2, %dma_wait3A_54] : memref<102400x128xf32, #tpu.memory_space<hbm>> -> memref<80x128xf32, #tpu.memory_space<hbm>>
    %dma_wait3A_56 = arith.constant 0 : i32
    %dma_wait3A_57 = tpu.memref_slice %arg6[%mul3A_2, %dma_wait3A_56] : memref<102400x128xf32, #tpu.memory_space<hbm>> -> memref<80x128xf32, #tpu.memory_space<hbm>>
    tpu.wait_dma2 semaphore(%arg19 : memref<!tpu.dma_semaphore, #tpu.memory_space<semaphore_mem>>) src(%arg11 : memref<80x128xf32, #tpu.memory_space<vmem>>) dst(%dma_wait3A_57 : memref<80x128xf32, #tpu.memory_space<hbm>>)
    %dma_wait3A_58 = arith.constant 0 : i32
    %dma_wait3A_59 = tpu.memref_slice %arg7[%dma_wait3A_58] : memref<3200xi32, #tpu.memory_space<vmem>> -> memref<80xi32, #tpu.memory_space<vmem>>
    %dma_wait3A_60 = arith.constant 0 : i32
    %dma_wait3A_61 = arith.constant 0 : i32
    %dma_wait3A_62 = tpu.memref_slice %arg2[%dma_wait3A_60, %dma_wait3A_61] : memref<10000x128xf32, #tpu.memory_space<hbm>> -> memref<10000x128xf32, #tpu.memory_space<hbm>>
    tpu.wait_indirect_dma semaphore(%arg14 : memref<!tpu.dma_semaphore, #tpu.memory_space<semaphore_mem>>) src(%dma_wait3A_62 : memref<10000x128xf32, #tpu.memory_space<hbm>>) dst(%arg10 : memref<80x128xf32, #tpu.memory_space<vmem>>)
    %dma_wait3A_63 = arith.constant 0 : i32
    %dma_wait3A_64 = tpu.memref_slice %arg8[%dma_wait3A_63] : memref<3200xi32, #tpu.memory_space<vmem>> -> memref<80xi32, #tpu.memory_space<vmem>>
    %dma_wait3A_65 = arith.constant 0 : i32
    %dma_wait3A_66 = arith.constant 0 : i32
    %dma_wait3A_67 = tpu.memref_slice %arg2[%dma_wait3A_65, %dma_wait3A_66] : memref<10000x128xf32, #tpu.memory_space<hbm>> -> memref<10000x128xf32, #tpu.memory_space<hbm>>
    tpu.wait_indirect_dma semaphore(%arg16 : memref<!tpu.dma_semaphore, #tpu.memory_space<semaphore_mem>>) src(%dma_wait3A_67 : memref<10000x128xf32, #tpu.memory_space<hbm>>) dst(%arg12 : memref<80x128xf32, #tpu.memory_space<vmem>>)
    %add3A_68 = arith.constant 3120 : i32
    %add3A_69 = arith.addi %mul3A_2, %add3A_68 : i32
    %dma_start3A_70 = arith.constant 0 : i32
    %dma_start3A_71 = tpu.memref_slice %arg5[%add3A_69, %dma_start3A_70] : memref<102400x128xf32, #tpu.memory_space<hbm>> -> memref<80x128xf32, #tpu.memory_space<hbm>>
    %dma_start3A_72 = arith.constant 0 : i32
    %dma_start3A_73 = tpu.memref_slice %arg5[%add3A_69, %dma_start3A_72] : memref<102400x128xf32, #tpu.memory_space<hbm>> -> memref<80x128xf32, #tpu.memory_space<hbm>>
    tpu.enqueue_dma source(%arg10 : memref<80x128xf32, #tpu.memory_space<vmem>>) target(%dma_start3A_73 : memref<80x128xf32, #tpu.memory_space<hbm>>) target_semaphore(%arg18 : memref<!tpu.dma_semaphore, #tpu.memory_space<semaphore_mem>>)
    %dma_start3A_74 = arith.constant 0 : i32
    %dma_start3A_75 = tpu.memref_slice %arg6[%add3A_69, %dma_start3A_74] : memref<102400x128xf32, #tpu.memory_space<hbm>> -> memref<80x128xf32, #tpu.memory_space<hbm>>
    %dma_start3A_76 = arith.constant 0 : i32
    %dma_start3A_77 = tpu.memref_slice %arg6[%add3A_69, %dma_start3A_76] : memref<102400x128xf32, #tpu.memory_space<hbm>> -> memref<80x128xf32, #tpu.memory_space<hbm>>
    tpu.enqueue_dma source(%arg12 : memref<80x128xf32, #tpu.memory_space<vmem>>) target(%dma_start3A_77 : memref<80x128xf32, #tpu.memory_space<hbm>>) target_semaphore(%arg20 : memref<!tpu.dma_semaphore, #tpu.memory_space<semaphore_mem>>)
    %dma_wait3A_78 = arith.constant 0 : i32
    %dma_wait3A_79 = tpu.memref_slice %arg5[%mul3A_2, %dma_wait3A_78] : memref<102400x128xf32, #tpu.memory_space<hbm>> -> memref<80x128xf32, #tpu.memory_space<hbm>>
    %dma_wait3A_80 = arith.constant 0 : i32
    %dma_wait3A_81 = tpu.memref_slice %arg5[%mul3A_2, %dma_wait3A_80] : memref<102400x128xf32, #tpu.memory_space<hbm>> -> memref<80x128xf32, #tpu.memory_space<hbm>>
    tpu.wait_dma2 semaphore(%arg18 : memref<!tpu.dma_semaphore, #tpu.memory_space<semaphore_mem>>) src(%arg10 : memref<80x128xf32, #tpu.memory_space<vmem>>) dst(%dma_wait3A_81 : memref<80x128xf32, #tpu.memory_space<hbm>>)
    %dma_wait3A_82 = arith.constant 0 : i32
    %dma_wait3A_83 = tpu.memref_slice %arg6[%mul3A_2, %dma_wait3A_82] : memref<102400x128xf32, #tpu.memory_space<hbm>> -> memref<80x128xf32, #tpu.memory_space<hbm>>
    %dma_wait3A_84 = arith.constant 0 : i32
    %dma_wait3A_85 = tpu.memref_slice %arg6[%mul3A_2, %dma_wait3A_84] : memref<102400x128xf32, #tpu.memory_space<hbm>> -> memref<80x128xf32, #tpu.memory_space<hbm>>
    tpu.wait_dma2 semaphore(%arg20 : memref<!tpu.dma_semaphore, #tpu.memory_space<semaphore_mem>>) src(%arg12 : memref<80x128xf32, #tpu.memory_space<vmem>>) dst(%dma_wait3A_85 : memref<80x128xf32, #tpu.memory_space<hbm>>)
    return
  }
}

#map = affine_map<(d0, d1) -> (0, 0)>
#map1 = affine_map<(d0, d1) -> (0)>
module attributes {stable_mosaic.version = 14 : i64} {
  func.func @_sc_gather_k(%arg0: i32, %arg1: i32, %arg2: memref<10000x128xf32, #tpu.memory_space<hbm>>, %arg3: memref<320000xi32, #tpu.memory_space<hbm>>, %arg4: memref<320000xi32, #tpu.memory_space<hbm>>, %arg5: memref<102400x128xf32, #tpu.memory_space<hbm>>, %arg6: memref<102400x128xf32, #tpu.memory_space<hbm>>, %arg7: memref<3200xi32, #tpu.memory_space<vmem>>, %arg8: memref<3200xi32, #tpu.memory_space<vmem>>, %arg9: memref<80x128xf32, #tpu.memory_space<vmem>>, %arg10: memref<80x128xf32, #tpu.memory_space<vmem>>, %arg11: memref<80x128xf32, #tpu.memory_space<vmem>>, %arg12: memref<80x128xf32, #tpu.memory_space<vmem>>, %arg13: memref<!tpu.dma_semaphore, #tpu.memory_space<semaphore_mem>>, %arg14: memref<!tpu.dma_semaphore, #tpu.memory_space<semaphore_mem>>, %arg15: memref<!tpu.dma_semaphore, #tpu.memory_space<semaphore_mem>>, %arg16: memref<!tpu.dma_semaphore, #tpu.memory_space<semaphore_mem>>, %arg17: memref<!tpu.dma_semaphore, #tpu.memory_space<semaphore_mem>>, %arg18: memref<!tpu.dma_semaphore, #tpu.memory_space<semaphore_mem>>, %arg19: memref<!tpu.dma_semaphore, #tpu.memory_space<semaphore_mem>>, %arg20: memref<!tpu.dma_semaphore, #tpu.memory_space<semaphore_mem>>) attributes {dimension_semantics = [#tpu.dimension_semantics<core_parallel>, #tpu.dimension_semantics<subcore_parallel>], iteration_bounds = array<i64: 2, 16>, scalar_prefetch = 0 : i64, scratch_operands = 14 : i64, tpu.core_type = #tpu.core_type<sc_vector_subcore>, window_params = [{transform_indices = #map}, {transform_indices = #map1}, {transform_indices = #map1}, {transform_indices = #map}, {transform_indices = #map}]} {
    %mul3A = arith.constant 2 : i32
    %mul3A_0 = arith.muli %arg1, %mul3A : i32
    %add3A = arith.addi %mul3A_0, %arg0 : i32
    %mul3A_1 = arith.constant 3200 : i32
    %mul3A_2 = arith.muli %add3A, %mul3A_1 : i32
    %add3A_3 = arith.constant 51200 : i32
    %add3A_4 = arith.addi %add3A_3, %mul3A_2 : i32
    "tpu.region"() ({
      %run_scoped3A = tpu.sem_alloc : memref<!tpu.dma_semaphore, #tpu.memory_space<semaphore_mem>>
      %dma_start3A_86 = tpu.memref_slice %arg3[%add3A_4] : memref<320000xi32, #tpu.memory_space<hbm>> -> memref<3200xi32, #tpu.memory_space<hbm>>
      %dma_start3A_87 = tpu.memref_slice %arg3[%add3A_4] : memref<320000xi32, #tpu.memory_space<hbm>> -> memref<3200xi32, #tpu.memory_space<hbm>>
      tpu.enqueue_dma source(%dma_start3A_87 : memref<3200xi32, #tpu.memory_space<hbm>>) target(%arg7 : memref<3200xi32, #tpu.memory_space<vmem>>) target_semaphore(%run_scoped3A : memref<!tpu.dma_semaphore, #tpu.memory_space<semaphore_mem>>)
      %dma_wait3A_88 = tpu.memref_slice %arg3[%add3A_4] : memref<320000xi32, #tpu.memory_space<hbm>> -> memref<3200xi32, #tpu.memory_space<hbm>>
      %dma_wait3A_89 = tpu.memref_slice %arg3[%add3A_4] : memref<320000xi32, #tpu.memory_space<hbm>> -> memref<3200xi32, #tpu.memory_space<hbm>>
      tpu.wait_dma2 semaphore(%run_scoped3A : memref<!tpu.dma_semaphore, #tpu.memory_space<semaphore_mem>>) src(%dma_wait3A_89 : memref<3200xi32, #tpu.memory_space<hbm>>) dst(%arg7 : memref<3200xi32, #tpu.memory_space<vmem>>)
      tpu.yield
    }) : () -> ()
    %add3A_5 = arith.constant 51200 : i32
    %add3A_6 = arith.addi %add3A_5, %mul3A_2 : i32
    "tpu.region"() ({
      %run_scoped3A = tpu.sem_alloc : memref<!tpu.dma_semaphore, #tpu.memory_space<semaphore_mem>>
      %dma_start3A_86 = tpu.memref_slice %arg4[%add3A_6] : memref<320000xi32, #tpu.memory_space<hbm>> -> memref<3200xi32, #tpu.memory_space<hbm>>
      %dma_start3A_87 = tpu.memref_slice %arg4[%add3A_6] : memref<320000xi32, #tpu.memory_space<hbm>> -> memref<3200xi32, #tpu.memory_space<hbm>>
      tpu.enqueue_dma source(%dma_start3A_87 : memref<3200xi32, #tpu.memory_space<hbm>>) target(%arg8 : memref<3200xi32, #tpu.memory_space<vmem>>) target_semaphore(%run_scoped3A : memref<!tpu.dma_semaphore, #tpu.memory_space<semaphore_mem>>)
      %dma_wait3A_88 = tpu.memref_slice %arg4[%add3A_6] : memref<320000xi32, #tpu.memory_space<hbm>> -> memref<3200xi32, #tpu.memory_space<hbm>>
      %dma_wait3A_89 = tpu.memref_slice %arg4[%add3A_6] : memref<320000xi32, #tpu.memory_space<hbm>> -> memref<3200xi32, #tpu.memory_space<hbm>>
      tpu.wait_dma2 semaphore(%run_scoped3A : memref<!tpu.dma_semaphore, #tpu.memory_space<semaphore_mem>>) src(%dma_wait3A_89 : memref<3200xi32, #tpu.memory_space<hbm>>) dst(%arg8 : memref<3200xi32, #tpu.memory_space<vmem>>)
      tpu.yield
    }) : () -> ()
    %dma_start3A = arith.constant 0 : i32
    %dma_start3A_7 = tpu.memref_slice %arg7[%dma_start3A] : memref<3200xi32, #tpu.memory_space<vmem>> -> memref<80xi32, #tpu.memory_space<vmem>>
    %dma_start3A_8 = arith.constant 0 : i32
    %dma_start3A_9 = arith.constant 0 : i32
    %dma_start3A_10 = tpu.memref_slice %arg2[%dma_start3A_8, %dma_start3A_9] : memref<10000x128xf32, #tpu.memory_space<hbm>> -> memref<10000x128xf32, #tpu.memory_space<hbm>>
    tpu.enqueue_indirect_dma source(%dma_start3A_10 : memref<10000x128xf32, #tpu.memory_space<hbm>>) target(%arg9 : memref<80x128xf32, #tpu.memory_space<vmem>>) offsets(%dma_start3A_7 : memref<80xi32, #tpu.memory_space<vmem>>) semaphore(%arg13 : memref<!tpu.dma_semaphore, #tpu.memory_space<semaphore_mem>>)
    %dma_start3A_11 = arith.constant 0 : i32
    %dma_start3A_12 = tpu.memref_slice %arg8[%dma_start3A_11] : memref<3200xi32, #tpu.memory_space<vmem>> -> memref<80xi32, #tpu.memory_space<vmem>>
    %dma_start3A_13 = arith.constant 0 : i32
    %dma_start3A_14 = arith.constant 0 : i32
    %dma_start3A_15 = tpu.memref_slice %arg2[%dma_start3A_13, %dma_start3A_14] : memref<10000x128xf32, #tpu.memory_space<hbm>> -> memref<10000x128xf32, #tpu.memory_space<hbm>>
    tpu.enqueue_indirect_dma source(%dma_start3A_15 : memref<10000x128xf32, #tpu.memory_space<hbm>>) target(%arg11 : memref<80x128xf32, #tpu.memory_space<vmem>>) offsets(%dma_start3A_12 : memref<80xi32, #tpu.memory_space<vmem>>) semaphore(%arg15 : memref<!tpu.dma_semaphore, #tpu.memory_space<semaphore_mem>>)
    %scan3A = arith.constant 0 : i32
    %scan3A_16 = arith.constant 0 : i32
    %scan3A_17 = arith.constant 19 : i32
    %scan3A_18 = arith.addi %scan3A_16, %scan3A_17 : i32
    %scan3A_19 = arith.constant 1 : i32
    scf.for %scan3A_86 = %scan3A_16 to %scan3A_18 step %scan3A_19  : i32 {
      %mul3A_87 = arith.constant 2 : i32
      %mul3A_88 = arith.muli %mul3A_87, %scan3A_86 : i32
      %add3A_89 = arith.constant 1 : i32
      %add3A_90 = arith.addi %mul3A_88, %add3A_89 : i32
      %mul3A_91 = arith.constant 2 : i32
      %mul3A_92 = arith.muli %mul3A_91, %scan3A_86 : i32
      %add3A_93 = arith.constant 2 : i32
      %add3A_94 = arith.addi %mul3A_92, %add3A_93 : i32
      %mul3A_95 = arith.constant 80 : i32
      %mul3A_96 = arith.muli %add3A_90, %mul3A_95 : i32
      %dma_start3A_97 = tpu.memref_slice %arg7[%mul3A_96] : memref<3200xi32, #tpu.memory_space<vmem>> -> memref<80xi32, #tpu.memory_space<vmem>>
      %dma_start3A_98 = arith.constant 0 : i32
      %dma_start3A_99 = arith.constant 0 : i32
      %dma_start3A_100 = tpu.memref_slice %arg2[%dma_start3A_98, %dma_start3A_99] : memref<10000x128xf32, #tpu.memory_space<hbm>> -> memref<10000x128xf32, #tpu.memory_space<hbm>>
      tpu.enqueue_indirect_dma source(%dma_start3A_100 : memref<10000x128xf32, #tpu.memory_space<hbm>>) target(%arg10 : memref<80x128xf32, #tpu.memory_space<vmem>>) offsets(%dma_start3A_97 : memref<80xi32, #tpu.memory_space<vmem>>) semaphore(%arg14 : memref<!tpu.dma_semaphore, #tpu.memory_space<semaphore_mem>>)
      %dma_start3A_101 = tpu.memref_slice %arg8[%mul3A_96] : memref<3200xi32, #tpu.memory_space<vmem>> -> memref<80xi32, #tpu.memory_space<vmem>>
      %dma_start3A_102 = arith.constant 0 : i32
      %dma_start3A_103 = arith.constant 0 : i32
      %dma_start3A_104 = tpu.memref_slice %arg2[%dma_start3A_102, %dma_start3A_103] : memref<10000x128xf32, #tpu.memory_space<hbm>> -> memref<10000x128xf32, #tpu.memory_space<hbm>>
      tpu.enqueue_indirect_dma source(%dma_start3A_104 : memref<10000x128xf32, #tpu.memory_space<hbm>>) target(%arg12 : memref<80x128xf32, #tpu.memory_space<vmem>>) offsets(%dma_start3A_101 : memref<80xi32, #tpu.memory_space<vmem>>) semaphore(%arg16 : memref<!tpu.dma_semaphore, #tpu.memory_space<semaphore_mem>>)
      %dma_wait3A_105 = arith.constant 0 : i32
      %dma_wait3A_106 = tpu.memref_slice %arg7[%dma_wait3A_105] : memref<3200xi32, #tpu.memory_space<vmem>> -> memref<80xi32, #tpu.memory_space<vmem>>
      %dma_wait3A_107 = arith.constant 0 : i32
      %dma_wait3A_108 = arith.constant 0 : i32
      %dma_wait3A_109 = tpu.memref_slice %arg2[%dma_wait3A_107, %dma_wait3A_108] : memref<10000x128xf32, #tpu.memory_space<hbm>> -> memref<10000x128xf32, #tpu.memory_space<hbm>>
      tpu.wait_indirect_dma semaphore(%arg13 : memref<!tpu.dma_semaphore, #tpu.memory_space<semaphore_mem>>) src(%dma_wait3A_109 : memref<10000x128xf32, #tpu.memory_space<hbm>>) dst(%arg9 : memref<80x128xf32, #tpu.memory_space<vmem>>)
      %dma_wait3A_110 = arith.constant 0 : i32
      %dma_wait3A_111 = tpu.memref_slice %arg8[%dma_wait3A_110] : memref<3200xi32, #tpu.memory_space<vmem>> -> memref<80xi32, #tpu.memory_space<vmem>>
      %dma_wait3A_112 = arith.constant 0 : i32
      %dma_wait3A_113 = arith.constant 0 : i32
      %dma_wait3A_114 = tpu.memref_slice %arg2[%dma_wait3A_112, %dma_wait3A_113] : memref<10000x128xf32, #tpu.memory_space<hbm>> -> memref<10000x128xf32, #tpu.memory_space<hbm>>
      tpu.wait_indirect_dma semaphore(%arg15 : memref<!tpu.dma_semaphore, #tpu.memory_space<semaphore_mem>>) src(%dma_wait3A_114 : memref<10000x128xf32, #tpu.memory_space<hbm>>) dst(%arg11 : memref<80x128xf32, #tpu.memory_space<vmem>>)
      %sub3A = arith.constant 1 : i32
      %sub3A_115 = arith.subi %add3A_90, %sub3A : i32
      %mul3A_116 = arith.constant 80 : i32
      %mul3A_117 = arith.muli %sub3A_115, %mul3A_116 : i32
      %add3A_118 = arith.addi %mul3A_2, %mul3A_117 : i32
      %dma_start3A_119 = arith.constant 0 : i32
      %dma_start3A_120 = tpu.memref_slice %arg5[%add3A_118, %dma_start3A_119] : memref<102400x128xf32, #tpu.memory_space<hbm>> -> memref<80x128xf32, #tpu.memory_space<hbm>>
      %dma_start3A_121 = arith.constant 0 : i32
      %dma_start3A_122 = tpu.memref_slice %arg5[%add3A_118, %dma_start3A_121] : memref<102400x128xf32, #tpu.memory_space<hbm>> -> memref<80x128xf32, #tpu.memory_space<hbm>>
      tpu.enqueue_dma source(%arg9 : memref<80x128xf32, #tpu.memory_space<vmem>>) target(%dma_start3A_122 : memref<80x128xf32, #tpu.memory_space<hbm>>) target_semaphore(%arg17 : memref<!tpu.dma_semaphore, #tpu.memory_space<semaphore_mem>>)
      %dma_start3A_123 = arith.constant 0 : i32
      %dma_start3A_124 = tpu.memref_slice %arg6[%add3A_118, %dma_start3A_123] : memref<102400x128xf32, #tpu.memory_space<hbm>> -> memref<80x128xf32, #tpu.memory_space<hbm>>
      %dma_start3A_125 = arith.constant 0 : i32
      %dma_start3A_126 = tpu.memref_slice %arg6[%add3A_118, %dma_start3A_125] : memref<102400x128xf32, #tpu.memory_space<hbm>> -> memref<80x128xf32, #tpu.memory_space<hbm>>
      tpu.enqueue_dma source(%arg11 : memref<80x128xf32, #tpu.memory_space<vmem>>) target(%dma_start3A_126 : memref<80x128xf32, #tpu.memory_space<hbm>>) target_semaphore(%arg19 : memref<!tpu.dma_semaphore, #tpu.memory_space<semaphore_mem>>)
      %dma_wait3A_127 = arith.constant 0 : i32
      %dma_wait3A_128 = tpu.memref_slice %arg5[%mul3A_2, %dma_wait3A_127] : memref<102400x128xf32, #tpu.memory_space<hbm>> -> memref<80x128xf32, #tpu.memory_space<hbm>>
      %dma_wait3A_129 = arith.constant 0 : i32
      %dma_wait3A_130 = tpu.memref_slice %arg5[%mul3A_2, %dma_wait3A_129] : memref<102400x128xf32, #tpu.memory_space<hbm>> -> memref<80x128xf32, #tpu.memory_space<hbm>>
      tpu.wait_dma2 semaphore(%arg17 : memref<!tpu.dma_semaphore, #tpu.memory_space<semaphore_mem>>) src(%arg9 : memref<80x128xf32, #tpu.memory_space<vmem>>) dst(%dma_wait3A_130 : memref<80x128xf32, #tpu.memory_space<hbm>>)
      %dma_wait3A_131 = arith.constant 0 : i32
      %dma_wait3A_132 = tpu.memref_slice %arg6[%mul3A_2, %dma_wait3A_131] : memref<102400x128xf32, #tpu.memory_space<hbm>> -> memref<80x128xf32, #tpu.memory_space<hbm>>
      %dma_wait3A_133 = arith.constant 0 : i32
      %dma_wait3A_134 = tpu.memref_slice %arg6[%mul3A_2, %dma_wait3A_133] : memref<102400x128xf32, #tpu.memory_space<hbm>> -> memref<80x128xf32, #tpu.memory_space<hbm>>
      tpu.wait_dma2 semaphore(%arg19 : memref<!tpu.dma_semaphore, #tpu.memory_space<semaphore_mem>>) src(%arg11 : memref<80x128xf32, #tpu.memory_space<vmem>>) dst(%dma_wait3A_134 : memref<80x128xf32, #tpu.memory_space<hbm>>)
      %mul3A_135 = arith.constant 80 : i32
      %mul3A_136 = arith.muli %add3A_94, %mul3A_135 : i32
      %dma_start3A_137 = tpu.memref_slice %arg7[%mul3A_136] : memref<3200xi32, #tpu.memory_space<vmem>> -> memref<80xi32, #tpu.memory_space<vmem>>
      %dma_start3A_138 = arith.constant 0 : i32
      %dma_start3A_139 = arith.constant 0 : i32
      %dma_start3A_140 = tpu.memref_slice %arg2[%dma_start3A_138, %dma_start3A_139] : memref<10000x128xf32, #tpu.memory_space<hbm>> -> memref<10000x128xf32, #tpu.memory_space<hbm>>
      tpu.enqueue_indirect_dma source(%dma_start3A_140 : memref<10000x128xf32, #tpu.memory_space<hbm>>) target(%arg9 : memref<80x128xf32, #tpu.memory_space<vmem>>) offsets(%dma_start3A_137 : memref<80xi32, #tpu.memory_space<vmem>>) semaphore(%arg13 : memref<!tpu.dma_semaphore, #tpu.memory_space<semaphore_mem>>)
      %dma_start3A_141 = tpu.memref_slice %arg8[%mul3A_136] : memref<3200xi32, #tpu.memory_space<vmem>> -> memref<80xi32, #tpu.memory_space<vmem>>
      %dma_start3A_142 = arith.constant 0 : i32
      %dma_start3A_143 = arith.constant 0 : i32
      %dma_start3A_144 = tpu.memref_slice %arg2[%dma_start3A_142, %dma_start3A_143] : memref<10000x128xf32, #tpu.memory_space<hbm>> -> memref<10000x128xf32, #tpu.memory_space<hbm>>
      tpu.enqueue_indirect_dma source(%dma_start3A_144 : memref<10000x128xf32, #tpu.memory_space<hbm>>) target(%arg11 : memref<80x128xf32, #tpu.memory_space<vmem>>) offsets(%dma_start3A_141 : memref<80xi32, #tpu.memory_space<vmem>>) semaphore(%arg15 : memref<!tpu.dma_semaphore, #tpu.memory_space<semaphore_mem>>)
      %dma_wait3A_145 = arith.constant 0 : i32
      %dma_wait3A_146 = tpu.memref_slice %arg7[%dma_wait3A_145] : memref<3200xi32, #tpu.memory_space<vmem>> -> memref<80xi32, #tpu.memory_space<vmem>>
      %dma_wait3A_147 = arith.constant 0 : i32
      %dma_wait3A_148 = arith.constant 0 : i32
      %dma_wait3A_149 = tpu.memref_slice %arg2[%dma_wait3A_147, %dma_wait3A_148] : memref<10000x128xf32, #tpu.memory_space<hbm>> -> memref<10000x128xf32, #tpu.memory_space<hbm>>
      tpu.wait_indirect_dma semaphore(%arg14 : memref<!tpu.dma_semaphore, #tpu.memory_space<semaphore_mem>>) src(%dma_wait3A_149 : memref<10000x128xf32, #tpu.memory_space<hbm>>) dst(%arg10 : memref<80x128xf32, #tpu.memory_space<vmem>>)
      %dma_wait3A_150 = arith.constant 0 : i32
      %dma_wait3A_151 = tpu.memref_slice %arg8[%dma_wait3A_150] : memref<3200xi32, #tpu.memory_space<vmem>> -> memref<80xi32, #tpu.memory_space<vmem>>
      %dma_wait3A_152 = arith.constant 0 : i32
      %dma_wait3A_153 = arith.constant 0 : i32
      %dma_wait3A_154 = tpu.memref_slice %arg2[%dma_wait3A_152, %dma_wait3A_153] : memref<10000x128xf32, #tpu.memory_space<hbm>> -> memref<10000x128xf32, #tpu.memory_space<hbm>>
      tpu.wait_indirect_dma semaphore(%arg16 : memref<!tpu.dma_semaphore, #tpu.memory_space<semaphore_mem>>) src(%dma_wait3A_154 : memref<10000x128xf32, #tpu.memory_space<hbm>>) dst(%arg12 : memref<80x128xf32, #tpu.memory_space<vmem>>)
      %mul3A_155 = arith.constant 80 : i32
      %mul3A_156 = arith.muli %add3A_90, %mul3A_155 : i32
      %add3A_157 = arith.addi %mul3A_2, %mul3A_156 : i32
      %dma_start3A_158 = arith.constant 0 : i32
      %dma_start3A_159 = tpu.memref_slice %arg5[%add3A_157, %dma_start3A_158] : memref<102400x128xf32, #tpu.memory_space<hbm>> -> memref<80x128xf32, #tpu.memory_space<hbm>>
      %dma_start3A_160 = arith.constant 0 : i32
      %dma_start3A_161 = tpu.memref_slice %arg5[%add3A_157, %dma_start3A_160] : memref<102400x128xf32, #tpu.memory_space<hbm>> -> memref<80x128xf32, #tpu.memory_space<hbm>>
      tpu.enqueue_dma source(%arg10 : memref<80x128xf32, #tpu.memory_space<vmem>>) target(%dma_start3A_161 : memref<80x128xf32, #tpu.memory_space<hbm>>) target_semaphore(%arg18 : memref<!tpu.dma_semaphore, #tpu.memory_space<semaphore_mem>>)
      %dma_start3A_162 = arith.constant 0 : i32
      %dma_start3A_163 = tpu.memref_slice %arg6[%add3A_157, %dma_start3A_162] : memref<102400x128xf32, #tpu.memory_space<hbm>> -> memref<80x128xf32, #tpu.memory_space<hbm>>
      %dma_start3A_164 = arith.constant 0 : i32
      %dma_start3A_165 = tpu.memref_slice %arg6[%add3A_157, %dma_start3A_164] : memref<102400x128xf32, #tpu.memory_space<hbm>> -> memref<80x128xf32, #tpu.memory_space<hbm>>
      tpu.enqueue_dma source(%arg12 : memref<80x128xf32, #tpu.memory_space<vmem>>) target(%dma_start3A_165 : memref<80x128xf32, #tpu.memory_space<hbm>>) target_semaphore(%arg20 : memref<!tpu.dma_semaphore, #tpu.memory_space<semaphore_mem>>)
      %dma_wait3A_166 = arith.constant 0 : i32
      %dma_wait3A_167 = tpu.memref_slice %arg5[%mul3A_2, %dma_wait3A_166] : memref<102400x128xf32, #tpu.memory_space<hbm>> -> memref<80x128xf32, #tpu.memory_space<hbm>>
      %dma_wait3A_168 = arith.constant 0 : i32
      %dma_wait3A_169 = tpu.memref_slice %arg5[%mul3A_2, %dma_wait3A_168] : memref<102400x128xf32, #tpu.memory_space<hbm>> -> memref<80x128xf32, #tpu.memory_space<hbm>>
      tpu.wait_dma2 semaphore(%arg18 : memref<!tpu.dma_semaphore, #tpu.memory_space<semaphore_mem>>) src(%arg10 : memref<80x128xf32, #tpu.memory_space<vmem>>) dst(%dma_wait3A_169 : memref<80x128xf32, #tpu.memory_space<hbm>>)
      %dma_wait3A_170 = arith.constant 0 : i32
      %dma_wait3A_171 = tpu.memref_slice %arg6[%mul3A_2, %dma_wait3A_170] : memref<102400x128xf32, #tpu.memory_space<hbm>> -> memref<80x128xf32, #tpu.memory_space<hbm>>
      %dma_wait3A_172 = arith.constant 0 : i32
      %dma_wait3A_173 = tpu.memref_slice %arg6[%mul3A_2, %dma_wait3A_172] : memref<102400x128xf32, #tpu.memory_space<hbm>> -> memref<80x128xf32, #tpu.memory_space<hbm>>
      tpu.wait_dma2 semaphore(%arg20 : memref<!tpu.dma_semaphore, #tpu.memory_space<semaphore_mem>>) src(%arg12 : memref<80x128xf32, #tpu.memory_space<vmem>>) dst(%dma_wait3A_173 : memref<80x128xf32, #tpu.memory_space<hbm>>)
    }
    %scan3A_20 = arith.constant 19 : i32
    %dma_start3A_21 = arith.constant 3120 : i32
    %dma_start3A_22 = tpu.memref_slice %arg7[%dma_start3A_21] : memref<3200xi32, #tpu.memory_space<vmem>> -> memref<80xi32, #tpu.memory_space<vmem>>
    %dma_start3A_23 = arith.constant 0 : i32
    %dma_start3A_24 = arith.constant 0 : i32
    %dma_start3A_25 = tpu.memref_slice %arg2[%dma_start3A_23, %dma_start3A_24] : memref<10000x128xf32, #tpu.memory_space<hbm>> -> memref<10000x128xf32, #tpu.memory_space<hbm>>
    tpu.enqueue_indirect_dma source(%dma_start3A_25 : memref<10000x128xf32, #tpu.memory_space<hbm>>) target(%arg10 : memref<80x128xf32, #tpu.memory_space<vmem>>) offsets(%dma_start3A_22 : memref<80xi32, #tpu.memory_space<vmem>>) semaphore(%arg14 : memref<!tpu.dma_semaphore, #tpu.memory_space<semaphore_mem>>)
    %dma_start3A_26 = arith.constant 3120 : i32
    %dma_start3A_27 = tpu.memref_slice %arg8[%dma_start3A_26] : memref<3200xi32, #tpu.memory_space<vmem>> -> memref<80xi32, #tpu.memory_space<vmem>>
    %dma_start3A_28 = arith.constant 0 : i32
    %dma_start3A_29 = arith.constant 0 : i32
    %dma_start3A_30 = tpu.memref_slice %arg2[%dma_start3A_28, %dma_start3A_29] : memref<10000x128xf32, #tpu.memory_space<hbm>> -> memref<10000x128xf32, #tpu.memory_space<hbm>>
    tpu.enqueue_indirect_dma source(%dma_start3A_30 : memref<10000x128xf32, #tpu.memory_space<hbm>>) target(%arg12 : memref<80x128xf32, #tpu.memory_space<vmem>>) offsets(%dma_start3A_27 : memref<80xi32, #tpu.memory_space<vmem>>) semaphore(%arg16 : memref<!tpu.dma_semaphore, #tpu.memory_space<semaphore_mem>>)
    %dma_wait3A = arith.constant 0 : i32
    %dma_wait3A_31 = tpu.memref_slice %arg7[%dma_wait3A] : memref<3200xi32, #tpu.memory_space<vmem>> -> memref<80xi32, #tpu.memory_space<vmem>>
    %dma_wait3A_32 = arith.constant 0 : i32
    %dma_wait3A_33 = arith.constant 0 : i32
    %dma_wait3A_34 = tpu.memref_slice %arg2[%dma_wait3A_32, %dma_wait3A_33] : memref<10000x128xf32, #tpu.memory_space<hbm>> -> memref<10000x128xf32, #tpu.memory_space<hbm>>
    tpu.wait_indirect_dma semaphore(%arg13 : memref<!tpu.dma_semaphore, #tpu.memory_space<semaphore_mem>>) src(%dma_wait3A_34 : memref<10000x128xf32, #tpu.memory_space<hbm>>) dst(%arg9 : memref<80x128xf32, #tpu.memory_space<vmem>>)
    %dma_wait3A_35 = arith.constant 0 : i32
    %dma_wait3A_36 = tpu.memref_slice %arg8[%dma_wait3A_35] : memref<3200xi32, #tpu.memory_space<vmem>> -> memref<80xi32, #tpu.memory_space<vmem>>
    %dma_wait3A_37 = arith.constant 0 : i32
    %dma_wait3A_38 = arith.constant 0 : i32
    %dma_wait3A_39 = tpu.memref_slice %arg2[%dma_wait3A_37, %dma_wait3A_38] : memref<10000x128xf32, #tpu.memory_space<hbm>> -> memref<10000x128xf32, #tpu.memory_space<hbm>>
    tpu.wait_indirect_dma semaphore(%arg15 : memref<!tpu.dma_semaphore, #tpu.memory_space<semaphore_mem>>) src(%dma_wait3A_39 : memref<10000x128xf32, #tpu.memory_space<hbm>>) dst(%arg11 : memref<80x128xf32, #tpu.memory_space<vmem>>)
    %add3A_40 = arith.constant 3040 : i32
    %add3A_41 = arith.addi %mul3A_2, %add3A_40 : i32
    %dma_start3A_42 = arith.constant 0 : i32
    %dma_start3A_43 = tpu.memref_slice %arg5[%add3A_41, %dma_start3A_42] : memref<102400x128xf32, #tpu.memory_space<hbm>> -> memref<80x128xf32, #tpu.memory_space<hbm>>
    %dma_start3A_44 = arith.constant 0 : i32
    %dma_start3A_45 = tpu.memref_slice %arg5[%add3A_41, %dma_start3A_44] : memref<102400x128xf32, #tpu.memory_space<hbm>> -> memref<80x128xf32, #tpu.memory_space<hbm>>
    tpu.enqueue_dma source(%arg9 : memref<80x128xf32, #tpu.memory_space<vmem>>) target(%dma_start3A_45 : memref<80x128xf32, #tpu.memory_space<hbm>>) target_semaphore(%arg17 : memref<!tpu.dma_semaphore, #tpu.memory_space<semaphore_mem>>)
    %dma_start3A_46 = arith.constant 0 : i32
    %dma_start3A_47 = tpu.memref_slice %arg6[%add3A_41, %dma_start3A_46] : memref<102400x128xf32, #tpu.memory_space<hbm>> -> memref<80x128xf32, #tpu.memory_space<hbm>>
    %dma_start3A_48 = arith.constant 0 : i32
    %dma_start3A_49 = tpu.memref_slice %arg6[%add3A_41, %dma_start3A_48] : memref<102400x128xf32, #tpu.memory_space<hbm>> -> memref<80x128xf32, #tpu.memory_space<hbm>>
    tpu.enqueue_dma source(%arg11 : memref<80x128xf32, #tpu.memory_space<vmem>>) target(%dma_start3A_49 : memref<80x128xf32, #tpu.memory_space<hbm>>) target_semaphore(%arg19 : memref<!tpu.dma_semaphore, #tpu.memory_space<semaphore_mem>>)
    %dma_wait3A_50 = arith.constant 0 : i32
    %dma_wait3A_51 = tpu.memref_slice %arg5[%mul3A_2, %dma_wait3A_50] : memref<102400x128xf32, #tpu.memory_space<hbm>> -> memref<80x128xf32, #tpu.memory_space<hbm>>
    %dma_wait3A_52 = arith.constant 0 : i32
    %dma_wait3A_53 = tpu.memref_slice %arg5[%mul3A_2, %dma_wait3A_52] : memref<102400x128xf32, #tpu.memory_space<hbm>> -> memref<80x128xf32, #tpu.memory_space<hbm>>
    tpu.wait_dma2 semaphore(%arg17 : memref<!tpu.dma_semaphore, #tpu.memory_space<semaphore_mem>>) src(%arg9 : memref<80x128xf32, #tpu.memory_space<vmem>>) dst(%dma_wait3A_53 : memref<80x128xf32, #tpu.memory_space<hbm>>)
    %dma_wait3A_54 = arith.constant 0 : i32
    %dma_wait3A_55 = tpu.memref_slice %arg6[%mul3A_2, %dma_wait3A_54] : memref<102400x128xf32, #tpu.memory_space<hbm>> -> memref<80x128xf32, #tpu.memory_space<hbm>>
    %dma_wait3A_56 = arith.constant 0 : i32
    %dma_wait3A_57 = tpu.memref_slice %arg6[%mul3A_2, %dma_wait3A_56] : memref<102400x128xf32, #tpu.memory_space<hbm>> -> memref<80x128xf32, #tpu.memory_space<hbm>>
    tpu.wait_dma2 semaphore(%arg19 : memref<!tpu.dma_semaphore, #tpu.memory_space<semaphore_mem>>) src(%arg11 : memref<80x128xf32, #tpu.memory_space<vmem>>) dst(%dma_wait3A_57 : memref<80x128xf32, #tpu.memory_space<hbm>>)
    %dma_wait3A_58 = arith.constant 0 : i32
    %dma_wait3A_59 = tpu.memref_slice %arg7[%dma_wait3A_58] : memref<3200xi32, #tpu.memory_space<vmem>> -> memref<80xi32, #tpu.memory_space<vmem>>
    %dma_wait3A_60 = arith.constant 0 : i32
    %dma_wait3A_61 = arith.constant 0 : i32
    %dma_wait3A_62 = tpu.memref_slice %arg2[%dma_wait3A_60, %dma_wait3A_61] : memref<10000x128xf32, #tpu.memory_space<hbm>> -> memref<10000x128xf32, #tpu.memory_space<hbm>>
    tpu.wait_indirect_dma semaphore(%arg14 : memref<!tpu.dma_semaphore, #tpu.memory_space<semaphore_mem>>) src(%dma_wait3A_62 : memref<10000x128xf32, #tpu.memory_space<hbm>>) dst(%arg10 : memref<80x128xf32, #tpu.memory_space<vmem>>)
    %dma_wait3A_63 = arith.constant 0 : i32
    %dma_wait3A_64 = tpu.memref_slice %arg8[%dma_wait3A_63] : memref<3200xi32, #tpu.memory_space<vmem>> -> memref<80xi32, #tpu.memory_space<vmem>>
    %dma_wait3A_65 = arith.constant 0 : i32
    %dma_wait3A_66 = arith.constant 0 : i32
    %dma_wait3A_67 = tpu.memref_slice %arg2[%dma_wait3A_65, %dma_wait3A_66] : memref<10000x128xf32, #tpu.memory_space<hbm>> -> memref<10000x128xf32, #tpu.memory_space<hbm>>
    tpu.wait_indirect_dma semaphore(%arg16 : memref<!tpu.dma_semaphore, #tpu.memory_space<semaphore_mem>>) src(%dma_wait3A_67 : memref<10000x128xf32, #tpu.memory_space<hbm>>) dst(%arg12 : memref<80x128xf32, #tpu.memory_space<vmem>>)
    %add3A_68 = arith.constant 3120 : i32
    %add3A_69 = arith.addi %mul3A_2, %add3A_68 : i32
    %dma_start3A_70 = arith.constant 0 : i32
    %dma_start3A_71 = tpu.memref_slice %arg5[%add3A_69, %dma_start3A_70] : memref<102400x128xf32, #tpu.memory_space<hbm>> -> memref<80x128xf32, #tpu.memory_space<hbm>>
    %dma_start3A_72 = arith.constant 0 : i32
    %dma_start3A_73 = tpu.memref_slice %arg5[%add3A_69, %dma_start3A_72] : memref<102400x128xf32, #tpu.memory_space<hbm>> -> memref<80x128xf32, #tpu.memory_space<hbm>>
    tpu.enqueue_dma source(%arg10 : memref<80x128xf32, #tpu.memory_space<vmem>>) target(%dma_start3A_73 : memref<80x128xf32, #tpu.memory_space<hbm>>) target_semaphore(%arg18 : memref<!tpu.dma_semaphore, #tpu.memory_space<semaphore_mem>>)
    %dma_start3A_74 = arith.constant 0 : i32
    %dma_start3A_75 = tpu.memref_slice %arg6[%add3A_69, %dma_start3A_74] : memref<102400x128xf32, #tpu.memory_space<hbm>> -> memref<80x128xf32, #tpu.memory_space<hbm>>
    %dma_start3A_76 = arith.constant 0 : i32
    %dma_start3A_77 = tpu.memref_slice %arg6[%add3A_69, %dma_start3A_76] : memref<102400x128xf32, #tpu.memory_space<hbm>> -> memref<80x128xf32, #tpu.memory_space<hbm>>
    tpu.enqueue_dma source(%arg12 : memref<80x128xf32, #tpu.memory_space<vmem>>) target(%dma_start3A_77 : memref<80x128xf32, #tpu.memory_space<hbm>>) target_semaphore(%arg20 : memref<!tpu.dma_semaphore, #tpu.memory_space<semaphore_mem>>)
    %dma_wait3A_78 = arith.constant 0 : i32
    %dma_wait3A_79 = tpu.memref_slice %arg5[%mul3A_2, %dma_wait3A_78] : memref<102400x128xf32, #tpu.memory_space<hbm>> -> memref<80x128xf32, #tpu.memory_space<hbm>>
    %dma_wait3A_80 = arith.constant 0 : i32
    %dma_wait3A_81 = tpu.memref_slice %arg5[%mul3A_2, %dma_wait3A_80] : memref<102400x128xf32, #tpu.memory_space<hbm>> -> memref<80x128xf32, #tpu.memory_space<hbm>>
    tpu.wait_dma2 semaphore(%arg18 : memref<!tpu.dma_semaphore, #tpu.memory_space<semaphore_mem>>) src(%arg10 : memref<80x128xf32, #tpu.memory_space<vmem>>) dst(%dma_wait3A_81 : memref<80x128xf32, #tpu.memory_space<hbm>>)
    %dma_wait3A_82 = arith.constant 0 : i32
    %dma_wait3A_83 = tpu.memref_slice %arg6[%mul3A_2, %dma_wait3A_82] : memref<102400x128xf32, #tpu.memory_space<hbm>> -> memref<80x128xf32, #tpu.memory_space<hbm>>
    %dma_wait3A_84 = arith.constant 0 : i32
    %dma_wait3A_85 = tpu.memref_slice %arg6[%mul3A_2, %dma_wait3A_84] : memref<102400x128xf32, #tpu.memory_space<hbm>> -> memref<80x128xf32, #tpu.memory_space<hbm>>
    tpu.wait_dma2 semaphore(%arg20 : memref<!tpu.dma_semaphore, #tpu.memory_space<semaphore_mem>>) src(%arg12 : memref<80x128xf32, #tpu.memory_space<vmem>>) dst(%dma_wait3A_85 : memref<80x128xf32, #tpu.memory_space<hbm>>)
    return
  }
}

#map = affine_map<(d0, d1) -> (0, 0)>
#map1 = affine_map<(d0, d1) -> (0)>
module attributes {stable_mosaic.version = 14 : i64} {
  func.func @_sc_gather_k(%arg0: i32, %arg1: i32, %arg2: memref<10000x128xf32, #tpu.memory_space<hbm>>, %arg3: memref<320000xi32, #tpu.memory_space<hbm>>, %arg4: memref<320000xi32, #tpu.memory_space<hbm>>, %arg5: memref<64000x128xf32, #tpu.memory_space<hbm>>, %arg6: memref<64000x128xf32, #tpu.memory_space<hbm>>, %arg7: memref<2000xi32, #tpu.memory_space<vmem>>, %arg8: memref<2000xi32, #tpu.memory_space<vmem>>, %arg9: memref<80x128xf32, #tpu.memory_space<vmem>>, %arg10: memref<80x128xf32, #tpu.memory_space<vmem>>, %arg11: memref<80x128xf32, #tpu.memory_space<vmem>>, %arg12: memref<80x128xf32, #tpu.memory_space<vmem>>, %arg13: memref<!tpu.dma_semaphore, #tpu.memory_space<semaphore_mem>>, %arg14: memref<!tpu.dma_semaphore, #tpu.memory_space<semaphore_mem>>, %arg15: memref<!tpu.dma_semaphore, #tpu.memory_space<semaphore_mem>>, %arg16: memref<!tpu.dma_semaphore, #tpu.memory_space<semaphore_mem>>, %arg17: memref<!tpu.dma_semaphore, #tpu.memory_space<semaphore_mem>>, %arg18: memref<!tpu.dma_semaphore, #tpu.memory_space<semaphore_mem>>, %arg19: memref<!tpu.dma_semaphore, #tpu.memory_space<semaphore_mem>>, %arg20: memref<!tpu.dma_semaphore, #tpu.memory_space<semaphore_mem>>) attributes {dimension_semantics = [#tpu.dimension_semantics<core_parallel>, #tpu.dimension_semantics<subcore_parallel>], iteration_bounds = array<i64: 2, 16>, scalar_prefetch = 0 : i64, scratch_operands = 14 : i64, tpu.core_type = #tpu.core_type<sc_vector_subcore>, window_params = [{transform_indices = #map}, {transform_indices = #map1}, {transform_indices = #map1}, {transform_indices = #map}, {transform_indices = #map}]} {
    %mul3A = arith.constant 2 : i32
    %mul3A_0 = arith.muli %arg1, %mul3A : i32
    %add3A = arith.addi %mul3A_0, %arg0 : i32
    %mul3A_1 = arith.constant 2000 : i32
    %mul3A_2 = arith.muli %add3A, %mul3A_1 : i32
    %add3A_3 = arith.constant 256000 : i32
    %add3A_4 = arith.addi %add3A_3, %mul3A_2 : i32
    "tpu.region"() ({
      %run_scoped3A = tpu.sem_alloc : memref<!tpu.dma_semaphore, #tpu.memory_space<semaphore_mem>>
      %dma_start3A_48 = tpu.memref_slice %arg3[%add3A_4] : memref<320000xi32, #tpu.memory_space<hbm>> -> memref<2000xi32, #tpu.memory_space<hbm>>
      %dma_start3A_49 = tpu.memref_slice %arg3[%add3A_4] : memref<320000xi32, #tpu.memory_space<hbm>> -> memref<2000xi32, #tpu.memory_space<hbm>>
      tpu.enqueue_dma source(%dma_start3A_49 : memref<2000xi32, #tpu.memory_space<hbm>>) target(%arg7 : memref<2000xi32, #tpu.memory_space<vmem>>) target_semaphore(%run_scoped3A : memref<!tpu.dma_semaphore, #tpu.memory_space<semaphore_mem>>)
      %dma_wait3A_50 = tpu.memref_slice %arg3[%add3A_4] : memref<320000xi32, #tpu.memory_space<hbm>> -> memref<2000xi32, #tpu.memory_space<hbm>>
      %dma_wait3A_51 = tpu.memref_slice %arg3[%add3A_4] : memref<320000xi32, #tpu.memory_space<hbm>> -> memref<2000xi32, #tpu.memory_space<hbm>>
      tpu.wait_dma2 semaphore(%run_scoped3A : memref<!tpu.dma_semaphore, #tpu.memory_space<semaphore_mem>>) src(%dma_wait3A_51 : memref<2000xi32, #tpu.memory_space<hbm>>) dst(%arg7 : memref<2000xi32, #tpu.memory_space<vmem>>)
      tpu.yield
    }) : () -> ()
    %add3A_5 = arith.constant 256000 : i32
    %add3A_6 = arith.addi %add3A_5, %mul3A_2 : i32
    "tpu.region"() ({
      %run_scoped3A = tpu.sem_alloc : memref<!tpu.dma_semaphore, #tpu.memory_space<semaphore_mem>>
      %dma_start3A_48 = tpu.memref_slice %arg4[%add3A_6] : memref<320000xi32, #tpu.memory_space<hbm>> -> memref<2000xi32, #tpu.memory_space<hbm>>
      %dma_start3A_49 = tpu.memref_slice %arg4[%add3A_6] : memref<320000xi32, #tpu.memory_space<hbm>> -> memref<2000xi32, #tpu.memory_space<hbm>>
      tpu.enqueue_dma source(%dma_start3A_49 : memref<2000xi32, #tpu.memory_space<hbm>>) target(%arg8 : memref<2000xi32, #tpu.memory_space<vmem>>) target_semaphore(%run_scoped3A : memref<!tpu.dma_semaphore, #tpu.memory_space<semaphore_mem>>)
      %dma_wait3A_50 = tpu.memref_slice %arg4[%add3A_6] : memref<320000xi32, #tpu.memory_space<hbm>> -> memref<2000xi32, #tpu.memory_space<hbm>>
      %dma_wait3A_51 = tpu.memref_slice %arg4[%add3A_6] : memref<320000xi32, #tpu.memory_space<hbm>> -> memref<2000xi32, #tpu.memory_space<hbm>>
      tpu.wait_dma2 semaphore(%run_scoped3A : memref<!tpu.dma_semaphore, #tpu.memory_space<semaphore_mem>>) src(%dma_wait3A_51 : memref<2000xi32, #tpu.memory_space<hbm>>) dst(%arg8 : memref<2000xi32, #tpu.memory_space<vmem>>)
      tpu.yield
    }) : () -> ()
    %dma_start3A = arith.constant 0 : i32
    %dma_start3A_7 = tpu.memref_slice %arg7[%dma_start3A] : memref<2000xi32, #tpu.memory_space<vmem>> -> memref<80xi32, #tpu.memory_space<vmem>>
    %dma_start3A_8 = arith.constant 0 : i32
    %dma_start3A_9 = arith.constant 0 : i32
    %dma_start3A_10 = tpu.memref_slice %arg2[%dma_start3A_8, %dma_start3A_9] : memref<10000x128xf32, #tpu.memory_space<hbm>> -> memref<10000x128xf32, #tpu.memory_space<hbm>>
    tpu.enqueue_indirect_dma source(%dma_start3A_10 : memref<10000x128xf32, #tpu.memory_space<hbm>>) target(%arg9 : memref<80x128xf32, #tpu.memory_space<vmem>>) offsets(%dma_start3A_7 : memref<80xi32, #tpu.memory_space<vmem>>) semaphore(%arg13 : memref<!tpu.dma_semaphore, #tpu.memory_space<semaphore_mem>>)
    %dma_start3A_11 = arith.constant 0 : i32
    %dma_start3A_12 = tpu.memref_slice %arg8[%dma_start3A_11] : memref<2000xi32, #tpu.memory_space<vmem>> -> memref<80xi32, #tpu.memory_space<vmem>>
    %dma_start3A_13 = arith.constant 0 : i32
    %dma_start3A_14 = arith.constant 0 : i32
    %dma_start3A_15 = tpu.memref_slice %arg2[%dma_start3A_13, %dma_start3A_14] : memref<10000x128xf32, #tpu.memory_space<hbm>> -> memref<10000x128xf32, #tpu.memory_space<hbm>>
    tpu.enqueue_indirect_dma source(%dma_start3A_15 : memref<10000x128xf32, #tpu.memory_space<hbm>>) target(%arg11 : memref<80x128xf32, #tpu.memory_space<vmem>>) offsets(%dma_start3A_12 : memref<80xi32, #tpu.memory_space<vmem>>) semaphore(%arg15 : memref<!tpu.dma_semaphore, #tpu.memory_space<semaphore_mem>>)
    %scan3A = arith.constant 0 : i32
    %scan3A_16 = arith.constant 0 : i32
    %scan3A_17 = arith.constant 12 : i32
    %scan3A_18 = arith.addi %scan3A_16, %scan3A_17 : i32
    %scan3A_19 = arith.constant 1 : i32
    scf.for %scan3A_48 = %scan3A_16 to %scan3A_18 step %scan3A_19  : i32 {
      %mul3A_49 = arith.constant 2 : i32
      %mul3A_50 = arith.muli %mul3A_49, %scan3A_48 : i32
      %add3A_51 = arith.constant 1 : i32
      %add3A_52 = arith.addi %mul3A_50, %add3A_51 : i32
      %mul3A_53 = arith.constant 2 : i32
      %mul3A_54 = arith.muli %mul3A_53, %scan3A_48 : i32
      %add3A_55 = arith.constant 2 : i32
      %add3A_56 = arith.addi %mul3A_54, %add3A_55 : i32
      %mul3A_57 = arith.constant 80 : i32
      %mul3A_58 = arith.muli %add3A_52, %mul3A_57 : i32
      %dma_start3A_59 = tpu.memref_slice %arg7[%mul3A_58] : memref<2000xi32, #tpu.memory_space<vmem>> -> memref<80xi32, #tpu.memory_space<vmem>>
      %dma_start3A_60 = arith.constant 0 : i32
      %dma_start3A_61 = arith.constant 0 : i32
      %dma_start3A_62 = tpu.memref_slice %arg2[%dma_start3A_60, %dma_start3A_61] : memref<10000x128xf32, #tpu.memory_space<hbm>> -> memref<10000x128xf32, #tpu.memory_space<hbm>>
      tpu.enqueue_indirect_dma source(%dma_start3A_62 : memref<10000x128xf32, #tpu.memory_space<hbm>>) target(%arg10 : memref<80x128xf32, #tpu.memory_space<vmem>>) offsets(%dma_start3A_59 : memref<80xi32, #tpu.memory_space<vmem>>) semaphore(%arg14 : memref<!tpu.dma_semaphore, #tpu.memory_space<semaphore_mem>>)
      %dma_start3A_63 = tpu.memref_slice %arg8[%mul3A_58] : memref<2000xi32, #tpu.memory_space<vmem>> -> memref<80xi32, #tpu.memory_space<vmem>>
      %dma_start3A_64 = arith.constant 0 : i32
      %dma_start3A_65 = arith.constant 0 : i32
      %dma_start3A_66 = tpu.memref_slice %arg2[%dma_start3A_64, %dma_start3A_65] : memref<10000x128xf32, #tpu.memory_space<hbm>> -> memref<10000x128xf32, #tpu.memory_space<hbm>>
      tpu.enqueue_indirect_dma source(%dma_start3A_66 : memref<10000x128xf32, #tpu.memory_space<hbm>>) target(%arg12 : memref<80x128xf32, #tpu.memory_space<vmem>>) offsets(%dma_start3A_63 : memref<80xi32, #tpu.memory_space<vmem>>) semaphore(%arg16 : memref<!tpu.dma_semaphore, #tpu.memory_space<semaphore_mem>>)
      %dma_wait3A_67 = arith.constant 0 : i32
      %dma_wait3A_68 = tpu.memref_slice %arg7[%dma_wait3A_67] : memref<2000xi32, #tpu.memory_space<vmem>> -> memref<80xi32, #tpu.memory_space<vmem>>
      %dma_wait3A_69 = arith.constant 0 : i32
      %dma_wait3A_70 = arith.constant 0 : i32
      %dma_wait3A_71 = tpu.memref_slice %arg2[%dma_wait3A_69, %dma_wait3A_70] : memref<10000x128xf32, #tpu.memory_space<hbm>> -> memref<10000x128xf32, #tpu.memory_space<hbm>>
      tpu.wait_indirect_dma semaphore(%arg13 : memref<!tpu.dma_semaphore, #tpu.memory_space<semaphore_mem>>) src(%dma_wait3A_71 : memref<10000x128xf32, #tpu.memory_space<hbm>>) dst(%arg9 : memref<80x128xf32, #tpu.memory_space<vmem>>)
      %dma_wait3A_72 = arith.constant 0 : i32
      %dma_wait3A_73 = tpu.memref_slice %arg8[%dma_wait3A_72] : memref<2000xi32, #tpu.memory_space<vmem>> -> memref<80xi32, #tpu.memory_space<vmem>>
      %dma_wait3A_74 = arith.constant 0 : i32
      %dma_wait3A_75 = arith.constant 0 : i32
      %dma_wait3A_76 = tpu.memref_slice %arg2[%dma_wait3A_74, %dma_wait3A_75] : memref<10000x128xf32, #tpu.memory_space<hbm>> -> memref<10000x128xf32, #tpu.memory_space<hbm>>
      tpu.wait_indirect_dma semaphore(%arg15 : memref<!tpu.dma_semaphore, #tpu.memory_space<semaphore_mem>>) src(%dma_wait3A_76 : memref<10000x128xf32, #tpu.memory_space<hbm>>) dst(%arg11 : memref<80x128xf32, #tpu.memory_space<vmem>>)
      %sub3A = arith.constant 1 : i32
      %sub3A_77 = arith.subi %add3A_52, %sub3A : i32
      %mul3A_78 = arith.constant 80 : i32
      %mul3A_79 = arith.muli %sub3A_77, %mul3A_78 : i32
      %add3A_80 = arith.addi %mul3A_2, %mul3A_79 : i32
      %dma_start3A_81 = arith.constant 0 : i32
      %dma_start3A_82 = tpu.memref_slice %arg5[%add3A_80, %dma_start3A_81] : memref<64000x128xf32, #tpu.memory_space<hbm>> -> memref<80x128xf32, #tpu.memory_space<hbm>>
      %dma_start3A_83 = arith.constant 0 : i32
      %dma_start3A_84 = tpu.memref_slice %arg5[%add3A_80, %dma_start3A_83] : memref<64000x128xf32, #tpu.memory_space<hbm>> -> memref<80x128xf32, #tpu.memory_space<hbm>>
      tpu.enqueue_dma source(%arg9 : memref<80x128xf32, #tpu.memory_space<vmem>>) target(%dma_start3A_84 : memref<80x128xf32, #tpu.memory_space<hbm>>) target_semaphore(%arg17 : memref<!tpu.dma_semaphore, #tpu.memory_space<semaphore_mem>>)
      %dma_start3A_85 = arith.constant 0 : i32
      %dma_start3A_86 = tpu.memref_slice %arg6[%add3A_80, %dma_start3A_85] : memref<64000x128xf32, #tpu.memory_space<hbm>> -> memref<80x128xf32, #tpu.memory_space<hbm>>
      %dma_start3A_87 = arith.constant 0 : i32
      %dma_start3A_88 = tpu.memref_slice %arg6[%add3A_80, %dma_start3A_87] : memref<64000x128xf32, #tpu.memory_space<hbm>> -> memref<80x128xf32, #tpu.memory_space<hbm>>
      tpu.enqueue_dma source(%arg11 : memref<80x128xf32, #tpu.memory_space<vmem>>) target(%dma_start3A_88 : memref<80x128xf32, #tpu.memory_space<hbm>>) target_semaphore(%arg19 : memref<!tpu.dma_semaphore, #tpu.memory_space<semaphore_mem>>)
      %dma_wait3A_89 = arith.constant 0 : i32
      %dma_wait3A_90 = tpu.memref_slice %arg5[%mul3A_2, %dma_wait3A_89] : memref<64000x128xf32, #tpu.memory_space<hbm>> -> memref<80x128xf32, #tpu.memory_space<hbm>>
      %dma_wait3A_91 = arith.constant 0 : i32
      %dma_wait3A_92 = tpu.memref_slice %arg5[%mul3A_2, %dma_wait3A_91] : memref<64000x128xf32, #tpu.memory_space<hbm>> -> memref<80x128xf32, #tpu.memory_space<hbm>>
      tpu.wait_dma2 semaphore(%arg17 : memref<!tpu.dma_semaphore, #tpu.memory_space<semaphore_mem>>) src(%arg9 : memref<80x128xf32, #tpu.memory_space<vmem>>) dst(%dma_wait3A_92 : memref<80x128xf32, #tpu.memory_space<hbm>>)
      %dma_wait3A_93 = arith.constant 0 : i32
      %dma_wait3A_94 = tpu.memref_slice %arg6[%mul3A_2, %dma_wait3A_93] : memref<64000x128xf32, #tpu.memory_space<hbm>> -> memref<80x128xf32, #tpu.memory_space<hbm>>
      %dma_wait3A_95 = arith.constant 0 : i32
      %dma_wait3A_96 = tpu.memref_slice %arg6[%mul3A_2, %dma_wait3A_95] : memref<64000x128xf32, #tpu.memory_space<hbm>> -> memref<80x128xf32, #tpu.memory_space<hbm>>
      tpu.wait_dma2 semaphore(%arg19 : memref<!tpu.dma_semaphore, #tpu.memory_space<semaphore_mem>>) src(%arg11 : memref<80x128xf32, #tpu.memory_space<vmem>>) dst(%dma_wait3A_96 : memref<80x128xf32, #tpu.memory_space<hbm>>)
      %mul3A_97 = arith.constant 80 : i32
      %mul3A_98 = arith.muli %add3A_56, %mul3A_97 : i32
      %dma_start3A_99 = tpu.memref_slice %arg7[%mul3A_98] : memref<2000xi32, #tpu.memory_space<vmem>> -> memref<80xi32, #tpu.memory_space<vmem>>
      %dma_start3A_100 = arith.constant 0 : i32
      %dma_start3A_101 = arith.constant 0 : i32
      %dma_start3A_102 = tpu.memref_slice %arg2[%dma_start3A_100, %dma_start3A_101] : memref<10000x128xf32, #tpu.memory_space<hbm>> -> memref<10000x128xf32, #tpu.memory_space<hbm>>
      tpu.enqueue_indirect_dma source(%dma_start3A_102 : memref<10000x128xf32, #tpu.memory_space<hbm>>) target(%arg9 : memref<80x128xf32, #tpu.memory_space<vmem>>) offsets(%dma_start3A_99 : memref<80xi32, #tpu.memory_space<vmem>>) semaphore(%arg13 : memref<!tpu.dma_semaphore, #tpu.memory_space<semaphore_mem>>)
      %dma_start3A_103 = tpu.memref_slice %arg8[%mul3A_98] : memref<2000xi32, #tpu.memory_space<vmem>> -> memref<80xi32, #tpu.memory_space<vmem>>
      %dma_start3A_104 = arith.constant 0 : i32
      %dma_start3A_105 = arith.constant 0 : i32
      %dma_start3A_106 = tpu.memref_slice %arg2[%dma_start3A_104, %dma_start3A_105] : memref<10000x128xf32, #tpu.memory_space<hbm>> -> memref<10000x128xf32, #tpu.memory_space<hbm>>
      tpu.enqueue_indirect_dma source(%dma_start3A_106 : memref<10000x128xf32, #tpu.memory_space<hbm>>) target(%arg11 : memref<80x128xf32, #tpu.memory_space<vmem>>) offsets(%dma_start3A_103 : memref<80xi32, #tpu.memory_space<vmem>>) semaphore(%arg15 : memref<!tpu.dma_semaphore, #tpu.memory_space<semaphore_mem>>)
      %dma_wait3A_107 = arith.constant 0 : i32
      %dma_wait3A_108 = tpu.memref_slice %arg7[%dma_wait3A_107] : memref<2000xi32, #tpu.memory_space<vmem>> -> memref<80xi32, #tpu.memory_space<vmem>>
      %dma_wait3A_109 = arith.constant 0 : i32
      %dma_wait3A_110 = arith.constant 0 : i32
      %dma_wait3A_111 = tpu.memref_slice %arg2[%dma_wait3A_109, %dma_wait3A_110] : memref<10000x128xf32, #tpu.memory_space<hbm>> -> memref<10000x128xf32, #tpu.memory_space<hbm>>
      tpu.wait_indirect_dma semaphore(%arg14 : memref<!tpu.dma_semaphore, #tpu.memory_space<semaphore_mem>>) src(%dma_wait3A_111 : memref<10000x128xf32, #tpu.memory_space<hbm>>) dst(%arg10 : memref<80x128xf32, #tpu.memory_space<vmem>>)
      %dma_wait3A_112 = arith.constant 0 : i32
      %dma_wait3A_113 = tpu.memref_slice %arg8[%dma_wait3A_112] : memref<2000xi32, #tpu.memory_space<vmem>> -> memref<80xi32, #tpu.memory_space<vmem>>
      %dma_wait3A_114 = arith.constant 0 : i32
      %dma_wait3A_115 = arith.constant 0 : i32
      %dma_wait3A_116 = tpu.memref_slice %arg2[%dma_wait3A_114, %dma_wait3A_115] : memref<10000x128xf32, #tpu.memory_space<hbm>> -> memref<10000x128xf32, #tpu.memory_space<hbm>>
      tpu.wait_indirect_dma semaphore(%arg16 : memref<!tpu.dma_semaphore, #tpu.memory_space<semaphore_mem>>) src(%dma_wait3A_116 : memref<10000x128xf32, #tpu.memory_space<hbm>>) dst(%arg12 : memref<80x128xf32, #tpu.memory_space<vmem>>)
      %mul3A_117 = arith.constant 80 : i32
      %mul3A_118 = arith.muli %add3A_52, %mul3A_117 : i32
      %add3A_119 = arith.addi %mul3A_2, %mul3A_118 : i32
      %dma_start3A_120 = arith.constant 0 : i32
      %dma_start3A_121 = tpu.memref_slice %arg5[%add3A_119, %dma_start3A_120] : memref<64000x128xf32, #tpu.memory_space<hbm>> -> memref<80x128xf32, #tpu.memory_space<hbm>>
      %dma_start3A_122 = arith.constant 0 : i32
      %dma_start3A_123 = tpu.memref_slice %arg5[%add3A_119, %dma_start3A_122] : memref<64000x128xf32, #tpu.memory_space<hbm>> -> memref<80x128xf32, #tpu.memory_space<hbm>>
      tpu.enqueue_dma source(%arg10 : memref<80x128xf32, #tpu.memory_space<vmem>>) target(%dma_start3A_123 : memref<80x128xf32, #tpu.memory_space<hbm>>) target_semaphore(%arg18 : memref<!tpu.dma_semaphore, #tpu.memory_space<semaphore_mem>>)
      %dma_start3A_124 = arith.constant 0 : i32
      %dma_start3A_125 = tpu.memref_slice %arg6[%add3A_119, %dma_start3A_124] : memref<64000x128xf32, #tpu.memory_space<hbm>> -> memref<80x128xf32, #tpu.memory_space<hbm>>
      %dma_start3A_126 = arith.constant 0 : i32
      %dma_start3A_127 = tpu.memref_slice %arg6[%add3A_119, %dma_start3A_126] : memref<64000x128xf32, #tpu.memory_space<hbm>> -> memref<80x128xf32, #tpu.memory_space<hbm>>
      tpu.enqueue_dma source(%arg12 : memref<80x128xf32, #tpu.memory_space<vmem>>) target(%dma_start3A_127 : memref<80x128xf32, #tpu.memory_space<hbm>>) target_semaphore(%arg20 : memref<!tpu.dma_semaphore, #tpu.memory_space<semaphore_mem>>)
      %dma_wait3A_128 = arith.constant 0 : i32
      %dma_wait3A_129 = tpu.memref_slice %arg5[%mul3A_2, %dma_wait3A_128] : memref<64000x128xf32, #tpu.memory_space<hbm>> -> memref<80x128xf32, #tpu.memory_space<hbm>>
      %dma_wait3A_130 = arith.constant 0 : i32
      %dma_wait3A_131 = tpu.memref_slice %arg5[%mul3A_2, %dma_wait3A_130] : memref<64000x128xf32, #tpu.memory_space<hbm>> -> memref<80x128xf32, #tpu.memory_space<hbm>>
      tpu.wait_dma2 semaphore(%arg18 : memref<!tpu.dma_semaphore, #tpu.memory_space<semaphore_mem>>) src(%arg10 : memref<80x128xf32, #tpu.memory_space<vmem>>) dst(%dma_wait3A_131 : memref<80x128xf32, #tpu.memory_space<hbm>>)
      %dma_wait3A_132 = arith.constant 0 : i32
      %dma_wait3A_133 = tpu.memref_slice %arg6[%mul3A_2, %dma_wait3A_132] : memref<64000x128xf32, #tpu.memory_space<hbm>> -> memref<80x128xf32, #tpu.memory_space<hbm>>
      %dma_wait3A_134 = arith.constant 0 : i32
      %dma_wait3A_135 = tpu.memref_slice %arg6[%mul3A_2, %dma_wait3A_134] : memref<64000x128xf32, #tpu.memory_space<hbm>> -> memref<80x128xf32, #tpu.memory_space<hbm>>
      tpu.wait_dma2 semaphore(%arg20 : memref<!tpu.dma_semaphore, #tpu.memory_space<semaphore_mem>>) src(%arg12 : memref<80x128xf32, #tpu.memory_space<vmem>>) dst(%dma_wait3A_135 : memref<80x128xf32, #tpu.memory_space<hbm>>)
    }
    %scan3A_20 = arith.constant 12 : i32
    %dma_wait3A = arith.constant 0 : i32
    %dma_wait3A_21 = tpu.memref_slice %arg7[%dma_wait3A] : memref<2000xi32, #tpu.memory_space<vmem>> -> memref<80xi32, #tpu.memory_space<vmem>>
    %dma_wait3A_22 = arith.constant 0 : i32
    %dma_wait3A_23 = arith.constant 0 : i32
    %dma_wait3A_24 = tpu.memref_slice %arg2[%dma_wait3A_22, %dma_wait3A_23] : memref<10000x128xf32, #tpu.memory_space<hbm>> -> memref<10000x128xf32, #tpu.memory_space<hbm>>
    tpu.wait_indirect_dma semaphore(%arg13 : memref<!tpu.dma_semaphore, #tpu.memory_space<semaphore_mem>>) src(%dma_wait3A_24 : memref<10000x128xf32, #tpu.memory_space<hbm>>) dst(%arg9 : memref<80x128xf32, #tpu.memory_space<vmem>>)
    %dma_wait3A_25 = arith.constant 0 : i32
    %dma_wait3A_26 = tpu.memref_slice %arg8[%dma_wait3A_25] : memref<2000xi32, #tpu.memory_space<vmem>> -> memref<80xi32, #tpu.memory_space<vmem>>
    %dma_wait3A_27 = arith.constant 0 : i32
    %dma_wait3A_28 = arith.constant 0 : i32
    %dma_wait3A_29 = tpu.memref_slice %arg2[%dma_wait3A_27, %dma_wait3A_28] : memref<10000x128xf32, #tpu.memory_space<hbm>> -> memref<10000x128xf32, #tpu.memory_space<hbm>>
    tpu.wait_indirect_dma semaphore(%arg15 : memref<!tpu.dma_semaphore, #tpu.memory_space<semaphore_mem>>) src(%dma_wait3A_29 : memref<10000x128xf32, #tpu.memory_space<hbm>>) dst(%arg11 : memref<80x128xf32, #tpu.memory_space<vmem>>)
    %add3A_30 = arith.constant 1920 : i32
    %add3A_31 = arith.addi %mul3A_2, %add3A_30 : i32
    %dma_start3A_32 = arith.constant 0 : i32
    %dma_start3A_33 = tpu.memref_slice %arg5[%add3A_31, %dma_start3A_32] : memref<64000x128xf32, #tpu.memory_space<hbm>> -> memref<80x128xf32, #tpu.memory_space<hbm>>
    %dma_start3A_34 = arith.constant 0 : i32
    %dma_start3A_35 = tpu.memref_slice %arg5[%add3A_31, %dma_start3A_34] : memref<64000x128xf32, #tpu.memory_space<hbm>> -> memref<80x128xf32, #tpu.memory_space<hbm>>
    tpu.enqueue_dma source(%arg9 : memref<80x128xf32, #tpu.memory_space<vmem>>) target(%dma_start3A_35 : memref<80x128xf32, #tpu.memory_space<hbm>>) target_semaphore(%arg17 : memref<!tpu.dma_semaphore, #tpu.memory_space<semaphore_mem>>)
    %dma_start3A_36 = arith.constant 0 : i32
    %dma_start3A_37 = tpu.memref_slice %arg6[%add3A_31, %dma_start3A_36] : memref<64000x128xf32, #tpu.memory_space<hbm>> -> memref<80x128xf32, #tpu.memory_space<hbm>>
    %dma_start3A_38 = arith.constant 0 : i32
    %dma_start3A_39 = tpu.memref_slice %arg6[%add3A_31, %dma_start3A_38] : memref<64000x128xf32, #tpu.memory_space<hbm>> -> memref<80x128xf32, #tpu.memory_space<hbm>>
    tpu.enqueue_dma source(%arg11 : memref<80x128xf32, #tpu.memory_space<vmem>>) target(%dma_start3A_39 : memref<80x128xf32, #tpu.memory_space<hbm>>) target_semaphore(%arg19 : memref<!tpu.dma_semaphore, #tpu.memory_space<semaphore_mem>>)
    %dma_wait3A_40 = arith.constant 0 : i32
    %dma_wait3A_41 = tpu.memref_slice %arg5[%mul3A_2, %dma_wait3A_40] : memref<64000x128xf32, #tpu.memory_space<hbm>> -> memref<80x128xf32, #tpu.memory_space<hbm>>
    %dma_wait3A_42 = arith.constant 0 : i32
    %dma_wait3A_43 = tpu.memref_slice %arg5[%mul3A_2, %dma_wait3A_42] : memref<64000x128xf32, #tpu.memory_space<hbm>> -> memref<80x128xf32, #tpu.memory_space<hbm>>
    tpu.wait_dma2 semaphore(%arg17 : memref<!tpu.dma_semaphore, #tpu.memory_space<semaphore_mem>>) src(%arg9 : memref<80x128xf32, #tpu.memory_space<vmem>>) dst(%dma_wait3A_43 : memref<80x128xf32, #tpu.memory_space<hbm>>)
    %dma_wait3A_44 = arith.constant 0 : i32
    %dma_wait3A_45 = tpu.memref_slice %arg6[%mul3A_2, %dma_wait3A_44] : memref<64000x128xf32, #tpu.memory_space<hbm>> -> memref<80x128xf32, #tpu.memory_space<hbm>>
    %dma_wait3A_46 = arith.constant 0 : i32
    %dma_wait3A_47 = tpu.memref_slice %arg6[%mul3A_2, %dma_wait3A_46] : memref<64000x128xf32, #tpu.memory_space<hbm>> -> memref<80x128xf32, #tpu.memory_space<hbm>>
    tpu.wait_dma2 semaphore(%arg19 : memref<!tpu.dma_semaphore, #tpu.memory_space<semaphore_mem>>) src(%arg11 : memref<80x128xf32, #tpu.memory_space<vmem>>) dst(%dma_wait3A_47 : memref<80x128xf32, #tpu.memory_space<hbm>>)
    return
  }
}

#map = affine_map<(d0, d1) -> (0, 0)>
#map1 = affine_map<(d0, d1) -> (0)>
#map2 = affine_map<(d0, d1) -> (0, 0, 0)>
module attributes {stable_mosaic.version = 14 : i64} {
  func.func @_sc_scatter_k(%arg0: i32, %arg1: i32, %arg2: memref<102400x128xf32, #tpu.memory_space<hbm>>, %arg3: memref<320000xi32, #tpu.memory_space<hbm>>, %arg4: memref<10240x128xf32, #tpu.memory_space<hbm>>, %arg5: memref<2x10240x128xf32, #tpu.memory_space<hbm>>, %arg6: memref<80xi32, #tpu.memory_space<vmem>>, %arg7: memref<80xi32, #tpu.memory_space<vmem>>, %arg8: memref<80x128xf32, #tpu.memory_space<vmem>>, %arg9: memref<80x128xf32, #tpu.memory_space<vmem>>, %arg10: memref<10240x128xf32, #tpu.memory_space<vmem_shared>>, %arg11: memref<!tpu.dma_semaphore, #tpu.memory_space<semaphore_mem>>, %arg12: memref<!tpu.dma_semaphore, #tpu.memory_space<semaphore_mem>>, %arg13: memref<!tpu.dma_semaphore, #tpu.memory_space<semaphore_mem>>, %arg14: memref<!tpu.dma_semaphore, #tpu.memory_space<semaphore_mem>>) attributes {dimension_semantics = [#tpu.dimension_semantics<core_parallel>, #tpu.dimension_semantics<subcore_parallel>], iteration_bounds = array<i64: 2, 16>, scalar_prefetch = 0 : i64, scratch_operands = 9 : i64, tpu.core_type = #tpu.core_type<sc_vector_subcore>, window_params = [{transform_indices = #map}, {transform_indices = #map1}, {transform_indices = #map}, {transform_indices = #map2}]} {
    %mul3A = arith.constant 2 : i32
    %mul3A_0 = arith.muli %arg1, %mul3A : i32
    %add3A = arith.addi %mul3A_0, %arg0 : i32
    %mul3A_1 = arith.constant 3200 : i32
    %mul3A_2 = arith.muli %add3A, %mul3A_1 : i32
    %mul3A_3 = arith.constant 640 : i32
    %mul3A_4 = arith.muli %arg1, %mul3A_3 : i32
    %mul3A_5 = arith.constant 640 : i32
    %mul3A_6 = arith.muli %arg1, %mul3A_5 : i32
    "tpu.region"() ({
      %run_scoped3A = tpu.sem_alloc : memref<!tpu.dma_semaphore, #tpu.memory_space<semaphore_mem>>
      %dma_start3A_51 = arith.constant 0 : i32
      %dma_start3A_52 = tpu.memref_slice %arg10[%mul3A_6, %dma_start3A_51] : memref<10240x128xf32, #tpu.memory_space<vmem_shared>> -> memref<640x128xf32, #tpu.memory_space<vmem_shared>>
      %dma_start3A_53 = arith.constant 0 : i32
      %dma_start3A_54 = tpu.memref_slice %arg4[%mul3A_4, %dma_start3A_53] : memref<10240x128xf32, #tpu.memory_space<hbm>> -> memref<640x128xf32, #tpu.memory_space<hbm>>
      tpu.enqueue_dma source(%dma_start3A_54 : memref<640x128xf32, #tpu.memory_space<hbm>>) target(%dma_start3A_52 : memref<640x128xf32, #tpu.memory_space<vmem_shared>>) target_semaphore(%run_scoped3A : memref<!tpu.dma_semaphore, #tpu.memory_space<semaphore_mem>>)
      %dma_wait3A_55 = arith.constant 0 : i32
      %dma_wait3A_56 = tpu.memref_slice %arg10[%mul3A_6, %dma_wait3A_55] : memref<10240x128xf32, #tpu.memory_space<vmem_shared>> -> memref<640x128xf32, #tpu.memory_space<vmem_shared>>
      %dma_wait3A_57 = arith.constant 0 : i32
      %dma_wait3A_58 = tpu.memref_slice %arg4[%mul3A_4, %dma_wait3A_57] : memref<10240x128xf32, #tpu.memory_space<hbm>> -> memref<640x128xf32, #tpu.memory_space<hbm>>
      tpu.wait_dma2 semaphore(%run_scoped3A : memref<!tpu.dma_semaphore, #tpu.memory_space<semaphore_mem>>) src(%dma_wait3A_58 : memref<640x128xf32, #tpu.memory_space<hbm>>) dst(%dma_wait3A_56 : memref<640x128xf32, #tpu.memory_space<vmem_shared>>)
      tpu.yield
    }) : () -> ()
    %barrier3A = arith.constant 0 : index
    tpu.barrier barrier_id(%barrier3A)
    %add3A_7 = arith.constant 0 : i32
    %add3A_8 = arith.addi %mul3A_2, %add3A_7 : i32
    %add3A_9 = arith.constant 153600 : i32
    %add3A_10 = arith.addi %add3A_9, %add3A_8 : i32
    %dma_start3A = tpu.memref_slice %arg3[%add3A_10] : memref<320000xi32, #tpu.memory_space<hbm>> -> memref<80xi32, #tpu.memory_space<hbm>>
    %dma_start3A_11 = tpu.memref_slice %arg3[%add3A_10] : memref<320000xi32, #tpu.memory_space<hbm>> -> memref<80xi32, #tpu.memory_space<hbm>>
    tpu.enqueue_dma source(%dma_start3A_11 : memref<80xi32, #tpu.memory_space<hbm>>) target(%arg6 : memref<80xi32, #tpu.memory_space<vmem>>) target_semaphore(%arg13 : memref<!tpu.dma_semaphore, #tpu.memory_space<semaphore_mem>>)
    %dma_start3A_12 = arith.constant 0 : i32
    %dma_start3A_13 = tpu.memref_slice %arg2[%add3A_8, %dma_start3A_12] : memref<102400x128xf32, #tpu.memory_space<hbm>> -> memref<80x128xf32, #tpu.memory_space<hbm>>
    %dma_start3A_14 = arith.constant 0 : i32
    %dma_start3A_15 = tpu.memref_slice %arg2[%add3A_8, %dma_start3A_14] : memref<102400x128xf32, #tpu.memory_space<hbm>> -> memref<80x128xf32, #tpu.memory_space<hbm>>
    tpu.enqueue_dma source(%dma_start3A_15 : memref<80x128xf32, #tpu.memory_space<hbm>>) target(%arg8 : memref<80x128xf32, #tpu.memory_space<vmem>>) target_semaphore(%arg11 : memref<!tpu.dma_semaphore, #tpu.memory_space<semaphore_mem>>)
    %scan3A = arith.constant 0 : i32
    %scan3A_16 = arith.constant 0 : i32
    %scan3A_17 = arith.constant 19 : i32
    %scan3A_18 = arith.addi %scan3A_16, %scan3A_17 : i32
    %scan3A_19 = arith.constant 1 : i32
    scf.for %scan3A_51 = %scan3A_16 to %scan3A_18 step %scan3A_19  : i32 {
      %mul3A_52 = arith.constant 2 : i32
      %mul3A_53 = arith.muli %mul3A_52, %scan3A_51 : i32
      %add3A_54 = arith.constant 1 : i32
      %add3A_55 = arith.addi %mul3A_53, %add3A_54 : i32
      %mul3A_56 = arith.constant 2 : i32
      %mul3A_57 = arith.muli %mul3A_56, %scan3A_51 : i32
      %add3A_58 = arith.constant 2 : i32
      %add3A_59 = arith.addi %mul3A_57, %add3A_58 : i32
      %mul3A_60 = arith.constant 80 : i32
      %mul3A_61 = arith.muli %add3A_55, %mul3A_60 : i32
      %add3A_62 = arith.addi %mul3A_2, %mul3A_61 : i32
      %add3A_63 = arith.constant 153600 : i32
      %add3A_64 = arith.addi %add3A_63, %add3A_62 : i32
      %dma_start3A_65 = tpu.memref_slice %arg3[%add3A_64] : memref<320000xi32, #tpu.memory_space<hbm>> -> memref<80xi32, #tpu.memory_space<hbm>>
      %dma_start3A_66 = tpu.memref_slice %arg3[%add3A_64] : memref<320000xi32, #tpu.memory_space<hbm>> -> memref<80xi32, #tpu.memory_space<hbm>>
      tpu.enqueue_dma source(%dma_start3A_66 : memref<80xi32, #tpu.memory_space<hbm>>) target(%arg7 : memref<80xi32, #tpu.memory_space<vmem>>) target_semaphore(%arg14 : memref<!tpu.dma_semaphore, #tpu.memory_space<semaphore_mem>>)
      %dma_start3A_67 = arith.constant 0 : i32
      %dma_start3A_68 = tpu.memref_slice %arg2[%add3A_62, %dma_start3A_67] : memref<102400x128xf32, #tpu.memory_space<hbm>> -> memref<80x128xf32, #tpu.memory_space<hbm>>
      %dma_start3A_69 = arith.constant 0 : i32
      %dma_start3A_70 = tpu.memref_slice %arg2[%add3A_62, %dma_start3A_69] : memref<102400x128xf32, #tpu.memory_space<hbm>> -> memref<80x128xf32, #tpu.memory_space<hbm>>
      tpu.enqueue_dma source(%dma_start3A_70 : memref<80x128xf32, #tpu.memory_space<hbm>>) target(%arg9 : memref<80x128xf32, #tpu.memory_space<vmem>>) target_semaphore(%arg12 : memref<!tpu.dma_semaphore, #tpu.memory_space<semaphore_mem>>)
      %sub3A = arith.constant 1 : i32
      %sub3A_71 = arith.subi %add3A_55, %sub3A : i32
      %dma_wait3A_72 = arith.constant 153600 : i32
      %dma_wait3A_73 = tpu.memref_slice %arg3[%dma_wait3A_72] : memref<320000xi32, #tpu.memory_space<hbm>> -> memref<80xi32, #tpu.memory_space<hbm>>
      %dma_wait3A_74 = arith.constant 153600 : i32
      %dma_wait3A_75 = tpu.memref_slice %arg3[%dma_wait3A_74] : memref<320000xi32, #tpu.memory_space<hbm>> -> memref<80xi32, #tpu.memory_space<hbm>>
      tpu.wait_dma2 semaphore(%arg13 : memref<!tpu.dma_semaphore, #tpu.memory_space<semaphore_mem>>) src(%dma_wait3A_75 : memref<80xi32, #tpu.memory_space<hbm>>) dst(%arg6 : memref<80xi32, #tpu.memory_space<vmem>>)
      %dma_wait3A_76 = arith.constant 0 : i32
      %dma_wait3A_77 = tpu.memref_slice %arg2[%mul3A_2, %dma_wait3A_76] : memref<102400x128xf32, #tpu.memory_space<hbm>> -> memref<80x128xf32, #tpu.memory_space<hbm>>
      %dma_wait3A_78 = arith.constant 0 : i32
      %dma_wait3A_79 = tpu.memref_slice %arg2[%mul3A_2, %dma_wait3A_78] : memref<102400x128xf32, #tpu.memory_space<hbm>> -> memref<80x128xf32, #tpu.memory_space<hbm>>
      tpu.wait_dma2 semaphore(%arg11 : memref<!tpu.dma_semaphore, #tpu.memory_space<semaphore_mem>>) src(%dma_wait3A_79 : memref<80x128xf32, #tpu.memory_space<hbm>>) dst(%arg8 : memref<80x128xf32, #tpu.memory_space<vmem>>)
      "tpu.region"() ({
        %run_scoped3A = tpu.sem_alloc : memref<!tpu.dma_semaphore, #tpu.memory_space<semaphore_mem>>
        %dma_start3A_99 = arith.constant 0 : i32
        %dma_start3A_100 = arith.constant 0 : i32
        %dma_start3A_101 = tpu.memref_slice %arg10[%dma_start3A_99, %dma_start3A_100] : memref<10240x128xf32, #tpu.memory_space<vmem_shared>> -> memref<10240x128xf32, #tpu.memory_space<vmem_shared>>
        tpu.enqueue_indirect_dma source(%arg8 : memref<80x128xf32, #tpu.memory_space<vmem>>) target(%dma_start3A_101 : memref<10240x128xf32, #tpu.memory_space<vmem_shared>>) offsets(%arg6 : memref<80xi32, #tpu.memory_space<vmem>>) semaphore(%run_scoped3A : memref<!tpu.dma_semaphore, #tpu.memory_space<semaphore_mem>>) {add = true}
        %dma_wait3A_102 = arith.constant 0 : i32
        %dma_wait3A_103 = arith.constant 0 : i32
        %dma_wait3A_104 = tpu.memref_slice %arg10[%dma_wait3A_102, %dma_wait3A_103] : memref<10240x128xf32, #tpu.memory_space<vmem_shared>> -> memref<10240x128xf32, #tpu.memory_space<vmem_shared>>
        tpu.wait_indirect_dma semaphore(%run_scoped3A : memref<!tpu.dma_semaphore, #tpu.memory_space<semaphore_mem>>) src(%arg8 : memref<80x128xf32, #tpu.memory_space<vmem>>) dst(%dma_wait3A_104 : memref<10240x128xf32, #tpu.memory_space<vmem_shared>>)
        tpu.yield
      }) : () -> ()
      %mul3A_80 = arith.constant 80 : i32
      %mul3A_81 = arith.muli %add3A_59, %mul3A_80 : i32
      %add3A_82 = arith.addi %mul3A_2, %mul3A_81 : i32
      %add3A_83 = arith.constant 153600 : i32
      %add3A_84 = arith.addi %add3A_83, %add3A_82 : i32
      %dma_start3A_85 = tpu.memref_slice %arg3[%add3A_84] : memref<320000xi32, #tpu.memory_space<hbm>> -> memref<80xi32, #tpu.memory_space<hbm>>
      %dma_start3A_86 = tpu.memref_slice %arg3[%add3A_84] : memref<320000xi32, #tpu.memory_space<hbm>> -> memref<80xi32, #tpu.memory_space<hbm>>
      tpu.enqueue_dma source(%dma_start3A_86 : memref<80xi32, #tpu.memory_space<hbm>>) target(%arg6 : memref<80xi32, #tpu.memory_space<vmem>>) target_semaphore(%arg13 : memref<!tpu.dma_semaphore, #tpu.memory_space<semaphore_mem>>)
      %dma_start3A_87 = arith.constant 0 : i32
      %dma_start3A_88 = tpu.memref_slice %arg2[%add3A_82, %dma_start3A_87] : memref<102400x128xf32, #tpu.memory_space<hbm>> -> memref<80x128xf32, #tpu.memory_space<hbm>>
      %dma_start3A_89 = arith.constant 0 : i32
      %dma_start3A_90 = tpu.memref_slice %arg2[%add3A_82, %dma_start3A_89] : memref<102400x128xf32, #tpu.memory_space<hbm>> -> memref<80x128xf32, #tpu.memory_space<hbm>>
      tpu.enqueue_dma source(%dma_start3A_90 : memref<80x128xf32, #tpu.memory_space<hbm>>) target(%arg8 : memref<80x128xf32, #tpu.memory_space<vmem>>) target_semaphore(%arg11 : memref<!tpu.dma_semaphore, #tpu.memory_space<semaphore_mem>>)
      %dma_wait3A_91 = arith.constant 153600 : i32
      %dma_wait3A_92 = tpu.memref_slice %arg3[%dma_wait3A_91] : memref<320000xi32, #tpu.memory_space<hbm>> -> memref<80xi32, #tpu.memory_space<hbm>>
      %dma_wait3A_93 = arith.constant 153600 : i32
      %dma_wait3A_94 = tpu.memref_slice %arg3[%dma_wait3A_93] : memref<320000xi32, #tpu.memory_space<hbm>> -> memref<80xi32, #tpu.memory_space<hbm>>
      tpu.wait_dma2 semaphore(%arg14 : memref<!tpu.dma_semaphore, #tpu.memory_space<semaphore_mem>>) src(%dma_wait3A_94 : memref<80xi32, #tpu.memory_space<hbm>>) dst(%arg7 : memref<80xi32, #tpu.memory_space<vmem>>)
      %dma_wait3A_95 = arith.constant 0 : i32
      %dma_wait3A_96 = tpu.memref_slice %arg2[%mul3A_2, %dma_wait3A_95] : memref<102400x128xf32, #tpu.memory_space<hbm>> -> memref<80x128xf32, #tpu.memory_space<hbm>>
      %dma_wait3A_97 = arith.constant 0 : i32
      %dma_wait3A_98 = tpu.memref_slice %arg2[%mul3A_2, %dma_wait3A_97] : memref<102400x128xf32, #tpu.memory_space<hbm>> -> memref<80x128xf32, #tpu.memory_space<hbm>>
      tpu.wait_dma2 semaphore(%arg12 : memref<!tpu.dma_semaphore, #tpu.memory_space<semaphore_mem>>) src(%dma_wait3A_98 : memref<80x128xf32, #tpu.memory_space<hbm>>) dst(%arg9 : memref<80x128xf32, #tpu.memory_space<vmem>>)
      "tpu.region"() ({
        %run_scoped3A = tpu.sem_alloc : memref<!tpu.dma_semaphore, #tpu.memory_space<semaphore_mem>>
        %dma_start3A_99 = arith.constant 0 : i32
        %dma_start3A_100 = arith.constant 0 : i32
        %dma_start3A_101 = tpu.memref_slice %arg10[%dma_start3A_99, %dma_start3A_100] : memref<10240x128xf32, #tpu.memory_space<vmem_shared>> -> memref<10240x128xf32, #tpu.memory_space<vmem_shared>>
        tpu.enqueue_indirect_dma source(%arg9 : memref<80x128xf32, #tpu.memory_space<vmem>>) target(%dma_start3A_101 : memref<10240x128xf32, #tpu.memory_space<vmem_shared>>) offsets(%arg7 : memref<80xi32, #tpu.memory_space<vmem>>) semaphore(%run_scoped3A : memref<!tpu.dma_semaphore, #tpu.memory_space<semaphore_mem>>) {add = true}
        %dma_wait3A_102 = arith.constant 0 : i32
        %dma_wait3A_103 = arith.constant 0 : i32
        %dma_wait3A_104 = tpu.memref_slice %arg10[%dma_wait3A_102, %dma_wait3A_103] : memref<10240x128xf32, #tpu.memory_space<vmem_shared>> -> memref<10240x128xf32, #tpu.memory_space<vmem_shared>>
        tpu.wait_indirect_dma semaphore(%run_scoped3A : memref<!tpu.dma_semaphore, #tpu.memory_space<semaphore_mem>>) src(%arg9 : memref<80x128xf32, #tpu.memory_space<vmem>>) dst(%dma_wait3A_104 : memref<10240x128xf32, #tpu.memory_space<vmem_shared>>)
        tpu.yield
      }) : () -> ()
    }
    %scan3A_20 = arith.constant 19 : i32
    %add3A_21 = arith.constant 3120 : i32
    %add3A_22 = arith.addi %mul3A_2, %add3A_21 : i32
    %add3A_23 = arith.constant 153600 : i32
    %add3A_24 = arith.addi %add3A_23, %add3A_22 : i32
    %dma_start3A_25 = tpu.memref_slice %arg3[%add3A_24] : memref<320000xi32, #tpu.memory_space<hbm>> -> memref<80xi32, #tpu.memory_space<hbm>>
    %dma_start3A_26 = tpu.memref_slice %arg3[%add3A_24] : memref<320000xi32, #tpu.memory_space<hbm>> -> memref<80xi32, #tpu.memory_space<hbm>>
    tpu.enqueue_dma source(%dma_start3A_26 : memref<80xi32, #tpu.memory_space<hbm>>) target(%arg7 : memref<80xi32, #tpu.memory_space<vmem>>) target_semaphore(%arg14 : memref<!tpu.dma_semaphore, #tpu.memory_space<semaphore_mem>>)
    %dma_start3A_27 = arith.constant 0 : i32
    %dma_start3A_28 = tpu.memref_slice %arg2[%add3A_22, %dma_start3A_27] : memref<102400x128xf32, #tpu.memory_space<hbm>> -> memref<80x128xf32, #tpu.memory_space<hbm>>
    %dma_start3A_29 = arith.constant 0 : i32
    %dma_start3A_30 = tpu.memref_slice %arg2[%add3A_22, %dma_start3A_29] : memref<102400x128xf32, #tpu.memory_space<hbm>> -> memref<80x128xf32, #tpu.memory_space<hbm>>
    tpu.enqueue_dma source(%dma_start3A_30 : memref<80x128xf32, #tpu.memory_space<hbm>>) target(%arg9 : memref<80x128xf32, #tpu.memory_space<vmem>>) target_semaphore(%arg12 : memref<!tpu.dma_semaphore, #tpu.memory_space<semaphore_mem>>)
    %dma_wait3A = arith.constant 153600 : i32
    %dma_wait3A_31 = tpu.memref_slice %arg3[%dma_wait3A] : memref<320000xi32, #tpu.memory_space<hbm>> -> memref<80xi32, #tpu.memory_space<hbm>>
    %dma_wait3A_32 = arith.constant 153600 : i32
    %dma_wait3A_33 = tpu.memref_slice %arg3[%dma_wait3A_32] : memref<320000xi32, #tpu.memory_space<hbm>> -> memref<80xi32, #tpu.memory_space<hbm>>
    tpu.wait_dma2 semaphore(%arg13 : memref<!tpu.dma_semaphore, #tpu.memory_space<semaphore_mem>>) src(%dma_wait3A_33 : memref<80xi32, #tpu.memory_space<hbm>>) dst(%arg6 : memref<80xi32, #tpu.memory_space<vmem>>)
    %dma_wait3A_34 = arith.constant 0 : i32
    %dma_wait3A_35 = tpu.memref_slice %arg2[%mul3A_2, %dma_wait3A_34] : memref<102400x128xf32, #tpu.memory_space<hbm>> -> memref<80x128xf32, #tpu.memory_space<hbm>>
    %dma_wait3A_36 = arith.constant 0 : i32
    %dma_wait3A_37 = tpu.memref_slice %arg2[%mul3A_2, %dma_wait3A_36] : memref<102400x128xf32, #tpu.memory_space<hbm>> -> memref<80x128xf32, #tpu.memory_space<hbm>>
    tpu.wait_dma2 semaphore(%arg11 : memref<!tpu.dma_semaphore, #tpu.memory_space<semaphore_mem>>) src(%dma_wait3A_37 : memref<80x128xf32, #tpu.memory_space<hbm>>) dst(%arg8 : memref<80x128xf32, #tpu.memory_space<vmem>>)
    "tpu.region"() ({
      %run_scoped3A = tpu.sem_alloc : memref<!tpu.dma_semaphore, #tpu.memory_space<semaphore_mem>>
      %dma_start3A_51 = arith.constant 0 : i32
      %dma_start3A_52 = arith.constant 0 : i32
      %dma_start3A_53 = tpu.memref_slice %arg10[%dma_start3A_51, %dma_start3A_52] : memref<10240x128xf32, #tpu.memory_space<vmem_shared>> -> memref<10240x128xf32, #tpu.memory_space<vmem_shared>>
      tpu.enqueue_indirect_dma source(%arg8 : memref<80x128xf32, #tpu.memory_space<vmem>>) target(%dma_start3A_53 : memref<10240x128xf32, #tpu.memory_space<vmem_shared>>) offsets(%arg6 : memref<80xi32, #tpu.memory_space<vmem>>) semaphore(%run_scoped3A : memref<!tpu.dma_semaphore, #tpu.memory_space<semaphore_mem>>) {add = true}
      %dma_wait3A_54 = arith.constant 0 : i32
      %dma_wait3A_55 = arith.constant 0 : i32
      %dma_wait3A_56 = tpu.memref_slice %arg10[%dma_wait3A_54, %dma_wait3A_55] : memref<10240x128xf32, #tpu.memory_space<vmem_shared>> -> memref<10240x128xf32, #tpu.memory_space<vmem_shared>>
      tpu.wait_indirect_dma semaphore(%run_scoped3A : memref<!tpu.dma_semaphore, #tpu.memory_space<semaphore_mem>>) src(%arg8 : memref<80x128xf32, #tpu.memory_space<vmem>>) dst(%dma_wait3A_56 : memref<10240x128xf32, #tpu.memory_space<vmem_shared>>)
      tpu.yield
    }) : () -> ()
    %dma_wait3A_38 = arith.constant 153600 : i32
    %dma_wait3A_39 = tpu.memref_slice %arg3[%dma_wait3A_38] : memref<320000xi32, #tpu.memory_space<hbm>> -> memref<80xi32, #tpu.memory_space<hbm>>
    %dma_wait3A_40 = arith.constant 153600 : i32
    %dma_wait3A_41 = tpu.memref_slice %arg3[%dma_wait3A_40] : memref<320000xi32, #tpu.memory_space<hbm>> -> memref<80xi32, #tpu.memory_space<hbm>>
    tpu.wait_dma2 semaphore(%arg14 : memref<!tpu.dma_semaphore, #tpu.memory_space<semaphore_mem>>) src(%dma_wait3A_41 : memref<80xi32, #tpu.memory_space<hbm>>) dst(%arg7 : memref<80xi32, #tpu.memory_space<vmem>>)
    %dma_wait3A_42 = arith.constant 0 : i32
    %dma_wait3A_43 = tpu.memref_slice %arg2[%mul3A_2, %dma_wait3A_42] : memref<102400x128xf32, #tpu.memory_space<hbm>> -> memref<80x128xf32, #tpu.memory_space<hbm>>
    %dma_wait3A_44 = arith.constant 0 : i32
    %dma_wait3A_45 = tpu.memref_slice %arg2[%mul3A_2, %dma_wait3A_44] : memref<102400x128xf32, #tpu.memory_space<hbm>> -> memref<80x128xf32, #tpu.memory_space<hbm>>
    tpu.wait_dma2 semaphore(%arg12 : memref<!tpu.dma_semaphore, #tpu.memory_space<semaphore_mem>>) src(%dma_wait3A_45 : memref<80x128xf32, #tpu.memory_space<hbm>>) dst(%arg9 : memref<80x128xf32, #tpu.memory_space<vmem>>)
    "tpu.region"() ({
      %run_scoped3A = tpu.sem_alloc : memref<!tpu.dma_semaphore, #tpu.memory_space<semaphore_mem>>
      %dma_start3A_51 = arith.constant 0 : i32
      %dma_start3A_52 = arith.constant 0 : i32
      %dma_start3A_53 = tpu.memref_slice %arg10[%dma_start3A_51, %dma_start3A_52] : memref<10240x128xf32, #tpu.memory_space<vmem_shared>> -> memref<10240x128xf32, #tpu.memory_space<vmem_shared>>
      tpu.enqueue_indirect_dma source(%arg9 : memref<80x128xf32, #tpu.memory_space<vmem>>) target(%dma_start3A_53 : memref<10240x128xf32, #tpu.memory_space<vmem_shared>>) offsets(%arg7 : memref<80xi32, #tpu.memory_space<vmem>>) semaphore(%run_scoped3A : memref<!tpu.dma_semaphore, #tpu.memory_space<semaphore_mem>>) {add = true}
      %dma_wait3A_54 = arith.constant 0 : i32
      %dma_wait3A_55 = arith.constant 0 : i32
      %dma_wait3A_56 = tpu.memref_slice %arg10[%dma_wait3A_54, %dma_wait3A_55] : memref<10240x128xf32, #tpu.memory_space<vmem_shared>> -> memref<10240x128xf32, #tpu.memory_space<vmem_shared>>
      tpu.wait_indirect_dma semaphore(%run_scoped3A : memref<!tpu.dma_semaphore, #tpu.memory_space<semaphore_mem>>) src(%arg9 : memref<80x128xf32, #tpu.memory_space<vmem>>) dst(%dma_wait3A_56 : memref<10240x128xf32, #tpu.memory_space<vmem_shared>>)
      tpu.yield
    }) : () -> ()
    %barrier3A_46 = arith.constant 0 : index
    tpu.barrier barrier_id(%barrier3A_46)
    %mul3A_47 = arith.constant 640 : i32
    %mul3A_48 = arith.muli %arg1, %mul3A_47 : i32
    %mul3A_49 = arith.constant 640 : i32
    %mul3A_50 = arith.muli %arg1, %mul3A_49 : i32
    "tpu.region"() ({
      %run_scoped3A = tpu.sem_alloc : memref<!tpu.dma_semaphore, #tpu.memory_space<semaphore_mem>>
      %dma_start3A_51 = arith.constant 0 : i32
      %dma_start3A_52 = arith.constant 0 : i32
      %dma_start3A_53 = tpu.memref_slice %arg5[%arg0, %dma_start3A_51, %dma_start3A_52] : memref<2x10240x128xf32, #tpu.memory_space<hbm>> -> memref<1x10240x128xf32, #tpu.memory_space<hbm>>
      %dma_start3A_54 = tpu.memref_squeeze %dma_start3A_53 : memref<1x10240x128xf32, #tpu.memory_space<hbm>> -> memref<10240x128xf32, #tpu.memory_space<hbm>>
      %dma_start3A_55 = arith.constant 0 : i32
      %dma_start3A_56 = tpu.memref_slice %dma_start3A_54[%mul3A_50, %dma_start3A_55] : memref<10240x128xf32, #tpu.memory_space<hbm>> -> memref<640x128xf32, #tpu.memory_space<hbm>>
      %dma_start3A_57 = arith.constant 0 : i32
      %dma_start3A_58 = tpu.memref_slice %arg10[%mul3A_48, %dma_start3A_57] : memref<10240x128xf32, #tpu.memory_space<vmem_shared>> -> memref<640x128xf32, #tpu.memory_space<vmem_shared>>
      tpu.enqueue_dma source(%dma_start3A_58 : memref<640x128xf32, #tpu.memory_space<vmem_shared>>) target(%dma_start3A_56 : memref<640x128xf32, #tpu.memory_space<hbm>>) target_semaphore(%run_scoped3A : memref<!tpu.dma_semaphore, #tpu.memory_space<semaphore_mem>>)
      %dma_wait3A_59 = arith.constant 0 : i32
      %dma_wait3A_60 = arith.constant 0 : i32
      %dma_wait3A_61 = tpu.memref_slice %arg5[%arg0, %dma_wait3A_59, %dma_wait3A_60] : memref<2x10240x128xf32, #tpu.memory_space<hbm>> -> memref<1x10240x128xf32, #tpu.memory_space<hbm>>
      %dma_wait3A_62 = tpu.memref_squeeze %dma_wait3A_61 : memref<1x10240x128xf32, #tpu.memory_space<hbm>> -> memref<10240x128xf32, #tpu.memory_space<hbm>>
      %dma_wait3A_63 = arith.constant 0 : i32
      %dma_wait3A_64 = tpu.memref_slice %dma_wait3A_62[%mul3A_50, %dma_wait3A_63] : memref<10240x128xf32, #tpu.memory_space<hbm>> -> memref<640x128xf32, #tpu.memory_space<hbm>>
      %dma_wait3A_65 = arith.constant 0 : i32
      %dma_wait3A_66 = tpu.memref_slice %arg10[%mul3A_48, %dma_wait3A_65] : memref<10240x128xf32, #tpu.memory_space<vmem_shared>> -> memref<640x128xf32, #tpu.memory_space<vmem_shared>>
      tpu.wait_dma2 semaphore(%run_scoped3A : memref<!tpu.dma_semaphore, #tpu.memory_space<semaphore_mem>>) src(%dma_wait3A_66 : memref<640x128xf32, #tpu.memory_space<vmem_shared>>) dst(%dma_wait3A_64 : memref<640x128xf32, #tpu.memory_space<hbm>>)
      tpu.yield
    }) : () -> ()
    return
  }
}

#map = affine_map<(d0, d1) -> (0, 0)>
#map1 = affine_map<(d0, d1) -> (0)>
#map2 = affine_map<(d0, d1) -> (0, 0, 0)>
module attributes {stable_mosaic.version = 14 : i64} {
  func.func @_sc_scatter_k(%arg0: i32, %arg1: i32, %arg2: memref<64000x128xf32, #tpu.memory_space<hbm>>, %arg3: memref<320000xi32, #tpu.memory_space<hbm>>, %arg4: memref<10240x128xf32, #tpu.memory_space<hbm>>, %arg5: memref<2x10240x128xf32, #tpu.memory_space<hbm>>, %arg6: memref<80xi32, #tpu.memory_space<vmem>>, %arg7: memref<80xi32, #tpu.memory_space<vmem>>, %arg8: memref<80x128xf32, #tpu.memory_space<vmem>>, %arg9: memref<80x128xf32, #tpu.memory_space<vmem>>, %arg10: memref<10240x128xf32, #tpu.memory_space<vmem_shared>>, %arg11: memref<!tpu.dma_semaphore, #tpu.memory_space<semaphore_mem>>, %arg12: memref<!tpu.dma_semaphore, #tpu.memory_space<semaphore_mem>>, %arg13: memref<!tpu.dma_semaphore, #tpu.memory_space<semaphore_mem>>, %arg14: memref<!tpu.dma_semaphore, #tpu.memory_space<semaphore_mem>>) attributes {dimension_semantics = [#tpu.dimension_semantics<core_parallel>, #tpu.dimension_semantics<subcore_parallel>], iteration_bounds = array<i64: 2, 16>, scalar_prefetch = 0 : i64, scratch_operands = 9 : i64, tpu.core_type = #tpu.core_type<sc_vector_subcore>, window_params = [{transform_indices = #map}, {transform_indices = #map1}, {transform_indices = #map}, {transform_indices = #map2}]} {
    %mul3A = arith.constant 2 : i32
    %mul3A_0 = arith.muli %arg1, %mul3A : i32
    %add3A = arith.addi %mul3A_0, %arg0 : i32
    %mul3A_1 = arith.constant 2000 : i32
    %mul3A_2 = arith.muli %add3A, %mul3A_1 : i32
    %mul3A_3 = arith.constant 640 : i32
    %mul3A_4 = arith.muli %arg1, %mul3A_3 : i32
    %mul3A_5 = arith.constant 640 : i32
    %mul3A_6 = arith.muli %arg1, %mul3A_5 : i32
    "tpu.region"() ({
      %run_scoped3A = tpu.sem_alloc : memref<!tpu.dma_semaphore, #tpu.memory_space<semaphore_mem>>
      %dma_start3A_33 = arith.constant 0 : i32
      %dma_start3A_34 = tpu.memref_slice %arg10[%mul3A_6, %dma_start3A_33] : memref<10240x128xf32, #tpu.memory_space<vmem_shared>> -> memref<640x128xf32, #tpu.memory_space<vmem_shared>>
      %dma_start3A_35 = arith.constant 0 : i32
      %dma_start3A_36 = tpu.memref_slice %arg4[%mul3A_4, %dma_start3A_35] : memref<10240x128xf32, #tpu.memory_space<hbm>> -> memref<640x128xf32, #tpu.memory_space<hbm>>
      tpu.enqueue_dma source(%dma_start3A_36 : memref<640x128xf32, #tpu.memory_space<hbm>>) target(%dma_start3A_34 : memref<640x128xf32, #tpu.memory_space<vmem_shared>>) target_semaphore(%run_scoped3A : memref<!tpu.dma_semaphore, #tpu.memory_space<semaphore_mem>>)
      %dma_wait3A_37 = arith.constant 0 : i32
      %dma_wait3A_38 = tpu.memref_slice %arg10[%mul3A_6, %dma_wait3A_37] : memref<10240x128xf32, #tpu.memory_space<vmem_shared>> -> memref<640x128xf32, #tpu.memory_space<vmem_shared>>
      %dma_wait3A_39 = arith.constant 0 : i32
      %dma_wait3A_40 = tpu.memref_slice %arg4[%mul3A_4, %dma_wait3A_39] : memref<10240x128xf32, #tpu.memory_space<hbm>> -> memref<640x128xf32, #tpu.memory_space<hbm>>
      tpu.wait_dma2 semaphore(%run_scoped3A : memref<!tpu.dma_semaphore, #tpu.memory_space<semaphore_mem>>) src(%dma_wait3A_40 : memref<640x128xf32, #tpu.memory_space<hbm>>) dst(%dma_wait3A_38 : memref<640x128xf32, #tpu.memory_space<vmem_shared>>)
      tpu.yield
    }) : () -> ()
    %barrier3A = arith.constant 0 : index
    tpu.barrier barrier_id(%barrier3A)
    %add3A_7 = arith.constant 0 : i32
    %add3A_8 = arith.addi %mul3A_2, %add3A_7 : i32
    %add3A_9 = arith.constant 256000 : i32
    %add3A_10 = arith.addi %add3A_9, %add3A_8 : i32
    %dma_start3A = tpu.memref_slice %arg3[%add3A_10] : memref<320000xi32, #tpu.memory_space<hbm>> -> memref<80xi32, #tpu.memory_space<hbm>>
    %dma_start3A_11 = tpu.memref_slice %arg3[%add3A_10] : memref<320000xi32, #tpu.memory_space<hbm>> -> memref<80xi32, #tpu.memory_space<hbm>>
    tpu.enqueue_dma source(%dma_start3A_11 : memref<80xi32, #tpu.memory_space<hbm>>) target(%arg6 : memref<80xi32, #tpu.memory_space<vmem>>) target_semaphore(%arg13 : memref<!tpu.dma_semaphore, #tpu.memory_space<semaphore_mem>>)
    %dma_start3A_12 = arith.constant 0 : i32
    %dma_start3A_13 = tpu.memref_slice %arg2[%add3A_8, %dma_start3A_12] : memref<64000x128xf32, #tpu.memory_space<hbm>> -> memref<80x128xf32, #tpu.memory_space<hbm>>
    %dma_start3A_14 = arith.constant 0 : i32
    %dma_start3A_15 = tpu.memref_slice %arg2[%add3A_8, %dma_start3A_14] : memref<64000x128xf32, #tpu.memory_space<hbm>> -> memref<80x128xf32, #tpu.memory_space<hbm>>
    tpu.enqueue_dma source(%dma_start3A_15 : memref<80x128xf32, #tpu.memory_space<hbm>>) target(%arg8 : memref<80x128xf32, #tpu.memory_space<vmem>>) target_semaphore(%arg11 : memref<!tpu.dma_semaphore, #tpu.memory_space<semaphore_mem>>)
    %scan3A = arith.constant 0 : i32
    %scan3A_16 = arith.constant 0 : i32
    %scan3A_17 = arith.constant 12 : i32
    %scan3A_18 = arith.addi %scan3A_16, %scan3A_17 : i32
    %scan3A_19 = arith.constant 1 : i32
    scf.for %scan3A_33 = %scan3A_16 to %scan3A_18 step %scan3A_19  : i32 {
      %mul3A_34 = arith.constant 2 : i32
      %mul3A_35 = arith.muli %mul3A_34, %scan3A_33 : i32
      %add3A_36 = arith.constant 1 : i32
      %add3A_37 = arith.addi %mul3A_35, %add3A_36 : i32
      %mul3A_38 = arith.constant 2 : i32
      %mul3A_39 = arith.muli %mul3A_38, %scan3A_33 : i32
      %add3A_40 = arith.constant 2 : i32
      %add3A_41 = arith.addi %mul3A_39, %add3A_40 : i32
      %mul3A_42 = arith.constant 80 : i32
      %mul3A_43 = arith.muli %add3A_37, %mul3A_42 : i32
      %add3A_44 = arith.addi %mul3A_2, %mul3A_43 : i32
      %add3A_45 = arith.constant 256000 : i32
      %add3A_46 = arith.addi %add3A_45, %add3A_44 : i32
      %dma_start3A_47 = tpu.memref_slice %arg3[%add3A_46] : memref<320000xi32, #tpu.memory_space<hbm>> -> memref<80xi32, #tpu.memory_space<hbm>>
      %dma_start3A_48 = tpu.memref_slice %arg3[%add3A_46] : memref<320000xi32, #tpu.memory_space<hbm>> -> memref<80xi32, #tpu.memory_space<hbm>>
      tpu.enqueue_dma source(%dma_start3A_48 : memref<80xi32, #tpu.memory_space<hbm>>) target(%arg7 : memref<80xi32, #tpu.memory_space<vmem>>) target_semaphore(%arg14 : memref<!tpu.dma_semaphore, #tpu.memory_space<semaphore_mem>>)
      %dma_start3A_49 = arith.constant 0 : i32
      %dma_start3A_50 = tpu.memref_slice %arg2[%add3A_44, %dma_start3A_49] : memref<64000x128xf32, #tpu.memory_space<hbm>> -> memref<80x128xf32, #tpu.memory_space<hbm>>
      %dma_start3A_51 = arith.constant 0 : i32
      %dma_start3A_52 = tpu.memref_slice %arg2[%add3A_44, %dma_start3A_51] : memref<64000x128xf32, #tpu.memory_space<hbm>> -> memref<80x128xf32, #tpu.memory_space<hbm>>
      tpu.enqueue_dma source(%dma_start3A_52 : memref<80x128xf32, #tpu.memory_space<hbm>>) target(%arg9 : memref<80x128xf32, #tpu.memory_space<vmem>>) target_semaphore(%arg12 : memref<!tpu.dma_semaphore, #tpu.memory_space<semaphore_mem>>)
      %sub3A = arith.constant 1 : i32
      %sub3A_53 = arith.subi %add3A_37, %sub3A : i32
      %dma_wait3A_54 = arith.constant 256000 : i32
      %dma_wait3A_55 = tpu.memref_slice %arg3[%dma_wait3A_54] : memref<320000xi32, #tpu.memory_space<hbm>> -> memref<80xi32, #tpu.memory_space<hbm>>
      %dma_wait3A_56 = arith.constant 256000 : i32
      %dma_wait3A_57 = tpu.memref_slice %arg3[%dma_wait3A_56] : memref<320000xi32, #tpu.memory_space<hbm>> -> memref<80xi32, #tpu.memory_space<hbm>>
      tpu.wait_dma2 semaphore(%arg13 : memref<!tpu.dma_semaphore, #tpu.memory_space<semaphore_mem>>) src(%dma_wait3A_57 : memref<80xi32, #tpu.memory_space<hbm>>) dst(%arg6 : memref<80xi32, #tpu.memory_space<vmem>>)
      %dma_wait3A_58 = arith.constant 0 : i32
      %dma_wait3A_59 = tpu.memref_slice %arg2[%mul3A_2, %dma_wait3A_58] : memref<64000x128xf32, #tpu.memory_space<hbm>> -> memref<80x128xf32, #tpu.memory_space<hbm>>
      %dma_wait3A_60 = arith.constant 0 : i32
      %dma_wait3A_61 = tpu.memref_slice %arg2[%mul3A_2, %dma_wait3A_60] : memref<64000x128xf32, #tpu.memory_space<hbm>> -> memref<80x128xf32, #tpu.memory_space<hbm>>
      tpu.wait_dma2 semaphore(%arg11 : memref<!tpu.dma_semaphore, #tpu.memory_space<semaphore_mem>>) src(%dma_wait3A_61 : memref<80x128xf32, #tpu.memory_space<hbm>>) dst(%arg8 : memref<80x128xf32, #tpu.memory_space<vmem>>)
      "tpu.region"() ({
        %run_scoped3A = tpu.sem_alloc : memref<!tpu.dma_semaphore, #tpu.memory_space<semaphore_mem>>
        %dma_start3A_81 = arith.constant 0 : i32
        %dma_start3A_82 = arith.constant 0 : i32
        %dma_start3A_83 = tpu.memref_slice %arg10[%dma_start3A_81, %dma_start3A_82] : memref<10240x128xf32, #tpu.memory_space<vmem_shared>> -> memref<10240x128xf32, #tpu.memory_space<vmem_shared>>
        tpu.enqueue_indirect_dma source(%arg8 : memref<80x128xf32, #tpu.memory_space<vmem>>) target(%dma_start3A_83 : memref<10240x128xf32, #tpu.memory_space<vmem_shared>>) offsets(%arg6 : memref<80xi32, #tpu.memory_space<vmem>>) semaphore(%run_scoped3A : memref<!tpu.dma_semaphore, #tpu.memory_space<semaphore_mem>>) {add = true}
        %dma_wait3A_84 = arith.constant 0 : i32
        %dma_wait3A_85 = arith.constant 0 : i32
        %dma_wait3A_86 = tpu.memref_slice %arg10[%dma_wait3A_84, %dma_wait3A_85] : memref<10240x128xf32, #tpu.memory_space<vmem_shared>> -> memref<10240x128xf32, #tpu.memory_space<vmem_shared>>
        tpu.wait_indirect_dma semaphore(%run_scoped3A : memref<!tpu.dma_semaphore, #tpu.memory_space<semaphore_mem>>) src(%arg8 : memref<80x128xf32, #tpu.memory_space<vmem>>) dst(%dma_wait3A_86 : memref<10240x128xf32, #tpu.memory_space<vmem_shared>>)
        tpu.yield
      }) : () -> ()
      %mul3A_62 = arith.constant 80 : i32
      %mul3A_63 = arith.muli %add3A_41, %mul3A_62 : i32
      %add3A_64 = arith.addi %mul3A_2, %mul3A_63 : i32
      %add3A_65 = arith.constant 256000 : i32
      %add3A_66 = arith.addi %add3A_65, %add3A_64 : i32
      %dma_start3A_67 = tpu.memref_slice %arg3[%add3A_66] : memref<320000xi32, #tpu.memory_space<hbm>> -> memref<80xi32, #tpu.memory_space<hbm>>
      %dma_start3A_68 = tpu.memref_slice %arg3[%add3A_66] : memref<320000xi32, #tpu.memory_space<hbm>> -> memref<80xi32, #tpu.memory_space<hbm>>
      tpu.enqueue_dma source(%dma_start3A_68 : memref<80xi32, #tpu.memory_space<hbm>>) target(%arg6 : memref<80xi32, #tpu.memory_space<vmem>>) target_semaphore(%arg13 : memref<!tpu.dma_semaphore, #tpu.memory_space<semaphore_mem>>)
      %dma_start3A_69 = arith.constant 0 : i32
      %dma_start3A_70 = tpu.memref_slice %arg2[%add3A_64, %dma_start3A_69] : memref<64000x128xf32, #tpu.memory_space<hbm>> -> memref<80x128xf32, #tpu.memory_space<hbm>>
      %dma_start3A_71 = arith.constant 0 : i32
      %dma_start3A_72 = tpu.memref_slice %arg2[%add3A_64, %dma_start3A_71] : memref<64000x128xf32, #tpu.memory_space<hbm>> -> memref<80x128xf32, #tpu.memory_space<hbm>>
      tpu.enqueue_dma source(%dma_start3A_72 : memref<80x128xf32, #tpu.memory_space<hbm>>) target(%arg8 : memref<80x128xf32, #tpu.memory_space<vmem>>) target_semaphore(%arg11 : memref<!tpu.dma_semaphore, #tpu.memory_space<semaphore_mem>>)
      %dma_wait3A_73 = arith.constant 256000 : i32
      %dma_wait3A_74 = tpu.memref_slice %arg3[%dma_wait3A_73] : memref<320000xi32, #tpu.memory_space<hbm>> -> memref<80xi32, #tpu.memory_space<hbm>>
      %dma_wait3A_75 = arith.constant 256000 : i32
      %dma_wait3A_76 = tpu.memref_slice %arg3[%dma_wait3A_75] : memref<320000xi32, #tpu.memory_space<hbm>> -> memref<80xi32, #tpu.memory_space<hbm>>
      tpu.wait_dma2 semaphore(%arg14 : memref<!tpu.dma_semaphore, #tpu.memory_space<semaphore_mem>>) src(%dma_wait3A_76 : memref<80xi32, #tpu.memory_space<hbm>>) dst(%arg7 : memref<80xi32, #tpu.memory_space<vmem>>)
      %dma_wait3A_77 = arith.constant 0 : i32
      %dma_wait3A_78 = tpu.memref_slice %arg2[%mul3A_2, %dma_wait3A_77] : memref<64000x128xf32, #tpu.memory_space<hbm>> -> memref<80x128xf32, #tpu.memory_space<hbm>>
      %dma_wait3A_79 = arith.constant 0 : i32
      %dma_wait3A_80 = tpu.memref_slice %arg2[%mul3A_2, %dma_wait3A_79] : memref<64000x128xf32, #tpu.memory_space<hbm>> -> memref<80x128xf32, #tpu.memory_space<hbm>>
      tpu.wait_dma2 semaphore(%arg12 : memref<!tpu.dma_semaphore, #tpu.memory_space<semaphore_mem>>) src(%dma_wait3A_80 : memref<80x128xf32, #tpu.memory_space<hbm>>) dst(%arg9 : memref<80x128xf32, #tpu.memory_space<vmem>>)
      "tpu.region"() ({
        %run_scoped3A = tpu.sem_alloc : memref<!tpu.dma_semaphore, #tpu.memory_space<semaphore_mem>>
        %dma_start3A_81 = arith.constant 0 : i32
        %dma_start3A_82 = arith.constant 0 : i32
        %dma_start3A_83 = tpu.memref_slice %arg10[%dma_start3A_81, %dma_start3A_82] : memref<10240x128xf32, #tpu.memory_space<vmem_shared>> -> memref<10240x128xf32, #tpu.memory_space<vmem_shared>>
        tpu.enqueue_indirect_dma source(%arg9 : memref<80x128xf32, #tpu.memory_space<vmem>>) target(%dma_start3A_83 : memref<10240x128xf32, #tpu.memory_space<vmem_shared>>) offsets(%arg7 : memref<80xi32, #tpu.memory_space<vmem>>) semaphore(%run_scoped3A : memref<!tpu.dma_semaphore, #tpu.memory_space<semaphore_mem>>) {add = true}
        %dma_wait3A_84 = arith.constant 0 : i32
        %dma_wait3A_85 = arith.constant 0 : i32
        %dma_wait3A_86 = tpu.memref_slice %arg10[%dma_wait3A_84, %dma_wait3A_85] : memref<10240x128xf32, #tpu.memory_space<vmem_shared>> -> memref<10240x128xf32, #tpu.memory_space<vmem_shared>>
        tpu.wait_indirect_dma semaphore(%run_scoped3A : memref<!tpu.dma_semaphore, #tpu.memory_space<semaphore_mem>>) src(%arg9 : memref<80x128xf32, #tpu.memory_space<vmem>>) dst(%dma_wait3A_86 : memref<10240x128xf32, #tpu.memory_space<vmem_shared>>)
        tpu.yield
      }) : () -> ()
    }
    %scan3A_20 = arith.constant 12 : i32
    %dma_wait3A = arith.constant 256000 : i32
    %dma_wait3A_21 = tpu.memref_slice %arg3[%dma_wait3A] : memref<320000xi32, #tpu.memory_space<hbm>> -> memref<80xi32, #tpu.memory_space<hbm>>
    %dma_wait3A_22 = arith.constant 256000 : i32
    %dma_wait3A_23 = tpu.memref_slice %arg3[%dma_wait3A_22] : memref<320000xi32, #tpu.memory_space<hbm>> -> memref<80xi32, #tpu.memory_space<hbm>>
    tpu.wait_dma2 semaphore(%arg13 : memref<!tpu.dma_semaphore, #tpu.memory_space<semaphore_mem>>) src(%dma_wait3A_23 : memref<80xi32, #tpu.memory_space<hbm>>) dst(%arg6 : memref<80xi32, #tpu.memory_space<vmem>>)
    %dma_wait3A_24 = arith.constant 0 : i32
    %dma_wait3A_25 = tpu.memref_slice %arg2[%mul3A_2, %dma_wait3A_24] : memref<64000x128xf32, #tpu.memory_space<hbm>> -> memref<80x128xf32, #tpu.memory_space<hbm>>
    %dma_wait3A_26 = arith.constant 0 : i32
    %dma_wait3A_27 = tpu.memref_slice %arg2[%mul3A_2, %dma_wait3A_26] : memref<64000x128xf32, #tpu.memory_space<hbm>> -> memref<80x128xf32, #tpu.memory_space<hbm>>
    tpu.wait_dma2 semaphore(%arg11 : memref<!tpu.dma_semaphore, #tpu.memory_space<semaphore_mem>>) src(%dma_wait3A_27 : memref<80x128xf32, #tpu.memory_space<hbm>>) dst(%arg8 : memref<80x128xf32, #tpu.memory_space<vmem>>)
    "tpu.region"() ({
      %run_scoped3A = tpu.sem_alloc : memref<!tpu.dma_semaphore, #tpu.memory_space<semaphore_mem>>
      %dma_start3A_33 = arith.constant 0 : i32
      %dma_start3A_34 = arith.constant 0 : i32
      %dma_start3A_35 = tpu.memref_slice %arg10[%dma_start3A_33, %dma_start3A_34] : memref<10240x128xf32, #tpu.memory_space<vmem_shared>> -> memref<10240x128xf32, #tpu.memory_space<vmem_shared>>
      tpu.enqueue_indirect_dma source(%arg8 : memref<80x128xf32, #tpu.memory_space<vmem>>) target(%dma_start3A_35 : memref<10240x128xf32, #tpu.memory_space<vmem_shared>>) offsets(%arg6 : memref<80xi32, #tpu.memory_space<vmem>>) semaphore(%run_scoped3A : memref<!tpu.dma_semaphore, #tpu.memory_space<semaphore_mem>>) {add = true}
      %dma_wait3A_36 = arith.constant 0 : i32
      %dma_wait3A_37 = arith.constant 0 : i32
      %dma_wait3A_38 = tpu.memref_slice %arg10[%dma_wait3A_36, %dma_wait3A_37] : memref<10240x128xf32, #tpu.memory_space<vmem_shared>> -> memref<10240x128xf32, #tpu.memory_space<vmem_shared>>
      tpu.wait_indirect_dma semaphore(%run_scoped3A : memref<!tpu.dma_semaphore, #tpu.memory_space<semaphore_mem>>) src(%arg8 : memref<80x128xf32, #tpu.memory_space<vmem>>) dst(%dma_wait3A_38 : memref<10240x128xf32, #tpu.memory_space<vmem_shared>>)
      tpu.yield
    }) : () -> ()
    %barrier3A_28 = arith.constant 0 : index
    tpu.barrier barrier_id(%barrier3A_28)
    %mul3A_29 = arith.constant 640 : i32
    %mul3A_30 = arith.muli %arg1, %mul3A_29 : i32
    %mul3A_31 = arith.constant 640 : i32
    %mul3A_32 = arith.muli %arg1, %mul3A_31 : i32
    "tpu.region"() ({
      %run_scoped3A = tpu.sem_alloc : memref<!tpu.dma_semaphore, #tpu.memory_space<semaphore_mem>>
      %dma_start3A_33 = arith.constant 0 : i32
      %dma_start3A_34 = arith.constant 0 : i32
      %dma_start3A_35 = tpu.memref_slice %arg5[%arg0, %dma_start3A_33, %dma_start3A_34] : memref<2x10240x128xf32, #tpu.memory_space<hbm>> -> memref<1x10240x128xf32, #tpu.memory_space<hbm>>
      %dma_start3A_36 = tpu.memref_squeeze %dma_start3A_35 : memref<1x10240x128xf32, #tpu.memory_space<hbm>> -> memref<10240x128xf32, #tpu.memory_space<hbm>>
      %dma_start3A_37 = arith.constant 0 : i32
      %dma_start3A_38 = tpu.memref_slice %dma_start3A_36[%mul3A_32, %dma_start3A_37] : memref<10240x128xf32, #tpu.memory_space<hbm>> -> memref<640x128xf32, #tpu.memory_space<hbm>>
      %dma_start3A_39 = arith.constant 0 : i32
      %dma_start3A_40 = tpu.memref_slice %arg10[%mul3A_30, %dma_start3A_39] : memref<10240x128xf32, #tpu.memory_space<vmem_shared>> -> memref<640x128xf32, #tpu.memory_space<vmem_shared>>
      tpu.enqueue_dma source(%dma_start3A_40 : memref<640x128xf32, #tpu.memory_space<vmem_shared>>) target(%dma_start3A_38 : memref<640x128xf32, #tpu.memory_space<hbm>>) target_semaphore(%run_scoped3A : memref<!tpu.dma_semaphore, #tpu.memory_space<semaphore_mem>>)
      %dma_wait3A_41 = arith.constant 0 : i32
      %dma_wait3A_42 = arith.constant 0 : i32
      %dma_wait3A_43 = tpu.memref_slice %arg5[%arg0, %dma_wait3A_41, %dma_wait3A_42] : memref<2x10240x128xf32, #tpu.memory_space<hbm>> -> memref<1x10240x128xf32, #tpu.memory_space<hbm>>
      %dma_wait3A_44 = tpu.memref_squeeze %dma_wait3A_43 : memref<1x10240x128xf32, #tpu.memory_space<hbm>> -> memref<10240x128xf32, #tpu.memory_space<hbm>>
      %dma_wait3A_45 = arith.constant 0 : i32
      %dma_wait3A_46 = tpu.memref_slice %dma_wait3A_44[%mul3A_32, %dma_wait3A_45] : memref<10240x128xf32, #tpu.memory_space<hbm>> -> memref<640x128xf32, #tpu.memory_space<hbm>>
      %dma_wait3A_47 = arith.constant 0 : i32
      %dma_wait3A_48 = tpu.memref_slice %arg10[%mul3A_30, %dma_wait3A_47] : memref<10240x128xf32, #tpu.memory_space<vmem_shared>> -> memref<640x128xf32, #tpu.memory_space<vmem_shared>>
      tpu.wait_dma2 semaphore(%run_scoped3A : memref<!tpu.dma_semaphore, #tpu.memory_space<semaphore_mem>>) src(%dma_wait3A_48 : memref<640x128xf32, #tpu.memory_space<vmem_shared>>) dst(%dma_wait3A_46 : memref<640x128xf32, #tpu.memory_space<hbm>>)
      tpu.yield
    }) : () -> ()
    return
  }
}

#map = affine_map<(d0, d1) -> (0, 0)>
#map1 = affine_map<(d0, d1) -> (0)>
#map2 = affine_map<(d0, d1) -> (0, 0, 0)>
module attributes {stable_mosaic.version = 14 : i64} {
  func.func @_sc_scatter_k(%arg0: i32, %arg1: i32, %arg2: memref<102400x128xf32, #tpu.memory_space<hbm>>, %arg3: memref<320000xi32, #tpu.memory_space<hbm>>, %arg4: memref<10240x128xf32, #tpu.memory_space<hbm>>, %arg5: memref<2x10240x128xf32, #tpu.memory_space<hbm>>, %arg6: memref<80xi32, #tpu.memory_space<vmem>>, %arg7: memref<80xi32, #tpu.memory_space<vmem>>, %arg8: memref<80x128xf32, #tpu.memory_space<vmem>>, %arg9: memref<80x128xf32, #tpu.memory_space<vmem>>, %arg10: memref<10240x128xf32, #tpu.memory_space<vmem_shared>>, %arg11: memref<!tpu.dma_semaphore, #tpu.memory_space<semaphore_mem>>, %arg12: memref<!tpu.dma_semaphore, #tpu.memory_space<semaphore_mem>>, %arg13: memref<!tpu.dma_semaphore, #tpu.memory_space<semaphore_mem>>, %arg14: memref<!tpu.dma_semaphore, #tpu.memory_space<semaphore_mem>>) attributes {dimension_semantics = [#tpu.dimension_semantics<core_parallel>, #tpu.dimension_semantics<subcore_parallel>], iteration_bounds = array<i64: 2, 16>, scalar_prefetch = 0 : i64, scratch_operands = 9 : i64, tpu.core_type = #tpu.core_type<sc_vector_subcore>, window_params = [{transform_indices = #map}, {transform_indices = #map1}, {transform_indices = #map}, {transform_indices = #map2}]} {
    %mul3A = arith.constant 2 : i32
    %mul3A_0 = arith.muli %arg1, %mul3A : i32
    %add3A = arith.addi %mul3A_0, %arg0 : i32
    %mul3A_1 = arith.constant 3200 : i32
    %mul3A_2 = arith.muli %add3A, %mul3A_1 : i32
    %mul3A_3 = arith.constant 640 : i32
    %mul3A_4 = arith.muli %arg1, %mul3A_3 : i32
    %mul3A_5 = arith.constant 640 : i32
    %mul3A_6 = arith.muli %arg1, %mul3A_5 : i32
    "tpu.region"() ({
      %run_scoped3A = tpu.sem_alloc : memref<!tpu.dma_semaphore, #tpu.memory_space<semaphore_mem>>
      %dma_start3A_51 = arith.constant 0 : i32
      %dma_start3A_52 = tpu.memref_slice %arg10[%mul3A_6, %dma_start3A_51] : memref<10240x128xf32, #tpu.memory_space<vmem_shared>> -> memref<640x128xf32, #tpu.memory_space<vmem_shared>>
      %dma_start3A_53 = arith.constant 0 : i32
      %dma_start3A_54 = tpu.memref_slice %arg4[%mul3A_4, %dma_start3A_53] : memref<10240x128xf32, #tpu.memory_space<hbm>> -> memref<640x128xf32, #tpu.memory_space<hbm>>
      tpu.enqueue_dma source(%dma_start3A_54 : memref<640x128xf32, #tpu.memory_space<hbm>>) target(%dma_start3A_52 : memref<640x128xf32, #tpu.memory_space<vmem_shared>>) target_semaphore(%run_scoped3A : memref<!tpu.dma_semaphore, #tpu.memory_space<semaphore_mem>>)
      %dma_wait3A_55 = arith.constant 0 : i32
      %dma_wait3A_56 = tpu.memref_slice %arg10[%mul3A_6, %dma_wait3A_55] : memref<10240x128xf32, #tpu.memory_space<vmem_shared>> -> memref<640x128xf32, #tpu.memory_space<vmem_shared>>
      %dma_wait3A_57 = arith.constant 0 : i32
      %dma_wait3A_58 = tpu.memref_slice %arg4[%mul3A_4, %dma_wait3A_57] : memref<10240x128xf32, #tpu.memory_space<hbm>> -> memref<640x128xf32, #tpu.memory_space<hbm>>
      tpu.wait_dma2 semaphore(%run_scoped3A : memref<!tpu.dma_semaphore, #tpu.memory_space<semaphore_mem>>) src(%dma_wait3A_58 : memref<640x128xf32, #tpu.memory_space<hbm>>) dst(%dma_wait3A_56 : memref<640x128xf32, #tpu.memory_space<vmem_shared>>)
      tpu.yield
    }) : () -> ()
    %barrier3A = arith.constant 0 : index
    tpu.barrier barrier_id(%barrier3A)
    %add3A_7 = arith.constant 0 : i32
    %add3A_8 = arith.addi %mul3A_2, %add3A_7 : i32
    %add3A_9 = arith.constant 51200 : i32
    %add3A_10 = arith.addi %add3A_9, %add3A_8 : i32
    %dma_start3A = tpu.memref_slice %arg3[%add3A_10] : memref<320000xi32, #tpu.memory_space<hbm>> -> memref<80xi32, #tpu.memory_space<hbm>>
    %dma_start3A_11 = tpu.memref_slice %arg3[%add3A_10] : memref<320000xi32, #tpu.memory_space<hbm>> -> memref<80xi32, #tpu.memory_space<hbm>>
    tpu.enqueue_dma source(%dma_start3A_11 : memref<80xi32, #tpu.memory_space<hbm>>) target(%arg6 : memref<80xi32, #tpu.memory_space<vmem>>) target_semaphore(%arg13 : memref<!tpu.dma_semaphore, #tpu.memory_space<semaphore_mem>>)
    %dma_start3A_12 = arith.constant 0 : i32
    %dma_start3A_13 = tpu.memref_slice %arg2[%add3A_8, %dma_start3A_12] : memref<102400x128xf32, #tpu.memory_space<hbm>> -> memref<80x128xf32, #tpu.memory_space<hbm>>
    %dma_start3A_14 = arith.constant 0 : i32
    %dma_start3A_15 = tpu.memref_slice %arg2[%add3A_8, %dma_start3A_14] : memref<102400x128xf32, #tpu.memory_space<hbm>> -> memref<80x128xf32, #tpu.memory_space<hbm>>
    tpu.enqueue_dma source(%dma_start3A_15 : memref<80x128xf32, #tpu.memory_space<hbm>>) target(%arg8 : memref<80x128xf32, #tpu.memory_space<vmem>>) target_semaphore(%arg11 : memref<!tpu.dma_semaphore, #tpu.memory_space<semaphore_mem>>)
    %scan3A = arith.constant 0 : i32
    %scan3A_16 = arith.constant 0 : i32
    %scan3A_17 = arith.constant 19 : i32
    %scan3A_18 = arith.addi %scan3A_16, %scan3A_17 : i32
    %scan3A_19 = arith.constant 1 : i32
    scf.for %scan3A_51 = %scan3A_16 to %scan3A_18 step %scan3A_19  : i32 {
      %mul3A_52 = arith.constant 2 : i32
      %mul3A_53 = arith.muli %mul3A_52, %scan3A_51 : i32
      %add3A_54 = arith.constant 1 : i32
      %add3A_55 = arith.addi %mul3A_53, %add3A_54 : i32
      %mul3A_56 = arith.constant 2 : i32
      %mul3A_57 = arith.muli %mul3A_56, %scan3A_51 : i32
      %add3A_58 = arith.constant 2 : i32
      %add3A_59 = arith.addi %mul3A_57, %add3A_58 : i32
      %mul3A_60 = arith.constant 80 : i32
      %mul3A_61 = arith.muli %add3A_55, %mul3A_60 : i32
      %add3A_62 = arith.addi %mul3A_2, %mul3A_61 : i32
      %add3A_63 = arith.constant 51200 : i32
      %add3A_64 = arith.addi %add3A_63, %add3A_62 : i32
      %dma_start3A_65 = tpu.memref_slice %arg3[%add3A_64] : memref<320000xi32, #tpu.memory_space<hbm>> -> memref<80xi32, #tpu.memory_space<hbm>>
      %dma_start3A_66 = tpu.memref_slice %arg3[%add3A_64] : memref<320000xi32, #tpu.memory_space<hbm>> -> memref<80xi32, #tpu.memory_space<hbm>>
      tpu.enqueue_dma source(%dma_start3A_66 : memref<80xi32, #tpu.memory_space<hbm>>) target(%arg7 : memref<80xi32, #tpu.memory_space<vmem>>) target_semaphore(%arg14 : memref<!tpu.dma_semaphore, #tpu.memory_space<semaphore_mem>>)
      %dma_start3A_67 = arith.constant 0 : i32
      %dma_start3A_68 = tpu.memref_slice %arg2[%add3A_62, %dma_start3A_67] : memref<102400x128xf32, #tpu.memory_space<hbm>> -> memref<80x128xf32, #tpu.memory_space<hbm>>
      %dma_start3A_69 = arith.constant 0 : i32
      %dma_start3A_70 = tpu.memref_slice %arg2[%add3A_62, %dma_start3A_69] : memref<102400x128xf32, #tpu.memory_space<hbm>> -> memref<80x128xf32, #tpu.memory_space<hbm>>
      tpu.enqueue_dma source(%dma_start3A_70 : memref<80x128xf32, #tpu.memory_space<hbm>>) target(%arg9 : memref<80x128xf32, #tpu.memory_space<vmem>>) target_semaphore(%arg12 : memref<!tpu.dma_semaphore, #tpu.memory_space<semaphore_mem>>)
      %sub3A = arith.constant 1 : i32
      %sub3A_71 = arith.subi %add3A_55, %sub3A : i32
      %dma_wait3A_72 = arith.constant 51200 : i32
      %dma_wait3A_73 = tpu.memref_slice %arg3[%dma_wait3A_72] : memref<320000xi32, #tpu.memory_space<hbm>> -> memref<80xi32, #tpu.memory_space<hbm>>
      %dma_wait3A_74 = arith.constant 51200 : i32
      %dma_wait3A_75 = tpu.memref_slice %arg3[%dma_wait3A_74] : memref<320000xi32, #tpu.memory_space<hbm>> -> memref<80xi32, #tpu.memory_space<hbm>>
      tpu.wait_dma2 semaphore(%arg13 : memref<!tpu.dma_semaphore, #tpu.memory_space<semaphore_mem>>) src(%dma_wait3A_75 : memref<80xi32, #tpu.memory_space<hbm>>) dst(%arg6 : memref<80xi32, #tpu.memory_space<vmem>>)
      %dma_wait3A_76 = arith.constant 0 : i32
      %dma_wait3A_77 = tpu.memref_slice %arg2[%mul3A_2, %dma_wait3A_76] : memref<102400x128xf32, #tpu.memory_space<hbm>> -> memref<80x128xf32, #tpu.memory_space<hbm>>
      %dma_wait3A_78 = arith.constant 0 : i32
      %dma_wait3A_79 = tpu.memref_slice %arg2[%mul3A_2, %dma_wait3A_78] : memref<102400x128xf32, #tpu.memory_space<hbm>> -> memref<80x128xf32, #tpu.memory_space<hbm>>
      tpu.wait_dma2 semaphore(%arg11 : memref<!tpu.dma_semaphore, #tpu.memory_space<semaphore_mem>>) src(%dma_wait3A_79 : memref<80x128xf32, #tpu.memory_space<hbm>>) dst(%arg8 : memref<80x128xf32, #tpu.memory_space<vmem>>)
      "tpu.region"() ({
        %run_scoped3A = tpu.sem_alloc : memref<!tpu.dma_semaphore, #tpu.memory_space<semaphore_mem>>
        %dma_start3A_99 = arith.constant 0 : i32
        %dma_start3A_100 = arith.constant 0 : i32
        %dma_start3A_101 = tpu.memref_slice %arg10[%dma_start3A_99, %dma_start3A_100] : memref<10240x128xf32, #tpu.memory_space<vmem_shared>> -> memref<10240x128xf32, #tpu.memory_space<vmem_shared>>
        tpu.enqueue_indirect_dma source(%arg8 : memref<80x128xf32, #tpu.memory_space<vmem>>) target(%dma_start3A_101 : memref<10240x128xf32, #tpu.memory_space<vmem_shared>>) offsets(%arg6 : memref<80xi32, #tpu.memory_space<vmem>>) semaphore(%run_scoped3A : memref<!tpu.dma_semaphore, #tpu.memory_space<semaphore_mem>>) {add = true}
        %dma_wait3A_102 = arith.constant 0 : i32
        %dma_wait3A_103 = arith.constant 0 : i32
        %dma_wait3A_104 = tpu.memref_slice %arg10[%dma_wait3A_102, %dma_wait3A_103] : memref<10240x128xf32, #tpu.memory_space<vmem_shared>> -> memref<10240x128xf32, #tpu.memory_space<vmem_shared>>
        tpu.wait_indirect_dma semaphore(%run_scoped3A : memref<!tpu.dma_semaphore, #tpu.memory_space<semaphore_mem>>) src(%arg8 : memref<80x128xf32, #tpu.memory_space<vmem>>) dst(%dma_wait3A_104 : memref<10240x128xf32, #tpu.memory_space<vmem_shared>>)
        tpu.yield
      }) : () -> ()
      %mul3A_80 = arith.constant 80 : i32
      %mul3A_81 = arith.muli %add3A_59, %mul3A_80 : i32
      %add3A_82 = arith.addi %mul3A_2, %mul3A_81 : i32
      %add3A_83 = arith.constant 51200 : i32
      %add3A_84 = arith.addi %add3A_83, %add3A_82 : i32
      %dma_start3A_85 = tpu.memref_slice %arg3[%add3A_84] : memref<320000xi32, #tpu.memory_space<hbm>> -> memref<80xi32, #tpu.memory_space<hbm>>
      %dma_start3A_86 = tpu.memref_slice %arg3[%add3A_84] : memref<320000xi32, #tpu.memory_space<hbm>> -> memref<80xi32, #tpu.memory_space<hbm>>
      tpu.enqueue_dma source(%dma_start3A_86 : memref<80xi32, #tpu.memory_space<hbm>>) target(%arg6 : memref<80xi32, #tpu.memory_space<vmem>>) target_semaphore(%arg13 : memref<!tpu.dma_semaphore, #tpu.memory_space<semaphore_mem>>)
      %dma_start3A_87 = arith.constant 0 : i32
      %dma_start3A_88 = tpu.memref_slice %arg2[%add3A_82, %dma_start3A_87] : memref<102400x128xf32, #tpu.memory_space<hbm>> -> memref<80x128xf32, #tpu.memory_space<hbm>>
      %dma_start3A_89 = arith.constant 0 : i32
      %dma_start3A_90 = tpu.memref_slice %arg2[%add3A_82, %dma_start3A_89] : memref<102400x128xf32, #tpu.memory_space<hbm>> -> memref<80x128xf32, #tpu.memory_space<hbm>>
      tpu.enqueue_dma source(%dma_start3A_90 : memref<80x128xf32, #tpu.memory_space<hbm>>) target(%arg8 : memref<80x128xf32, #tpu.memory_space<vmem>>) target_semaphore(%arg11 : memref<!tpu.dma_semaphore, #tpu.memory_space<semaphore_mem>>)
      %dma_wait3A_91 = arith.constant 51200 : i32
      %dma_wait3A_92 = tpu.memref_slice %arg3[%dma_wait3A_91] : memref<320000xi32, #tpu.memory_space<hbm>> -> memref<80xi32, #tpu.memory_space<hbm>>
      %dma_wait3A_93 = arith.constant 51200 : i32
      %dma_wait3A_94 = tpu.memref_slice %arg3[%dma_wait3A_93] : memref<320000xi32, #tpu.memory_space<hbm>> -> memref<80xi32, #tpu.memory_space<hbm>>
      tpu.wait_dma2 semaphore(%arg14 : memref<!tpu.dma_semaphore, #tpu.memory_space<semaphore_mem>>) src(%dma_wait3A_94 : memref<80xi32, #tpu.memory_space<hbm>>) dst(%arg7 : memref<80xi32, #tpu.memory_space<vmem>>)
      %dma_wait3A_95 = arith.constant 0 : i32
      %dma_wait3A_96 = tpu.memref_slice %arg2[%mul3A_2, %dma_wait3A_95] : memref<102400x128xf32, #tpu.memory_space<hbm>> -> memref<80x128xf32, #tpu.memory_space<hbm>>
      %dma_wait3A_97 = arith.constant 0 : i32
      %dma_wait3A_98 = tpu.memref_slice %arg2[%mul3A_2, %dma_wait3A_97] : memref<102400x128xf32, #tpu.memory_space<hbm>> -> memref<80x128xf32, #tpu.memory_space<hbm>>
      tpu.wait_dma2 semaphore(%arg12 : memref<!tpu.dma_semaphore, #tpu.memory_space<semaphore_mem>>) src(%dma_wait3A_98 : memref<80x128xf32, #tpu.memory_space<hbm>>) dst(%arg9 : memref<80x128xf32, #tpu.memory_space<vmem>>)
      "tpu.region"() ({
        %run_scoped3A = tpu.sem_alloc : memref<!tpu.dma_semaphore, #tpu.memory_space<semaphore_mem>>
        %dma_start3A_99 = arith.constant 0 : i32
        %dma_start3A_100 = arith.constant 0 : i32
        %dma_start3A_101 = tpu.memref_slice %arg10[%dma_start3A_99, %dma_start3A_100] : memref<10240x128xf32, #tpu.memory_space<vmem_shared>> -> memref<10240x128xf32, #tpu.memory_space<vmem_shared>>
        tpu.enqueue_indirect_dma source(%arg9 : memref<80x128xf32, #tpu.memory_space<vmem>>) target(%dma_start3A_101 : memref<10240x128xf32, #tpu.memory_space<vmem_shared>>) offsets(%arg7 : memref<80xi32, #tpu.memory_space<vmem>>) semaphore(%run_scoped3A : memref<!tpu.dma_semaphore, #tpu.memory_space<semaphore_mem>>) {add = true}
        %dma_wait3A_102 = arith.constant 0 : i32
        %dma_wait3A_103 = arith.constant 0 : i32
        %dma_wait3A_104 = tpu.memref_slice %arg10[%dma_wait3A_102, %dma_wait3A_103] : memref<10240x128xf32, #tpu.memory_space<vmem_shared>> -> memref<10240x128xf32, #tpu.memory_space<vmem_shared>>
        tpu.wait_indirect_dma semaphore(%run_scoped3A : memref<!tpu.dma_semaphore, #tpu.memory_space<semaphore_mem>>) src(%arg9 : memref<80x128xf32, #tpu.memory_space<vmem>>) dst(%dma_wait3A_104 : memref<10240x128xf32, #tpu.memory_space<vmem_shared>>)
        tpu.yield
      }) : () -> ()
    }
    %scan3A_20 = arith.constant 19 : i32
    %add3A_21 = arith.constant 3120 : i32
    %add3A_22 = arith.addi %mul3A_2, %add3A_21 : i32
    %add3A_23 = arith.constant 51200 : i32
    %add3A_24 = arith.addi %add3A_23, %add3A_22 : i32
    %dma_start3A_25 = tpu.memref_slice %arg3[%add3A_24] : memref<320000xi32, #tpu.memory_space<hbm>> -> memref<80xi32, #tpu.memory_space<hbm>>
    %dma_start3A_26 = tpu.memref_slice %arg3[%add3A_24] : memref<320000xi32, #tpu.memory_space<hbm>> -> memref<80xi32, #tpu.memory_space<hbm>>
    tpu.enqueue_dma source(%dma_start3A_26 : memref<80xi32, #tpu.memory_space<hbm>>) target(%arg7 : memref<80xi32, #tpu.memory_space<vmem>>) target_semaphore(%arg14 : memref<!tpu.dma_semaphore, #tpu.memory_space<semaphore_mem>>)
    %dma_start3A_27 = arith.constant 0 : i32
    %dma_start3A_28 = tpu.memref_slice %arg2[%add3A_22, %dma_start3A_27] : memref<102400x128xf32, #tpu.memory_space<hbm>> -> memref<80x128xf32, #tpu.memory_space<hbm>>
    %dma_start3A_29 = arith.constant 0 : i32
    %dma_start3A_30 = tpu.memref_slice %arg2[%add3A_22, %dma_start3A_29] : memref<102400x128xf32, #tpu.memory_space<hbm>> -> memref<80x128xf32, #tpu.memory_space<hbm>>
    tpu.enqueue_dma source(%dma_start3A_30 : memref<80x128xf32, #tpu.memory_space<hbm>>) target(%arg9 : memref<80x128xf32, #tpu.memory_space<vmem>>) target_semaphore(%arg12 : memref<!tpu.dma_semaphore, #tpu.memory_space<semaphore_mem>>)
    %dma_wait3A = arith.constant 51200 : i32
    %dma_wait3A_31 = tpu.memref_slice %arg3[%dma_wait3A] : memref<320000xi32, #tpu.memory_space<hbm>> -> memref<80xi32, #tpu.memory_space<hbm>>
    %dma_wait3A_32 = arith.constant 51200 : i32
    %dma_wait3A_33 = tpu.memref_slice %arg3[%dma_wait3A_32] : memref<320000xi32, #tpu.memory_space<hbm>> -> memref<80xi32, #tpu.memory_space<hbm>>
    tpu.wait_dma2 semaphore(%arg13 : memref<!tpu.dma_semaphore, #tpu.memory_space<semaphore_mem>>) src(%dma_wait3A_33 : memref<80xi32, #tpu.memory_space<hbm>>) dst(%arg6 : memref<80xi32, #tpu.memory_space<vmem>>)
    %dma_wait3A_34 = arith.constant 0 : i32
    %dma_wait3A_35 = tpu.memref_slice %arg2[%mul3A_2, %dma_wait3A_34] : memref<102400x128xf32, #tpu.memory_space<hbm>> -> memref<80x128xf32, #tpu.memory_space<hbm>>
    %dma_wait3A_36 = arith.constant 0 : i32
    %dma_wait3A_37 = tpu.memref_slice %arg2[%mul3A_2, %dma_wait3A_36] : memref<102400x128xf32, #tpu.memory_space<hbm>> -> memref<80x128xf32, #tpu.memory_space<hbm>>
    tpu.wait_dma2 semaphore(%arg11 : memref<!tpu.dma_semaphore, #tpu.memory_space<semaphore_mem>>) src(%dma_wait3A_37 : memref<80x128xf32, #tpu.memory_space<hbm>>) dst(%arg8 : memref<80x128xf32, #tpu.memory_space<vmem>>)
    "tpu.region"() ({
      %run_scoped3A = tpu.sem_alloc : memref<!tpu.dma_semaphore, #tpu.memory_space<semaphore_mem>>
      %dma_start3A_51 = arith.constant 0 : i32
      %dma_start3A_52 = arith.constant 0 : i32
      %dma_start3A_53 = tpu.memref_slice %arg10[%dma_start3A_51, %dma_start3A_52] : memref<10240x128xf32, #tpu.memory_space<vmem_shared>> -> memref<10240x128xf32, #tpu.memory_space<vmem_shared>>
      tpu.enqueue_indirect_dma source(%arg8 : memref<80x128xf32, #tpu.memory_space<vmem>>) target(%dma_start3A_53 : memref<10240x128xf32, #tpu.memory_space<vmem_shared>>) offsets(%arg6 : memref<80xi32, #tpu.memory_space<vmem>>) semaphore(%run_scoped3A : memref<!tpu.dma_semaphore, #tpu.memory_space<semaphore_mem>>) {add = true}
      %dma_wait3A_54 = arith.constant 0 : i32
      %dma_wait3A_55 = arith.constant 0 : i32
      %dma_wait3A_56 = tpu.memref_slice %arg10[%dma_wait3A_54, %dma_wait3A_55] : memref<10240x128xf32, #tpu.memory_space<vmem_shared>> -> memref<10240x128xf32, #tpu.memory_space<vmem_shared>>
      tpu.wait_indirect_dma semaphore(%run_scoped3A : memref<!tpu.dma_semaphore, #tpu.memory_space<semaphore_mem>>) src(%arg8 : memref<80x128xf32, #tpu.memory_space<vmem>>) dst(%dma_wait3A_56 : memref<10240x128xf32, #tpu.memory_space<vmem_shared>>)
      tpu.yield
    }) : () -> ()
    %dma_wait3A_38 = arith.constant 51200 : i32
    %dma_wait3A_39 = tpu.memref_slice %arg3[%dma_wait3A_38] : memref<320000xi32, #tpu.memory_space<hbm>> -> memref<80xi32, #tpu.memory_space<hbm>>
    %dma_wait3A_40 = arith.constant 51200 : i32
    %dma_wait3A_41 = tpu.memref_slice %arg3[%dma_wait3A_40] : memref<320000xi32, #tpu.memory_space<hbm>> -> memref<80xi32, #tpu.memory_space<hbm>>
    tpu.wait_dma2 semaphore(%arg14 : memref<!tpu.dma_semaphore, #tpu.memory_space<semaphore_mem>>) src(%dma_wait3A_41 : memref<80xi32, #tpu.memory_space<hbm>>) dst(%arg7 : memref<80xi32, #tpu.memory_space<vmem>>)
    %dma_wait3A_42 = arith.constant 0 : i32
    %dma_wait3A_43 = tpu.memref_slice %arg2[%mul3A_2, %dma_wait3A_42] : memref<102400x128xf32, #tpu.memory_space<hbm>> -> memref<80x128xf32, #tpu.memory_space<hbm>>
    %dma_wait3A_44 = arith.constant 0 : i32
    %dma_wait3A_45 = tpu.memref_slice %arg2[%mul3A_2, %dma_wait3A_44] : memref<102400x128xf32, #tpu.memory_space<hbm>> -> memref<80x128xf32, #tpu.memory_space<hbm>>
    tpu.wait_dma2 semaphore(%arg12 : memref<!tpu.dma_semaphore, #tpu.memory_space<semaphore_mem>>) src(%dma_wait3A_45 : memref<80x128xf32, #tpu.memory_space<hbm>>) dst(%arg9 : memref<80x128xf32, #tpu.memory_space<vmem>>)
    "tpu.region"() ({
      %run_scoped3A = tpu.sem_alloc : memref<!tpu.dma_semaphore, #tpu.memory_space<semaphore_mem>>
      %dma_start3A_51 = arith.constant 0 : i32
      %dma_start3A_52 = arith.constant 0 : i32
      %dma_start3A_53 = tpu.memref_slice %arg10[%dma_start3A_51, %dma_start3A_52] : memref<10240x128xf32, #tpu.memory_space<vmem_shared>> -> memref<10240x128xf32, #tpu.memory_space<vmem_shared>>
      tpu.enqueue_indirect_dma source(%arg9 : memref<80x128xf32, #tpu.memory_space<vmem>>) target(%dma_start3A_53 : memref<10240x128xf32, #tpu.memory_space<vmem_shared>>) offsets(%arg7 : memref<80xi32, #tpu.memory_space<vmem>>) semaphore(%run_scoped3A : memref<!tpu.dma_semaphore, #tpu.memory_space<semaphore_mem>>) {add = true}
      %dma_wait3A_54 = arith.constant 0 : i32
      %dma_wait3A_55 = arith.constant 0 : i32
      %dma_wait3A_56 = tpu.memref_slice %arg10[%dma_wait3A_54, %dma_wait3A_55] : memref<10240x128xf32, #tpu.memory_space<vmem_shared>> -> memref<10240x128xf32, #tpu.memory_space<vmem_shared>>
      tpu.wait_indirect_dma semaphore(%run_scoped3A : memref<!tpu.dma_semaphore, #tpu.memory_space<semaphore_mem>>) src(%arg9 : memref<80x128xf32, #tpu.memory_space<vmem>>) dst(%dma_wait3A_56 : memref<10240x128xf32, #tpu.memory_space<vmem_shared>>)
      tpu.yield
    }) : () -> ()
    %barrier3A_46 = arith.constant 0 : index
    tpu.barrier barrier_id(%barrier3A_46)
    %mul3A_47 = arith.constant 640 : i32
    %mul3A_48 = arith.muli %arg1, %mul3A_47 : i32
    %mul3A_49 = arith.constant 640 : i32
    %mul3A_50 = arith.muli %arg1, %mul3A_49 : i32
    "tpu.region"() ({
      %run_scoped3A = tpu.sem_alloc : memref<!tpu.dma_semaphore, #tpu.memory_space<semaphore_mem>>
      %dma_start3A_51 = arith.constant 0 : i32
      %dma_start3A_52 = arith.constant 0 : i32
      %dma_start3A_53 = tpu.memref_slice %arg5[%arg0, %dma_start3A_51, %dma_start3A_52] : memref<2x10240x128xf32, #tpu.memory_space<hbm>> -> memref<1x10240x128xf32, #tpu.memory_space<hbm>>
      %dma_start3A_54 = tpu.memref_squeeze %dma_start3A_53 : memref<1x10240x128xf32, #tpu.memory_space<hbm>> -> memref<10240x128xf32, #tpu.memory_space<hbm>>
      %dma_start3A_55 = arith.constant 0 : i32
      %dma_start3A_56 = tpu.memref_slice %dma_start3A_54[%mul3A_50, %dma_start3A_55] : memref<10240x128xf32, #tpu.memory_space<hbm>> -> memref<640x128xf32, #tpu.memory_space<hbm>>
      %dma_start3A_57 = arith.constant 0 : i32
      %dma_start3A_58 = tpu.memref_slice %arg10[%mul3A_48, %dma_start3A_57] : memref<10240x128xf32, #tpu.memory_space<vmem_shared>> -> memref<640x128xf32, #tpu.memory_space<vmem_shared>>
      tpu.enqueue_dma source(%dma_start3A_58 : memref<640x128xf32, #tpu.memory_space<vmem_shared>>) target(%dma_start3A_56 : memref<640x128xf32, #tpu.memory_space<hbm>>) target_semaphore(%run_scoped3A : memref<!tpu.dma_semaphore, #tpu.memory_space<semaphore_mem>>)
      %dma_wait3A_59 = arith.constant 0 : i32
      %dma_wait3A_60 = arith.constant 0 : i32
      %dma_wait3A_61 = tpu.memref_slice %arg5[%arg0, %dma_wait3A_59, %dma_wait3A_60] : memref<2x10240x128xf32, #tpu.memory_space<hbm>> -> memref<1x10240x128xf32, #tpu.memory_space<hbm>>
      %dma_wait3A_62 = tpu.memref_squeeze %dma_wait3A_61 : memref<1x10240x128xf32, #tpu.memory_space<hbm>> -> memref<10240x128xf32, #tpu.memory_space<hbm>>
      %dma_wait3A_63 = arith.constant 0 : i32
      %dma_wait3A_64 = tpu.memref_slice %dma_wait3A_62[%mul3A_50, %dma_wait3A_63] : memref<10240x128xf32, #tpu.memory_space<hbm>> -> memref<640x128xf32, #tpu.memory_space<hbm>>
      %dma_wait3A_65 = arith.constant 0 : i32
      %dma_wait3A_66 = tpu.memref_slice %arg10[%mul3A_48, %dma_wait3A_65] : memref<10240x128xf32, #tpu.memory_space<vmem_shared>> -> memref<640x128xf32, #tpu.memory_space<vmem_shared>>
      tpu.wait_dma2 semaphore(%run_scoped3A : memref<!tpu.dma_semaphore, #tpu.memory_space<semaphore_mem>>) src(%dma_wait3A_66 : memref<640x128xf32, #tpu.memory_space<vmem_shared>>) dst(%dma_wait3A_64 : memref<640x128xf32, #tpu.memory_space<hbm>>)
      tpu.yield
    }) : () -> ()
    return
  }
}

#map = affine_map<(d0, d1) -> (0, 0)>
#map1 = affine_map<(d0, d1) -> (0)>
#map2 = affine_map<(d0, d1) -> (0, 0, 0)>
module attributes {stable_mosaic.version = 14 : i64} {
  func.func @_sc_scatter_k(%arg0: i32, %arg1: i32, %arg2: memref<51200x128xf32, #tpu.memory_space<hbm>>, %arg3: memref<320000xi32, #tpu.memory_space<hbm>>, %arg4: memref<10240x128xf32, #tpu.memory_space<hbm>>, %arg5: memref<2x10240x128xf32, #tpu.memory_space<hbm>>, %arg6: memref<80xi32, #tpu.memory_space<vmem>>, %arg7: memref<80xi32, #tpu.memory_space<vmem>>, %arg8: memref<80x128xf32, #tpu.memory_space<vmem>>, %arg9: memref<80x128xf32, #tpu.memory_space<vmem>>, %arg10: memref<10240x128xf32, #tpu.memory_space<vmem_shared>>, %arg11: memref<!tpu.dma_semaphore, #tpu.memory_space<semaphore_mem>>, %arg12: memref<!tpu.dma_semaphore, #tpu.memory_space<semaphore_mem>>, %arg13: memref<!tpu.dma_semaphore, #tpu.memory_space<semaphore_mem>>, %arg14: memref<!tpu.dma_semaphore, #tpu.memory_space<semaphore_mem>>) attributes {dimension_semantics = [#tpu.dimension_semantics<core_parallel>, #tpu.dimension_semantics<subcore_parallel>], iteration_bounds = array<i64: 2, 16>, scalar_prefetch = 0 : i64, scratch_operands = 9 : i64, tpu.core_type = #tpu.core_type<sc_vector_subcore>, window_params = [{transform_indices = #map}, {transform_indices = #map1}, {transform_indices = #map}, {transform_indices = #map2}]} {
    %mul3A = arith.constant 2 : i32
    %mul3A_0 = arith.muli %arg1, %mul3A : i32
    %add3A = arith.addi %mul3A_0, %arg0 : i32
    %mul3A_1 = arith.constant 1600 : i32
    %mul3A_2 = arith.muli %add3A, %mul3A_1 : i32
    %mul3A_3 = arith.constant 640 : i32
    %mul3A_4 = arith.muli %arg1, %mul3A_3 : i32
    %mul3A_5 = arith.constant 640 : i32
    %mul3A_6 = arith.muli %arg1, %mul3A_5 : i32
    "tpu.region"() ({
      %run_scoped3A = tpu.sem_alloc : memref<!tpu.dma_semaphore, #tpu.memory_space<semaphore_mem>>
      %dma_start3A_51 = arith.constant 0 : i32
      %dma_start3A_52 = tpu.memref_slice %arg10[%mul3A_6, %dma_start3A_51] : memref<10240x128xf32, #tpu.memory_space<vmem_shared>> -> memref<640x128xf32, #tpu.memory_space<vmem_shared>>
      %dma_start3A_53 = arith.constant 0 : i32
      %dma_start3A_54 = tpu.memref_slice %arg4[%mul3A_4, %dma_start3A_53] : memref<10240x128xf32, #tpu.memory_space<hbm>> -> memref<640x128xf32, #tpu.memory_space<hbm>>
      tpu.enqueue_dma source(%dma_start3A_54 : memref<640x128xf32, #tpu.memory_space<hbm>>) target(%dma_start3A_52 : memref<640x128xf32, #tpu.memory_space<vmem_shared>>) target_semaphore(%run_scoped3A : memref<!tpu.dma_semaphore, #tpu.memory_space<semaphore_mem>>)
      %dma_wait3A_55 = arith.constant 0 : i32
      %dma_wait3A_56 = tpu.memref_slice %arg10[%mul3A_6, %dma_wait3A_55] : memref<10240x128xf32, #tpu.memory_space<vmem_shared>> -> memref<640x128xf32, #tpu.memory_space<vmem_shared>>
      %dma_wait3A_57 = arith.constant 0 : i32
      %dma_wait3A_58 = tpu.memref_slice %arg4[%mul3A_4, %dma_wait3A_57] : memref<10240x128xf32, #tpu.memory_space<hbm>> -> memref<640x128xf32, #tpu.memory_space<hbm>>
      tpu.wait_dma2 semaphore(%run_scoped3A : memref<!tpu.dma_semaphore, #tpu.memory_space<semaphore_mem>>) src(%dma_wait3A_58 : memref<640x128xf32, #tpu.memory_space<hbm>>) dst(%dma_wait3A_56 : memref<640x128xf32, #tpu.memory_space<vmem_shared>>)
      tpu.yield
    }) : () -> ()
    %barrier3A = arith.constant 0 : index
    tpu.barrier barrier_id(%barrier3A)
    %add3A_7 = arith.constant 0 : i32
    %add3A_8 = arith.addi %mul3A_2, %add3A_7 : i32
    %add3A_9 = arith.constant 0 : i32
    %add3A_10 = arith.addi %add3A_9, %add3A_8 : i32
    %dma_start3A = tpu.memref_slice %arg3[%add3A_10] : memref<320000xi32, #tpu.memory_space<hbm>> -> memref<80xi32, #tpu.memory_space<hbm>>
    %dma_start3A_11 = tpu.memref_slice %arg3[%add3A_10] : memref<320000xi32, #tpu.memory_space<hbm>> -> memref<80xi32, #tpu.memory_space<hbm>>
    tpu.enqueue_dma source(%dma_start3A_11 : memref<80xi32, #tpu.memory_space<hbm>>) target(%arg6 : memref<80xi32, #tpu.memory_space<vmem>>) target_semaphore(%arg13 : memref<!tpu.dma_semaphore, #tpu.memory_space<semaphore_mem>>)
    %dma_start3A_12 = arith.constant 0 : i32
    %dma_start3A_13 = tpu.memref_slice %arg2[%add3A_8, %dma_start3A_12] : memref<51200x128xf32, #tpu.memory_space<hbm>> -> memref<80x128xf32, #tpu.memory_space<hbm>>
    %dma_start3A_14 = arith.constant 0 : i32
    %dma_start3A_15 = tpu.memref_slice %arg2[%add3A_8, %dma_start3A_14] : memref<51200x128xf32, #tpu.memory_space<hbm>> -> memref<80x128xf32, #tpu.memory_space<hbm>>
    tpu.enqueue_dma source(%dma_start3A_15 : memref<80x128xf32, #tpu.memory_space<hbm>>) target(%arg8 : memref<80x128xf32, #tpu.memory_space<vmem>>) target_semaphore(%arg11 : memref<!tpu.dma_semaphore, #tpu.memory_space<semaphore_mem>>)
    %scan3A = arith.constant 0 : i32
    %scan3A_16 = arith.constant 0 : i32
    %scan3A_17 = arith.constant 9 : i32
    %scan3A_18 = arith.addi %scan3A_16, %scan3A_17 : i32
    %scan3A_19 = arith.constant 1 : i32
    scf.for %scan3A_51 = %scan3A_16 to %scan3A_18 step %scan3A_19  : i32 {
      %mul3A_52 = arith.constant 2 : i32
      %mul3A_53 = arith.muli %mul3A_52, %scan3A_51 : i32
      %add3A_54 = arith.constant 1 : i32
      %add3A_55 = arith.addi %mul3A_53, %add3A_54 : i32
      %mul3A_56 = arith.constant 2 : i32
      %mul3A_57 = arith.muli %mul3A_56, %scan3A_51 : i32
      %add3A_58 = arith.constant 2 : i32
      %add3A_59 = arith.addi %mul3A_57, %add3A_58 : i32
      %mul3A_60 = arith.constant 80 : i32
      %mul3A_61 = arith.muli %add3A_55, %mul3A_60 : i32
      %add3A_62 = arith.addi %mul3A_2, %mul3A_61 : i32
      %add3A_63 = arith.constant 0 : i32
      %add3A_64 = arith.addi %add3A_63, %add3A_62 : i32
      %dma_start3A_65 = tpu.memref_slice %arg3[%add3A_64] : memref<320000xi32, #tpu.memory_space<hbm>> -> memref<80xi32, #tpu.memory_space<hbm>>
      %dma_start3A_66 = tpu.memref_slice %arg3[%add3A_64] : memref<320000xi32, #tpu.memory_space<hbm>> -> memref<80xi32, #tpu.memory_space<hbm>>
      tpu.enqueue_dma source(%dma_start3A_66 : memref<80xi32, #tpu.memory_space<hbm>>) target(%arg7 : memref<80xi32, #tpu.memory_space<vmem>>) target_semaphore(%arg14 : memref<!tpu.dma_semaphore, #tpu.memory_space<semaphore_mem>>)
      %dma_start3A_67 = arith.constant 0 : i32
      %dma_start3A_68 = tpu.memref_slice %arg2[%add3A_62, %dma_start3A_67] : memref<51200x128xf32, #tpu.memory_space<hbm>> -> memref<80x128xf32, #tpu.memory_space<hbm>>
      %dma_start3A_69 = arith.constant 0 : i32
      %dma_start3A_70 = tpu.memref_slice %arg2[%add3A_62, %dma_start3A_69] : memref<51200x128xf32, #tpu.memory_space<hbm>> -> memref<80x128xf32, #tpu.memory_space<hbm>>
      tpu.enqueue_dma source(%dma_start3A_70 : memref<80x128xf32, #tpu.memory_space<hbm>>) target(%arg9 : memref<80x128xf32, #tpu.memory_space<vmem>>) target_semaphore(%arg12 : memref<!tpu.dma_semaphore, #tpu.memory_space<semaphore_mem>>)
      %sub3A = arith.constant 1 : i32
      %sub3A_71 = arith.subi %add3A_55, %sub3A : i32
      %dma_wait3A_72 = arith.constant 0 : i32
      %dma_wait3A_73 = tpu.memref_slice %arg3[%dma_wait3A_72] : memref<320000xi32, #tpu.memory_space<hbm>> -> memref<80xi32, #tpu.memory_space<hbm>>
      %dma_wait3A_74 = arith.constant 0 : i32
      %dma_wait3A_75 = tpu.memref_slice %arg3[%dma_wait3A_74] : memref<320000xi32, #tpu.memory_space<hbm>> -> memref<80xi32, #tpu.memory_space<hbm>>
      tpu.wait_dma2 semaphore(%arg13 : memref<!tpu.dma_semaphore, #tpu.memory_space<semaphore_mem>>) src(%dma_wait3A_75 : memref<80xi32, #tpu.memory_space<hbm>>) dst(%arg6 : memref<80xi32, #tpu.memory_space<vmem>>)
      %dma_wait3A_76 = arith.constant 0 : i32
      %dma_wait3A_77 = tpu.memref_slice %arg2[%mul3A_2, %dma_wait3A_76] : memref<51200x128xf32, #tpu.memory_space<hbm>> -> memref<80x128xf32, #tpu.memory_space<hbm>>
      %dma_wait3A_78 = arith.constant 0 : i32
      %dma_wait3A_79 = tpu.memref_slice %arg2[%mul3A_2, %dma_wait3A_78] : memref<51200x128xf32, #tpu.memory_space<hbm>> -> memref<80x128xf32, #tpu.memory_space<hbm>>
      tpu.wait_dma2 semaphore(%arg11 : memref<!tpu.dma_semaphore, #tpu.memory_space<semaphore_mem>>) src(%dma_wait3A_79 : memref<80x128xf32, #tpu.memory_space<hbm>>) dst(%arg8 : memref<80x128xf32, #tpu.memory_space<vmem>>)
      "tpu.region"() ({
        %run_scoped3A = tpu.sem_alloc : memref<!tpu.dma_semaphore, #tpu.memory_space<semaphore_mem>>
        %dma_start3A_99 = arith.constant 0 : i32
        %dma_start3A_100 = arith.constant 0 : i32
        %dma_start3A_101 = tpu.memref_slice %arg10[%dma_start3A_99, %dma_start3A_100] : memref<10240x128xf32, #tpu.memory_space<vmem_shared>> -> memref<10240x128xf32, #tpu.memory_space<vmem_shared>>
        tpu.enqueue_indirect_dma source(%arg8 : memref<80x128xf32, #tpu.memory_space<vmem>>) target(%dma_start3A_101 : memref<10240x128xf32, #tpu.memory_space<vmem_shared>>) offsets(%arg6 : memref<80xi32, #tpu.memory_space<vmem>>) semaphore(%run_scoped3A : memref<!tpu.dma_semaphore, #tpu.memory_space<semaphore_mem>>) {add = true}
        %dma_wait3A_102 = arith.constant 0 : i32
        %dma_wait3A_103 = arith.constant 0 : i32
        %dma_wait3A_104 = tpu.memref_slice %arg10[%dma_wait3A_102, %dma_wait3A_103] : memref<10240x128xf32, #tpu.memory_space<vmem_shared>> -> memref<10240x128xf32, #tpu.memory_space<vmem_shared>>
        tpu.wait_indirect_dma semaphore(%run_scoped3A : memref<!tpu.dma_semaphore, #tpu.memory_space<semaphore_mem>>) src(%arg8 : memref<80x128xf32, #tpu.memory_space<vmem>>) dst(%dma_wait3A_104 : memref<10240x128xf32, #tpu.memory_space<vmem_shared>>)
        tpu.yield
      }) : () -> ()
      %mul3A_80 = arith.constant 80 : i32
      %mul3A_81 = arith.muli %add3A_59, %mul3A_80 : i32
      %add3A_82 = arith.addi %mul3A_2, %mul3A_81 : i32
      %add3A_83 = arith.constant 0 : i32
      %add3A_84 = arith.addi %add3A_83, %add3A_82 : i32
      %dma_start3A_85 = tpu.memref_slice %arg3[%add3A_84] : memref<320000xi32, #tpu.memory_space<hbm>> -> memref<80xi32, #tpu.memory_space<hbm>>
      %dma_start3A_86 = tpu.memref_slice %arg3[%add3A_84] : memref<320000xi32, #tpu.memory_space<hbm>> -> memref<80xi32, #tpu.memory_space<hbm>>
      tpu.enqueue_dma source(%dma_start3A_86 : memref<80xi32, #tpu.memory_space<hbm>>) target(%arg6 : memref<80xi32, #tpu.memory_space<vmem>>) target_semaphore(%arg13 : memref<!tpu.dma_semaphore, #tpu.memory_space<semaphore_mem>>)
      %dma_start3A_87 = arith.constant 0 : i32
      %dma_start3A_88 = tpu.memref_slice %arg2[%add3A_82, %dma_start3A_87] : memref<51200x128xf32, #tpu.memory_space<hbm>> -> memref<80x128xf32, #tpu.memory_space<hbm>>
      %dma_start3A_89 = arith.constant 0 : i32
      %dma_start3A_90 = tpu.memref_slice %arg2[%add3A_82, %dma_start3A_89] : memref<51200x128xf32, #tpu.memory_space<hbm>> -> memref<80x128xf32, #tpu.memory_space<hbm>>
      tpu.enqueue_dma source(%dma_start3A_90 : memref<80x128xf32, #tpu.memory_space<hbm>>) target(%arg8 : memref<80x128xf32, #tpu.memory_space<vmem>>) target_semaphore(%arg11 : memref<!tpu.dma_semaphore, #tpu.memory_space<semaphore_mem>>)
      %dma_wait3A_91 = arith.constant 0 : i32
      %dma_wait3A_92 = tpu.memref_slice %arg3[%dma_wait3A_91] : memref<320000xi32, #tpu.memory_space<hbm>> -> memref<80xi32, #tpu.memory_space<hbm>>
      %dma_wait3A_93 = arith.constant 0 : i32
      %dma_wait3A_94 = tpu.memref_slice %arg3[%dma_wait3A_93] : memref<320000xi32, #tpu.memory_space<hbm>> -> memref<80xi32, #tpu.memory_space<hbm>>
      tpu.wait_dma2 semaphore(%arg14 : memref<!tpu.dma_semaphore, #tpu.memory_space<semaphore_mem>>) src(%dma_wait3A_94 : memref<80xi32, #tpu.memory_space<hbm>>) dst(%arg7 : memref<80xi32, #tpu.memory_space<vmem>>)
      %dma_wait3A_95 = arith.constant 0 : i32
      %dma_wait3A_96 = tpu.memref_slice %arg2[%mul3A_2, %dma_wait3A_95] : memref<51200x128xf32, #tpu.memory_space<hbm>> -> memref<80x128xf32, #tpu.memory_space<hbm>>
      %dma_wait3A_97 = arith.constant 0 : i32
      %dma_wait3A_98 = tpu.memref_slice %arg2[%mul3A_2, %dma_wait3A_97] : memref<51200x128xf32, #tpu.memory_space<hbm>> -> memref<80x128xf32, #tpu.memory_space<hbm>>
      tpu.wait_dma2 semaphore(%arg12 : memref<!tpu.dma_semaphore, #tpu.memory_space<semaphore_mem>>) src(%dma_wait3A_98 : memref<80x128xf32, #tpu.memory_space<hbm>>) dst(%arg9 : memref<80x128xf32, #tpu.memory_space<vmem>>)
      "tpu.region"() ({
        %run_scoped3A = tpu.sem_alloc : memref<!tpu.dma_semaphore, #tpu.memory_space<semaphore_mem>>
        %dma_start3A_99 = arith.constant 0 : i32
        %dma_start3A_100 = arith.constant 0 : i32
        %dma_start3A_101 = tpu.memref_slice %arg10[%dma_start3A_99, %dma_start3A_100] : memref<10240x128xf32, #tpu.memory_space<vmem_shared>> -> memref<10240x128xf32, #tpu.memory_space<vmem_shared>>
        tpu.enqueue_indirect_dma source(%arg9 : memref<80x128xf32, #tpu.memory_space<vmem>>) target(%dma_start3A_101 : memref<10240x128xf32, #tpu.memory_space<vmem_shared>>) offsets(%arg7 : memref<80xi32, #tpu.memory_space<vmem>>) semaphore(%run_scoped3A : memref<!tpu.dma_semaphore, #tpu.memory_space<semaphore_mem>>) {add = true}
        %dma_wait3A_102 = arith.constant 0 : i32
        %dma_wait3A_103 = arith.constant 0 : i32
        %dma_wait3A_104 = tpu.memref_slice %arg10[%dma_wait3A_102, %dma_wait3A_103] : memref<10240x128xf32, #tpu.memory_space<vmem_shared>> -> memref<10240x128xf32, #tpu.memory_space<vmem_shared>>
        tpu.wait_indirect_dma semaphore(%run_scoped3A : memref<!tpu.dma_semaphore, #tpu.memory_space<semaphore_mem>>) src(%arg9 : memref<80x128xf32, #tpu.memory_space<vmem>>) dst(%dma_wait3A_104 : memref<10240x128xf32, #tpu.memory_space<vmem_shared>>)
        tpu.yield
      }) : () -> ()
    }
    %scan3A_20 = arith.constant 9 : i32
    %add3A_21 = arith.constant 1520 : i32
    %add3A_22 = arith.addi %mul3A_2, %add3A_21 : i32
    %add3A_23 = arith.constant 0 : i32
    %add3A_24 = arith.addi %add3A_23, %add3A_22 : i32
    %dma_start3A_25 = tpu.memref_slice %arg3[%add3A_24] : memref<320000xi32, #tpu.memory_space<hbm>> -> memref<80xi32, #tpu.memory_space<hbm>>
    %dma_start3A_26 = tpu.memref_slice %arg3[%add3A_24] : memref<320000xi32, #tpu.memory_space<hbm>> -> memref<80xi32, #tpu.memory_space<hbm>>
    tpu.enqueue_dma source(%dma_start3A_26 : memref<80xi32, #tpu.memory_space<hbm>>) target(%arg7 : memref<80xi32, #tpu.memory_space<vmem>>) target_semaphore(%arg14 : memref<!tpu.dma_semaphore, #tpu.memory_space<semaphore_mem>>)
    %dma_start3A_27 = arith.constant 0 : i32
    %dma_start3A_28 = tpu.memref_slice %arg2[%add3A_22, %dma_start3A_27] : memref<51200x128xf32, #tpu.memory_space<hbm>> -> memref<80x128xf32, #tpu.memory_space<hbm>>
    %dma_start3A_29 = arith.constant 0 : i32
    %dma_start3A_30 = tpu.memref_slice %arg2[%add3A_22, %dma_start3A_29] : memref<51200x128xf32, #tpu.memory_space<hbm>> -> memref<80x128xf32, #tpu.memory_space<hbm>>
    tpu.enqueue_dma source(%dma_start3A_30 : memref<80x128xf32, #tpu.memory_space<hbm>>) target(%arg9 : memref<80x128xf32, #tpu.memory_space<vmem>>) target_semaphore(%arg12 : memref<!tpu.dma_semaphore, #tpu.memory_space<semaphore_mem>>)
    %dma_wait3A = arith.constant 0 : i32
    %dma_wait3A_31 = tpu.memref_slice %arg3[%dma_wait3A] : memref<320000xi32, #tpu.memory_space<hbm>> -> memref<80xi32, #tpu.memory_space<hbm>>
    %dma_wait3A_32 = arith.constant 0 : i32
    %dma_wait3A_33 = tpu.memref_slice %arg3[%dma_wait3A_32] : memref<320000xi32, #tpu.memory_space<hbm>> -> memref<80xi32, #tpu.memory_space<hbm>>
    tpu.wait_dma2 semaphore(%arg13 : memref<!tpu.dma_semaphore, #tpu.memory_space<semaphore_mem>>) src(%dma_wait3A_33 : memref<80xi32, #tpu.memory_space<hbm>>) dst(%arg6 : memref<80xi32, #tpu.memory_space<vmem>>)
    %dma_wait3A_34 = arith.constant 0 : i32
    %dma_wait3A_35 = tpu.memref_slice %arg2[%mul3A_2, %dma_wait3A_34] : memref<51200x128xf32, #tpu.memory_space<hbm>> -> memref<80x128xf32, #tpu.memory_space<hbm>>
    %dma_wait3A_36 = arith.constant 0 : i32
    %dma_wait3A_37 = tpu.memref_slice %arg2[%mul3A_2, %dma_wait3A_36] : memref<51200x128xf32, #tpu.memory_space<hbm>> -> memref<80x128xf32, #tpu.memory_space<hbm>>
    tpu.wait_dma2 semaphore(%arg11 : memref<!tpu.dma_semaphore, #tpu.memory_space<semaphore_mem>>) src(%dma_wait3A_37 : memref<80x128xf32, #tpu.memory_space<hbm>>) dst(%arg8 : memref<80x128xf32, #tpu.memory_space<vmem>>)
    "tpu.region"() ({
      %run_scoped3A = tpu.sem_alloc : memref<!tpu.dma_semaphore, #tpu.memory_space<semaphore_mem>>
      %dma_start3A_51 = arith.constant 0 : i32
      %dma_start3A_52 = arith.constant 0 : i32
      %dma_start3A_53 = tpu.memref_slice %arg10[%dma_start3A_51, %dma_start3A_52] : memref<10240x128xf32, #tpu.memory_space<vmem_shared>> -> memref<10240x128xf32, #tpu.memory_space<vmem_shared>>
      tpu.enqueue_indirect_dma source(%arg8 : memref<80x128xf32, #tpu.memory_space<vmem>>) target(%dma_start3A_53 : memref<10240x128xf32, #tpu.memory_space<vmem_shared>>) offsets(%arg6 : memref<80xi32, #tpu.memory_space<vmem>>) semaphore(%run_scoped3A : memref<!tpu.dma_semaphore, #tpu.memory_space<semaphore_mem>>) {add = true}
      %dma_wait3A_54 = arith.constant 0 : i32
      %dma_wait3A_55 = arith.constant 0 : i32
      %dma_wait3A_56 = tpu.memref_slice %arg10[%dma_wait3A_54, %dma_wait3A_55] : memref<10240x128xf32, #tpu.memory_space<vmem_shared>> -> memref<10240x128xf32, #tpu.memory_space<vmem_shared>>
      tpu.wait_indirect_dma semaphore(%run_scoped3A : memref<!tpu.dma_semaphore, #tpu.memory_space<semaphore_mem>>) src(%arg8 : memref<80x128xf32, #tpu.memory_space<vmem>>) dst(%dma_wait3A_56 : memref<10240x128xf32, #tpu.memory_space<vmem_shared>>)
      tpu.yield
    }) : () -> ()
    %dma_wait3A_38 = arith.constant 0 : i32
    %dma_wait3A_39 = tpu.memref_slice %arg3[%dma_wait3A_38] : memref<320000xi32, #tpu.memory_space<hbm>> -> memref<80xi32, #tpu.memory_space<hbm>>
    %dma_wait3A_40 = arith.constant 0 : i32
    %dma_wait3A_41 = tpu.memref_slice %arg3[%dma_wait3A_40] : memref<320000xi32, #tpu.memory_space<hbm>> -> memref<80xi32, #tpu.memory_space<hbm>>
    tpu.wait_dma2 semaphore(%arg14 : memref<!tpu.dma_semaphore, #tpu.memory_space<semaphore_mem>>) src(%dma_wait3A_41 : memref<80xi32, #tpu.memory_space<hbm>>) dst(%arg7 : memref<80xi32, #tpu.memory_space<vmem>>)
    %dma_wait3A_42 = arith.constant 0 : i32
    %dma_wait3A_43 = tpu.memref_slice %arg2[%mul3A_2, %dma_wait3A_42] : memref<51200x128xf32, #tpu.memory_space<hbm>> -> memref<80x128xf32, #tpu.memory_space<hbm>>
    %dma_wait3A_44 = arith.constant 0 : i32
    %dma_wait3A_45 = tpu.memref_slice %arg2[%mul3A_2, %dma_wait3A_44] : memref<51200x128xf32, #tpu.memory_space<hbm>> -> memref<80x128xf32, #tpu.memory_space<hbm>>
    tpu.wait_dma2 semaphore(%arg12 : memref<!tpu.dma_semaphore, #tpu.memory_space<semaphore_mem>>) src(%dma_wait3A_45 : memref<80x128xf32, #tpu.memory_space<hbm>>) dst(%arg9 : memref<80x128xf32, #tpu.memory_space<vmem>>)
    "tpu.region"() ({
      %run_scoped3A = tpu.sem_alloc : memref<!tpu.dma_semaphore, #tpu.memory_space<semaphore_mem>>
      %dma_start3A_51 = arith.constant 0 : i32
      %dma_start3A_52 = arith.constant 0 : i32
      %dma_start3A_53 = tpu.memref_slice %arg10[%dma_start3A_51, %dma_start3A_52] : memref<10240x128xf32, #tpu.memory_space<vmem_shared>> -> memref<10240x128xf32, #tpu.memory_space<vmem_shared>>
      tpu.enqueue_indirect_dma source(%arg9 : memref<80x128xf32, #tpu.memory_space<vmem>>) target(%dma_start3A_53 : memref<10240x128xf32, #tpu.memory_space<vmem_shared>>) offsets(%arg7 : memref<80xi32, #tpu.memory_space<vmem>>) semaphore(%run_scoped3A : memref<!tpu.dma_semaphore, #tpu.memory_space<semaphore_mem>>) {add = true}
      %dma_wait3A_54 = arith.constant 0 : i32
      %dma_wait3A_55 = arith.constant 0 : i32
      %dma_wait3A_56 = tpu.memref_slice %arg10[%dma_wait3A_54, %dma_wait3A_55] : memref<10240x128xf32, #tpu.memory_space<vmem_shared>> -> memref<10240x128xf32, #tpu.memory_space<vmem_shared>>
      tpu.wait_indirect_dma semaphore(%run_scoped3A : memref<!tpu.dma_semaphore, #tpu.memory_space<semaphore_mem>>) src(%arg9 : memref<80x128xf32, #tpu.memory_space<vmem>>) dst(%dma_wait3A_56 : memref<10240x128xf32, #tpu.memory_space<vmem_shared>>)
      tpu.yield
    }) : () -> ()
    %barrier3A_46 = arith.constant 0 : index
    tpu.barrier barrier_id(%barrier3A_46)
    %mul3A_47 = arith.constant 640 : i32
    %mul3A_48 = arith.muli %arg1, %mul3A_47 : i32
    %mul3A_49 = arith.constant 640 : i32
    %mul3A_50 = arith.muli %arg1, %mul3A_49 : i32
    "tpu.region"() ({
      %run_scoped3A = tpu.sem_alloc : memref<!tpu.dma_semaphore, #tpu.memory_space<semaphore_mem>>
      %dma_start3A_51 = arith.constant 0 : i32
      %dma_start3A_52 = arith.constant 0 : i32
      %dma_start3A_53 = tpu.memref_slice %arg5[%arg0, %dma_start3A_51, %dma_start3A_52] : memref<2x10240x128xf32, #tpu.memory_space<hbm>> -> memref<1x10240x128xf32, #tpu.memory_space<hbm>>
      %dma_start3A_54 = tpu.memref_squeeze %dma_start3A_53 : memref<1x10240x128xf32, #tpu.memory_space<hbm>> -> memref<10240x128xf32, #tpu.memory_space<hbm>>
      %dma_start3A_55 = arith.constant 0 : i32
      %dma_start3A_56 = tpu.memref_slice %dma_start3A_54[%mul3A_50, %dma_start3A_55] : memref<10240x128xf32, #tpu.memory_space<hbm>> -> memref<640x128xf32, #tpu.memory_space<hbm>>
      %dma_start3A_57 = arith.constant 0 : i32
      %dma_start3A_58 = tpu.memref_slice %arg10[%mul3A_48, %dma_start3A_57] : memref<10240x128xf32, #tpu.memory_space<vmem_shared>> -> memref<640x128xf32, #tpu.memory_space<vmem_shared>>
      tpu.enqueue_dma source(%dma_start3A_58 : memref<640x128xf32, #tpu.memory_space<vmem_shared>>) target(%dma_start3A_56 : memref<640x128xf32, #tpu.memory_space<hbm>>) target_semaphore(%run_scoped3A : memref<!tpu.dma_semaphore, #tpu.memory_space<semaphore_mem>>)
      %dma_wait3A_59 = arith.constant 0 : i32
      %dma_wait3A_60 = arith.constant 0 : i32
      %dma_wait3A_61 = tpu.memref_slice %arg5[%arg0, %dma_wait3A_59, %dma_wait3A_60] : memref<2x10240x128xf32, #tpu.memory_space<hbm>> -> memref<1x10240x128xf32, #tpu.memory_space<hbm>>
      %dma_wait3A_62 = tpu.memref_squeeze %dma_wait3A_61 : memref<1x10240x128xf32, #tpu.memory_space<hbm>> -> memref<10240x128xf32, #tpu.memory_space<hbm>>
      %dma_wait3A_63 = arith.constant 0 : i32
      %dma_wait3A_64 = tpu.memref_slice %dma_wait3A_62[%mul3A_50, %dma_wait3A_63] : memref<10240x128xf32, #tpu.memory_space<hbm>> -> memref<640x128xf32, #tpu.memory_space<hbm>>
      %dma_wait3A_65 = arith.constant 0 : i32
      %dma_wait3A_66 = tpu.memref_slice %arg10[%mul3A_48, %dma_wait3A_65] : memref<10240x128xf32, #tpu.memory_space<vmem_shared>> -> memref<640x128xf32, #tpu.memory_space<vmem_shared>>
      tpu.wait_dma2 semaphore(%run_scoped3A : memref<!tpu.dma_semaphore, #tpu.memory_space<semaphore_mem>>) src(%dma_wait3A_66 : memref<640x128xf32, #tpu.memory_space<vmem_shared>>) dst(%dma_wait3A_64 : memref<640x128xf32, #tpu.memory_space<hbm>>)
      tpu.yield
    }) : () -> ()
    return
  }
}

module attributes {stable_mosaic.version = 14 : i64} {
  func.func @_stats_body(%arg0: i32, %arg1: memref<6400x128xf32, #tpu.memory_space<vmem>>, %arg2: memref<6400x128xf32, #tpu.memory_space<vmem>>, %arg3: memref<16x6400xf32, #tpu.memory_space<vmem>>, %arg4: memref<128x256xbf16, #tpu.memory_space<vmem>>, %arg5: memref<128x256xbf16, #tpu.memory_space<vmem>>, %arg6: memref<16x256xbf16, #tpu.memory_space<vmem>>, %arg7: memref<1x256xf32, #tpu.memory_space<vmem>>, %arg8: memref<6400x256xbf16, #tpu.memory_space<vmem>>, %arg9: memref<1x256xf32, #tpu.memory_space<vmem>>, %arg10: memref<1x256xf32, #tpu.memory_space<vmem>>, %arg11: memref<1x256xf32, #tpu.memory_space<vmem>>, %arg12: memref<1x256xf32, #tpu.memory_space<vmem>>) attributes {dimension_semantics = [#tpu.dimension_semantics<arbitrary>], iteration_bounds = array<i64: 8>, scalar_prefetch = 0 : i64, scratch_operands = 2 : i64, tpu.core_type = #tpu.core_type<tc>, window_params = [{transform_indices = @transform_0, window_bounds = array<i64: 6400, 128>}, {transform_indices = @transform_1, window_bounds = array<i64: 6400, 128>}, {transform_indices = @transform_2, window_bounds = array<i64: 16, 6400>}, {pipeline_mode = #tpu.pipeline_mode<synchronous>, transform_indices = @transform_3, window_bounds = array<i64: 128, 256>}, {pipeline_mode = #tpu.pipeline_mode<synchronous>, transform_indices = @transform_4, window_bounds = array<i64: 128, 256>}, {pipeline_mode = #tpu.pipeline_mode<synchronous>, transform_indices = @transform_5, window_bounds = array<i64: 16, 256>}, {pipeline_mode = #tpu.pipeline_mode<synchronous>, transform_indices = @transform_6, window_bounds = array<i64: 1, 256>}, {transform_indices = @transform_7, window_bounds = array<i64: 6400, 256>}, {pipeline_mode = #tpu.pipeline_mode<synchronous>, transform_indices = @transform_8, window_bounds = array<i64: 1, 256>}, {pipeline_mode = #tpu.pipeline_mode<synchronous>, transform_indices = @transform_9, window_bounds = array<i64: 1, 256>}]} {
    %get3A = arith.constant 0 : index
    %get3A_0 = arith.constant 0 : index
    %get3A_1 = vector.load %arg1[%get3A, %get3A_0] : memref<6400x128xf32, #tpu.memory_space<vmem>>, vector<6400x128xf32>
    %convert_element_type3A = arith.truncf %get3A_1 : vector<6400x128xf32> to vector<6400x128xbf16>
    %get3A_2 = arith.constant 0 : index
    %get3A_3 = arith.constant 0 : index
    %get3A_4 = vector.load %arg2[%get3A_2, %get3A_3] : memref<6400x128xf32, #tpu.memory_space<vmem>>, vector<6400x128xf32>
    %convert_element_type3A_5 = arith.truncf %get3A_4 : vector<6400x128xf32> to vector<6400x128xbf16>
    %get3A_6 = arith.constant 0 : index
    %get3A_7 = arith.constant 0 : index
    %get3A_8 = vector.load %arg3[%get3A_6, %get3A_7] : memref<16x6400xf32, #tpu.memory_space<vmem>>, vector<16x6400xf32>
    %convert_element_type3A_9 = arith.truncf %get3A_8 : vector<16x6400xf32> to vector<16x6400xbf16>
    %get3A_10 = arith.constant 0 : index
    %get3A_11 = arith.constant 0 : index
    %get3A_12 = vector.load %arg4[%get3A_10, %get3A_11] : memref<128x256xbf16, #tpu.memory_space<vmem>>, vector<128x256xbf16>
    %dot_general3A = arith.constant dense<0.000000e+00> : vector<6400x256xf32>
    %dot_general3A_13 = tpu.matmul %convert_element_type3A, %get3A_12, %dot_general3A {dimension_numbers = #tpu.dot_dimension_numbers<[1], [0], [0], [1], [0, 0, 1, 1], [], []>, transpose_lhs_hint = false} : vector<6400x128xbf16>, vector<128x256xbf16>, vector<6400x256xf32> -> vector<6400x256xf32>
    %get3A_14 = arith.constant 0 : index
    %get3A_15 = arith.constant 0 : index
    %get3A_16 = vector.load %arg5[%get3A_14, %get3A_15] : memref<128x256xbf16, #tpu.memory_space<vmem>>, vector<128x256xbf16>
    %dot_general3A_17 = arith.constant dense<0.000000e+00> : vector<6400x256xf32>
    %dot_general3A_18 = tpu.matmul %convert_element_type3A_5, %get3A_16, %dot_general3A_17 {dimension_numbers = #tpu.dot_dimension_numbers<[1], [0], [0], [1], [0, 0, 1, 1], [], []>, transpose_lhs_hint = false} : vector<6400x128xbf16>, vector<128x256xbf16>, vector<6400x256xf32> -> vector<6400x256xf32>
    %add3A = arith.addf %dot_general3A_13, %dot_general3A_18 : vector<6400x256xf32>
    %get3A_19 = arith.constant 0 : index
    %get3A_20 = arith.constant 0 : index
    %get3A_21 = vector.load %arg6[%get3A_19, %get3A_20] : memref<16x256xbf16, #tpu.memory_space<vmem>>, vector<16x256xbf16>
    %dot_general3A_22 = arith.constant dense<0.000000e+00> : vector<6400x256xf32>
    %dot_general3A_23 = tpu.matmul %convert_element_type3A_9, %get3A_21, %dot_general3A_22 {dimension_numbers = #tpu.dot_dimension_numbers<[0], [0], [1], [1], [0, 1, 1, 1], [], []>, transpose_lhs_hint = false} : vector<16x6400xbf16>, vector<16x256xbf16>, vector<6400x256xf32> -> vector<6400x256xf32>
    %add3A_24 = arith.addf %add3A, %dot_general3A_23 : vector<6400x256xf32>
    %get3A_25 = arith.constant 0 : index
    %get3A_26 = arith.constant 0 : index
    %get3A_27 = vector.load %arg7[%get3A_25, %get3A_26] : memref<1x256xf32, #tpu.memory_space<vmem>>, vector<1x256xf32>
    %add3A_28 = vector.broadcast %get3A_27 : vector<1x256xf32> to vector<6400x256xf32>
    %add3A_29 = arith.addf %add3A_24, %add3A_28 : vector<6400x256xf32>
    %convert_element_type3A_30 = arith.truncf %add3A_29 : vector<6400x256xf32> to vector<6400x256xbf16>
    %swap3A = arith.constant 0 : index
    %swap3A_31 = arith.constant 0 : index
    %swap3A_32 = vector.load %arg8[%swap3A, %swap3A_31] : memref<6400x256xbf16, #tpu.memory_space<vmem>>, vector<6400x256xbf16>
    tpu.vector_store %arg8[%swap3A, %swap3A_31], %convert_element_type3A_30 {strides = array<i32>} : memref<6400x256xbf16, #tpu.memory_space<vmem>>, vector<6400x256xbf16>,
    %eq3A = arith.constant 0 : i32
    %eq3A_33 = arith.cmpi eq, %arg0, %eq3A : i32
    %convert_element_type3A_34 = arith.extui %eq3A_33 : i1 to i32
    %cond3A = arith.constant 0 : i32
    %cond3A_35 = arith.cmpi ne, %convert_element_type3A_34, %cond3A : i32
    scf.if %cond3A_35 {
      %broadcast_in_dim3A_59 = arith.constant 0.000000e+00 : f32
      %broadcast_in_dim3A_60 = vector.broadcast %broadcast_in_dim3A_59 : f32 to vector<1x256xf32>
      %swap3A_61 = arith.constant 0 : index
      %swap3A_62 = arith.constant 0 : index
      %swap3A_63 = vector.load %arg11[%swap3A_61, %swap3A_62] : memref<1x256xf32, #tpu.memory_space<vmem>>, vector<1x256xf32>
      tpu.vector_store %arg11[%swap3A_61, %swap3A_62], %broadcast_in_dim3A_60 {strides = array<i32>} : memref<1x256xf32, #tpu.memory_space<vmem>>, vector<1x256xf32>,
      %broadcast_in_dim3A_64 = arith.constant 0.000000e+00 : f32
      %broadcast_in_dim3A_65 = vector.broadcast %broadcast_in_dim3A_64 : f32 to vector<1x256xf32>
      %swap3A_66 = arith.constant 0 : index
      %swap3A_67 = arith.constant 0 : index
      %swap3A_68 = vector.load %arg12[%swap3A_66, %swap3A_67] : memref<1x256xf32, #tpu.memory_space<vmem>>, vector<1x256xf32>
      tpu.vector_store %arg12[%swap3A_66, %swap3A_67], %broadcast_in_dim3A_65 {strides = array<i32>} : memref<1x256xf32, #tpu.memory_space<vmem>>, vector<1x256xf32>,
    } else {
    }
    %get3A_36 = arith.constant 0 : index
    %get3A_37 = arith.constant 0 : index
    %get3A_38 = vector.load %arg11[%get3A_36, %get3A_37] : memref<1x256xf32, #tpu.memory_space<vmem>>, vector<1x256xf32>
    %reduce_sum3A = arith.constant dense<0.000000e+00> : vector<256xf32>
    %reduce_sum3A_39 = vector.multi_reduction <add>, %add3A_29, %reduce_sum3A [0] : vector<6400x256xf32> to vector<256xf32>
    %broadcast_in_dim3A = vector.shape_cast %reduce_sum3A_39 : vector<256xf32> to vector<1x256xf32>
    %add3A_40 = arith.addf %get3A_38, %broadcast_in_dim3A : vector<1x256xf32>
    %swap3A_41 = arith.constant 0 : index
    %swap3A_42 = arith.constant 0 : index
    %swap3A_43 = vector.load %arg11[%swap3A_41, %swap3A_42] : memref<1x256xf32, #tpu.memory_space<vmem>>, vector<1x256xf32>
    tpu.vector_store %arg11[%swap3A_41, %swap3A_42], %add3A_40 {strides = array<i32>} : memref<1x256xf32, #tpu.memory_space<vmem>>, vector<1x256xf32>,
    %get3A_44 = arith.constant 0 : index
    %get3A_45 = arith.constant 0 : index
    %get3A_46 = vector.load %arg12[%get3A_44, %get3A_45] : memref<1x256xf32, #tpu.memory_space<vmem>>, vector<1x256xf32>
    %mul3A = arith.mulf %add3A_29, %add3A_29 : vector<6400x256xf32>
    %reduce_sum3A_47 = arith.constant dense<0.000000e+00> : vector<256xf32>
    %reduce_sum3A_48 = vector.multi_reduction <add>, %mul3A, %reduce_sum3A_47 [0] : vector<6400x256xf32> to vector<256xf32>
    %broadcast_in_dim3A_49 = vector.shape_cast %reduce_sum3A_48 : vector<256xf32> to vector<1x256xf32>
    %add3A_50 = arith.addf %get3A_46, %broadcast_in_dim3A_49 : vector<1x256xf32>
    %swap3A_51 = arith.constant 0 : index
    %swap3A_52 = arith.constant 0 : index
    %swap3A_53 = vector.load %arg12[%swap3A_51, %swap3A_52] : memref<1x256xf32, #tpu.memory_space<vmem>>, vector<1x256xf32>
    tpu.vector_store %arg12[%swap3A_51, %swap3A_52], %add3A_50 {strides = array<i32>} : memref<1x256xf32, #tpu.memory_space<vmem>>, vector<1x256xf32>,
    %eq3A_54 = arith.constant 7 : i32
    %eq3A_55 = arith.cmpi eq, %arg0, %eq3A_54 : i32
    %convert_element_type3A_56 = arith.extui %eq3A_55 : i1 to i32
    %cond3A_57 = arith.constant 0 : i32
    %cond3A_58 = arith.cmpi ne, %convert_element_type3A_56, %cond3A_57 : i32
    scf.if %cond3A_58 {
      %get3A_59 = arith.constant 0 : index
      %get3A_60 = arith.constant 0 : index
      %get3A_61 = vector.load %arg11[%get3A_59, %get3A_60] : memref<1x256xf32, #tpu.memory_space<vmem>>, vector<1x256xf32>
      %swap3A_62 = arith.constant 0 : index
      %swap3A_63 = arith.constant 0 : index
      %swap3A_64 = vector.load %arg9[%swap3A_62, %swap3A_63] : memref<1x256xf32, #tpu.memory_space<vmem>>, vector<1x256xf32>
      tpu.vector_store %arg9[%swap3A_62, %swap3A_63], %get3A_61 {strides = array<i32>} : memref<1x256xf32, #tpu.memory_space<vmem>>, vector<1x256xf32>,
      %get3A_65 = arith.constant 0 : index
      %get3A_66 = arith.constant 0 : index
      %get3A_67 = vector.load %arg12[%get3A_65, %get3A_66] : memref<1x256xf32, #tpu.memory_space<vmem>>, vector<1x256xf32>
      %swap3A_68 = arith.constant 0 : index
      %swap3A_69 = arith.constant 0 : index
      %swap3A_70 = vector.load %arg10[%swap3A_68, %swap3A_69] : memref<1x256xf32, #tpu.memory_space<vmem>>, vector<1x256xf32>
      tpu.vector_store %arg10[%swap3A_68, %swap3A_69], %get3A_67 {strides = array<i32>} : memref<1x256xf32, #tpu.memory_space<vmem>>, vector<1x256xf32>,
    } else {
    }
    return
  }
  func.func @transform_0(%arg0: i32) -> (i32, i32) {
    %c0_i32 = arith.constant 0 : i32
    %c0_i32_0 = arith.constant 0 : i32
    return %arg0, %c0_i32 : i32, i32
  }
  func.func @transform_1(%arg0: i32) -> (i32, i32) {
    %c0_i32 = arith.constant 0 : i32
    %c0_i32_0 = arith.constant 0 : i32
    return %arg0, %c0_i32 : i32, i32
  }
  func.func @transform_2(%arg0: i32) -> (i32, i32) {
    %add3A = arith.constant 0 : i32
    %add3A_0 = arith.addi %arg0, %add3A : i32
    %c0_i32 = arith.constant 0 : i32
    %c0_i32_1 = arith.constant 0 : i32
    return %c0_i32, %add3A_0 : i32, i32
  }
  func.func @transform_3(%arg0: i32) -> (i32, i32) {
    %c0_i32 = arith.constant 0 : i32
    %c0_i32_0 = arith.constant 0 : i32
    %c0_i32_1 = arith.constant 0 : i32
    return %c0_i32, %c0_i32_0 : i32, i32
  }
  func.func @transform_4(%arg0: i32) -> (i32, i32) {
    %c0_i32 = arith.constant 0 : i32
    %c0_i32_0 = arith.constant 0 : i32
    %c0_i32_1 = arith.constant 0 : i32
    return %c0_i32, %c0_i32_0 : i32, i32
  }
  func.func @transform_5(%arg0: i32) -> (i32, i32) {
    %c0_i32 = arith.constant 0 : i32
    %c0_i32_0 = arith.constant 0 : i32
    %c0_i32_1 = arith.constant 0 : i32
    return %c0_i32, %c0_i32_0 : i32, i32
  }
  func.func @transform_6(%arg0: i32) -> (i32, i32) {
    %c0_i32 = arith.constant 0 : i32
    %c0_i32_0 = arith.constant 0 : i32
    %c0_i32_1 = arith.constant 0 : i32
    return %c0_i32, %c0_i32_0 : i32, i32
  }
  func.func @transform_7(%arg0: i32) -> (i32, i32) {
    %c0_i32 = arith.constant 0 : i32
    %c0_i32_0 = arith.constant 0 : i32
    return %arg0, %c0_i32 : i32, i32
  }
  func.func @transform_8(%arg0: i32) -> (i32, i32) {
    %c0_i32 = arith.constant 0 : i32
    %c0_i32_0 = arith.constant 0 : i32
    %c0_i32_1 = arith.constant 0 : i32
    return %c0_i32, %c0_i32_0 : i32, i32
  }
  func.func @transform_9(%arg0: i32) -> (i32, i32) {
    %c0_i32 = arith.constant 0 : i32
    %c0_i32_0 = arith.constant 0 : i32
    %c0_i32_1 = arith.constant 0 : i32
    return %c0_i32, %c0_i32_0 : i32, i32
  }
}

module attributes {stable_mosaic.version = 14 : i64} {
  func.func @_stats_body(%arg0: i32, %arg1: memref<6400x128xf32, #tpu.memory_space<vmem>>, %arg2: memref<6400x128xf32, #tpu.memory_space<vmem>>, %arg3: memref<16x6400xf32, #tpu.memory_space<vmem>>, %arg4: memref<128x256xbf16, #tpu.memory_space<vmem>>, %arg5: memref<128x256xbf16, #tpu.memory_space<vmem>>, %arg6: memref<16x256xbf16, #tpu.memory_space<vmem>>, %arg7: memref<1x256xf32, #tpu.memory_space<vmem>>, %arg8: memref<6400x256xbf16, #tpu.memory_space<vmem>>, %arg9: memref<1x256xf32, #tpu.memory_space<vmem>>, %arg10: memref<1x256xf32, #tpu.memory_space<vmem>>, %arg11: memref<1x256xf32, #tpu.memory_space<vmem>>, %arg12: memref<1x256xf32, #tpu.memory_space<vmem>>) attributes {dimension_semantics = [#tpu.dimension_semantics<arbitrary>], iteration_bounds = array<i64: 16>, scalar_prefetch = 0 : i64, scratch_operands = 2 : i64, tpu.core_type = #tpu.core_type<tc>, window_params = [{transform_indices = @transform_0, window_bounds = array<i64: 6400, 128>}, {transform_indices = @transform_1, window_bounds = array<i64: 6400, 128>}, {transform_indices = @transform_2, window_bounds = array<i64: 16, 6400>}, {pipeline_mode = #tpu.pipeline_mode<synchronous>, transform_indices = @transform_3, window_bounds = array<i64: 128, 256>}, {pipeline_mode = #tpu.pipeline_mode<synchronous>, transform_indices = @transform_4, window_bounds = array<i64: 128, 256>}, {pipeline_mode = #tpu.pipeline_mode<synchronous>, transform_indices = @transform_5, window_bounds = array<i64: 16, 256>}, {pipeline_mode = #tpu.pipeline_mode<synchronous>, transform_indices = @transform_6, window_bounds = array<i64: 1, 256>}, {transform_indices = @transform_7, window_bounds = array<i64: 6400, 256>}, {pipeline_mode = #tpu.pipeline_mode<synchronous>, transform_indices = @transform_8, window_bounds = array<i64: 1, 256>}, {pipeline_mode = #tpu.pipeline_mode<synchronous>, transform_indices = @transform_9, window_bounds = array<i64: 1, 256>}]} {
    %get3A = arith.constant 0 : index
    %get3A_0 = arith.constant 0 : index
    %get3A_1 = vector.load %arg1[%get3A, %get3A_0] : memref<6400x128xf32, #tpu.memory_space<vmem>>, vector<6400x128xf32>
    %convert_element_type3A = arith.truncf %get3A_1 : vector<6400x128xf32> to vector<6400x128xbf16>
    %get3A_2 = arith.constant 0 : index
    %get3A_3 = arith.constant 0 : index
    %get3A_4 = vector.load %arg2[%get3A_2, %get3A_3] : memref<6400x128xf32, #tpu.memory_space<vmem>>, vector<6400x128xf32>
    %convert_element_type3A_5 = arith.truncf %get3A_4 : vector<6400x128xf32> to vector<6400x128xbf16>
    %get3A_6 = arith.constant 0 : index
    %get3A_7 = arith.constant 0 : index
    %get3A_8 = vector.load %arg3[%get3A_6, %get3A_7] : memref<16x6400xf32, #tpu.memory_space<vmem>>, vector<16x6400xf32>
    %convert_element_type3A_9 = arith.truncf %get3A_8 : vector<16x6400xf32> to vector<16x6400xbf16>
    %get3A_10 = arith.constant 0 : index
    %get3A_11 = arith.constant 0 : index
    %get3A_12 = vector.load %arg4[%get3A_10, %get3A_11] : memref<128x256xbf16, #tpu.memory_space<vmem>>, vector<128x256xbf16>
    %dot_general3A = arith.constant dense<0.000000e+00> : vector<6400x256xf32>
    %dot_general3A_13 = tpu.matmul %convert_element_type3A, %get3A_12, %dot_general3A {dimension_numbers = #tpu.dot_dimension_numbers<[1], [0], [0], [1], [0, 0, 1, 1], [], []>, transpose_lhs_hint = false} : vector<6400x128xbf16>, vector<128x256xbf16>, vector<6400x256xf32> -> vector<6400x256xf32>
    %get3A_14 = arith.constant 0 : index
    %get3A_15 = arith.constant 0 : index
    %get3A_16 = vector.load %arg5[%get3A_14, %get3A_15] : memref<128x256xbf16, #tpu.memory_space<vmem>>, vector<128x256xbf16>
    %dot_general3A_17 = arith.constant dense<0.000000e+00> : vector<6400x256xf32>
    %dot_general3A_18 = tpu.matmul %convert_element_type3A_5, %get3A_16, %dot_general3A_17 {dimension_numbers = #tpu.dot_dimension_numbers<[1], [0], [0], [1], [0, 0, 1, 1], [], []>, transpose_lhs_hint = false} : vector<6400x128xbf16>, vector<128x256xbf16>, vector<6400x256xf32> -> vector<6400x256xf32>
    %add3A = arith.addf %dot_general3A_13, %dot_general3A_18 : vector<6400x256xf32>
    %get3A_19 = arith.constant 0 : index
    %get3A_20 = arith.constant 0 : index
    %get3A_21 = vector.load %arg6[%get3A_19, %get3A_20] : memref<16x256xbf16, #tpu.memory_space<vmem>>, vector<16x256xbf16>
    %dot_general3A_22 = arith.constant dense<0.000000e+00> : vector<6400x256xf32>
    %dot_general3A_23 = tpu.matmul %convert_element_type3A_9, %get3A_21, %dot_general3A_22 {dimension_numbers = #tpu.dot_dimension_numbers<[0], [0], [1], [1], [0, 1, 1, 1], [], []>, transpose_lhs_hint = false} : vector<16x6400xbf16>, vector<16x256xbf16>, vector<6400x256xf32> -> vector<6400x256xf32>
    %add3A_24 = arith.addf %add3A, %dot_general3A_23 : vector<6400x256xf32>
    %get3A_25 = arith.constant 0 : index
    %get3A_26 = arith.constant 0 : index
    %get3A_27 = vector.load %arg7[%get3A_25, %get3A_26] : memref<1x256xf32, #tpu.memory_space<vmem>>, vector<1x256xf32>
    %add3A_28 = vector.broadcast %get3A_27 : vector<1x256xf32> to vector<6400x256xf32>
    %add3A_29 = arith.addf %add3A_24, %add3A_28 : vector<6400x256xf32>
    %convert_element_type3A_30 = arith.truncf %add3A_29 : vector<6400x256xf32> to vector<6400x256xbf16>
    %swap3A = arith.constant 0 : index
    %swap3A_31 = arith.constant 0 : index
    %swap3A_32 = vector.load %arg8[%swap3A, %swap3A_31] : memref<6400x256xbf16, #tpu.memory_space<vmem>>, vector<6400x256xbf16>
    tpu.vector_store %arg8[%swap3A, %swap3A_31], %convert_element_type3A_30 {strides = array<i32>} : memref<6400x256xbf16, #tpu.memory_space<vmem>>, vector<6400x256xbf16>,
    %eq3A = arith.constant 0 : i32
    %eq3A_33 = arith.cmpi eq, %arg0, %eq3A : i32
    %convert_element_type3A_34 = arith.extui %eq3A_33 : i1 to i32
    %cond3A = arith.constant 0 : i32
    %cond3A_35 = arith.cmpi ne, %convert_element_type3A_34, %cond3A : i32
    scf.if %cond3A_35 {
      %broadcast_in_dim3A_59 = arith.constant 0.000000e+00 : f32
      %broadcast_in_dim3A_60 = vector.broadcast %broadcast_in_dim3A_59 : f32 to vector<1x256xf32>
      %swap3A_61 = arith.constant 0 : index
      %swap3A_62 = arith.constant 0 : index
      %swap3A_63 = vector.load %arg11[%swap3A_61, %swap3A_62] : memref<1x256xf32, #tpu.memory_space<vmem>>, vector<1x256xf32>
      tpu.vector_store %arg11[%swap3A_61, %swap3A_62], %broadcast_in_dim3A_60 {strides = array<i32>} : memref<1x256xf32, #tpu.memory_space<vmem>>, vector<1x256xf32>,
      %broadcast_in_dim3A_64 = arith.constant 0.000000e+00 : f32
      %broadcast_in_dim3A_65 = vector.broadcast %broadcast_in_dim3A_64 : f32 to vector<1x256xf32>
      %swap3A_66 = arith.constant 0 : index
      %swap3A_67 = arith.constant 0 : index
      %swap3A_68 = vector.load %arg12[%swap3A_66, %swap3A_67] : memref<1x256xf32, #tpu.memory_space<vmem>>, vector<1x256xf32>
      tpu.vector_store %arg12[%swap3A_66, %swap3A_67], %broadcast_in_dim3A_65 {strides = array<i32>} : memref<1x256xf32, #tpu.memory_space<vmem>>, vector<1x256xf32>,
    } else {
    }
    %get3A_36 = arith.constant 0 : index
    %get3A_37 = arith.constant 0 : index
    %get3A_38 = vector.load %arg11[%get3A_36, %get3A_37] : memref<1x256xf32, #tpu.memory_space<vmem>>, vector<1x256xf32>
    %reduce_sum3A = arith.constant dense<0.000000e+00> : vector<256xf32>
    %reduce_sum3A_39 = vector.multi_reduction <add>, %add3A_29, %reduce_sum3A [0] : vector<6400x256xf32> to vector<256xf32>
    %broadcast_in_dim3A = vector.shape_cast %reduce_sum3A_39 : vector<256xf32> to vector<1x256xf32>
    %add3A_40 = arith.addf %get3A_38, %broadcast_in_dim3A : vector<1x256xf32>
    %swap3A_41 = arith.constant 0 : index
    %swap3A_42 = arith.constant 0 : index
    %swap3A_43 = vector.load %arg11[%swap3A_41, %swap3A_42] : memref<1x256xf32, #tpu.memory_space<vmem>>, vector<1x256xf32>
    tpu.vector_store %arg11[%swap3A_41, %swap3A_42], %add3A_40 {strides = array<i32>} : memref<1x256xf32, #tpu.memory_space<vmem>>, vector<1x256xf32>,
    %get3A_44 = arith.constant 0 : index
    %get3A_45 = arith.constant 0 : index
    %get3A_46 = vector.load %arg12[%get3A_44, %get3A_45] : memref<1x256xf32, #tpu.memory_space<vmem>>, vector<1x256xf32>
    %mul3A = arith.mulf %add3A_29, %add3A_29 : vector<6400x256xf32>
    %reduce_sum3A_47 = arith.constant dense<0.000000e+00> : vector<256xf32>
    %reduce_sum3A_48 = vector.multi_reduction <add>, %mul3A, %reduce_sum3A_47 [0] : vector<6400x256xf32> to vector<256xf32>
    %broadcast_in_dim3A_49 = vector.shape_cast %reduce_sum3A_48 : vector<256xf32> to vector<1x256xf32>
    %add3A_50 = arith.addf %get3A_46, %broadcast_in_dim3A_49 : vector<1x256xf32>
    %swap3A_51 = arith.constant 0 : index
    %swap3A_52 = arith.constant 0 : index
    %swap3A_53 = vector.load %arg12[%swap3A_51, %swap3A_52] : memref<1x256xf32, #tpu.memory_space<vmem>>, vector<1x256xf32>
    tpu.vector_store %arg12[%swap3A_51, %swap3A_52], %add3A_50 {strides = array<i32>} : memref<1x256xf32, #tpu.memory_space<vmem>>, vector<1x256xf32>,
    %eq3A_54 = arith.constant 15 : i32
    %eq3A_55 = arith.cmpi eq, %arg0, %eq3A_54 : i32
    %convert_element_type3A_56 = arith.extui %eq3A_55 : i1 to i32
    %cond3A_57 = arith.constant 0 : i32
    %cond3A_58 = arith.cmpi ne, %convert_element_type3A_56, %cond3A_57 : i32
    scf.if %cond3A_58 {
      %get3A_59 = arith.constant 0 : index
      %get3A_60 = arith.constant 0 : index
      %get3A_61 = vector.load %arg11[%get3A_59, %get3A_60] : memref<1x256xf32, #tpu.memory_space<vmem>>, vector<1x256xf32>
      %swap3A_62 = arith.constant 0 : index
      %swap3A_63 = arith.constant 0 : index
      %swap3A_64 = vector.load %arg9[%swap3A_62, %swap3A_63] : memref<1x256xf32, #tpu.memory_space<vmem>>, vector<1x256xf32>
      tpu.vector_store %arg9[%swap3A_62, %swap3A_63], %get3A_61 {strides = array<i32>} : memref<1x256xf32, #tpu.memory_space<vmem>>, vector<1x256xf32>,
      %get3A_65 = arith.constant 0 : index
      %get3A_66 = arith.constant 0 : index
      %get3A_67 = vector.load %arg12[%get3A_65, %get3A_66] : memref<1x256xf32, #tpu.memory_space<vmem>>, vector<1x256xf32>
      %swap3A_68 = arith.constant 0 : index
      %swap3A_69 = arith.constant 0 : index
      %swap3A_70 = vector.load %arg10[%swap3A_68, %swap3A_69] : memref<1x256xf32, #tpu.memory_space<vmem>>, vector<1x256xf32>
      tpu.vector_store %arg10[%swap3A_68, %swap3A_69], %get3A_67 {strides = array<i32>} : memref<1x256xf32, #tpu.memory_space<vmem>>, vector<1x256xf32>,
    } else {
    }
    return
  }
  func.func @transform_0(%arg0: i32) -> (i32, i32) {
    %c0_i32 = arith.constant 0 : i32
    %c0_i32_0 = arith.constant 0 : i32
    return %arg0, %c0_i32 : i32, i32
  }
  func.func @transform_1(%arg0: i32) -> (i32, i32) {
    %c0_i32 = arith.constant 0 : i32
    %c0_i32_0 = arith.constant 0 : i32
    return %arg0, %c0_i32 : i32, i32
  }
  func.func @transform_2(%arg0: i32) -> (i32, i32) {
    %add3A = arith.constant 24 : i32
    %add3A_0 = arith.addi %arg0, %add3A : i32
    %c0_i32 = arith.constant 0 : i32
    %c0_i32_1 = arith.constant 0 : i32
    return %c0_i32, %add3A_0 : i32, i32
  }
  func.func @transform_3(%arg0: i32) -> (i32, i32) {
    %c0_i32 = arith.constant 0 : i32
    %c0_i32_0 = arith.constant 0 : i32
    %c0_i32_1 = arith.constant 0 : i32
    return %c0_i32, %c0_i32_0 : i32, i32
  }
  func.func @transform_4(%arg0: i32) -> (i32, i32) {
    %c0_i32 = arith.constant 0 : i32
    %c0_i32_0 = arith.constant 0 : i32
    %c0_i32_1 = arith.constant 0 : i32
    return %c0_i32, %c0_i32_0 : i32, i32
  }
  func.func @transform_5(%arg0: i32) -> (i32, i32) {
    %c0_i32 = arith.constant 0 : i32
    %c0_i32_0 = arith.constant 0 : i32
    %c0_i32_1 = arith.constant 0 : i32
    return %c0_i32, %c0_i32_0 : i32, i32
  }
  func.func @transform_6(%arg0: i32) -> (i32, i32) {
    %c0_i32 = arith.constant 0 : i32
    %c0_i32_0 = arith.constant 0 : i32
    %c0_i32_1 = arith.constant 0 : i32
    return %c0_i32, %c0_i32_0 : i32, i32
  }
  func.func @transform_7(%arg0: i32) -> (i32, i32) {
    %c0_i32 = arith.constant 0 : i32
    %c0_i32_0 = arith.constant 0 : i32
    return %arg0, %c0_i32 : i32, i32
  }
  func.func @transform_8(%arg0: i32) -> (i32, i32) {
    %c0_i32 = arith.constant 0 : i32
    %c0_i32_0 = arith.constant 0 : i32
    %c0_i32_1 = arith.constant 0 : i32
    return %c0_i32, %c0_i32_0 : i32, i32
  }
  func.func @transform_9(%arg0: i32) -> (i32, i32) {
    %c0_i32 = arith.constant 0 : i32
    %c0_i32_0 = arith.constant 0 : i32
    %c0_i32_1 = arith.constant 0 : i32
    return %c0_i32, %c0_i32_0 : i32, i32
  }
}

module attributes {stable_mosaic.version = 14 : i64} {
  func.func @_stats_body(%arg0: i32, %arg1: memref<6400x128xf32, #tpu.memory_space<vmem>>, %arg2: memref<6400x128xf32, #tpu.memory_space<vmem>>, %arg3: memref<16x6400xf32, #tpu.memory_space<vmem>>, %arg4: memref<128x256xbf16, #tpu.memory_space<vmem>>, %arg5: memref<128x256xbf16, #tpu.memory_space<vmem>>, %arg6: memref<16x256xbf16, #tpu.memory_space<vmem>>, %arg7: memref<1x256xf32, #tpu.memory_space<vmem>>, %arg8: memref<6400x256xbf16, #tpu.memory_space<vmem>>, %arg9: memref<1x256xf32, #tpu.memory_space<vmem>>, %arg10: memref<1x256xf32, #tpu.memory_space<vmem>>, %arg11: memref<1x256xf32, #tpu.memory_space<vmem>>, %arg12: memref<1x256xf32, #tpu.memory_space<vmem>>) attributes {dimension_semantics = [#tpu.dimension_semantics<arbitrary>], iteration_bounds = array<i64: 16>, scalar_prefetch = 0 : i64, scratch_operands = 2 : i64, tpu.core_type = #tpu.core_type<tc>, window_params = [{transform_indices = @transform_0, window_bounds = array<i64: 6400, 128>}, {transform_indices = @transform_1, window_bounds = array<i64: 6400, 128>}, {transform_indices = @transform_2, window_bounds = array<i64: 16, 6400>}, {pipeline_mode = #tpu.pipeline_mode<synchronous>, transform_indices = @transform_3, window_bounds = array<i64: 128, 256>}, {pipeline_mode = #tpu.pipeline_mode<synchronous>, transform_indices = @transform_4, window_bounds = array<i64: 128, 256>}, {pipeline_mode = #tpu.pipeline_mode<synchronous>, transform_indices = @transform_5, window_bounds = array<i64: 16, 256>}, {pipeline_mode = #tpu.pipeline_mode<synchronous>, transform_indices = @transform_6, window_bounds = array<i64: 1, 256>}, {transform_indices = @transform_7, window_bounds = array<i64: 6400, 256>}, {pipeline_mode = #tpu.pipeline_mode<synchronous>, transform_indices = @transform_8, window_bounds = array<i64: 1, 256>}, {pipeline_mode = #tpu.pipeline_mode<synchronous>, transform_indices = @transform_9, window_bounds = array<i64: 1, 256>}]} {
    %get3A = arith.constant 0 : index
    %get3A_0 = arith.constant 0 : index
    %get3A_1 = vector.load %arg1[%get3A, %get3A_0] : memref<6400x128xf32, #tpu.memory_space<vmem>>, vector<6400x128xf32>
    %convert_element_type3A = arith.truncf %get3A_1 : vector<6400x128xf32> to vector<6400x128xbf16>
    %get3A_2 = arith.constant 0 : index
    %get3A_3 = arith.constant 0 : index
    %get3A_4 = vector.load %arg2[%get3A_2, %get3A_3] : memref<6400x128xf32, #tpu.memory_space<vmem>>, vector<6400x128xf32>
    %convert_element_type3A_5 = arith.truncf %get3A_4 : vector<6400x128xf32> to vector<6400x128xbf16>
    %get3A_6 = arith.constant 0 : index
    %get3A_7 = arith.constant 0 : index
    %get3A_8 = vector.load %arg3[%get3A_6, %get3A_7] : memref<16x6400xf32, #tpu.memory_space<vmem>>, vector<16x6400xf32>
    %convert_element_type3A_9 = arith.truncf %get3A_8 : vector<16x6400xf32> to vector<16x6400xbf16>
    %get3A_10 = arith.constant 0 : index
    %get3A_11 = arith.constant 0 : index
    %get3A_12 = vector.load %arg4[%get3A_10, %get3A_11] : memref<128x256xbf16, #tpu.memory_space<vmem>>, vector<128x256xbf16>
    %dot_general3A = arith.constant dense<0.000000e+00> : vector<6400x256xf32>
    %dot_general3A_13 = tpu.matmul %convert_element_type3A, %get3A_12, %dot_general3A {dimension_numbers = #tpu.dot_dimension_numbers<[1], [0], [0], [1], [0, 0, 1, 1], [], []>, transpose_lhs_hint = false} : vector<6400x128xbf16>, vector<128x256xbf16>, vector<6400x256xf32> -> vector<6400x256xf32>
    %get3A_14 = arith.constant 0 : index
    %get3A_15 = arith.constant 0 : index
    %get3A_16 = vector.load %arg5[%get3A_14, %get3A_15] : memref<128x256xbf16, #tpu.memory_space<vmem>>, vector<128x256xbf16>
    %dot_general3A_17 = arith.constant dense<0.000000e+00> : vector<6400x256xf32>
    %dot_general3A_18 = tpu.matmul %convert_element_type3A_5, %get3A_16, %dot_general3A_17 {dimension_numbers = #tpu.dot_dimension_numbers<[1], [0], [0], [1], [0, 0, 1, 1], [], []>, transpose_lhs_hint = false} : vector<6400x128xbf16>, vector<128x256xbf16>, vector<6400x256xf32> -> vector<6400x256xf32>
    %add3A = arith.addf %dot_general3A_13, %dot_general3A_18 : vector<6400x256xf32>
    %get3A_19 = arith.constant 0 : index
    %get3A_20 = arith.constant 0 : index
    %get3A_21 = vector.load %arg6[%get3A_19, %get3A_20] : memref<16x256xbf16, #tpu.memory_space<vmem>>, vector<16x256xbf16>
    %dot_general3A_22 = arith.constant dense<0.000000e+00> : vector<6400x256xf32>
    %dot_general3A_23 = tpu.matmul %convert_element_type3A_9, %get3A_21, %dot_general3A_22 {dimension_numbers = #tpu.dot_dimension_numbers<[0], [0], [1], [1], [0, 1, 1, 1], [], []>, transpose_lhs_hint = false} : vector<16x6400xbf16>, vector<16x256xbf16>, vector<6400x256xf32> -> vector<6400x256xf32>
    %add3A_24 = arith.addf %add3A, %dot_general3A_23 : vector<6400x256xf32>
    %get3A_25 = arith.constant 0 : index
    %get3A_26 = arith.constant 0 : index
    %get3A_27 = vector.load %arg7[%get3A_25, %get3A_26] : memref<1x256xf32, #tpu.memory_space<vmem>>, vector<1x256xf32>
    %add3A_28 = vector.broadcast %get3A_27 : vector<1x256xf32> to vector<6400x256xf32>
    %add3A_29 = arith.addf %add3A_24, %add3A_28 : vector<6400x256xf32>
    %convert_element_type3A_30 = arith.truncf %add3A_29 : vector<6400x256xf32> to vector<6400x256xbf16>
    %swap3A = arith.constant 0 : index
    %swap3A_31 = arith.constant 0 : index
    %swap3A_32 = vector.load %arg8[%swap3A, %swap3A_31] : memref<6400x256xbf16, #tpu.memory_space<vmem>>, vector<6400x256xbf16>
    tpu.vector_store %arg8[%swap3A, %swap3A_31], %convert_element_type3A_30 {strides = array<i32>} : memref<6400x256xbf16, #tpu.memory_space<vmem>>, vector<6400x256xbf16>,
    %eq3A = arith.constant 0 : i32
    %eq3A_33 = arith.cmpi eq, %arg0, %eq3A : i32
    %convert_element_type3A_34 = arith.extui %eq3A_33 : i1 to i32
    %cond3A = arith.constant 0 : i32
    %cond3A_35 = arith.cmpi ne, %convert_element_type3A_34, %cond3A : i32
    scf.if %cond3A_35 {
      %broadcast_in_dim3A_59 = arith.constant 0.000000e+00 : f32
      %broadcast_in_dim3A_60 = vector.broadcast %broadcast_in_dim3A_59 : f32 to vector<1x256xf32>
      %swap3A_61 = arith.constant 0 : index
      %swap3A_62 = arith.constant 0 : index
      %swap3A_63 = vector.load %arg11[%swap3A_61, %swap3A_62] : memref<1x256xf32, #tpu.memory_space<vmem>>, vector<1x256xf32>
      tpu.vector_store %arg11[%swap3A_61, %swap3A_62], %broadcast_in_dim3A_60 {strides = array<i32>} : memref<1x256xf32, #tpu.memory_space<vmem>>, vector<1x256xf32>,
      %broadcast_in_dim3A_64 = arith.constant 0.000000e+00 : f32
      %broadcast_in_dim3A_65 = vector.broadcast %broadcast_in_dim3A_64 : f32 to vector<1x256xf32>
      %swap3A_66 = arith.constant 0 : index
      %swap3A_67 = arith.constant 0 : index
      %swap3A_68 = vector.load %arg12[%swap3A_66, %swap3A_67] : memref<1x256xf32, #tpu.memory_space<vmem>>, vector<1x256xf32>
      tpu.vector_store %arg12[%swap3A_66, %swap3A_67], %broadcast_in_dim3A_65 {strides = array<i32>} : memref<1x256xf32, #tpu.memory_space<vmem>>, vector<1x256xf32>,
    } else {
    }
    %get3A_36 = arith.constant 0 : index
    %get3A_37 = arith.constant 0 : index
    %get3A_38 = vector.load %arg11[%get3A_36, %get3A_37] : memref<1x256xf32, #tpu.memory_space<vmem>>, vector<1x256xf32>
    %reduce_sum3A = arith.constant dense<0.000000e+00> : vector<256xf32>
    %reduce_sum3A_39 = vector.multi_reduction <add>, %add3A_29, %reduce_sum3A [0] : vector<6400x256xf32> to vector<256xf32>
    %broadcast_in_dim3A = vector.shape_cast %reduce_sum3A_39 : vector<256xf32> to vector<1x256xf32>
    %add3A_40 = arith.addf %get3A_38, %broadcast_in_dim3A : vector<1x256xf32>
    %swap3A_41 = arith.constant 0 : index
    %swap3A_42 = arith.constant 0 : index
    %swap3A_43 = vector.load %arg11[%swap3A_41, %swap3A_42] : memref<1x256xf32, #tpu.memory_space<vmem>>, vector<1x256xf32>
    tpu.vector_store %arg11[%swap3A_41, %swap3A_42], %add3A_40 {strides = array<i32>} : memref<1x256xf32, #tpu.memory_space<vmem>>, vector<1x256xf32>,
    %get3A_44 = arith.constant 0 : index
    %get3A_45 = arith.constant 0 : index
    %get3A_46 = vector.load %arg12[%get3A_44, %get3A_45] : memref<1x256xf32, #tpu.memory_space<vmem>>, vector<1x256xf32>
    %mul3A = arith.mulf %add3A_29, %add3A_29 : vector<6400x256xf32>
    %reduce_sum3A_47 = arith.constant dense<0.000000e+00> : vector<256xf32>
    %reduce_sum3A_48 = vector.multi_reduction <add>, %mul3A, %reduce_sum3A_47 [0] : vector<6400x256xf32> to vector<256xf32>
    %broadcast_in_dim3A_49 = vector.shape_cast %reduce_sum3A_48 : vector<256xf32> to vector<1x256xf32>
    %add3A_50 = arith.addf %get3A_46, %broadcast_in_dim3A_49 : vector<1x256xf32>
    %swap3A_51 = arith.constant 0 : index
    %swap3A_52 = arith.constant 0 : index
    %swap3A_53 = vector.load %arg12[%swap3A_51, %swap3A_52] : memref<1x256xf32, #tpu.memory_space<vmem>>, vector<1x256xf32>
    tpu.vector_store %arg12[%swap3A_51, %swap3A_52], %add3A_50 {strides = array<i32>} : memref<1x256xf32, #tpu.memory_space<vmem>>, vector<1x256xf32>,
    %eq3A_54 = arith.constant 15 : i32
    %eq3A_55 = arith.cmpi eq, %arg0, %eq3A_54 : i32
    %convert_element_type3A_56 = arith.extui %eq3A_55 : i1 to i32
    %cond3A_57 = arith.constant 0 : i32
    %cond3A_58 = arith.cmpi ne, %convert_element_type3A_56, %cond3A_57 : i32
    scf.if %cond3A_58 {
      %get3A_59 = arith.constant 0 : index
      %get3A_60 = arith.constant 0 : index
      %get3A_61 = vector.load %arg11[%get3A_59, %get3A_60] : memref<1x256xf32, #tpu.memory_space<vmem>>, vector<1x256xf32>
      %swap3A_62 = arith.constant 0 : index
      %swap3A_63 = arith.constant 0 : index
      %swap3A_64 = vector.load %arg9[%swap3A_62, %swap3A_63] : memref<1x256xf32, #tpu.memory_space<vmem>>, vector<1x256xf32>
      tpu.vector_store %arg9[%swap3A_62, %swap3A_63], %get3A_61 {strides = array<i32>} : memref<1x256xf32, #tpu.memory_space<vmem>>, vector<1x256xf32>,
      %get3A_65 = arith.constant 0 : index
      %get3A_66 = arith.constant 0 : index
      %get3A_67 = vector.load %arg12[%get3A_65, %get3A_66] : memref<1x256xf32, #tpu.memory_space<vmem>>, vector<1x256xf32>
      %swap3A_68 = arith.constant 0 : index
      %swap3A_69 = arith.constant 0 : index
      %swap3A_70 = vector.load %arg10[%swap3A_68, %swap3A_69] : memref<1x256xf32, #tpu.memory_space<vmem>>, vector<1x256xf32>
      tpu.vector_store %arg10[%swap3A_68, %swap3A_69], %get3A_67 {strides = array<i32>} : memref<1x256xf32, #tpu.memory_space<vmem>>, vector<1x256xf32>,
    } else {
    }
    return
  }
  func.func @transform_0(%arg0: i32) -> (i32, i32) {
    %c0_i32 = arith.constant 0 : i32
    %c0_i32_0 = arith.constant 0 : i32
    return %arg0, %c0_i32 : i32, i32
  }
  func.func @transform_1(%arg0: i32) -> (i32, i32) {
    %c0_i32 = arith.constant 0 : i32
    %c0_i32_0 = arith.constant 0 : i32
    return %arg0, %c0_i32 : i32, i32
  }
  func.func @transform_2(%arg0: i32) -> (i32, i32) {
    %add3A = arith.constant 8 : i32
    %add3A_0 = arith.addi %arg0, %add3A : i32
    %c0_i32 = arith.constant 0 : i32
    %c0_i32_1 = arith.constant 0 : i32
    return %c0_i32, %add3A_0 : i32, i32
  }
  func.func @transform_3(%arg0: i32) -> (i32, i32) {
    %c0_i32 = arith.constant 0 : i32
    %c0_i32_0 = arith.constant 0 : i32
    %c0_i32_1 = arith.constant 0 : i32
    return %c0_i32, %c0_i32_0 : i32, i32
  }
  func.func @transform_4(%arg0: i32) -> (i32, i32) {
    %c0_i32 = arith.constant 0 : i32
    %c0_i32_0 = arith.constant 0 : i32
    %c0_i32_1 = arith.constant 0 : i32
    return %c0_i32, %c0_i32_0 : i32, i32
  }
  func.func @transform_5(%arg0: i32) -> (i32, i32) {
    %c0_i32 = arith.constant 0 : i32
    %c0_i32_0 = arith.constant 0 : i32
    %c0_i32_1 = arith.constant 0 : i32
    return %c0_i32, %c0_i32_0 : i32, i32
  }
  func.func @transform_6(%arg0: i32) -> (i32, i32) {
    %c0_i32 = arith.constant 0 : i32
    %c0_i32_0 = arith.constant 0 : i32
    %c0_i32_1 = arith.constant 0 : i32
    return %c0_i32, %c0_i32_0 : i32, i32
  }
  func.func @transform_7(%arg0: i32) -> (i32, i32) {
    %c0_i32 = arith.constant 0 : i32
    %c0_i32_0 = arith.constant 0 : i32
    return %arg0, %c0_i32 : i32, i32
  }
  func.func @transform_8(%arg0: i32) -> (i32, i32) {
    %c0_i32 = arith.constant 0 : i32
    %c0_i32_0 = arith.constant 0 : i32
    %c0_i32_1 = arith.constant 0 : i32
    return %c0_i32, %c0_i32_0 : i32, i32
  }
  func.func @transform_9(%arg0: i32) -> (i32, i32) {
    %c0_i32 = arith.constant 0 : i32
    %c0_i32_0 = arith.constant 0 : i32
    %c0_i32_1 = arith.constant 0 : i32
    return %c0_i32, %c0_i32_0 : i32, i32
  }
}

module attributes {stable_mosaic.version = 14 : i64} {
  func.func @_stats_body(%arg0: i32, %arg1: memref<6400x128xf32, #tpu.memory_space<vmem>>, %arg2: memref<6400x128xf32, #tpu.memory_space<vmem>>, %arg3: memref<16x6400xf32, #tpu.memory_space<vmem>>, %arg4: memref<128x256xbf16, #tpu.memory_space<vmem>>, %arg5: memref<128x256xbf16, #tpu.memory_space<vmem>>, %arg6: memref<16x256xbf16, #tpu.memory_space<vmem>>, %arg7: memref<1x256xf32, #tpu.memory_space<vmem>>, %arg8: memref<6400x256xbf16, #tpu.memory_space<vmem>>, %arg9: memref<1x256xf32, #tpu.memory_space<vmem>>, %arg10: memref<1x256xf32, #tpu.memory_space<vmem>>, %arg11: memref<1x256xf32, #tpu.memory_space<vmem>>, %arg12: memref<1x256xf32, #tpu.memory_space<vmem>>) attributes {dimension_semantics = [#tpu.dimension_semantics<arbitrary>], iteration_bounds = array<i64: 10>, scalar_prefetch = 0 : i64, scratch_operands = 2 : i64, tpu.core_type = #tpu.core_type<tc>, window_params = [{transform_indices = @transform_0, window_bounds = array<i64: 6400, 128>}, {transform_indices = @transform_1, window_bounds = array<i64: 6400, 128>}, {transform_indices = @transform_2, window_bounds = array<i64: 16, 6400>}, {pipeline_mode = #tpu.pipeline_mode<synchronous>, transform_indices = @transform_3, window_bounds = array<i64: 128, 256>}, {pipeline_mode = #tpu.pipeline_mode<synchronous>, transform_indices = @transform_4, window_bounds = array<i64: 128, 256>}, {pipeline_mode = #tpu.pipeline_mode<synchronous>, transform_indices = @transform_5, window_bounds = array<i64: 16, 256>}, {pipeline_mode = #tpu.pipeline_mode<synchronous>, transform_indices = @transform_6, window_bounds = array<i64: 1, 256>}, {transform_indices = @transform_7, window_bounds = array<i64: 6400, 256>}, {pipeline_mode = #tpu.pipeline_mode<synchronous>, transform_indices = @transform_8, window_bounds = array<i64: 1, 256>}, {pipeline_mode = #tpu.pipeline_mode<synchronous>, transform_indices = @transform_9, window_bounds = array<i64: 1, 256>}]} {
    %get3A = arith.constant 0 : index
    %get3A_0 = arith.constant 0 : index
    %get3A_1 = vector.load %arg1[%get3A, %get3A_0] : memref<6400x128xf32, #tpu.memory_space<vmem>>, vector<6400x128xf32>
    %convert_element_type3A = arith.truncf %get3A_1 : vector<6400x128xf32> to vector<6400x128xbf16>
    %get3A_2 = arith.constant 0 : index
    %get3A_3 = arith.constant 0 : index
    %get3A_4 = vector.load %arg2[%get3A_2, %get3A_3] : memref<6400x128xf32, #tpu.memory_space<vmem>>, vector<6400x128xf32>
    %convert_element_type3A_5 = arith.truncf %get3A_4 : vector<6400x128xf32> to vector<6400x128xbf16>
    %get3A_6 = arith.constant 0 : index
    %get3A_7 = arith.constant 0 : index
    %get3A_8 = vector.load %arg3[%get3A_6, %get3A_7] : memref<16x6400xf32, #tpu.memory_space<vmem>>, vector<16x6400xf32>
    %convert_element_type3A_9 = arith.truncf %get3A_8 : vector<16x6400xf32> to vector<16x6400xbf16>
    %get3A_10 = arith.constant 0 : index
    %get3A_11 = arith.constant 0 : index
    %get3A_12 = vector.load %arg4[%get3A_10, %get3A_11] : memref<128x256xbf16, #tpu.memory_space<vmem>>, vector<128x256xbf16>
    %dot_general3A = arith.constant dense<0.000000e+00> : vector<6400x256xf32>
    %dot_general3A_13 = tpu.matmul %convert_element_type3A, %get3A_12, %dot_general3A {dimension_numbers = #tpu.dot_dimension_numbers<[1], [0], [0], [1], [0, 0, 1, 1], [], []>, transpose_lhs_hint = false} : vector<6400x128xbf16>, vector<128x256xbf16>, vector<6400x256xf32> -> vector<6400x256xf32>
    %get3A_14 = arith.constant 0 : index
    %get3A_15 = arith.constant 0 : index
    %get3A_16 = vector.load %arg5[%get3A_14, %get3A_15] : memref<128x256xbf16, #tpu.memory_space<vmem>>, vector<128x256xbf16>
    %dot_general3A_17 = arith.constant dense<0.000000e+00> : vector<6400x256xf32>
    %dot_general3A_18 = tpu.matmul %convert_element_type3A_5, %get3A_16, %dot_general3A_17 {dimension_numbers = #tpu.dot_dimension_numbers<[1], [0], [0], [1], [0, 0, 1, 1], [], []>, transpose_lhs_hint = false} : vector<6400x128xbf16>, vector<128x256xbf16>, vector<6400x256xf32> -> vector<6400x256xf32>
    %add3A = arith.addf %dot_general3A_13, %dot_general3A_18 : vector<6400x256xf32>
    %get3A_19 = arith.constant 0 : index
    %get3A_20 = arith.constant 0 : index
    %get3A_21 = vector.load %arg6[%get3A_19, %get3A_20] : memref<16x256xbf16, #tpu.memory_space<vmem>>, vector<16x256xbf16>
    %dot_general3A_22 = arith.constant dense<0.000000e+00> : vector<6400x256xf32>
    %dot_general3A_23 = tpu.matmul %convert_element_type3A_9, %get3A_21, %dot_general3A_22 {dimension_numbers = #tpu.dot_dimension_numbers<[0], [0], [1], [1], [0, 1, 1, 1], [], []>, transpose_lhs_hint = false} : vector<16x6400xbf16>, vector<16x256xbf16>, vector<6400x256xf32> -> vector<6400x256xf32>
    %add3A_24 = arith.addf %add3A, %dot_general3A_23 : vector<6400x256xf32>
    %get3A_25 = arith.constant 0 : index
    %get3A_26 = arith.constant 0 : index
    %get3A_27 = vector.load %arg7[%get3A_25, %get3A_26] : memref<1x256xf32, #tpu.memory_space<vmem>>, vector<1x256xf32>
    %add3A_28 = vector.broadcast %get3A_27 : vector<1x256xf32> to vector<6400x256xf32>
    %add3A_29 = arith.addf %add3A_24, %add3A_28 : vector<6400x256xf32>
    %convert_element_type3A_30 = arith.truncf %add3A_29 : vector<6400x256xf32> to vector<6400x256xbf16>
    %swap3A = arith.constant 0 : index
    %swap3A_31 = arith.constant 0 : index
    %swap3A_32 = vector.load %arg8[%swap3A, %swap3A_31] : memref<6400x256xbf16, #tpu.memory_space<vmem>>, vector<6400x256xbf16>
    tpu.vector_store %arg8[%swap3A, %swap3A_31], %convert_element_type3A_30 {strides = array<i32>} : memref<6400x256xbf16, #tpu.memory_space<vmem>>, vector<6400x256xbf16>,
    %eq3A = arith.constant 0 : i32
    %eq3A_33 = arith.cmpi eq, %arg0, %eq3A : i32
    %convert_element_type3A_34 = arith.extui %eq3A_33 : i1 to i32
    %cond3A = arith.constant 0 : i32
    %cond3A_35 = arith.cmpi ne, %convert_element_type3A_34, %cond3A : i32
    scf.if %cond3A_35 {
      %broadcast_in_dim3A_59 = arith.constant 0.000000e+00 : f32
      %broadcast_in_dim3A_60 = vector.broadcast %broadcast_in_dim3A_59 : f32 to vector<1x256xf32>
      %swap3A_61 = arith.constant 0 : index
      %swap3A_62 = arith.constant 0 : index
      %swap3A_63 = vector.load %arg11[%swap3A_61, %swap3A_62] : memref<1x256xf32, #tpu.memory_space<vmem>>, vector<1x256xf32>
      tpu.vector_store %arg11[%swap3A_61, %swap3A_62], %broadcast_in_dim3A_60 {strides = array<i32>} : memref<1x256xf32, #tpu.memory_space<vmem>>, vector<1x256xf32>,
      %broadcast_in_dim3A_64 = arith.constant 0.000000e+00 : f32
      %broadcast_in_dim3A_65 = vector.broadcast %broadcast_in_dim3A_64 : f32 to vector<1x256xf32>
      %swap3A_66 = arith.constant 0 : index
      %swap3A_67 = arith.constant 0 : index
      %swap3A_68 = vector.load %arg12[%swap3A_66, %swap3A_67] : memref<1x256xf32, #tpu.memory_space<vmem>>, vector<1x256xf32>
      tpu.vector_store %arg12[%swap3A_66, %swap3A_67], %broadcast_in_dim3A_65 {strides = array<i32>} : memref<1x256xf32, #tpu.memory_space<vmem>>, vector<1x256xf32>,
    } else {
    }
    %get3A_36 = arith.constant 0 : index
    %get3A_37 = arith.constant 0 : index
    %get3A_38 = vector.load %arg11[%get3A_36, %get3A_37] : memref<1x256xf32, #tpu.memory_space<vmem>>, vector<1x256xf32>
    %reduce_sum3A = arith.constant dense<0.000000e+00> : vector<256xf32>
    %reduce_sum3A_39 = vector.multi_reduction <add>, %add3A_29, %reduce_sum3A [0] : vector<6400x256xf32> to vector<256xf32>
    %broadcast_in_dim3A = vector.shape_cast %reduce_sum3A_39 : vector<256xf32> to vector<1x256xf32>
    %add3A_40 = arith.addf %get3A_38, %broadcast_in_dim3A : vector<1x256xf32>
    %swap3A_41 = arith.constant 0 : index
    %swap3A_42 = arith.constant 0 : index
    %swap3A_43 = vector.load %arg11[%swap3A_41, %swap3A_42] : memref<1x256xf32, #tpu.memory_space<vmem>>, vector<1x256xf32>
    tpu.vector_store %arg11[%swap3A_41, %swap3A_42], %add3A_40 {strides = array<i32>} : memref<1x256xf32, #tpu.memory_space<vmem>>, vector<1x256xf32>,
    %get3A_44 = arith.constant 0 : index
    %get3A_45 = arith.constant 0 : index
    %get3A_46 = vector.load %arg12[%get3A_44, %get3A_45] : memref<1x256xf32, #tpu.memory_space<vmem>>, vector<1x256xf32>
    %mul3A = arith.mulf %add3A_29, %add3A_29 : vector<6400x256xf32>
    %reduce_sum3A_47 = arith.constant dense<0.000000e+00> : vector<256xf32>
    %reduce_sum3A_48 = vector.multi_reduction <add>, %mul3A, %reduce_sum3A_47 [0] : vector<6400x256xf32> to vector<256xf32>
    %broadcast_in_dim3A_49 = vector.shape_cast %reduce_sum3A_48 : vector<256xf32> to vector<1x256xf32>
    %add3A_50 = arith.addf %get3A_46, %broadcast_in_dim3A_49 : vector<1x256xf32>
    %swap3A_51 = arith.constant 0 : index
    %swap3A_52 = arith.constant 0 : index
    %swap3A_53 = vector.load %arg12[%swap3A_51, %swap3A_52] : memref<1x256xf32, #tpu.memory_space<vmem>>, vector<1x256xf32>
    tpu.vector_store %arg12[%swap3A_51, %swap3A_52], %add3A_50 {strides = array<i32>} : memref<1x256xf32, #tpu.memory_space<vmem>>, vector<1x256xf32>,
    %eq3A_54 = arith.constant 9 : i32
    %eq3A_55 = arith.cmpi eq, %arg0, %eq3A_54 : i32
    %convert_element_type3A_56 = arith.extui %eq3A_55 : i1 to i32
    %cond3A_57 = arith.constant 0 : i32
    %cond3A_58 = arith.cmpi ne, %convert_element_type3A_56, %cond3A_57 : i32
    scf.if %cond3A_58 {
      %get3A_59 = arith.constant 0 : index
      %get3A_60 = arith.constant 0 : index
      %get3A_61 = vector.load %arg11[%get3A_59, %get3A_60] : memref<1x256xf32, #tpu.memory_space<vmem>>, vector<1x256xf32>
      %swap3A_62 = arith.constant 0 : index
      %swap3A_63 = arith.constant 0 : index
      %swap3A_64 = vector.load %arg9[%swap3A_62, %swap3A_63] : memref<1x256xf32, #tpu.memory_space<vmem>>, vector<1x256xf32>
      tpu.vector_store %arg9[%swap3A_62, %swap3A_63], %get3A_61 {strides = array<i32>} : memref<1x256xf32, #tpu.memory_space<vmem>>, vector<1x256xf32>,
      %get3A_65 = arith.constant 0 : index
      %get3A_66 = arith.constant 0 : index
      %get3A_67 = vector.load %arg12[%get3A_65, %get3A_66] : memref<1x256xf32, #tpu.memory_space<vmem>>, vector<1x256xf32>
      %swap3A_68 = arith.constant 0 : index
      %swap3A_69 = arith.constant 0 : index
      %swap3A_70 = vector.load %arg10[%swap3A_68, %swap3A_69] : memref<1x256xf32, #tpu.memory_space<vmem>>, vector<1x256xf32>
      tpu.vector_store %arg10[%swap3A_68, %swap3A_69], %get3A_67 {strides = array<i32>} : memref<1x256xf32, #tpu.memory_space<vmem>>, vector<1x256xf32>,
    } else {
    }
    return
  }
  func.func @transform_0(%arg0: i32) -> (i32, i32) {
    %c0_i32 = arith.constant 0 : i32
    %c0_i32_0 = arith.constant 0 : i32
    return %arg0, %c0_i32 : i32, i32
  }
  func.func @transform_1(%arg0: i32) -> (i32, i32) {
    %c0_i32 = arith.constant 0 : i32
    %c0_i32_0 = arith.constant 0 : i32
    return %arg0, %c0_i32 : i32, i32
  }
  func.func @transform_2(%arg0: i32) -> (i32, i32) {
    %add3A = arith.constant 40 : i32
    %add3A_0 = arith.addi %arg0, %add3A : i32
    %c0_i32 = arith.constant 0 : i32
    %c0_i32_1 = arith.constant 0 : i32
    return %c0_i32, %add3A_0 : i32, i32
  }
  func.func @transform_3(%arg0: i32) -> (i32, i32) {
    %c0_i32 = arith.constant 0 : i32
    %c0_i32_0 = arith.constant 0 : i32
    %c0_i32_1 = arith.constant 0 : i32
    return %c0_i32, %c0_i32_0 : i32, i32
  }
  func.func @transform_4(%arg0: i32) -> (i32, i32) {
    %c0_i32 = arith.constant 0 : i32
    %c0_i32_0 = arith.constant 0 : i32
    %c0_i32_1 = arith.constant 0 : i32
    return %c0_i32, %c0_i32_0 : i32, i32
  }
  func.func @transform_5(%arg0: i32) -> (i32, i32) {
    %c0_i32 = arith.constant 0 : i32
    %c0_i32_0 = arith.constant 0 : i32
    %c0_i32_1 = arith.constant 0 : i32
    return %c0_i32, %c0_i32_0 : i32, i32
  }
  func.func @transform_6(%arg0: i32) -> (i32, i32) {
    %c0_i32 = arith.constant 0 : i32
    %c0_i32_0 = arith.constant 0 : i32
    %c0_i32_1 = arith.constant 0 : i32
    return %c0_i32, %c0_i32_0 : i32, i32
  }
  func.func @transform_7(%arg0: i32) -> (i32, i32) {
    %c0_i32 = arith.constant 0 : i32
    %c0_i32_0 = arith.constant 0 : i32
    return %arg0, %c0_i32 : i32, i32
  }
  func.func @transform_8(%arg0: i32) -> (i32, i32) {
    %c0_i32 = arith.constant 0 : i32
    %c0_i32_0 = arith.constant 0 : i32
    %c0_i32_1 = arith.constant 0 : i32
    return %c0_i32, %c0_i32_0 : i32, i32
  }
  func.func @transform_9(%arg0: i32) -> (i32, i32) {
    %c0_i32 = arith.constant 0 : i32
    %c0_i32_0 = arith.constant 0 : i32
    %c0_i32_1 = arith.constant 0 : i32
    return %c0_i32, %c0_i32_0 : i32, i32
  }
}

module attributes {stable_mosaic.version = 14 : i64} {
  func.func @_norm_body(%arg0: i32, %arg1: memref<4x256xf32, #tpu.memory_space<vmem>>, %arg2: memref<4x256xf32, #tpu.memory_space<vmem>>, %arg3: memref<6400x256xbf16, #tpu.memory_space<vmem>>, %arg4: memref<1x256xf32, #tpu.memory_space<vmem>>, %arg5: memref<1x256xf32, #tpu.memory_space<vmem>>, %arg6: memref<6400x128xf32, #tpu.memory_space<vmem>>) attributes {dimension_semantics = [#tpu.dimension_semantics<arbitrary>], iteration_bounds = array<i64: 10>, scalar_prefetch = 0 : i64, scratch_operands = 0 : i64, tpu.core_type = #tpu.core_type<tc>, window_params = [{pipeline_mode = #tpu.pipeline_mode<synchronous>, transform_indices = @transform_0, window_bounds = array<i64: 4, 256>}, {pipeline_mode = #tpu.pipeline_mode<synchronous>, transform_indices = @transform_1, window_bounds = array<i64: 4, 256>}, {transform_indices = @transform_2, window_bounds = array<i64: 6400, 256>}, {pipeline_mode = #tpu.pipeline_mode<synchronous>, transform_indices = @transform_3, window_bounds = array<i64: 1, 256>}, {pipeline_mode = #tpu.pipeline_mode<synchronous>, transform_indices = @transform_4, window_bounds = array<i64: 1, 256>}, {transform_indices = @transform_5, window_bounds = array<i64: 6400, 128>}]} {
    %get3A = arith.constant 0 : index
    %get3A_0 = arith.constant 0 : index
    %get3A_1 = vector.load %arg3[%get3A, %get3A_0] : memref<6400x256xbf16, #tpu.memory_space<vmem>>, vector<6400x256xbf16>
    %convert_element_type3A = arith.extf %get3A_1 : vector<6400x256xbf16> to vector<6400x256xf32>
    %get3A_2 = arith.constant 0 : index
    %get3A_3 = arith.constant 0 : index
    %get3A_4 = vector.load %arg1[%get3A_2, %get3A_3] : memref<4x256xf32, #tpu.memory_space<vmem>>, vector<4x256xf32>
    %reduce_sum3A = arith.constant dense<0.000000e+00> : vector<256xf32>
    %reduce_sum3A_5 = vector.multi_reduction <add>, %get3A_4, %reduce_sum3A [0] : vector<4x256xf32> to vector<256xf32>
    %broadcast_in_dim3A = vector.shape_cast %reduce_sum3A_5 : vector<256xf32> to vector<1x256xf32>
    %div3A = arith.constant 3.200000e+05 : f32
    %div3A_6 = vector.broadcast %div3A : f32 to vector<1x256xf32>
    %div3A_7 = arith.divf %broadcast_in_dim3A, %div3A_6 : vector<1x256xf32>
    %get3A_8 = arith.constant 0 : index
    %get3A_9 = arith.constant 0 : index
    %get3A_10 = vector.load %arg2[%get3A_8, %get3A_9] : memref<4x256xf32, #tpu.memory_space<vmem>>, vector<4x256xf32>
    %reduce_sum3A_11 = arith.constant dense<0.000000e+00> : vector<256xf32>
    %reduce_sum3A_12 = vector.multi_reduction <add>, %get3A_10, %reduce_sum3A_11 [0] : vector<4x256xf32> to vector<256xf32>
    %broadcast_in_dim3A_13 = vector.shape_cast %reduce_sum3A_12 : vector<256xf32> to vector<1x256xf32>
    %div3A_14 = arith.constant 3.200000e+05 : f32
    %div3A_15 = vector.broadcast %div3A_14 : f32 to vector<1x256xf32>
    %div3A_16 = arith.divf %broadcast_in_dim3A_13, %div3A_15 : vector<1x256xf32>
    %mul3A = arith.mulf %div3A_7, %div3A_7 : vector<1x256xf32>
    %sub3A = arith.subf %div3A_16, %mul3A : vector<1x256xf32>
    %max3A = arith.constant 0.000000e+00 : f32
    %max3A_17 = vector.broadcast %max3A : f32 to vector<1x256xf32>
    %max3A_18 = arith.maximumf %sub3A, %max3A_17 : vector<1x256xf32>
    %get3A_19 = arith.constant 0 : index
    %get3A_20 = arith.constant 0 : index
    %get3A_21 = vector.load %arg4[%get3A_19, %get3A_20] : memref<1x256xf32, #tpu.memory_space<vmem>>, vector<1x256xf32>
    %add3A = arith.constant 9.99999974E-6 : f32
    %add3A_22 = vector.broadcast %add3A : f32 to vector<1x256xf32>
    %add3A_23 = arith.addf %max3A_18, %add3A_22 : vector<1x256xf32>
    %rsqrt3A = math.rsqrt %add3A_23 : vector<1x256xf32>
    %mul3A_24 = arith.mulf %get3A_21, %rsqrt3A : vector<1x256xf32>
    %get3A_25 = arith.constant 0 : index
    %get3A_26 = arith.constant 0 : index
    %get3A_27 = vector.load %arg5[%get3A_25, %get3A_26] : memref<1x256xf32, #tpu.memory_space<vmem>>, vector<1x256xf32>
    %mul3A_28 = arith.mulf %div3A_7, %mul3A_24 : vector<1x256xf32>
    %sub3A_29 = arith.subf %get3A_27, %mul3A_28 : vector<1x256xf32>
    %mul3A_30 = vector.broadcast %mul3A_24 : vector<1x256xf32> to vector<6400x256xf32>
    %mul3A_31 = arith.mulf %convert_element_type3A, %mul3A_30 : vector<6400x256xf32>
    %add3A_32 = vector.broadcast %sub3A_29 : vector<1x256xf32> to vector<6400x256xf32>
    %add3A_33 = arith.addf %mul3A_31, %add3A_32 : vector<6400x256xf32>
    %slice3A = vector.extract_strided_slice %add3A_33 {offsets = [0, 0], sizes = [6400, 128], strides = [1, 1]} : vector<6400x256xf32> to vector<6400x128xf32>
    %slice3A_34 = vector.extract_strided_slice %add3A_33 {offsets = [0, 128], sizes = [6400, 128], strides = [1, 1]} : vector<6400x256xf32> to vector<6400x128xf32>
    %neg3A = arith.constant 0.000000e+00 : f32
    %neg3A_35 = vector.broadcast %neg3A : f32 to vector<6400x128xf32>
    %neg3A_36 = arith.subf %neg3A_35, %slice3A : vector<6400x128xf32>
    %exp3A = math.exp %neg3A_36 : vector<6400x128xf32>
    %add3A_37 = arith.constant 1.000000e+00 : f32
    %add3A_38 = vector.broadcast %add3A_37 : f32 to vector<6400x128xf32>
    %add3A_39 = arith.addf %add3A_38, %exp3A : vector<6400x128xf32>
    %div3A_40 = arith.constant 1.000000e+00 : f32
    %div3A_41 = vector.broadcast %div3A_40 : f32 to vector<6400x128xf32>
    %div3A_42 = arith.divf %div3A_41, %add3A_39 : vector<6400x128xf32>
    %max3A_43 = arith.constant 0.000000e+00 : f32
    %max3A_44 = vector.broadcast %max3A_43 : f32 to vector<6400x128xf32>
    %max3A_45 = arith.maximumf %slice3A_34, %max3A_44 : vector<6400x128xf32>
    %abs3A = math.absf %slice3A_34 : vector<6400x128xf32>
    %neg3A_46 = arith.constant 0.000000e+00 : f32
    %neg3A_47 = vector.broadcast %neg3A_46 : f32 to vector<6400x128xf32>
    %neg3A_48 = arith.subf %neg3A_47, %abs3A : vector<6400x128xf32>
    %exp3A_49 = math.exp %neg3A_48 : vector<6400x128xf32>
    %log1p3A = math.log1p %exp3A_49 : vector<6400x128xf32>
    %add3A_50 = arith.addf %max3A_45, %log1p3A : vector<6400x128xf32>
    %mul3A_51 = arith.mulf %div3A_42, %add3A_50 : vector<6400x128xf32>
    %swap3A = arith.constant 0 : index
    %swap3A_52 = arith.constant 0 : index
    %swap3A_53 = vector.load %arg6[%swap3A, %swap3A_52] : memref<6400x128xf32, #tpu.memory_space<vmem>>, vector<6400x128xf32>
    tpu.vector_store %arg6[%swap3A, %swap3A_52], %mul3A_51 {strides = array<i32>} : memref<6400x128xf32, #tpu.memory_space<vmem>>, vector<6400x128xf32>,
    return
  }
  func.func @transform_0(%arg0: i32) -> (i32, i32) {
    %c0_i32 = arith.constant 0 : i32
    %c0_i32_0 = arith.constant 0 : i32
    %c0_i32_1 = arith.constant 0 : i32
    return %c0_i32, %c0_i32_0 : i32, i32
  }
  func.func @transform_1(%arg0: i32) -> (i32, i32) {
    %c0_i32 = arith.constant 0 : i32
    %c0_i32_0 = arith.constant 0 : i32
    %c0_i32_1 = arith.constant 0 : i32
    return %c0_i32, %c0_i32_0 : i32, i32
  }
  func.func @transform_2(%arg0: i32) -> (i32, i32) {
    %c0_i32 = arith.constant 0 : i32
    %c0_i32_0 = arith.constant 0 : i32
    return %arg0, %c0_i32 : i32, i32
  }
  func.func @transform_3(%arg0: i32) -> (i32, i32) {
    %c0_i32 = arith.constant 0 : i32
    %c0_i32_0 = arith.constant 0 : i32
    %c0_i32_1 = arith.constant 0 : i32
    return %c0_i32, %c0_i32_0 : i32, i32
  }
  func.func @transform_4(%arg0: i32) -> (i32, i32) {
    %c0_i32 = arith.constant 0 : i32
    %c0_i32_0 = arith.constant 0 : i32
    %c0_i32_1 = arith.constant 0 : i32
    return %c0_i32, %c0_i32_0 : i32, i32
  }
  func.func @transform_5(%arg0: i32) -> (i32, i32) {
    %c0_i32 = arith.constant 0 : i32
    %c0_i32_0 = arith.constant 0 : i32
    return %arg0, %c0_i32 : i32, i32
  }
}

module attributes {stable_mosaic.version = 14 : i64} {
  func.func @_norm_body(%arg0: i32, %arg1: memref<4x256xf32, #tpu.memory_space<vmem>>, %arg2: memref<4x256xf32, #tpu.memory_space<vmem>>, %arg3: memref<6400x256xbf16, #tpu.memory_space<vmem>>, %arg4: memref<1x256xf32, #tpu.memory_space<vmem>>, %arg5: memref<1x256xf32, #tpu.memory_space<vmem>>, %arg6: memref<6400x128xf32, #tpu.memory_space<vmem>>) attributes {dimension_semantics = [#tpu.dimension_semantics<arbitrary>], iteration_bounds = array<i64: 8>, scalar_prefetch = 0 : i64, scratch_operands = 0 : i64, tpu.core_type = #tpu.core_type<tc>, window_params = [{pipeline_mode = #tpu.pipeline_mode<synchronous>, transform_indices = @transform_0, window_bounds = array<i64: 4, 256>}, {pipeline_mode = #tpu.pipeline_mode<synchronous>, transform_indices = @transform_1, window_bounds = array<i64: 4, 256>}, {transform_indices = @transform_2, window_bounds = array<i64: 6400, 256>}, {pipeline_mode = #tpu.pipeline_mode<synchronous>, transform_indices = @transform_3, window_bounds = array<i64: 1, 256>}, {pipeline_mode = #tpu.pipeline_mode<synchronous>, transform_indices = @transform_4, window_bounds = array<i64: 1, 256>}, {transform_indices = @transform_5, window_bounds = array<i64: 6400, 128>}]} {
    %get3A = arith.constant 0 : index
    %get3A_0 = arith.constant 0 : index
    %get3A_1 = vector.load %arg3[%get3A, %get3A_0] : memref<6400x256xbf16, #tpu.memory_space<vmem>>, vector<6400x256xbf16>
    %convert_element_type3A = arith.extf %get3A_1 : vector<6400x256xbf16> to vector<6400x256xf32>
    %get3A_2 = arith.constant 0 : index
    %get3A_3 = arith.constant 0 : index
    %get3A_4 = vector.load %arg1[%get3A_2, %get3A_3] : memref<4x256xf32, #tpu.memory_space<vmem>>, vector<4x256xf32>
    %reduce_sum3A = arith.constant dense<0.000000e+00> : vector<256xf32>
    %reduce_sum3A_5 = vector.multi_reduction <add>, %get3A_4, %reduce_sum3A [0] : vector<4x256xf32> to vector<256xf32>
    %broadcast_in_dim3A = vector.shape_cast %reduce_sum3A_5 : vector<256xf32> to vector<1x256xf32>
    %div3A = arith.constant 3.200000e+05 : f32
    %div3A_6 = vector.broadcast %div3A : f32 to vector<1x256xf32>
    %div3A_7 = arith.divf %broadcast_in_dim3A, %div3A_6 : vector<1x256xf32>
    %get3A_8 = arith.constant 0 : index
    %get3A_9 = arith.constant 0 : index
    %get3A_10 = vector.load %arg2[%get3A_8, %get3A_9] : memref<4x256xf32, #tpu.memory_space<vmem>>, vector<4x256xf32>
    %reduce_sum3A_11 = arith.constant dense<0.000000e+00> : vector<256xf32>
    %reduce_sum3A_12 = vector.multi_reduction <add>, %get3A_10, %reduce_sum3A_11 [0] : vector<4x256xf32> to vector<256xf32>
    %broadcast_in_dim3A_13 = vector.shape_cast %reduce_sum3A_12 : vector<256xf32> to vector<1x256xf32>
    %div3A_14 = arith.constant 3.200000e+05 : f32
    %div3A_15 = vector.broadcast %div3A_14 : f32 to vector<1x256xf32>
    %div3A_16 = arith.divf %broadcast_in_dim3A_13, %div3A_15 : vector<1x256xf32>
    %mul3A = arith.mulf %div3A_7, %div3A_7 : vector<1x256xf32>
    %sub3A = arith.subf %div3A_16, %mul3A : vector<1x256xf32>
    %max3A = arith.constant 0.000000e+00 : f32
    %max3A_17 = vector.broadcast %max3A : f32 to vector<1x256xf32>
    %max3A_18 = arith.maximumf %sub3A, %max3A_17 : vector<1x256xf32>
    %get3A_19 = arith.constant 0 : index
    %get3A_20 = arith.constant 0 : index
    %get3A_21 = vector.load %arg4[%get3A_19, %get3A_20] : memref<1x256xf32, #tpu.memory_space<vmem>>, vector<1x256xf32>
    %add3A = arith.constant 9.99999974E-6 : f32
    %add3A_22 = vector.broadcast %add3A : f32 to vector<1x256xf32>
    %add3A_23 = arith.addf %max3A_18, %add3A_22 : vector<1x256xf32>
    %rsqrt3A = math.rsqrt %add3A_23 : vector<1x256xf32>
    %mul3A_24 = arith.mulf %get3A_21, %rsqrt3A : vector<1x256xf32>
    %get3A_25 = arith.constant 0 : index
    %get3A_26 = arith.constant 0 : index
    %get3A_27 = vector.load %arg5[%get3A_25, %get3A_26] : memref<1x256xf32, #tpu.memory_space<vmem>>, vector<1x256xf32>
    %mul3A_28 = arith.mulf %div3A_7, %mul3A_24 : vector<1x256xf32>
    %sub3A_29 = arith.subf %get3A_27, %mul3A_28 : vector<1x256xf32>
    %mul3A_30 = vector.broadcast %mul3A_24 : vector<1x256xf32> to vector<6400x256xf32>
    %mul3A_31 = arith.mulf %convert_element_type3A, %mul3A_30 : vector<6400x256xf32>
    %add3A_32 = vector.broadcast %sub3A_29 : vector<1x256xf32> to vector<6400x256xf32>
    %add3A_33 = arith.addf %mul3A_31, %add3A_32 : vector<6400x256xf32>
    %slice3A = vector.extract_strided_slice %add3A_33 {offsets = [0, 0], sizes = [6400, 128], strides = [1, 1]} : vector<6400x256xf32> to vector<6400x128xf32>
    %slice3A_34 = vector.extract_strided_slice %add3A_33 {offsets = [0, 128], sizes = [6400, 128], strides = [1, 1]} : vector<6400x256xf32> to vector<6400x128xf32>
    %neg3A = arith.constant 0.000000e+00 : f32
    %neg3A_35 = vector.broadcast %neg3A : f32 to vector<6400x128xf32>
    %neg3A_36 = arith.subf %neg3A_35, %slice3A : vector<6400x128xf32>
    %exp3A = math.exp %neg3A_36 : vector<6400x128xf32>
    %add3A_37 = arith.constant 1.000000e+00 : f32
    %add3A_38 = vector.broadcast %add3A_37 : f32 to vector<6400x128xf32>
    %add3A_39 = arith.addf %add3A_38, %exp3A : vector<6400x128xf32>
    %div3A_40 = arith.constant 1.000000e+00 : f32
    %div3A_41 = vector.broadcast %div3A_40 : f32 to vector<6400x128xf32>
    %div3A_42 = arith.divf %div3A_41, %add3A_39 : vector<6400x128xf32>
    %max3A_43 = arith.constant 0.000000e+00 : f32
    %max3A_44 = vector.broadcast %max3A_43 : f32 to vector<6400x128xf32>
    %max3A_45 = arith.maximumf %slice3A_34, %max3A_44 : vector<6400x128xf32>
    %abs3A = math.absf %slice3A_34 : vector<6400x128xf32>
    %neg3A_46 = arith.constant 0.000000e+00 : f32
    %neg3A_47 = vector.broadcast %neg3A_46 : f32 to vector<6400x128xf32>
    %neg3A_48 = arith.subf %neg3A_47, %abs3A : vector<6400x128xf32>
    %exp3A_49 = math.exp %neg3A_48 : vector<6400x128xf32>
    %log1p3A = math.log1p %exp3A_49 : vector<6400x128xf32>
    %add3A_50 = arith.addf %max3A_45, %log1p3A : vector<6400x128xf32>
    %mul3A_51 = arith.mulf %div3A_42, %add3A_50 : vector<6400x128xf32>
    %swap3A = arith.constant 0 : index
    %swap3A_52 = arith.constant 0 : index
    %swap3A_53 = vector.load %arg6[%swap3A, %swap3A_52] : memref<6400x128xf32, #tpu.memory_space<vmem>>, vector<6400x128xf32>
    tpu.vector_store %arg6[%swap3A, %swap3A_52], %mul3A_51 {strides = array<i32>} : memref<6400x128xf32, #tpu.memory_space<vmem>>, vector<6400x128xf32>,
    return
  }
  func.func @transform_0(%arg0: i32) -> (i32, i32) {
    %c0_i32 = arith.constant 0 : i32
    %c0_i32_0 = arith.constant 0 : i32
    %c0_i32_1 = arith.constant 0 : i32
    return %c0_i32, %c0_i32_0 : i32, i32
  }
  func.func @transform_1(%arg0: i32) -> (i32, i32) {
    %c0_i32 = arith.constant 0 : i32
    %c0_i32_0 = arith.constant 0 : i32
    %c0_i32_1 = arith.constant 0 : i32
    return %c0_i32, %c0_i32_0 : i32, i32
  }
  func.func @transform_2(%arg0: i32) -> (i32, i32) {
    %c0_i32 = arith.constant 0 : i32
    %c0_i32_0 = arith.constant 0 : i32
    return %arg0, %c0_i32 : i32, i32
  }
  func.func @transform_3(%arg0: i32) -> (i32, i32) {
    %c0_i32 = arith.constant 0 : i32
    %c0_i32_0 = arith.constant 0 : i32
    %c0_i32_1 = arith.constant 0 : i32
    return %c0_i32, %c0_i32_0 : i32, i32
  }
  func.func @transform_4(%arg0: i32) -> (i32, i32) {
    %c0_i32 = arith.constant 0 : i32
    %c0_i32_0 = arith.constant 0 : i32
    %c0_i32_1 = arith.constant 0 : i32
    return %c0_i32, %c0_i32_0 : i32, i32
  }
  func.func @transform_5(%arg0: i32) -> (i32, i32) {
    %c0_i32 = arith.constant 0 : i32
    %c0_i32_0 = arith.constant 0 : i32
    return %arg0, %c0_i32 : i32, i32
  }
}

module attributes {stable_mosaic.version = 14 : i64} {
  func.func @_norm_body(%arg0: i32, %arg1: memref<4x256xf32, #tpu.memory_space<vmem>>, %arg2: memref<4x256xf32, #tpu.memory_space<vmem>>, %arg3: memref<6400x256xbf16, #tpu.memory_space<vmem>>, %arg4: memref<1x256xf32, #tpu.memory_space<vmem>>, %arg5: memref<1x256xf32, #tpu.memory_space<vmem>>, %arg6: memref<6400x128xf32, #tpu.memory_space<vmem>>) attributes {dimension_semantics = [#tpu.dimension_semantics<arbitrary>], iteration_bounds = array<i64: 16>, scalar_prefetch = 0 : i64, scratch_operands = 0 : i64, tpu.core_type = #tpu.core_type<tc>, window_params = [{pipeline_mode = #tpu.pipeline_mode<synchronous>, transform_indices = @transform_0, window_bounds = array<i64: 4, 256>}, {pipeline_mode = #tpu.pipeline_mode<synchronous>, transform_indices = @transform_1, window_bounds = array<i64: 4, 256>}, {transform_indices = @transform_2, window_bounds = array<i64: 6400, 256>}, {pipeline_mode = #tpu.pipeline_mode<synchronous>, transform_indices = @transform_3, window_bounds = array<i64: 1, 256>}, {pipeline_mode = #tpu.pipeline_mode<synchronous>, transform_indices = @transform_4, window_bounds = array<i64: 1, 256>}, {transform_indices = @transform_5, window_bounds = array<i64: 6400, 128>}]} {
    %get3A = arith.constant 0 : index
    %get3A_0 = arith.constant 0 : index
    %get3A_1 = vector.load %arg3[%get3A, %get3A_0] : memref<6400x256xbf16, #tpu.memory_space<vmem>>, vector<6400x256xbf16>
    %convert_element_type3A = arith.extf %get3A_1 : vector<6400x256xbf16> to vector<6400x256xf32>
    %get3A_2 = arith.constant 0 : index
    %get3A_3 = arith.constant 0 : index
    %get3A_4 = vector.load %arg1[%get3A_2, %get3A_3] : memref<4x256xf32, #tpu.memory_space<vmem>>, vector<4x256xf32>
    %reduce_sum3A = arith.constant dense<0.000000e+00> : vector<256xf32>
    %reduce_sum3A_5 = vector.multi_reduction <add>, %get3A_4, %reduce_sum3A [0] : vector<4x256xf32> to vector<256xf32>
    %broadcast_in_dim3A = vector.shape_cast %reduce_sum3A_5 : vector<256xf32> to vector<1x256xf32>
    %div3A = arith.constant 3.200000e+05 : f32
    %div3A_6 = vector.broadcast %div3A : f32 to vector<1x256xf32>
    %div3A_7 = arith.divf %broadcast_in_dim3A, %div3A_6 : vector<1x256xf32>
    %get3A_8 = arith.constant 0 : index
    %get3A_9 = arith.constant 0 : index
    %get3A_10 = vector.load %arg2[%get3A_8, %get3A_9] : memref<4x256xf32, #tpu.memory_space<vmem>>, vector<4x256xf32>
    %reduce_sum3A_11 = arith.constant dense<0.000000e+00> : vector<256xf32>
    %reduce_sum3A_12 = vector.multi_reduction <add>, %get3A_10, %reduce_sum3A_11 [0] : vector<4x256xf32> to vector<256xf32>
    %broadcast_in_dim3A_13 = vector.shape_cast %reduce_sum3A_12 : vector<256xf32> to vector<1x256xf32>
    %div3A_14 = arith.constant 3.200000e+05 : f32
    %div3A_15 = vector.broadcast %div3A_14 : f32 to vector<1x256xf32>
    %div3A_16 = arith.divf %broadcast_in_dim3A_13, %div3A_15 : vector<1x256xf32>
    %mul3A = arith.mulf %div3A_7, %div3A_7 : vector<1x256xf32>
    %sub3A = arith.subf %div3A_16, %mul3A : vector<1x256xf32>
    %max3A = arith.constant 0.000000e+00 : f32
    %max3A_17 = vector.broadcast %max3A : f32 to vector<1x256xf32>
    %max3A_18 = arith.maximumf %sub3A, %max3A_17 : vector<1x256xf32>
    %get3A_19 = arith.constant 0 : index
    %get3A_20 = arith.constant 0 : index
    %get3A_21 = vector.load %arg4[%get3A_19, %get3A_20] : memref<1x256xf32, #tpu.memory_space<vmem>>, vector<1x256xf32>
    %add3A = arith.constant 9.99999974E-6 : f32
    %add3A_22 = vector.broadcast %add3A : f32 to vector<1x256xf32>
    %add3A_23 = arith.addf %max3A_18, %add3A_22 : vector<1x256xf32>
    %rsqrt3A = math.rsqrt %add3A_23 : vector<1x256xf32>
    %mul3A_24 = arith.mulf %get3A_21, %rsqrt3A : vector<1x256xf32>
    %get3A_25 = arith.constant 0 : index
    %get3A_26 = arith.constant 0 : index
    %get3A_27 = vector.load %arg5[%get3A_25, %get3A_26] : memref<1x256xf32, #tpu.memory_space<vmem>>, vector<1x256xf32>
    %mul3A_28 = arith.mulf %div3A_7, %mul3A_24 : vector<1x256xf32>
    %sub3A_29 = arith.subf %get3A_27, %mul3A_28 : vector<1x256xf32>
    %mul3A_30 = vector.broadcast %mul3A_24 : vector<1x256xf32> to vector<6400x256xf32>
    %mul3A_31 = arith.mulf %convert_element_type3A, %mul3A_30 : vector<6400x256xf32>
    %add3A_32 = vector.broadcast %sub3A_29 : vector<1x256xf32> to vector<6400x256xf32>
    %add3A_33 = arith.addf %mul3A_31, %add3A_32 : vector<6400x256xf32>
    %slice3A = vector.extract_strided_slice %add3A_33 {offsets = [0, 0], sizes = [6400, 128], strides = [1, 1]} : vector<6400x256xf32> to vector<6400x128xf32>
    %slice3A_34 = vector.extract_strided_slice %add3A_33 {offsets = [0, 128], sizes = [6400, 128], strides = [1, 1]} : vector<6400x256xf32> to vector<6400x128xf32>
    %neg3A = arith.constant 0.000000e+00 : f32
    %neg3A_35 = vector.broadcast %neg3A : f32 to vector<6400x128xf32>
    %neg3A_36 = arith.subf %neg3A_35, %slice3A : vector<6400x128xf32>
    %exp3A = math.exp %neg3A_36 : vector<6400x128xf32>
    %add3A_37 = arith.constant 1.000000e+00 : f32
    %add3A_38 = vector.broadcast %add3A_37 : f32 to vector<6400x128xf32>
    %add3A_39 = arith.addf %add3A_38, %exp3A : vector<6400x128xf32>
    %div3A_40 = arith.constant 1.000000e+00 : f32
    %div3A_41 = vector.broadcast %div3A_40 : f32 to vector<6400x128xf32>
    %div3A_42 = arith.divf %div3A_41, %add3A_39 : vector<6400x128xf32>
    %max3A_43 = arith.constant 0.000000e+00 : f32
    %max3A_44 = vector.broadcast %max3A_43 : f32 to vector<6400x128xf32>
    %max3A_45 = arith.maximumf %slice3A_34, %max3A_44 : vector<6400x128xf32>
    %abs3A = math.absf %slice3A_34 : vector<6400x128xf32>
    %neg3A_46 = arith.constant 0.000000e+00 : f32
    %neg3A_47 = vector.broadcast %neg3A_46 : f32 to vector<6400x128xf32>
    %neg3A_48 = arith.subf %neg3A_47, %abs3A : vector<6400x128xf32>
    %exp3A_49 = math.exp %neg3A_48 : vector<6400x128xf32>
    %log1p3A = math.log1p %exp3A_49 : vector<6400x128xf32>
    %add3A_50 = arith.addf %max3A_45, %log1p3A : vector<6400x128xf32>
    %mul3A_51 = arith.mulf %div3A_42, %add3A_50 : vector<6400x128xf32>
    %swap3A = arith.constant 0 : index
    %swap3A_52 = arith.constant 0 : index
    %swap3A_53 = vector.load %arg6[%swap3A, %swap3A_52] : memref<6400x128xf32, #tpu.memory_space<vmem>>, vector<6400x128xf32>
    tpu.vector_store %arg6[%swap3A, %swap3A_52], %mul3A_51 {strides = array<i32>} : memref<6400x128xf32, #tpu.memory_space<vmem>>, vector<6400x128xf32>,
    return
  }
  func.func @transform_0(%arg0: i32) -> (i32, i32) {
    %c0_i32 = arith.constant 0 : i32
    %c0_i32_0 = arith.constant 0 : i32
    %c0_i32_1 = arith.constant 0 : i32
    return %c0_i32, %c0_i32_0 : i32, i32
  }
  func.func @transform_1(%arg0: i32) -> (i32, i32) {
    %c0_i32 = arith.constant 0 : i32
    %c0_i32_0 = arith.constant 0 : i32
    %c0_i32_1 = arith.constant 0 : i32
    return %c0_i32, %c0_i32_0 : i32, i32
  }
  func.func @transform_2(%arg0: i32) -> (i32, i32) {
    %c0_i32 = arith.constant 0 : i32
    %c0_i32_0 = arith.constant 0 : i32
    return %arg0, %c0_i32 : i32, i32
  }
  func.func @transform_3(%arg0: i32) -> (i32, i32) {
    %c0_i32 = arith.constant 0 : i32
    %c0_i32_0 = arith.constant 0 : i32
    %c0_i32_1 = arith.constant 0 : i32
    return %c0_i32, %c0_i32_0 : i32, i32
  }
  func.func @transform_4(%arg0: i32) -> (i32, i32) {
    %c0_i32 = arith.constant 0 : i32
    %c0_i32_0 = arith.constant 0 : i32
    %c0_i32_1 = arith.constant 0 : i32
    return %c0_i32, %c0_i32_0 : i32, i32
  }
  func.func @transform_5(%arg0: i32) -> (i32, i32) {
    %c0_i32 = arith.constant 0 : i32
    %c0_i32_0 = arith.constant 0 : i32
    return %arg0, %c0_i32 : i32, i32
  }
}

module attributes {stable_mosaic.version = 14 : i64} {
  func.func @_final_body(%arg0: i32, %arg1: memref<2x2000x128xf32, #tpu.memory_space<vmem>>, %arg2: memref<2x2000x128xf32, #tpu.memory_space<vmem>>, %arg3: memref<2x2000x128xf32, #tpu.memory_space<vmem>>, %arg4: memref<2x2000x128xf32, #tpu.memory_space<vmem>>, %arg5: memref<2000x128xf32, #tpu.memory_space<vmem>>, %arg6: memref<1x128xf32, #tpu.memory_space<vmem>>, %arg7: memref<1x128xf32, #tpu.memory_space<vmem>>, %arg8: memref<2000x128xf32, #tpu.memory_space<vmem>>) attributes {dimension_semantics = [#tpu.dimension_semantics<arbitrary>], iteration_bounds = array<i64: 5>, scalar_prefetch = 0 : i64, scratch_operands = 0 : i64, tpu.core_type = #tpu.core_type<tc>, window_params = [{transform_indices = @transform_0, window_bounds = array<i64: 2, 2000, 128>}, {transform_indices = @transform_1, window_bounds = array<i64: 2, 2000, 128>}, {transform_indices = @transform_2, window_bounds = array<i64: 2, 2000, 128>}, {transform_indices = @transform_3, window_bounds = array<i64: 2, 2000, 128>}, {transform_indices = @transform_4, window_bounds = array<i64: 2000, 128>}, {pipeline_mode = #tpu.pipeline_mode<synchronous>, transform_indices = @transform_5, window_bounds = array<i64: 1, 128>}, {pipeline_mode = #tpu.pipeline_mode<synchronous>, transform_indices = @transform_6, window_bounds = array<i64: 1, 128>}, {transform_indices = @transform_7, window_bounds = array<i64: 2000, 128>}]} {
    %get3A = arith.constant 0 : index
    %get3A_0 = arith.constant 0 : index
    %get3A_1 = arith.constant 0 : index
    %get3A_2 = vector.load %arg1[%get3A, %get3A_0, %get3A_1] : memref<2x2000x128xf32, #tpu.memory_space<vmem>>, vector<1x2000x128xf32>
    %get3A_3 = vector.shape_cast %get3A_2 : vector<1x2000x128xf32> to vector<2000x128xf32>
    %get3A_4 = arith.constant 1 : index
    %get3A_5 = arith.constant 0 : index
    %get3A_6 = arith.constant 0 : index
    %get3A_7 = vector.load %arg1[%get3A_4, %get3A_5, %get3A_6] : memref<2x2000x128xf32, #tpu.memory_space<vmem>>, vector<1x2000x128xf32>
    %get3A_8 = vector.shape_cast %get3A_7 : vector<1x2000x128xf32> to vector<2000x128xf32>
    %add3A = arith.addf %get3A_3, %get3A_8 : vector<2000x128xf32>
    %get3A_9 = arith.constant 0 : index
    %get3A_10 = arith.constant 0 : index
    %get3A_11 = arith.constant 0 : index
    %get3A_12 = vector.load %arg2[%get3A_9, %get3A_10, %get3A_11] : memref<2x2000x128xf32, #tpu.memory_space<vmem>>, vector<1x2000x128xf32>
    %get3A_13 = vector.shape_cast %get3A_12 : vector<1x2000x128xf32> to vector<2000x128xf32>
    %add3A_14 = arith.addf %add3A, %get3A_13 : vector<2000x128xf32>
    %get3A_15 = arith.constant 1 : index
    %get3A_16 = arith.constant 0 : index
    %get3A_17 = arith.constant 0 : index
    %get3A_18 = vector.load %arg2[%get3A_15, %get3A_16, %get3A_17] : memref<2x2000x128xf32, #tpu.memory_space<vmem>>, vector<1x2000x128xf32>
    %get3A_19 = vector.shape_cast %get3A_18 : vector<1x2000x128xf32> to vector<2000x128xf32>
    %add3A_20 = arith.addf %add3A_14, %get3A_19 : vector<2000x128xf32>
    %get3A_21 = arith.constant 0 : index
    %get3A_22 = arith.constant 0 : index
    %get3A_23 = arith.constant 0 : index
    %get3A_24 = vector.load %arg3[%get3A_21, %get3A_22, %get3A_23] : memref<2x2000x128xf32, #tpu.memory_space<vmem>>, vector<1x2000x128xf32>
    %get3A_25 = vector.shape_cast %get3A_24 : vector<1x2000x128xf32> to vector<2000x128xf32>
    %add3A_26 = arith.addf %add3A_20, %get3A_25 : vector<2000x128xf32>
    %get3A_27 = arith.constant 1 : index
    %get3A_28 = arith.constant 0 : index
    %get3A_29 = arith.constant 0 : index
    %get3A_30 = vector.load %arg3[%get3A_27, %get3A_28, %get3A_29] : memref<2x2000x128xf32, #tpu.memory_space<vmem>>, vector<1x2000x128xf32>
    %get3A_31 = vector.shape_cast %get3A_30 : vector<1x2000x128xf32> to vector<2000x128xf32>
    %add3A_32 = arith.addf %add3A_26, %get3A_31 : vector<2000x128xf32>
    %get3A_33 = arith.constant 0 : index
    %get3A_34 = arith.constant 0 : index
    %get3A_35 = arith.constant 0 : index
    %get3A_36 = vector.load %arg4[%get3A_33, %get3A_34, %get3A_35] : memref<2x2000x128xf32, #tpu.memory_space<vmem>>, vector<1x2000x128xf32>
    %get3A_37 = vector.shape_cast %get3A_36 : vector<1x2000x128xf32> to vector<2000x128xf32>
    %add3A_38 = arith.addf %add3A_32, %get3A_37 : vector<2000x128xf32>
    %get3A_39 = arith.constant 1 : index
    %get3A_40 = arith.constant 0 : index
    %get3A_41 = arith.constant 0 : index
    %get3A_42 = vector.load %arg4[%get3A_39, %get3A_40, %get3A_41] : memref<2x2000x128xf32, #tpu.memory_space<vmem>>, vector<1x2000x128xf32>
    %get3A_43 = vector.shape_cast %get3A_42 : vector<1x2000x128xf32> to vector<2000x128xf32>
    %add3A_44 = arith.addf %add3A_38, %get3A_43 : vector<2000x128xf32>
    %reduce_sum3A = arith.constant dense<0.000000e+00> : vector<2000xf32>
    %reduce_sum3A_45 = vector.multi_reduction <add>, %add3A_44, %reduce_sum3A [1] : vector<2000x128xf32> to vector<2000xf32>
    %broadcast_in_dim3A = vector.shape_cast %reduce_sum3A_45 : vector<2000xf32> to vector<2000x1xf32>
    %div3A = arith.constant 1.280000e+02 : f32
    %div3A_46 = vector.broadcast %div3A : f32 to vector<2000x1xf32>
    %div3A_47 = arith.divf %broadcast_in_dim3A, %div3A_46 : vector<2000x1xf32>
    %sub3A = vector.broadcast %div3A_47 : vector<2000x1xf32> to vector<2000x128xf32>
    %sub3A_48 = arith.subf %add3A_44, %sub3A : vector<2000x128xf32>
    %mul3A = arith.mulf %sub3A_48, %sub3A_48 : vector<2000x128xf32>
    %reduce_sum3A_49 = arith.constant dense<0.000000e+00> : vector<2000xf32>
    %reduce_sum3A_50 = vector.multi_reduction <add>, %mul3A, %reduce_sum3A_49 [1] : vector<2000x128xf32> to vector<2000xf32>
    %broadcast_in_dim3A_51 = vector.shape_cast %reduce_sum3A_50 : vector<2000xf32> to vector<2000x1xf32>
    %div3A_52 = arith.constant 1.280000e+02 : f32
    %div3A_53 = vector.broadcast %div3A_52 : f32 to vector<2000x1xf32>
    %div3A_54 = arith.divf %broadcast_in_dim3A_51, %div3A_53 : vector<2000x1xf32>
    %add3A_55 = arith.constant 9.99999974E-6 : f32
    %add3A_56 = vector.broadcast %add3A_55 : f32 to vector<2000x1xf32>
    %add3A_57 = arith.addf %div3A_54, %add3A_56 : vector<2000x1xf32>
    %rsqrt3A = math.rsqrt %add3A_57 : vector<2000x1xf32>
    %mul3A_58 = vector.broadcast %rsqrt3A : vector<2000x1xf32> to vector<2000x128xf32>
    %mul3A_59 = arith.mulf %sub3A_48, %mul3A_58 : vector<2000x128xf32>
    %get3A_60 = arith.constant 0 : index
    %get3A_61 = arith.constant 0 : index
    %get3A_62 = vector.load %arg6[%get3A_60, %get3A_61] : memref<1x128xf32, #tpu.memory_space<vmem>>, vector<1x128xf32>
    %mul3A_63 = vector.broadcast %get3A_62 : vector<1x128xf32> to vector<2000x128xf32>
    %mul3A_64 = arith.mulf %mul3A_59, %mul3A_63 : vector<2000x128xf32>
    %get3A_65 = arith.constant 0 : index
    %get3A_66 = arith.constant 0 : index
    %get3A_67 = vector.load %arg7[%get3A_65, %get3A_66] : memref<1x128xf32, #tpu.memory_space<vmem>>, vector<1x128xf32>
    %add3A_68 = vector.broadcast %get3A_67 : vector<1x128xf32> to vector<2000x128xf32>
    %add3A_69 = arith.addf %mul3A_64, %add3A_68 : vector<2000x128xf32>
    %get3A_70 = arith.constant 0 : index
    %get3A_71 = arith.constant 0 : index
    %get3A_72 = vector.load %arg5[%get3A_70, %get3A_71] : memref<2000x128xf32, #tpu.memory_space<vmem>>, vector<2000x128xf32>
    %add3A_73 = arith.addf %add3A_69, %get3A_72 : vector<2000x128xf32>
    %max3A = arith.constant 0.000000e+00 : f32
    %max3A_74 = vector.broadcast %max3A : f32 to vector<2000x128xf32>
    %max3A_75 = arith.maximumf %add3A_73, %max3A_74 : vector<2000x128xf32>
    %abs3A = math.absf %add3A_73 : vector<2000x128xf32>
    %neg3A = arith.constant 0.000000e+00 : f32
    %neg3A_76 = vector.broadcast %neg3A : f32 to vector<2000x128xf32>
    %neg3A_77 = arith.subf %neg3A_76, %abs3A : vector<2000x128xf32>
    %exp3A = math.exp %neg3A_77 : vector<2000x128xf32>
    %log1p3A = math.log1p %exp3A : vector<2000x128xf32>
    %add3A_78 = arith.addf %max3A_75, %log1p3A : vector<2000x128xf32>
    %swap3A = arith.constant 0 : index
    %swap3A_79 = arith.constant 0 : index
    %swap3A_80 = vector.load %arg8[%swap3A, %swap3A_79] : memref<2000x128xf32, #tpu.memory_space<vmem>>, vector<2000x128xf32>
    tpu.vector_store %arg8[%swap3A, %swap3A_79], %add3A_78 {strides = array<i32>} : memref<2000x128xf32, #tpu.memory_space<vmem>>, vector<2000x128xf32>,
    return
  }
  func.func @transform_0(%arg0: i32) -> (i32, i32, i32) {
    %c0_i32 = arith.constant 0 : i32
    %c0_i32_0 = arith.constant 0 : i32
    %c0_i32_1 = arith.constant 0 : i32
    return %c0_i32, %arg0, %c0_i32_0 : i32, i32, i32
  }
  func.func @transform_1(%arg0: i32) -> (i32, i32, i32) {
    %c0_i32 = arith.constant 0 : i32
    %c0_i32_0 = arith.constant 0 : i32
    %c0_i32_1 = arith.constant 0 : i32
    return %c0_i32, %arg0, %c0_i32_0 : i32, i32, i32
  }
  func.func @transform_2(%arg0: i32) -> (i32, i32, i32) {
    %c0_i32 = arith.constant 0 : i32
    %c0_i32_0 = arith.constant 0 : i32
    %c0_i32_1 = arith.constant 0 : i32
    return %c0_i32, %arg0, %c0_i32_0 : i32, i32, i32
  }
  func.func @transform_3(%arg0: i32) -> (i32, i32, i32) {
    %c0_i32 = arith.constant 0 : i32
    %c0_i32_0 = arith.constant 0 : i32
    %c0_i32_1 = arith.constant 0 : i32
    return %c0_i32, %arg0, %c0_i32_0 : i32, i32, i32
  }
  func.func @transform_4(%arg0: i32) -> (i32, i32) {
    %c0_i32 = arith.constant 0 : i32
    %c0_i32_0 = arith.constant 0 : i32
    return %arg0, %c0_i32 : i32, i32
  }
  func.func @transform_5(%arg0: i32) -> (i32, i32) {
    %c0_i32 = arith.constant 0 : i32
    %c0_i32_0 = arith.constant 0 : i32
    %c0_i32_1 = arith.constant 0 : i32
    return %c0_i32, %c0_i32_0 : i32, i32
  }
  func.func @transform_6(%arg0: i32) -> (i32, i32) {
    %c0_i32 = arith.constant 0 : i32
    %c0_i32_0 = arith.constant 0 : i32
    %c0_i32_1 = arith.constant 0 : i32
    return %c0_i32, %c0_i32_0 : i32, i32
  }
  func.func @transform_7(%arg0: i32) -> (i32, i32) {
    %c0_i32 = arith.constant 0 : i32
    %c0_i32_0 = arith.constant 0 : i32
    return %arg0, %c0_i32 : i32, i32
  }
}

</mosaic_0001>

<sc_bundles>
// kernel: kernel.19.cloned.1.call-start
scs
__scs_entry_jumppad:
0x0: {  	(pc) =	sbr.rel $0x88, $3  }
0x1: {  	(tag) =	ssettag $0x0;
	lr =	simm.s32 $0x1  }
0x2: {  	[smem:$0x3F98] =	sst lr;
	_ =	strace $0xD0000000  }
0x3: {  	_ = 	snop  }
0x4: {  	_ = 	snop  }
0x5: {  	_ = 	snop  }
0x6: {  	_ = 	snop  }
0x7: {  	_ = 	snop  }
__scs_overlays_trampoline_lowered:
0x8: {  	[smem:$0x3FA7] =	sst s0  }
0x9: {  	[smem:$0x3FA8] =	sst s1  }
0xa: {  	[smem:$0x3FA9] =	sst s2  }
0xb: {  	[smem:$0x3FAA] =	sst s3  }
0xc: {  	[smem:$0x3FAB] =	sst s4  }
0xd: {  	[smem:$0x3FAC] =	sst s5  }
0xe: {  	[smem:$0x3FAD] =	sst s6  }
0xf: {  	[smem:$0x3FAE] =	sst s7  }
0x10: {  	[smem:$0x3FAF] =	sst s8  }
0x11: {  	[smem:$0x3FB0] =	sst s9;
	s0 =	simm.s32 @!p0 $0x0  }
0x12: {  	s1 =	sld [smem:$0x3F96];
	s0 =	simm.s32 @p0 $0x1  }
0x13: {  	[smem:$0x3FB1] =	sst s0;
	s0 =	simm.s32 @!p1 $0x0  }
0x14: {  	s2 =	sld [smem:$0x3F95];
	s0 =	simm.s32 @p1 $0x1  }
0x15: {  	[smem:$0x3FB2] =	sst s0;
	s0 =	simm.s32 @!p2 $0x0  }
0x16: {  	s3 =	sld [smem:$0x3FDB];
	s0 =	simm.s32 @p2 $0x1  }
0x17: {  	s4 =	simm.s32 $0x1BF5;
	[smem:$0x3FB4] =	sst s0  }
0x18: {  	s0 =	sld [smem:$0x3F97];
	_ =	swait.ge [sflag:s4], $0x0  }
0x19: {  	s7 =	sld [smem:$0x3F98]  }
0x1a: {  	s8 =	sadd.s32 $0xFFFFE003, lr  }
0x1b: {  	s9 =	sadd.s32 $0xFFFFFEF7, lr;
	s5 =	simm.s32 $0xFFFFFFFF;
	p2 =	slt.u32 s8, $0xFFFFF086  }
0x1c: {  	p1 =	slt.u32 s9, $0xF7A;
	s5 =	simm.s32 @!p2 $0x0  }
0x1d: {  	s5 =	simm.s32 @p1 $0x1;
	p0 =	seq.s32 s7, s2  }
0x1e: {  	s7 =	smul.u32 @!p0 $0xF7A, s2;
	p2 =	seq.s32 @!p0 s5, $0x0  }
0x1f: {  	s9 =	smul.u32 $0xF7A, s1;
	s8 =	simm.s32 @!p0 $0x1BF5;
	p2 =	por !p2, p0  }
0x20: {  	[sflag:s8] =	ssyncset.s32 @!p0 $0xFFFFF086;
	s6 =	sadd.s32 @!p0 s3, s7;
	s7 =	simm.s32 @!p0 $0x108  }
0x21: {  	s3 =	sadd.s32 s3, s9;
	s6 =	sadd.s32 @!p0 $0x88, s6;
	s7 =	simm.s32 @p2 $0x1082  }
0x22: {  	[simem:s7], [sflag:s8] =	dma.local @!p0 [hbm:s6], $0xF7A  }
0x23: {  	s9 =	sor.u32 $0xD0000000, s2;
	s6 =	simm.s32 $0x108;
	_ =	swait.ge @!p0 [sflag:s8], $0x0  }
0x24: {  	s3 =	sadd.s32 $0x88, s3;
	s6 =	simm.s32 @!p1 $0x1082;
	[sflag:s4] =	ssyncset.s32 $0xFFFFF086  }
0x25: {  	[simem:s6], [sflag:s4] =	dma.local [hbm:s3], $0xF7A  }
0x26: {  	[smem:$0x3F98] =	sst s1;
	(tag) =	ssettag s2;
	_ =	strace s9  }
0x27: {  	s1 =	sld [smem:$0x3FA8]  }
0x28: {  	s2 =	sld [smem:$0x3FA9]  }
0x29: {  	s4 =	sld [smem:$0x3FAB]  }
0x2a: {  	p0 =	seq.s32 s5, $0x0;
	s5 =	sld [smem:$0x3FAC]  }
0x2b: {  	s6 =	sld [smem:$0x3FAD]  }
0x2c: {  	s7 =	sld [smem:$0x3FAE]  }
0x2d: {  	s3 =	simm.s32 $0x108;
	s8 =	sld [smem:$0x3FAF]  }
0x2e: {  	s3 =	simm.s32 @!p0 $0x1082;
	s9 =	sld [smem:$0x3FB0]  }
0x2f: {  	lr =	sadd.s32 s0, s3;
	s0 =	sld [smem:$0x3FA7]  }
0x30: {  	s3 =	sld [smem:$0x3FAA]  }
0x31: {  	[smem:$0x3FB3] =	sst s10  }
0x32: {  	s10 =	sld [smem:$0x3FB1];
	_ =	sdelay $0x3  }
0x33: {  	p0 =	seq.s32 s10, $0x1;
	s10 =	sld [smem:$0x3FB3];
	_ =	sdelay $0x3  }
0x34: {  	[smem:$0x3FB3] =	sst s10  }
0x35: {  	s10 =	sld [smem:$0x3FB2];
	_ =	sdelay $0x3  }
0x36: {  	p1 =	seq.s32 s10, $0x1;
	s10 =	sld [smem:$0x3FB3];
	_ =	sdelay $0x3  }
0x37: {  	[smem:$0x3FB3] =	sst s10  }
0x38: {  	s10 =	sld [smem:$0x3FB4]  }
0x39: {  	_ = 	snop;
	(pc) =	sbr.ind lr, $3  }
0x3a: {  	_ = 	snop  }
0x3b: {  	_ = 	snop  }
0x3c: {  	p2 =	seq.s32 s10, $0x1;
	s10 =	sld [smem:$0x3FB3]  }
0x3d: {  	_ =	shalt  }
0x3e: {  	_ =	shalt  }
0x3f: {  	_ =	shalt  }
0x40: {  	_ =	shalt  }
0x41: {  	_ =	shalt  }
0x42: {  	_ =	shalt  }
0x43: {  	_ =	shalt  }
0x44: {  	_ =	shalt  }
0x45: {  	_ =	shalt  }
0x46: {  	_ =	shalt  }
0x47: {  	_ =	shalt  }
0x48: {  	_ =	shalt  }
0x49: {  	_ =	shalt  }
0x4a: {  	_ =	shalt  }
0x4b: {  	_ =	shalt  }
0x4c: {  	_ =	shalt  }
0x4d: {  	_ =	shalt  }
0x4e: {  	_ =	shalt  }
0x4f: {  	_ =	shalt  }
0x50: {  	_ =	shalt  }
0x51: {  	_ =	shalt  }
0x52: {  	_ =	shalt  }
0x53: {  	_ =	shalt  }
0x54: {  	_ =	shalt  }
0x55: {  	_ =	shalt  }
0x56: {  	_ =	shalt  }
0x57: {  	_ =	shalt  }
0x58: {  	_ =	shalt  }
0x59: {  	_ =	shalt  }
0x5a: {  	_ =	shalt  }
0x5b: {  	_ =	shalt  }
0x5c: {  	_ =	shalt  }
0x5d: {  	_ =	shalt  }
0x5e: {  	_ =	shalt  }
0x5f: {  	_ =	shalt  }
0x60: {  	_ =	shalt  }
0x61: {  	_ =	shalt  }
0x62: {  	_ =	shalt  }
0x63: {  	_ =	shalt  }
0x64: {  	_ =	shalt  }
0x65: {  	_ =	shalt  }
0x66: {  	_ =	shalt  }
0x67: {  	_ =	shalt  }
0x68: {  	_ =	shalt  }
0x69: {  	_ =	shalt  }
0x6a: {  	_ =	shalt  }
0x6b: {  	_ =	shalt  }
0x6c: {  	_ =	shalt  }
0x6d: {  	_ =	shalt  }
0x6e: {  	_ =	shalt  }
0x6f: {  	_ =	shalt  }
0x70: {  	_ =	shalt  }
0x71: {  	_ =	shalt  }
0x72: {  	_ =	shalt  }
0x73: {  	_ =	shalt  }
0x74: {  	_ =	shalt  }
0x75: {  	_ =	shalt  }
0x76: {  	_ =	shalt  }
0x77: {  	_ =	shalt  }
0x78: {  	_ =	shalt  }
0x79: {  	_ =	shalt  }
0x7a: {  	_ =	shalt  }
0x7b: {  	_ =	shalt  }
0x7c: {  	_ =	shalt  }
0x7d: {  	_ =	shalt  }
0x7e: {  	_ =	shalt  }
0x7f: {  	_ =	shalt  }
0x80: {  	_ =	shalt  }
0x81: {  	_ =	shalt  }
0x82: {  	_ =	shalt  }
0x83: {  	_ =	shalt  }
0x84: {  	_ =	shalt  }
0x85: {  	_ =	shalt  }
0x86: {  	_ =	shalt  }
0x87: {  	_ =	shalt  }
.Lfunc_end0:
.L_simem_size_0:
called_computation_lowered:
.L_overlay_start_0:
0x88: {  	s2 =	sld [smem:$0x3FD9]  }
0x89: {  	s3 =	sld [smem:$0x3FFE];
	_ =	sdelay $0x1  }
0x8a: {  	s1 =	srdreg.scid  }
0x8b: {  	s0 =	sand.u32 $0x1, s1  }
0x8c: {  	s17 =	sshll.u32 s0, $0xA;
	s2 =	sadd.s32 s3, s2  }
0x8d: {  	s2 =	sadd.s32 s2, s17  }
0x8e: {  	[smem:$0x3FBF] =	sst s2  }
0x8f: {  	_ = 	snop  }
0x90: {  	s4 =	sld [smem:$0x3FC9]  }
0x91: {  	s18 =	sld [smem:$0x3FD0];
	(tm) =	ssettm $0x1  }
0x92: {  	s19 =	sld [smem:$0x3FFB];
	_ =	sdelay $0x3  }
0x93: {  	_ =	strace s19  }
0x94: {  	s2 =	sld [smem:$0x3FFC];
	_ =	sdelay $0x3  }
0x95: {  	_ =	strace s2  }
0x96: {  	s2 =	sld [smem:$0x3FFD];
	_ =	sdelay $0x3  }
0x97: {  	_ =	strace s2  }
0x98: {  	_ =	strace $0x8FFFFFFF  }
0x99: {  	s20 =	sld [smem:$0x3FDB];
	_ =	sdelay $0x1  }
0x9a: {  	s5 =	simm.s32 $_scs_section_size  }
0x9b: {  	s6 =	simm.s32 $_size__tile_overlayer_lowered;
	s7 =	simm.s32 $_tile_overlayer_lowered  }
0x9c: {  	s8 =	simm.s32 $0x1BFF;
	s21 =	sshll.u32 s7, $0x1;
	s5 =	sadd.s32 s5, s20  }
0x9d: {  	s22 =	simm.s32 $0x0;
	s6 =	sshll.u32 s6, $0x1;
	s7 =	sadd.s32 s21, s5  }
0x9e: {  	[timem:s22], [sflag:s8] =	dma.local [hbm:s7], s6  }
0x9f: {  	_ =	swait.ge [sflag:s8], s6  }
0xa0: {  	s6 =	ssub.s32 $0x0, s6;
	[sflag:s8] =	ssyncset.done $0x0  }
0xa1: {  	[sflag:s8] =	ssyncadd.s32 s6;
	_ =	sdelay $0x1  }
0xa2: {  	s23 =	simm.s32 $0x1B8B  }
0xa3: {  	_ =	swait.ge [sflag:s23], $0x1  }
0xa4: {  	[sflag:s23] =	ssyncset.done $0x0  }
0xa5: {  	[sflag:s23] =	ssyncadd.s32 $0xFFFFFFFF  }
0xa6: {  	s6 =	sld [smem:$0x0]  }
0xa7: {  	s7 =	sand.u32 $0xFFFFFFFE, s1  }
0xa8: {  	p0 =	sne.s32 s1, s7  }
0xa9: {  	s7 =	sshll.u32 @p0 s7, $0xE  }
0xaa: {  	s7 =	sadd.s32 @p0 $0x11B8D, s7;
	s8 =	sshll.u32 @p0 s6, $0x11  }
0xab: {  	s7 =	sor.u32 @p0 s8, s7  }
0xac: {  	[sflag:s7] =	ssyncadd.remote.s32 @p0 $0x1;
	_ =	sdelay $0x1  }
0xad: {  	s7 =	simm.s32 @p0 $0x1B8D  }
0xae: {  	_ =	swait.eq @p0 [sflag:s7], $0x1  }
0xaf: {  	[sflag:s7] =	ssyncadd.s32 @p0 $0xFFFFFFFF  }
0xb0: {  	s8 =	sshll.u32 @!p0 s1, $0xE  }
0xb1: {  	s8 =	sor.u32 @!p0 $0x4000, s8;
	s7 =	simm.s32 @!p0 $0x1B8D  }
0xb2: {  	s6 =	sshll.u32 @!p0 s6, $0x11;
	s8 =	sadd.s32 @!p0 $0x11B8D, s8;
	_ =	swait.eq @!p0 [sflag:s7], $0x1  }
0xb3: {  	s6 =	sor.u32 @!p0 s6, s8;
	[sflag:s7] =	ssyncadd.s32 @!p0 $0xFFFFFFFF  }
0xb4: {  	s25 =	simm.s32 $0x1B8E;
	s24 =	sld [smem:$0x3FFE];
	[sflag:s6] =	ssyncadd.remote.s32 @!p0 $0x1  }
0xb5: {  	s26 =	simm.s32 $execute0_lowered;
	[smem:$0x3FD2] =	sst s25  }
0xb6: {  	s7 =	sshll.u32 s26, $0x1;
	_ =	strace $0x8000004C;
	[dreg:$0x1] =	wrdreg $0xFFFFFFFF  }
0xb7: {  	s28 =	simm.s32 $_size_execute0_lowered;
	s5 =	sadd.s32 s5, s7;
	[dreg:$0x0] =	wrdreg $0x0  }
0xb8: {  	s7 =	sshll.u32 s28, $0x1;
	[dreg:$0x2] =	wrdreg s5  }
0xb9: {  	[dreg:$0x3] =	wrdreg s7  }
0xba: {  	[dreg:$0x4] =	wrdreg $0xC0  }
0xbb: {  	_ =	task [dreg:s22], $0x5FFFF  }
0xbc: {  	[dreg:$0x1] =	wrdreg $0xFFFFFFFF  }
0xbd: {  	[dreg:$0x0] =	wrdreg $0x60  }
0xbe: {  	[dreg:$0x2] =	wrdreg s4  }
0xbf: {  	[dreg:$0x3] =	wrdreg s24  }
0xc0: {  	[dreg:$0x4] =	wrdreg s18  }
0xc1: {  	[dreg:$0x5] =	wrdreg $0x9  }
0xc2: {  	_ =	task.clear_ibuf [dreg:s22], $0x6FFFF;
	_ =	strace $0x9000004C  }
0xc3: {  	s29 =	simm.s32 $0x9;
	_ =	strace $0x8000004E  }
0xc4: {  	_ =	swait.ge [sflag:s29], $0x1  }
0xc5: {  	[sflag:s29] =	ssyncadd.s32 $0xFFFFFFFF  }
0xc6: {  	_ =	strace $0x9000004E  }
0xc7: {  	_ =	sfence  }
0xc8: {  	s30 =	sld [smem:$0x0];
	_ =	sdelay $0x2  }
0xc9: {  	s31 =	sshll.u32 s1, $0xD;
	s1 =	sshrl.u32 s1, $0x2  }
0xca: {  	s4 =	sand.u32 $0x4000, s31;
	s1 =	sadd.s32 s1, s30  }
0xcb: {  	s0 =	sor.u32 s4, s0;
	s1 =	sshll.u32 s1, $0x11  }
0xcc: {  	s0 =	sor.u32 s1, s0  }
0xcd: {  	s0 =	sadd.s32 $0x8F2B, s0  }
0xce: {  	[sflag:s0] =	ssyncadd.remote.s32 $0x1  }
0xcf: {  	_ =	sfence.sel $0xFFFF  }
0xd0: {  	[dreg:$0x0] =	wrdreg $0xFFFFFFFF;
	(pc) =	sbr.abs _section_cstart, $3  }
0xd1: {  	[dreg:$0x1] =	wrdreg $0xFFFFFFFF  }
0xd2: {  	_ =	task.clear_ibuf [dreg:s22], $0x2FFFF;
	_ =	strace $0x9FFFFFFF  }
0xd3: {  	(tm) =	ssettm $0x7FFFFFFF  }
tec
execute0_lowered:
.L_overlay_start_1:
0x0: {  	(tag) =	ssettag $0x1  }
0x1: {  	s1 =	rddreg [dreg:$0x0]  }
0x2: {  	s0 =	rddreg [dreg:$0x1]  }
0x3: {  	s2 =	srdreg.scid;
	s12 =	stileid.u32  }
0x4: {  	s4 =	rddreg [dreg:$0x2];
	s3 =	simm.s32 $0x0;
	s13 =	simm.s32 $0x9  }
0x5: {  	s14 =	simm.s32 $0x680;
	s15 =	simm.s32 $0x50;
	s16 =	simm.s32 $0xD00  }
0x6: {  	s17 =	simm.s32 $0x5D00;
	s18 =	simm.s32 $0x3500;
	s19 =	simm.s32 $0x8500  }
0x7: {  	s20 =	simm.s32 $0x1;
	s21 =	simm.s32 $0x3;
	s22 =	simm.s32 $0x5  }
0x8: {  	s23 =	simm.s32 $0x7;
	s24 =	simm.s32 $0x2;
	s28 =	simm.s32 $0x8  }
0x9: {  	s2 =	sand.u32 $0x1, s2;
	s5 =	sshll.u32 s12, $0x1;
	s12 =	smul.u32 $0xC800, s12  }
0xa: {  	s5 =	sor.u32 s2, s5;
	s7 =	ssub.s32 $0x2, s2;
	s2 =	smul.u32 $0x6400, s2  }
0xb: {  	[smem:$0x7FF] =	sst s3;
	s10 =	sadd.s32 $0x64FC00, s0;
	s6 =	smul.u32 $0x640, s5  }
0xc: {  	s31 =	simm.s32 $0x0;
	_ =	strace $0x8000004D;
	s5 =	smul.u32 $0x32000, s5  }
0xd: {  	s9 =	sshrl.u32 s7, $0x1;
	s30 =	sadd.s32 s12, s10;
	s6 =	sshrl.u32 s6, $0x3  }
0xe: {  	s11 =	ssub.s32 s7, s9;
	s5 =	sshrl.u32 s5, $0x3;
	s8 =	sadd.s32 s6, s0  }
0xf: {  	s0 =	sadd.s32 $0x717C00, s0;
	s4 =	sadd.s32 s4, s6;
	s26 =	sadd.s32 $0x5A00, s5  }
0x10: {  	s5 =	sadd.s32 $0x5F00, s5;
	s25 =	sadd.s32 $0x5E00, s8;
	[dreg:$0x5] =	wrdreg s4  }
0x11: {  	s29 =	sadd.s32 s10, s26;
	s7 =	sadd.s32 s0, s26;
	s8 =	sadd.s32 s10, s5  }
0x12: {  	s9 =	sadd.s32 s0, s5;
	s0 =	sadd.s32 s12, s0;
	s10 =	smax.u32 s11, $0x1  }
0x13: {  	s11 =	sadd.s32 s2, s30;
	s26 =	simm.s32 $0x6;
	[dreg:$0x4] =	wrdreg s25  }
0x14: {  	[dreg:$0x6] =	wrdreg s29;
	s12 =	sadd.s32 s2, s0;
	s25 =	simm.s32 $0x4  }
.LBB2_1:
0x15: {  	s0 =	rddreg [dreg:$0x4]  }
0x16: {  	[tilespmem:s3], [sflag:$0x9] =	stream.linear.gather [hbm4b:s0+s3], $0x640, $0x38;
	[tilespmem:$0xAD00] =	vst v63  }
0x17: {  	_ =	swait.ge [sflag:s13], $0x640  }
0x18: {  	[sflag:s13] =	ssyncset.done $0x0  }
0x19: {  	s4 =	rddreg [dreg:$0x5];
	[sflag:s13] =	ssyncadd.s32 $0xFFFFF9C0  }
0x1a: {  	[tilespmem:s14], [sflag:$0x9] =	stream.linear.gather [hbm4b:s4+s3], $0x640, $0x38;
	[tilespmem:$0xAD00] =	vst v63  }
0x1b: {  	_ =	swait.ge [sflag:s13], $0x640  }
0x1c: {  	[sflag:s13] =	ssyncset.done $0x0  }
0x1d: {  	[sflag:s13] =	ssyncadd.s32 $0xFFFFF9C0  }
0x1e: {  	[tilespmem:s16], [sflag:$0x1] =	stream.indirect.gather [hbm4b:s1+s15], $0x80, s3, s15, $0xb8;
	[tilespmem:$0xAD00] =	vst v63  }
0x1f: {  	_ = 	snop  }
0x20: {  	[tilespmem:s17], [sflag:$0x3] =	stream.indirect.gather [hbm4b:s1+s15], $0x80, s14, s15, $0xb8;
	[tilespmem:$0xAD00] =	vst v63  }
0x21: {  	s5 =	simm.s32 $0x50  }
0x22: {  	[tilespmem:s18], [sflag:$0x2] =	stream.indirect.gather [hbm4b:s1+s15], $0x80, s5, s15, $0xb8;
	[tilespmem:$0xAD00] =	vst v63  }
0x23: {  	s6 =	simm.s32 $0x6D0  }
0x24: {  	[tilespmem:s19], [sflag:$0x4] =	stream.indirect.gather [hbm4b:s1+s15], $0x80, s6, s15, $0xb8;
	[tilespmem:$0xAD00] =	vst v63  }
0x25: {  	_ =	swait.ge [sflag:s20], $0x2800  }
0x26: {  	[sflag:s20] =	ssyncset.done $0x0  }
0x27: {  	[sflag:s20] =	ssyncadd.s32 $0xFFFFD800  }
0x28: {  	_ =	swait.ge [sflag:s21], $0x2800  }
0x29: {  	[sflag:s21] =	ssyncset.done $0x0  }
0x2a: {  	[sflag:s21] =	ssyncadd.s32 $0xFFFFD800  }
0x2b: {  	[hbm4b:s11+s3] =	stream.linear.scatter [tilespmem:s16], [sflag:$0x5], $0x2800, $0x38;
	[tilespmem:$0xAD00] =	vst v63  }
0x2c: {  	_ = 	snop  }
0x2d: {  	[hbm4b:s12+s3] =	stream.linear.scatter [tilespmem:s17], [sflag:$0x7], $0x2800, $0x38;
	[tilespmem:$0xAD00] =	vst v63  }
0x2e: {  	_ =	swait.ge [sflag:s22], $0x2800  }
0x2f: {  	[sflag:s22] =	ssyncset.done $0x0  }
0x30: {  	[sflag:s22] =	ssyncadd.s32 $0xFFFFD800  }
0x31: {  	_ =	swait.ge [sflag:s23], $0x2800  }
0x32: {  	[sflag:s23] =	ssyncset.done $0x0  }
0x33: {  	s2 =	simm.s32 $0xA0;
	[sflag:s23] =	ssyncadd.s32 $0xFFFFD800  }
0x34: {  	[tilespmem:s16], [sflag:$0x1] =	stream.indirect.gather [hbm4b:s1+s15], $0x80, s2, s15, $0xb8;
	[tilespmem:$0xAD00] =	vst v63  }
0x35: {  	s4 =	simm.s32 $0x720  }
0x36: {  	[tilespmem:s17], [sflag:$0x3] =	stream.indirect.gather [hbm4b:s1+s15], $0x80, s4, s15, $0xb8;
	[tilespmem:$0xAD00] =	vst v63  }
0x37: {  	_ =	swait.ge [sflag:s24], $0x2800  }
0x38: {  	[sflag:s24] =	ssyncset.done $0x0  }
0x39: {  	[sflag:s24] =	ssyncadd.s32 $0xFFFFD800  }
0x3a: {  	_ =	swait.ge [sflag:s25], $0x2800  }
0x3b: {  	[sflag:s25] =	ssyncset.done $0x0  }
0x3c: {  	s5 =	sadd.s32 $0x500, s11;
	[sflag:s25] =	ssyncadd.s32 $0xFFFFD800  }
0x3d: {  	[hbm4b:s5+s3] =	stream.linear.scatter [tilespmem:s18], [sflag:$0x6], $0x2800, $0x38;
	[tilespmem:$0xAD00] =	vst v63  }
0x3e: {  	s6 =	sadd.s32 $0x500, s12  }
0x3f: {  	[hbm4b:s6+s3] =	stream.linear.scatter [tilespmem:s19], [sflag:$0x8], $0x2800, $0x38;
	[tilespmem:$0xAD00] =	vst v63  }
0x40: {  	_ =	swait.ge [sflag:s26], $0x2800  }
0x41: {  	[sflag:s26] =	ssyncset.done $0x0  }
0x42: {  	[sflag:s26] =	ssyncadd.s32 $0xFFFFD800  }
0x43: {  	s30 =	simm.s32 $0x500;
	s29 =	simm.s32 $0xA0;
	_ =	swait.ge [sflag:s28], $0x2800  }
0x44: {  	s0 =	sadd.s32 $0xA00, s11;
	s2 =	sadd.s32 $0xA00, s12;
	[sflag:s28] =	ssyncset.done $0x0  }
.LBB2_2:
0x45: {  	s6 =	sadd.s32 $0x50, s29  }
0x46: {  	[sflag:s28] =	ssyncadd.s32 $0xFFFFD800;
	s4 =	smov.u32 s30;
	s5 =	sadd.s32 $0x280, s30  }
0x47: {  	[tilespmem:s18], [sflag:$0x2] =	stream.indirect.gather [hbm4b:s1+s15], $0x80, s6, s15, $0xb8;
	[tilespmem:$0xAD00] =	vst v63  }
0x48: {  	p0 =	sne.s32 s30, $0x1400;
	s6 =	sadd.s32 $0x6D0, s29  }
0x49: {  	[tilespmem:s19], [sflag:$0x4] =	stream.indirect.gather [hbm4b:s1+s15], $0x80, s6, s15, $0xb8;
	[tilespmem:$0xAD00] =	vst v63  }
0x4a: {  	_ =	swait.ge [sflag:s20], $0x2800  }
0x4b: {  	[sflag:s20] =	ssyncset.done $0x0  }
0x4c: {  	[sflag:s20] =	ssyncadd.s32 $0xFFFFD800  }
0x4d: {  	_ =	swait.ge [sflag:s21], $0x2800  }
0x4e: {  	[sflag:s21] =	ssyncset.done $0x0  }
0x4f: {  	[sflag:s21] =	ssyncadd.s32 $0xFFFFD800  }
0x50: {  	[hbm4b:s0+s3] =	stream.linear.scatter [tilespmem:s16], [sflag:$0x5], $0x2800, $0x38;
	[tilespmem:$0xAD00] =	vst v63  }
0x51: {  	_ = 	snop  }
0x52: {  	[hbm4b:s2+s3] =	stream.linear.scatter [tilespmem:s17], [sflag:$0x7], $0x2800, $0x38;
	[tilespmem:$0xAD00] =	vst v63  }
0x53: {  	_ =	swait.ge [sflag:s22], $0x2800  }
0x54: {  	[sflag:s22] =	ssyncset.done $0x0  }
0x55: {  	[sflag:s22] =	ssyncadd.s32 $0xFFFFD800  }
0x56: {  	_ =	swait.ge [sflag:s23], $0x2800  }
0x57: {  	[sflag:s23] =	ssyncset.done $0x0  }
0x58: {  	s6 =	sadd.s32 $0xA0, s29;
	[sflag:s23] =	ssyncadd.s32 $0xFFFFD800  }
0x59: {  	[tilespmem:s16], [sflag:$0x1] =	stream.indirect.gather [hbm4b:s1+s15], $0x80, s6, s15, $0xb8;
	[tilespmem:$0xAD00] =	vst v63  }
0x5a: {  	s6 =	sadd.s32 $0x720, s29  }
0x5b: {  	[tilespmem:s17], [sflag:$0x3] =	stream.indirect.gather [hbm4b:s1+s15], $0x80, s6, s15, $0xb8;
	[tilespmem:$0xAD00] =	vst v63  }
0x5c: {  	_ =	swait.ge [sflag:s24], $0x2800  }
0x5d: {  	[sflag:s24] =	ssyncset.done $0x0  }
0x5e: {  	[sflag:s24] =	ssyncadd.s32 $0xFFFFD800  }
0x5f: {  	_ =	swait.ge [sflag:s25], $0x2800  }
0x60: {  	[sflag:s25] =	ssyncset.done $0x0  }
0x61: {  	s6 =	sadd.s32 $0x500, s0;
	[sflag:s25] =	ssyncadd.s32 $0xFFFFD800  }
0x62: {  	[hbm4b:s6+s3] =	stream.linear.scatter [tilespmem:s18], [sflag:$0x6], $0x2800, $0x38;
	[tilespmem:$0xAD00] =	vst v63  }
0x63: {  	s6 =	sadd.s32 $0x500, s2  }
0x64: {  	[hbm4b:s6+s3] =	stream.linear.scatter [tilespmem:s19], [sflag:$0x8], $0x2800, $0x38;
	[tilespmem:$0xAD00] =	vst v63  }
.Ltmp0:
0x65: {  	_ =	swait.ge [sflag:s26], $0x2800;
	(pc) =	sbr.rel @p0 .LBB2_2-.Ltmp0, $4  }
0x66: {  	[sflag:s26] =	ssyncset.done $0x0  }
0x67: {  	[sflag:s26] =	ssyncadd.s32 $0xFFFFD800  }
0x68: {  	s30 =	smov.u32 s5;
	s2 =	sadd.s32 $0xA00, s2;
	_ =	swait.ge [sflag:s28], $0x2800  }
0x69: {  	s29 =	sshra.s32 s4, $0x2;
	s0 =	sadd.s32 $0xA00, s0;
	[sflag:s28] =	ssyncset.done $0x0  }
0x6a: {  	s4 =	sadd.s32 $0x50, s29;
	[sflag:s28] =	ssyncadd.s32 $0xFFFFD800  }
0x6b: {  	[tilespmem:s18], [sflag:$0x2] =	stream.indirect.gather [hbm4b:s1+s15], $0x80, s4, s15, $0xb8;
	[tilespmem:$0xAD00] =	vst v63  }
0x6c: {  	s5 =	sadd.s32 $0x6D0, s29  }
0x6d: {  	[tilespmem:s19], [sflag:$0x4] =	stream.indirect.gather [hbm4b:s1+s15], $0x80, s5, s15, $0xb8;
	[tilespmem:$0xAD00] =	vst v63  }
0x6e: {  	_ =	swait.ge [sflag:s20], $0x2800  }
0x6f: {  	[sflag:s20] =	ssyncset.done $0x0  }
0x70: {  	[sflag:s20] =	ssyncadd.s32 $0xFFFFD800  }
0x71: {  	_ =	swait.ge [sflag:s21], $0x2800  }
0x72: {  	[sflag:s21] =	ssyncset.done $0x0  }
0x73: {  	[sflag:s21] =	ssyncadd.s32 $0xFFFFD800  }
0x74: {  	[hbm4b:s0+s3] =	stream.linear.scatter [tilespmem:s16], [sflag:$0x5], $0x2800, $0x38;
	[tilespmem:$0xAD00] =	vst v63  }
0x75: {  	_ = 	snop  }
0x76: {  	[hbm4b:s2+s3] =	stream.linear.scatter [tilespmem:s17], [sflag:$0x7], $0x2800, $0x38;
	[tilespmem:$0xAD00] =	vst v63  }
0x77: {  	_ =	swait.ge [sflag:s22], $0x2800  }
0x78: {  	[sflag:s22] =	ssyncset.done $0x0  }
0x79: {  	[sflag:s22] =	ssyncadd.s32 $0xFFFFD800  }
0x7a: {  	_ =	swait.ge [sflag:s23], $0x2800  }
0x7b: {  	[sflag:s23] =	ssyncset.done $0x0  }
0x7c: {  	s6 =	sadd.s32 $0xA0, s29;
	[sflag:s23] =	ssyncadd.s32 $0xFFFFD800  }
0x7d: {  	[tilespmem:s16], [sflag:$0x1] =	stream.indirect.gather [hbm4b:s1+s15], $0x80, s6, s15, $0xb8;
	[tilespmem:$0xAD00] =	vst v63  }
0x7e: {  	s30 =	sadd.s32 $0x720, s29  }
0x7f: {  	[tilespmem:s17], [sflag:$0x3] =	stream.indirect.gather [hbm4b:s1+s15], $0x80, s30, s15, $0xb8;
	[tilespmem:$0xAD00] =	vst v63  }
0x80: {  	_ =	swait.ge [sflag:s24], $0x2800  }
0x81: {  	[sflag:s24] =	ssyncset.done $0x0  }
0x82: {  	[sflag:s24] =	ssyncadd.s32 $0xFFFFD800  }
0x83: {  	_ =	swait.ge [sflag:s25], $0x2800  }
0x84: {  	[sflag:s25] =	ssyncset.done $0x0  }
0x85: {  	s4 =	sadd.s32 $0x500, s0;
	[sflag:s25] =	ssyncadd.s32 $0xFFFFD800  }
0x86: {  	[hbm4b:s4+s3] =	stream.linear.scatter [tilespmem:s18], [sflag:$0x6], $0x2800, $0x38;
	[tilespmem:$0xAD00] =	vst v63  }
0x87: {  	s5 =	sadd.s32 $0x500, s2  }
0x88: {  	[hbm4b:s5+s3] =	stream.linear.scatter [tilespmem:s19], [sflag:$0x8], $0x2800, $0x38;
	[tilespmem:$0xAD00] =	vst v63  }
0x89: {  	_ =	swait.ge [sflag:s26], $0x2800  }
0x8a: {  	[sflag:s26] =	ssyncset.done $0x0  }
0x8b: {  	[sflag:s26] =	ssyncadd.s32 $0xFFFFD800  }
0x8c: {  	_ =	swait.ge [sflag:s28], $0x2800  }
0x8d: {  	[sflag:s28] =	ssyncset.done $0x0  }
0x8e: {  	s6 =	simm.s32 $0x5F0;
	[sflag:s28] =	ssyncadd.s32 $0xFFFFD800  }
0x8f: {  	[tilespmem:s18], [sflag:$0x2] =	stream.indirect.gather [hbm4b:s1+s15], $0x80, s6, s15, $0xb8;
	[tilespmem:$0xAD00] =	vst v63  }
0x90: {  	s29 =	simm.s32 $0xC70  }
0x91: {  	[tilespmem:s19], [sflag:$0x4] =	stream.indirect.gather [hbm4b:s1+s15], $0x80, s29, s15, $0xb8;
	[tilespmem:$0xAD00] =	vst v63  }
0x92: {  	_ =	swait.ge [sflag:s20], $0x2800  }
0x93: {  	[sflag:s20] =	ssyncset.done $0x0  }
0x94: {  	[sflag:s20] =	ssyncadd.s32 $0xFFFFD800  }
0x95: {  	_ =	swait.ge [sflag:s21], $0x2800  }
0x96: {  	[sflag:s21] =	ssyncset.done $0x0  }
0x97: {  	s30 =	rddreg [dreg:$0x6];
	[sflag:s21] =	ssyncadd.s32 $0xFFFFD800  }
0x98: {  	[hbm4b:s30+s3] =	stream.linear.scatter [tilespmem:s16], [sflag:$0x5], $0x2800, $0x38;
	[tilespmem:$0xAD00] =	vst v63  }
0x99: {  	_ = 	snop  }
0x9a: {  	[hbm4b:s7+s3] =	stream.linear.scatter [tilespmem:s17], [sflag:$0x7], $0x2800, $0x38;
	[tilespmem:$0xAD00] =	vst v63  }
0x9b: {  	_ =	swait.ge [sflag:s22], $0x2800  }
0x9c: {  	[sflag:s22] =	ssyncset.done $0x0  }
0x9d: {  	[sflag:s22] =	ssyncadd.s32 $0xFFFFD800  }
0x9e: {  	_ =	swait.ge [sflag:s23], $0x2800  }
0x9f: {  	[sflag:s23] =	ssyncset.done $0x0  }
0xa0: {  	[sflag:s23] =	ssyncadd.s32 $0xFFFFD800  }
0xa1: {  	_ =	swait.ge [sflag:s24], $0x2800  }
0xa2: {  	[sflag:s24] =	ssyncset.done $0x0  }
0xa3: {  	[sflag:s24] =	ssyncadd.s32 $0xFFFFD800  }
0xa4: {  	_ =	swait.ge [sflag:s25], $0x2800  }
0xa5: {  	[sflag:s25] =	ssyncset.done $0x0  }
0xa6: {  	[sflag:s25] =	ssyncadd.s32 $0xFFFFD800  }
0xa7: {  	[hbm4b:s8+s3] =	stream.linear.scatter [tilespmem:s18], [sflag:$0x6], $0x2800, $0x38;
	[tilespmem:$0xAD00] =	vst v63  }
0xa8: {  	s31 =	sadd.s32 $0x1, s31  }
0xa9: {  	[hbm4b:s9+s3] =	stream.linear.scatter [tilespmem:s19], [sflag:$0x8], $0x2800, $0x38;
	[tilespmem:$0xAD00] =	vst v63  }
0xaa: {  	p0 =	sne.s32 s31, s10;
	_ =	swait.ge [sflag:s26], $0x2800  }
.Ltmp1:
0xab: {  	[sflag:s26] =	ssyncset.done $0x0;
	(pc) =	sbr.rel @p0 .LBB2_1-.Ltmp1, $4  }
0xac: {  	[sflag:s26] =	ssyncadd.s32 $0xFFFFD800  }
0xad: {  	_ =	swait.ge [sflag:s28], $0x2800  }
0xae: {  	[sflag:s28] =	ssyncset.done $0x0  }
0xaf: {  	[sflag:s28] =	ssyncadd.s32 $0xFFFFD800  }
0xb0: {  	_ =	sfence.sel $0x180000  }
0xb1: {  	[bflag:$0x0] =	sbarrier.arrive $0xFFFF  }
0xb2: {  	_ =	strace $0x9000004D  }
0xb3: {  	s0 =	stileid.u32;
	[bflag:$0x2] =	sbarrier.arrive $0xFFFF  }
0xb4: {  	p0 =	sne.s32 s0, $0x0;
	s0 =	rddreg [dreg:$0x3]  }
0xb5: {  	s0 =	sadd.s32 @!p0 $0x100000, s0  }
0xb6: {  	[sflag:s0] =	ssyncadd.tile.s32 @!p0 $0x1;
	_ =	shalt  }
.Lfunc_end2:
_tile_overlayer_lowered:
.L_overlay_start_2:
0xb7: {  	(tag) =	ssettag $0x2  }
0xb8: {  	s0 =	rddreg [dreg:$0x0];
	s2 =	stileid.u32  }
0xb9: {  	s1 =	rddreg [dreg:$0x1];
	p0 =	sne.s32 s2, $0x0  }
0xba: {  	s3 =	rddreg [dreg:$0x2];
	[bflag:$0x3] =	sbarrier.arrive $0xFFFF;
	s2 =	simm.s32 @!p0 $0x1C09  }
0xbb: {  	[timem:s3], [sflag:s2] =	dma.local @!p0 [hbm:s0], s1  }
0xbc: {  	s0 =	simm.s32 @!p0 $0x9  }
0xbd: {  	_ =	swait.ge @!p0 [sflag:s0], s1  }
0xbe: {  	s1 =	ssub.s32 @!p0 $0x0, s1;
	[sflag:s0] =	ssyncset.done @!p0 $0x0  }
0xbf: {  	[sflag:s0] =	ssyncadd.s32 @!p0 s1  }
0xc0: {  	[bflag:$0x3] =	sbarrier.arrive $0xFFFF  }
0xc1: {  	_ =	shalt  }

// kernel: kernel.22.cloned.1.call-start
scs
__scs_entry_jumppad:
0x0: {  	(pc) =	sbr.rel $0x88, $3  }
0x1: {  	(tag) =	ssettag $0x0;
	lr =	simm.s32 $0x1  }
0x2: {  	[smem:$0x3F98] =	sst lr;
	_ =	strace $0xD0000000  }
0x3: {  	_ = 	snop  }
0x4: {  	_ = 	snop  }
0x5: {  	_ = 	snop  }
0x6: {  	_ = 	snop  }
0x7: {  	_ = 	snop  }
__scs_overlays_trampoline_lowered:
0x8: {  	[smem:$0x3FA7] =	sst s0  }
0x9: {  	[smem:$0x3FA8] =	sst s1  }
0xa: {  	[smem:$0x3FA9] =	sst s2  }
0xb: {  	[smem:$0x3FAA] =	sst s3  }
0xc: {  	[smem:$0x3FAB] =	sst s4  }
0xd: {  	[smem:$0x3FAC] =	sst s5  }
0xe: {  	[smem:$0x3FAD] =	sst s6  }
0xf: {  	[smem:$0x3FAE] =	sst s7  }
0x10: {  	[smem:$0x3FAF] =	sst s8  }
0x11: {  	[smem:$0x3FB0] =	sst s9;
	s0 =	simm.s32 @!p0 $0x0  }
0x12: {  	s1 =	sld [smem:$0x3F96];
	s0 =	simm.s32 @p0 $0x1  }
0x13: {  	[smem:$0x3FB1] =	sst s0;
	s0 =	simm.s32 @!p1 $0x0  }
0x14: {  	s2 =	sld [smem:$0x3F95];
	s0 =	simm.s32 @p1 $0x1  }
0x15: {  	[smem:$0x3FB2] =	sst s0;
	s0 =	simm.s32 @!p2 $0x0  }
0x16: {  	s3 =	sld [smem:$0x3FDB];
	s0 =	simm.s32 @p2 $0x1  }
0x17: {  	s4 =	simm.s32 $0x1BF5;
	[smem:$0x3FB4] =	sst s0  }
0x18: {  	s0 =	sld [smem:$0x3F97];
	_ =	swait.ge [sflag:s4], $0x0  }
0x19: {  	s7 =	sld [smem:$0x3F98]  }
0x1a: {  	s8 =	sadd.s32 $0xFFFFE003, lr  }
0x1b: {  	s9 =	sadd.s32 $0xFFFFFEF7, lr;
	s5 =	simm.s32 $0xFFFFFFFF;
	p2 =	slt.u32 s8, $0xFFFFF086  }
0x1c: {  	p1 =	slt.u32 s9, $0xF7A;
	s5 =	simm.s32 @!p2 $0x0  }
0x1d: {  	s5 =	simm.s32 @p1 $0x1;
	p0 =	seq.s32 s7, s2  }
0x1e: {  	s7 =	smul.u32 @!p0 $0xF7A, s2;
	p2 =	seq.s32 @!p0 s5, $0x0  }
0x1f: {  	s9 =	smul.u32 $0xF7A, s1;
	s8 =	simm.s32 @!p0 $0x1BF5;
	p2 =	por !p2, p0  }
0x20: {  	[sflag:s8] =	ssyncset.s32 @!p0 $0xFFFFF086;
	s6 =	sadd.s32 @!p0 s3, s7;
	s7 =	simm.s32 @!p0 $0x108  }
0x21: {  	s3 =	sadd.s32 s3, s9;
	s6 =	sadd.s32 @!p0 $0x88, s6;
	s7 =	simm.s32 @p2 $0x1082  }
0x22: {  	[simem:s7], [sflag:s8] =	dma.local @!p0 [hbm:s6], $0xF7A  }
0x23: {  	s9 =	sor.u32 $0xD0000000, s2;
	s6 =	simm.s32 $0x108;
	_ =	swait.ge @!p0 [sflag:s8], $0x0  }
0x24: {  	s3 =	sadd.s32 $0x88, s3;
	s6 =	simm.s32 @!p1 $0x1082;
	[sflag:s4] =	ssyncset.s32 $0xFFFFF086  }
0x25: {  	[simem:s6], [sflag:s4] =	dma.local [hbm:s3], $0xF7A  }
0x26: {  	[smem:$0x3F98] =	sst s1;
	(tag) =	ssettag s2;
	_ =	strace s9  }
0x27: {  	s1 =	sld [smem:$0x3FA8]  }
0x28: {  	s2 =	sld [smem:$0x3FA9]  }
0x29: {  	s4 =	sld [smem:$0x3FAB]  }
0x2a: {  	p0 =	seq.s32 s5, $0x0;
	s5 =	sld [smem:$0x3FAC]  }
0x2b: {  	s6 =	sld [smem:$0x3FAD]  }
0x2c: {  	s7 =	sld [smem:$0x3FAE]  }
0x2d: {  	s3 =	simm.s32 $0x108;
	s8 =	sld [smem:$0x3FAF]  }
0x2e: {  	s3 =	simm.s32 @!p0 $0x1082;
	s9 =	sld [smem:$0x3FB0]  }
0x2f: {  	lr =	sadd.s32 s0, s3;
	s0 =	sld [smem:$0x3FA7]  }
0x30: {  	s3 =	sld [smem:$0x3FAA]  }
0x31: {  	[smem:$0x3FB3] =	sst s10  }
0x32: {  	s10 =	sld [smem:$0x3FB1];
	_ =	sdelay $0x3  }
0x33: {  	p0 =	seq.s32 s10, $0x1;
	s10 =	sld [smem:$0x3FB3];
	_ =	sdelay $0x3  }
0x34: {  	[smem:$0x3FB3] =	sst s10  }
0x35: {  	s10 =	sld [smem:$0x3FB2];
	_ =	sdelay $0x3  }
0x36: {  	p1 =	seq.s32 s10, $0x1;
	s10 =	sld [smem:$0x3FB3];
	_ =	sdelay $0x3  }
0x37: {  	[smem:$0x3FB3] =	sst s10  }
0x38: {  	s10 =	sld [smem:$0x3FB4]  }
0x39: {  	_ = 	snop;
	(pc) =	sbr.ind lr, $3  }
0x3a: {  	_ = 	snop  }
0x3b: {  	_ = 	snop  }
0x3c: {  	p2 =	seq.s32 s10, $0x1;
	s10 =	sld [smem:$0x3FB3]  }
0x3d: {  	_ =	shalt  }
0x3e: {  	_ =	shalt  }
0x3f: {  	_ =	shalt  }
0x40: {  	_ =	shalt  }
0x41: {  	_ =	shalt  }
0x42: {  	_ =	shalt  }
0x43: {  	_ =	shalt  }
0x44: {  	_ =	shalt  }
0x45: {  	_ =	shalt  }
0x46: {  	_ =	shalt  }
0x47: {  	_ =	shalt  }
0x48: {  	_ =	shalt  }
0x49: {  	_ =	shalt  }
0x4a: {  	_ =	shalt  }
0x4b: {  	_ =	shalt  }
0x4c: {  	_ =	shalt  }
0x4d: {  	_ =	shalt  }
0x4e: {  	_ =	shalt  }
0x4f: {  	_ =	shalt  }
0x50: {  	_ =	shalt  }
0x51: {  	_ =	shalt  }
0x52: {  	_ =	shalt  }
0x53: {  	_ =	shalt  }
0x54: {  	_ =	shalt  }
0x55: {  	_ =	shalt  }
0x56: {  	_ =	shalt  }
0x57: {  	_ =	shalt  }
0x58: {  	_ =	shalt  }
0x59: {  	_ =	shalt  }
0x5a: {  	_ =	shalt  }
0x5b: {  	_ =	shalt  }
0x5c: {  	_ =	shalt  }
0x5d: {  	_ =	shalt  }
0x5e: {  	_ =	shalt  }
0x5f: {  	_ =	shalt  }
0x60: {  	_ =	shalt  }
0x61: {  	_ =	shalt  }
0x62: {  	_ =	shalt  }
0x63: {  	_ =	shalt  }
0x64: {  	_ =	shalt  }
0x65: {  	_ =	shalt  }
0x66: {  	_ =	shalt  }
0x67: {  	_ =	shalt  }
0x68: {  	_ =	shalt  }
0x69: {  	_ =	shalt  }
0x6a: {  	_ =	shalt  }
0x6b: {  	_ =	shalt  }
0x6c: {  	_ =	shalt  }
0x6d: {  	_ =	shalt  }
0x6e: {  	_ =	shalt  }
0x6f: {  	_ =	shalt  }
0x70: {  	_ =	shalt  }
0x71: {  	_ =	shalt  }
0x72: {  	_ =	shalt  }
0x73: {  	_ =	shalt  }
0x74: {  	_ =	shalt  }
0x75: {  	_ =	shalt  }
0x76: {  	_ =	shalt  }
0x77: {  	_ =	shalt  }
0x78: {  	_ =	shalt  }
0x79: {  	_ =	shalt  }
0x7a: {  	_ =	shalt  }
0x7b: {  	_ =	shalt  }
0x7c: {  	_ =	shalt  }
0x7d: {  	_ =	shalt  }
0x7e: {  	_ =	shalt  }
0x7f: {  	_ =	shalt  }
0x80: {  	_ =	shalt  }
0x81: {  	_ =	shalt  }
0x82: {  	_ =	shalt  }
0x83: {  	_ =	shalt  }
0x84: {  	_ =	shalt  }
0x85: {  	_ =	shalt  }
0x86: {  	_ =	shalt  }
0x87: {  	_ =	shalt  }
.Lfunc_end0:
.L_simem_size_0:
called_computation.1_lowered:
.L_overlay_start_0:
0x88: {  	s2 =	sld [smem:$0x3FD9]  }
0x89: {  	s3 =	sld [smem:$0x3FFE];
	_ =	sdelay $0x1  }
0x8a: {  	s1 =	srdreg.scid  }
0x8b: {  	s0 =	sand.u32 $0x1, s1  }
0x8c: {  	s17 =	sshll.u32 s0, $0xA;
	s2 =	sadd.s32 s3, s2  }
0x8d: {  	s2 =	sadd.s32 s2, s17  }
0x8e: {  	[smem:$0x3FBF] =	sst s2  }
0x8f: {  	_ = 	snop  }
0x90: {  	s2 =	sld [smem:$0x3FC9]  }
0x91: {  	s18 =	sld [smem:$0x3FD0];
	(tm) =	ssettm $0x1  }
0x92: {  	s4 =	sld [smem:$0x3FFB];
	_ =	sdelay $0x3  }
0x93: {  	_ =	strace s4  }
0x94: {  	s4 =	sld [smem:$0x3FFC];
	_ =	sdelay $0x3  }
0x95: {  	_ =	strace s4  }
0x96: {  	s4 =	sld [smem:$0x3FFD];
	_ =	sdelay $0x3  }
0x97: {  	_ =	strace s4  }
0x98: {  	_ =	strace $0x8FFFFFFF  }
0x99: {  	s19 =	sld [smem:$0x3FDB];
	_ =	sdelay $0x1  }
0x9a: {  	s5 =	simm.s32 $_scs_section_size  }
0x9b: {  	s6 =	simm.s32 $_size__tile_overlayer_lowered;
	s7 =	simm.s32 $_tile_overlayer_lowered  }
0x9c: {  	s22 =	simm.s32 $0x1BFF;
	s21 =	sshll.u32 s7, $0x1;
	s4 =	sadd.s32 s5, s19  }
0x9d: {  	s8 =	simm.s32 $0x0;
	s20 =	sshll.u32 s6, $0x1;
	s6 =	sadd.s32 s21, s4  }
0x9e: {  	[timem:s8], [sflag:s22] =	dma.local [hbm:s6], s20  }
0x9f: {  	_ =	swait.ge [sflag:s22], s20  }
0xa0: {  	s5 =	ssub.s32 $0x0, s20;
	[sflag:s22] =	ssyncset.done $0x0  }
0xa1: {  	[sflag:s22] =	ssyncadd.s32 s5;
	_ =	sdelay $0x1  }
0xa2: {  	s23 =	simm.s32 $0x1B8B  }
0xa3: {  	_ =	swait.ge [sflag:s23], $0x1  }
0xa4: {  	[sflag:s23] =	ssyncset.done $0x0  }
0xa5: {  	s25 =	simm.s32 $0x1B8E;
	s24 =	sld [smem:$0x3FFE];
	[sflag:s23] =	ssyncadd.s32 $0xFFFFFFFF  }
0xa6: {  	s26 =	simm.s32 $execute0_lowered;
	[smem:$0x3FD2] =	sst s25  }
0xa7: {  	s6 =	sshll.u32 s26, $0x1;
	_ =	strace $0x80000046;
	[dreg:$0x1] =	wrdreg $0xFFFFFFFF  }
0xa8: {  	s28 =	simm.s32 $_size_execute0_lowered;
	s4 =	sadd.s32 s4, s6;
	[dreg:$0x0] =	wrdreg $0x0  }
0xa9: {  	s6 =	sshll.u32 s28, $0x1;
	[dreg:$0x2] =	wrdreg s4  }
0xaa: {  	[dreg:$0x3] =	wrdreg s6  }
0xab: {  	[dreg:$0x4] =	wrdreg $0xC0  }
0xac: {  	_ =	task [dreg:s8], $0x5FFFF  }
0xad: {  	[dreg:$0x1] =	wrdreg $0xFFFFFFFF  }
0xae: {  	[dreg:$0x0] =	wrdreg $0x60  }
0xaf: {  	[dreg:$0x2] =	wrdreg s2  }
0xb0: {  	[dreg:$0x3] =	wrdreg s24  }
0xb1: {  	[dreg:$0x4] =	wrdreg s18  }
0xb2: {  	[dreg:$0x5] =	wrdreg $0xA  }
0xb3: {  	_ =	task.clear_ibuf [dreg:s8], $0x6FFFF;
	_ =	strace $0x90000046  }
0xb4: {  	s29 =	simm.s32 $0xA;
	_ =	strace $0x80000048  }
0xb5: {  	_ =	swait.ge [sflag:s29], $0x1  }
0xb6: {  	[sflag:s29] =	ssyncadd.s32 $0xFFFFFFFF  }
0xb7: {  	_ =	strace $0x90000048  }
0xb8: {  	_ =	sfence  }
0xb9: {  	s30 =	sld [smem:$0x0];
	_ =	sdelay $0x2  }
0xba: {  	s31 =	sshll.u32 s1, $0xD;
	s1 =	sshrl.u32 s1, $0x2  }
0xbb: {  	s3 =	sand.u32 $0x4000, s31;
	s1 =	sadd.s32 s1, s30  }
0xbc: {  	s0 =	sor.u32 s3, s0;
	s1 =	sshll.u32 s1, $0x11  }
0xbd: {  	s0 =	sor.u32 s1, s0  }
0xbe: {  	s0 =	sadd.s32 $0x8F2B, s0  }
0xbf: {  	[sflag:s0] =	ssyncadd.remote.s32 $0x1  }
0xc0: {  	_ =	sfence.sel $0xFFFF  }
0xc1: {  	[dreg:$0x0] =	wrdreg $0xFFFFFFFF;
	(pc) =	sbr.abs _section_cstart, $3  }
0xc2: {  	[dreg:$0x1] =	wrdreg $0xFFFFFFFF  }
0xc3: {  	_ =	task.clear_ibuf [dreg:s8], $0x2FFFF;
	_ =	strace $0x9FFFFFFF  }
0xc4: {  	(tm) =	ssettm $0x7FFFFFFF  }
0xc5: {  	_ =	shalt  }
tec
execute0_lowered:
.L_overlay_start_1:
0x0: {  	(tag) =	ssettag $0x1  }
0x1: {  	s1 =	rddreg [dreg:$0x0]  }
0x2: {  	s0 =	srdreg.scid;
	s2 =	rddreg [dreg:$0x1]  }
0x3: {  	s12 =	stileid.u32;
	s4 =	rddreg [dreg:$0x2]  }
0x4: {  	s13 =	simm.s32 $0x9;
	s14 =	simm.s32 $0xC80;
	s15 =	simm.s32 $0x50  }
0x5: {  	s16 =	simm.s32 $0x1900;
	s17 =	simm.s32 $0x6900;
	s18 =	simm.s32 $0x4100  }
0x6: {  	s19 =	simm.s32 $0x9100;
	s20 =	simm.s32 $0x1;
	s21 =	simm.s32 $0x3  }
0x7: {  	s22 =	simm.s32 $0x5;
	s23 =	simm.s32 $0x7;
	s24 =	simm.s32 $0x2  }
0x8: {  	s0 =	sand.u32 $0x1, s0;
	s3 =	sshll.u32 s12, $0x1;
	s12 =	smul.u32 $0x19000, s12  }
0x9: {  	s5 =	sor.u32 s0, s3;
	s7 =	ssub.s32 $0x2, s0;
	s0 =	smul.u32 $0xC800, s0  }
0xa: {  	s28 =	simm.s32 $0x8;
	s31 =	simm.s32 $0x0;
	s6 =	smul.u32 $0xC80, s5  }
0xb: {  	s10 =	sadd.s32 $0xFC00, s2;
	s3 =	simm.s32 $0x0;
	s5 =	smul.u32 $0x64000, s5  }
0xc: {  	[smem:$0x7FF] =	sst s3;
	s9 =	sshrl.u32 s7, $0x1;
	s30 =	sadd.s32 s12, s10  }
0xd: {  	_ =	strace $0x80000047;
	s6 =	sshrl.u32 s6, $0x3;
	s5 =	sshrl.u32 s5, $0x3  }
0xe: {  	s11 =	ssub.s32 s7, s9;
	s6 =	sadd.s32 $0x1900, s6;
	s26 =	sadd.s32 $0xBE00, s5  }
0xf: {  	s5 =	sadd.s32 $0xC300, s5;
	s8 =	sadd.s32 s6, s2;
	s4 =	sadd.s32 s4, s6  }
0x10: {  	s2 =	sadd.s32 $0x19FC00, s2;
	s29 =	sadd.s32 s10, s26;
	[dreg:$0x5] =	wrdreg s4  }
0x11: {  	s25 =	sadd.s32 $0x5E00, s8;
	[dreg:$0x6] =	wrdreg s29;
	s7 =	sadd.s32 s2, s26  }
0x12: {  	s8 =	sadd.s32 s10, s5;
	s9 =	sadd.s32 s2, s5;
	s2 =	sadd.s32 s12, s2  }
0x13: {  	s10 =	smax.u32 s11, $0x1;
	s11 =	sadd.s32 s0, s30;
	s26 =	simm.s32 $0x6  }
0x14: {  	[dreg:$0x4] =	wrdreg s25;
	s12 =	sadd.s32 s0, s2;
	s25 =	simm.s32 $0x4  }
.LBB2_1:
0x15: {  	s0 =	rddreg [dreg:$0x4]  }
0x16: {  	[tilespmem:s3], [sflag:$0x9] =	stream.linear.gather [hbm4b:s0+s3], $0xC80, $0x38;
	[tilespmem:$0xB900] =	vst v63  }
0x17: {  	_ =	swait.ge [sflag:s13], $0xC80  }
0x18: {  	[sflag:s13] =	ssyncset.done $0x0  }
0x19: {  	s4 =	rddreg [dreg:$0x5];
	[sflag:s13] =	ssyncadd.s32 $0xFFFFF380  }
0x1a: {  	[tilespmem:s14], [sflag:$0x9] =	stream.linear.gather [hbm4b:s4+s3], $0xC80, $0x38;
	[tilespmem:$0xB900] =	vst v63  }
0x1b: {  	_ =	swait.ge [sflag:s13], $0xC80  }
0x1c: {  	[sflag:s13] =	ssyncset.done $0x0  }
0x1d: {  	[sflag:s13] =	ssyncadd.s32 $0xFFFFF380  }
0x1e: {  	[tilespmem:s16], [sflag:$0x1] =	stream.indirect.gather [hbm4b:s1+s15], $0x80, s3, s15, $0xb8;
	[tilespmem:$0xB900] =	vst v63  }
0x1f: {  	_ = 	snop  }
0x20: {  	[tilespmem:s17], [sflag:$0x3] =	stream.indirect.gather [hbm4b:s1+s15], $0x80, s14, s15, $0xb8;
	[tilespmem:$0xB900] =	vst v63  }
0x21: {  	s5 =	simm.s32 $0x50  }
0x22: {  	[tilespmem:s18], [sflag:$0x2] =	stream.indirect.gather [hbm4b:s1+s15], $0x80, s5, s15, $0xb8;
	[tilespmem:$0xB900] =	vst v63  }
0x23: {  	s6 =	simm.s32 $0xCD0  }
0x24: {  	[tilespmem:s19], [sflag:$0x4] =	stream.indirect.gather [hbm4b:s1+s15], $0x80, s6, s15, $0xb8;
	[tilespmem:$0xB900] =	vst v63  }
0x25: {  	_ =	swait.ge [sflag:s20], $0x2800  }
0x26: {  	[sflag:s20] =	ssyncset.done $0x0  }
0x27: {  	[sflag:s20] =	ssyncadd.s32 $0xFFFFD800  }
0x28: {  	_ =	swait.ge [sflag:s21], $0x2800  }
0x29: {  	[sflag:s21] =	ssyncset.done $0x0  }
0x2a: {  	[sflag:s21] =	ssyncadd.s32 $0xFFFFD800  }
0x2b: {  	[hbm4b:s11+s3] =	stream.linear.scatter [tilespmem:s16], [sflag:$0x5], $0x2800, $0x38;
	[tilespmem:$0xB900] =	vst v63  }
0x2c: {  	_ = 	snop  }
0x2d: {  	[hbm4b:s12+s3] =	stream.linear.scatter [tilespmem:s17], [sflag:$0x7], $0x2800, $0x38;
	[tilespmem:$0xB900] =	vst v63  }
0x2e: {  	_ =	swait.ge [sflag:s22], $0x2800  }
0x2f: {  	[sflag:s22] =	ssyncset.done $0x0  }
0x30: {  	[sflag:s22] =	ssyncadd.s32 $0xFFFFD800  }
0x31: {  	_ =	swait.ge [sflag:s23], $0x2800  }
0x32: {  	[sflag:s23] =	ssyncset.done $0x0  }
0x33: {  	s2 =	simm.s32 $0xA0;
	[sflag:s23] =	ssyncadd.s32 $0xFFFFD800  }
0x34: {  	[tilespmem:s16], [sflag:$0x1] =	stream.indirect.gather [hbm4b:s1+s15], $0x80, s2, s15, $0xb8;
	[tilespmem:$0xB900] =	vst v63  }
0x35: {  	s4 =	simm.s32 $0xD20  }
0x36: {  	[tilespmem:s17], [sflag:$0x3] =	stream.indirect.gather [hbm4b:s1+s15], $0x80, s4, s15, $0xb8;
	[tilespmem:$0xB900] =	vst v63  }
0x37: {  	_ =	swait.ge [sflag:s24], $0x2800  }
0x38: {  	[sflag:s24] =	ssyncset.done $0x0  }
0x39: {  	[sflag:s24] =	ssyncadd.s32 $0xFFFFD800  }
0x3a: {  	_ =	swait.ge [sflag:s25], $0x2800  }
0x3b: {  	[sflag:s25] =	ssyncset.done $0x0  }
0x3c: {  	s5 =	sadd.s32 $0x500, s11;
	[sflag:s25] =	ssyncadd.s32 $0xFFFFD800  }
0x3d: {  	[hbm4b:s5+s3] =	stream.linear.scatter [tilespmem:s18], [sflag:$0x6], $0x2800, $0x38;
	[tilespmem:$0xB900] =	vst v63  }
0x3e: {  	s6 =	sadd.s32 $0x500, s12  }
0x3f: {  	[hbm4b:s6+s3] =	stream.linear.scatter [tilespmem:s19], [sflag:$0x8], $0x2800, $0x38;
	[tilespmem:$0xB900] =	vst v63  }
0x40: {  	_ =	swait.ge [sflag:s26], $0x2800  }
0x41: {  	[sflag:s26] =	ssyncset.done $0x0  }
0x42: {  	[sflag:s26] =	ssyncadd.s32 $0xFFFFD800  }
0x43: {  	s30 =	simm.s32 $0x500;
	s29 =	simm.s32 $0xA0;
	_ =	swait.ge [sflag:s28], $0x2800  }
0x44: {  	s0 =	sadd.s32 $0xA00, s11;
	s2 =	sadd.s32 $0xA00, s12;
	[sflag:s28] =	ssyncset.done $0x0  }
.LBB2_2:
0x45: {  	s6 =	sadd.s32 $0x50, s29  }
0x46: {  	[sflag:s28] =	ssyncadd.s32 $0xFFFFD800;
	s4 =	smov.u32 s30;
	s5 =	sadd.s32 $0x280, s30  }
0x47: {  	[tilespmem:s18], [sflag:$0x2] =	stream.indirect.gather [hbm4b:s1+s15], $0x80, s6, s15, $0xb8;
	[tilespmem:$0xB900] =	vst v63  }
0x48: {  	p0 =	sne.s32 s30, $0x2D00;
	s6 =	sadd.s32 $0xCD0, s29  }
0x49: {  	[tilespmem:s19], [sflag:$0x4] =	stream.indirect.gather [hbm4b:s1+s15], $0x80, s6, s15, $0xb8;
	[tilespmem:$0xB900] =	vst v63  }
0x4a: {  	_ =	swait.ge [sflag:s20], $0x2800  }
0x4b: {  	[sflag:s20] =	ssyncset.done $0x0  }
0x4c: {  	[sflag:s20] =	ssyncadd.s32 $0xFFFFD800  }
0x4d: {  	_ =	swait.ge [sflag:s21], $0x2800  }
0x4e: {  	[sflag:s21] =	ssyncset.done $0x0  }
0x4f: {  	[sflag:s21] =	ssyncadd.s32 $0xFFFFD800  }
0x50: {  	[hbm4b:s0+s3] =	stream.linear.scatter [tilespmem:s16], [sflag:$0x5], $0x2800, $0x38;
	[tilespmem:$0xB900] =	vst v63  }
0x51: {  	_ = 	snop  }
0x52: {  	[hbm4b:s2+s3] =	stream.linear.scatter [tilespmem:s17], [sflag:$0x7], $0x2800, $0x38;
	[tilespmem:$0xB900] =	vst v63  }
0x53: {  	_ =	swait.ge [sflag:s22], $0x2800  }
0x54: {  	[sflag:s22] =	ssyncset.done $0x0  }
0x55: {  	[sflag:s22] =	ssyncadd.s32 $0xFFFFD800  }
0x56: {  	_ =	swait.ge [sflag:s23], $0x2800  }
0x57: {  	[sflag:s23] =	ssyncset.done $0x0  }
0x58: {  	s6 =	sadd.s32 $0xA0, s29;
	[sflag:s23] =	ssyncadd.s32 $0xFFFFD800  }
0x59: {  	[tilespmem:s16], [sflag:$0x1] =	stream.indirect.gather [hbm4b:s1+s15], $0x80, s6, s15, $0xb8;
	[tilespmem:$0xB900] =	vst v63  }
0x5a: {  	s6 =	sadd.s32 $0xD20, s29  }
0x5b: {  	[tilespmem:s17], [sflag:$0x3] =	stream.indirect.gather [hbm4b:s1+s15], $0x80, s6, s15, $0xb8;
	[tilespmem:$0xB900] =	vst v63  }
0x5c: {  	_ =	swait.ge [sflag:s24], $0x2800  }
0x5d: {  	[sflag:s24] =	ssyncset.done $0x0  }
0x5e: {  	[sflag:s24] =	ssyncadd.s32 $0xFFFFD800  }
0x5f: {  	_ =	swait.ge [sflag:s25], $0x2800  }
0x60: {  	[sflag:s25] =	ssyncset.done $0x0  }
0x61: {  	s6 =	sadd.s32 $0x500, s0;
	[sflag:s25] =	ssyncadd.s32 $0xFFFFD800  }
0x62: {  	[hbm4b:s6+s3] =	stream.linear.scatter [tilespmem:s18], [sflag:$0x6], $0x2800, $0x38;
	[tilespmem:$0xB900] =	vst v63  }
0x63: {  	s6 =	sadd.s32 $0x500, s2  }
0x64: {  	[hbm4b:s6+s3] =	stream.linear.scatter [tilespmem:s19], [sflag:$0x8], $0x2800, $0x38;
	[tilespmem:$0xB900] =	vst v63  }
.Ltmp0:
0x65: {  	_ =	swait.ge [sflag:s26], $0x2800;
	(pc) =	sbr.rel @p0 .LBB2_2-.Ltmp0, $4  }
0x66: {  	[sflag:s26] =	ssyncset.done $0x0  }
0x67: {  	[sflag:s26] =	ssyncadd.s32 $0xFFFFD800  }
0x68: {  	s30 =	smov.u32 s5;
	s2 =	sadd.s32 $0xA00, s2;
	_ =	swait.ge [sflag:s28], $0x2800  }
0x69: {  	s29 =	sshra.s32 s4, $0x2;
	s0 =	sadd.s32 $0xA00, s0;
	[sflag:s28] =	ssyncset.done $0x0  }
0x6a: {  	s4 =	sadd.s32 $0x50, s29;
	[sflag:s28] =	ssyncadd.s32 $0xFFFFD800  }
0x6b: {  	[tilespmem:s18], [sflag:$0x2] =	stream.indirect.gather [hbm4b:s1+s15], $0x80, s4, s15, $0xb8;
	[tilespmem:$0xB900] =	vst v63  }
0x6c: {  	s5 =	sadd.s32 $0xCD0, s29  }
0x6d: {  	[tilespmem:s19], [sflag:$0x4] =	stream.indirect.gather [hbm4b:s1+s15], $0x80, s5, s15, $0xb8;
	[tilespmem:$0xB900] =	vst v63  }
0x6e: {  	_ =	swait.ge [sflag:s20], $0x2800  }
0x6f: {  	[sflag:s20] =	ssyncset.done $0x0  }
0x70: {  	[sflag:s20] =	ssyncadd.s32 $0xFFFFD800  }
0x71: {  	_ =	swait.ge [sflag:s21], $0x2800  }
0x72: {  	[sflag:s21] =	ssyncset.done $0x0  }
0x73: {  	[sflag:s21] =	ssyncadd.s32 $0xFFFFD800  }
0x74: {  	[hbm4b:s0+s3] =	stream.linear.scatter [tilespmem:s16], [sflag:$0x5], $0x2800, $0x38;
	[tilespmem:$0xB900] =	vst v63  }
0x75: {  	_ = 	snop  }
0x76: {  	[hbm4b:s2+s3] =	stream.linear.scatter [tilespmem:s17], [sflag:$0x7], $0x2800, $0x38;
	[tilespmem:$0xB900] =	vst v63  }
0x77: {  	_ =	swait.ge [sflag:s22], $0x2800  }
0x78: {  	[sflag:s22] =	ssyncset.done $0x0  }
0x79: {  	[sflag:s22] =	ssyncadd.s32 $0xFFFFD800  }
0x7a: {  	_ =	swait.ge [sflag:s23], $0x2800  }
0x7b: {  	[sflag:s23] =	ssyncset.done $0x0  }
0x7c: {  	s6 =	sadd.s32 $0xA0, s29;
	[sflag:s23] =	ssyncadd.s32 $0xFFFFD800  }
0x7d: {  	[tilespmem:s16], [sflag:$0x1] =	stream.indirect.gather [hbm4b:s1+s15], $0x80, s6, s15, $0xb8;
	[tilespmem:$0xB900] =	vst v63  }
0x7e: {  	s30 =	sadd.s32 $0xD20, s29  }
0x7f: {  	[tilespmem:s17], [sflag:$0x3] =	stream.indirect.gather [hbm4b:s1+s15], $0x80, s30, s15, $0xb8;
	[tilespmem:$0xB900] =	vst v63  }
0x80: {  	_ =	swait.ge [sflag:s24], $0x2800  }
0x81: {  	[sflag:s24] =	ssyncset.done $0x0  }
0x82: {  	[sflag:s24] =	ssyncadd.s32 $0xFFFFD800  }
0x83: {  	_ =	swait.ge [sflag:s25], $0x2800  }
0x84: {  	[sflag:s25] =	ssyncset.done $0x0  }
0x85: {  	s4 =	sadd.s32 $0x500, s0;
	[sflag:s25] =	ssyncadd.s32 $0xFFFFD800  }
0x86: {  	[hbm4b:s4+s3] =	stream.linear.scatter [tilespmem:s18], [sflag:$0x6], $0x2800, $0x38;
	[tilespmem:$0xB900] =	vst v63  }
0x87: {  	s5 =	sadd.s32 $0x500, s2  }
0x88: {  	[hbm4b:s5+s3] =	stream.linear.scatter [tilespmem:s19], [sflag:$0x8], $0x2800, $0x38;
	[tilespmem:$0xB900] =	vst v63  }
0x89: {  	_ =	swait.ge [sflag:s26], $0x2800  }
0x8a: {  	[sflag:s26] =	ssyncset.done $0x0  }
0x8b: {  	[sflag:s26] =	ssyncadd.s32 $0xFFFFD800  }
0x8c: {  	_ =	swait.ge [sflag:s28], $0x2800  }
0x8d: {  	[sflag:s28] =	ssyncset.done $0x0  }
0x8e: {  	s6 =	simm.s32 $0xC30;
	[sflag:s28] =	ssyncadd.s32 $0xFFFFD800  }
0x8f: {  	[tilespmem:s18], [sflag:$0x2] =	stream.indirect.gather [hbm4b:s1+s15], $0x80, s6, s15, $0xb8;
	[tilespmem:$0xB900] =	vst v63  }
0x90: {  	s29 =	simm.s32 $0x18B0  }
0x91: {  	[tilespmem:s19], [sflag:$0x4] =	stream.indirect.gather [hbm4b:s1+s15], $0x80, s29, s15, $0xb8;
	[tilespmem:$0xB900] =	vst v63  }
0x92: {  	_ =	swait.ge [sflag:s20], $0x2800  }
0x93: {  	[sflag:s20] =	ssyncset.done $0x0  }
0x94: {  	[sflag:s20] =	ssyncadd.s32 $0xFFFFD800  }
0x95: {  	_ =	swait.ge [sflag:s21], $0x2800  }
0x96: {  	[sflag:s21] =	ssyncset.done $0x0  }
0x97: {  	s30 =	rddreg [dreg:$0x6];
	[sflag:s21] =	ssyncadd.s32 $0xFFFFD800  }
0x98: {  	[hbm4b:s30+s3] =	stream.linear.scatter [tilespmem:s16], [sflag:$0x5], $0x2800, $0x38;
	[tilespmem:$0xB900] =	vst v63  }
0x99: {  	_ = 	snop  }
0x9a: {  	[hbm4b:s7+s3] =	stream.linear.scatter [tilespmem:s17], [sflag:$0x7], $0x2800, $0x38;
	[tilespmem:$0xB900] =	vst v63  }
0x9b: {  	_ =	swait.ge [sflag:s22], $0x2800  }
0x9c: {  	[sflag:s22] =	ssyncset.done $0x0  }
0x9d: {  	[sflag:s22] =	ssyncadd.s32 $0xFFFFD800  }
0x9e: {  	_ =	swait.ge [sflag:s23], $0x2800  }
0x9f: {  	[sflag:s23] =	ssyncset.done $0x0  }
0xa0: {  	[sflag:s23] =	ssyncadd.s32 $0xFFFFD800  }
0xa1: {  	_ =	swait.ge [sflag:s24], $0x2800  }
0xa2: {  	[sflag:s24] =	ssyncset.done $0x0  }
0xa3: {  	[sflag:s24] =	ssyncadd.s32 $0xFFFFD800  }
0xa4: {  	_ =	swait.ge [sflag:s25], $0x2800  }
0xa5: {  	[sflag:s25] =	ssyncset.done $0x0  }
0xa6: {  	[sflag:s25] =	ssyncadd.s32 $0xFFFFD800  }
0xa7: {  	[hbm4b:s8+s3] =	stream.linear.scatter [tilespmem:s18], [sflag:$0x6], $0x2800, $0x38;
	[tilespmem:$0xB900] =	vst v63  }
0xa8: {  	s31 =	sadd.s32 $0x1, s31  }
0xa9: {  	[hbm4b:s9+s3] =	stream.linear.scatter [tilespmem:s19], [sflag:$0x8], $0x2800, $0x38;
	[tilespmem:$0xB900] =	vst v63  }
0xaa: {  	p0 =	sne.s32 s31, s10;
	_ =	swait.ge [sflag:s26], $0x2800  }
.Ltmp1:
0xab: {  	[sflag:s26] =	ssyncset.done $0x0;
	(pc) =	sbr.rel @p0 .LBB2_1-.Ltmp1, $4  }
0xac: {  	[sflag:s26] =	ssyncadd.s32 $0xFFFFD800  }
0xad: {  	_ =	swait.ge [sflag:s28], $0x2800  }
0xae: {  	[sflag:s28] =	ssyncset.done $0x0  }
0xaf: {  	[sflag:s28] =	ssyncadd.s32 $0xFFFFD800  }
0xb0: {  	_ =	sfence.sel $0x180000  }
0xb1: {  	[bflag:$0x0] =	sbarrier.arrive $0xFFFF  }
0xb2: {  	_ =	strace $0x90000047  }
0xb3: {  	s0 =	stileid.u32;
	[bflag:$0x2] =	sbarrier.arrive $0xFFFF  }
0xb4: {  	p0 =	sne.s32 s0, $0x0;
	s0 =	rddreg [dreg:$0x3]  }
0xb5: {  	s0 =	sadd.s32 @!p0 $0x100000, s0  }
0xb6: {  	[sflag:s0] =	ssyncadd.tile.s32 @!p0 $0x1;
	_ =	shalt  }
.Lfunc_end2:
_tile_overlayer_lowered:
.L_overlay_start_2:
0xb7: {  	(tag) =	ssettag $0x2  }
0xb8: {  	s0 =	rddreg [dreg:$0x0];
	s2 =	stileid.u32  }
0xb9: {  	s1 =	rddreg [dreg:$0x1];
	p0 =	sne.s32 s2, $0x0  }
0xba: {  	s3 =	rddreg [dreg:$0x2];
	[bflag:$0x3] =	sbarrier.arrive $0xFFFF;
	s2 =	simm.s32 @!p0 $0x1C09  }
0xbb: {  	[timem:s3], [sflag:s2] =	dma.local @!p0 [hbm:s0], s1  }
0xbc: {  	s0 =	simm.s32 @!p0 $0x9  }
0xbd: {  	_ =	swait.ge @!p0 [sflag:s0], s1  }
0xbe: {  	s1 =	ssub.s32 @!p0 $0x0, s1;
	[sflag:s0] =	ssyncset.done @!p0 $0x0  }
0xbf: {  	[sflag:s0] =	ssyncadd.s32 @!p0 s1  }
0xc0: {  	[bflag:$0x3] =	sbarrier.arrive $0xFFFF  }
0xc1: {  	_ =	shalt  }

// kernel: kernel.25.cloned.1.call-start
scs
__scs_entry_jumppad:
0x0: {  	(pc) =	sbr.rel $0x88, $3  }
0x1: {  	(tag) =	ssettag $0x0;
	lr =	simm.s32 $0x1  }
0x2: {  	[smem:$0x3F98] =	sst lr;
	_ =	strace $0xD0000000  }
0x3: {  	_ = 	snop  }
0x4: {  	_ = 	snop  }
0x5: {  	_ = 	snop  }
0x6: {  	_ = 	snop  }
0x7: {  	_ = 	snop  }
__scs_overlays_trampoline_lowered:
0x8: {  	[smem:$0x3FA7] =	sst s0  }
0x9: {  	[smem:$0x3FA8] =	sst s1  }
0xa: {  	[smem:$0x3FA9] =	sst s2  }
0xb: {  	[smem:$0x3FAA] =	sst s3  }
0xc: {  	[smem:$0x3FAB] =	sst s4  }
0xd: {  	[smem:$0x3FAC] =	sst s5  }
0xe: {  	[smem:$0x3FAD] =	sst s6  }
0xf: {  	[smem:$0x3FAE] =	sst s7  }
0x10: {  	[smem:$0x3FAF] =	sst s8  }
0x11: {  	[smem:$0x3FB0] =	sst s9;
	s0 =	simm.s32 @!p0 $0x0  }
0x12: {  	s1 =	sld [smem:$0x3F96];
	s0 =	simm.s32 @p0 $0x1  }
0x13: {  	[smem:$0x3FB1] =	sst s0;
	s0 =	simm.s32 @!p1 $0x0  }
0x14: {  	s2 =	sld [smem:$0x3F95];
	s0 =	simm.s32 @p1 $0x1  }
0x15: {  	[smem:$0x3FB2] =	sst s0;
	s0 =	simm.s32 @!p2 $0x0  }
0x16: {  	s3 =	sld [smem:$0x3FDB];
	s0 =	simm.s32 @p2 $0x1  }
0x17: {  	s4 =	simm.s32 $0x1BF5;
	[smem:$0x3FB4] =	sst s0  }
0x18: {  	s0 =	sld [smem:$0x3F97];
	_ =	swait.ge [sflag:s4], $0x0  }
0x19: {  	s7 =	sld [smem:$0x3F98]  }
0x1a: {  	s8 =	sadd.s32 $0xFFFFE003, lr  }
0x1b: {  	s9 =	sadd.s32 $0xFFFFFEF7, lr;
	s5 =	simm.s32 $0xFFFFFFFF;
	p2 =	slt.u32 s8, $0xFFFFF086  }
0x1c: {  	p1 =	slt.u32 s9, $0xF7A;
	s5 =	simm.s32 @!p2 $0x0  }
0x1d: {  	s5 =	simm.s32 @p1 $0x1;
	p0 =	seq.s32 s7, s2  }
0x1e: {  	s7 =	smul.u32 @!p0 $0xF7A, s2;
	p2 =	seq.s32 @!p0 s5, $0x0  }
0x1f: {  	s9 =	smul.u32 $0xF7A, s1;
	s8 =	simm.s32 @!p0 $0x1BF5;
	p2 =	por !p2, p0  }
0x20: {  	[sflag:s8] =	ssyncset.s32 @!p0 $0xFFFFF086;
	s6 =	sadd.s32 @!p0 s3, s7;
	s7 =	simm.s32 @!p0 $0x108  }
0x21: {  	s3 =	sadd.s32 s3, s9;
	s6 =	sadd.s32 @!p0 $0x88, s6;
	s7 =	simm.s32 @p2 $0x1082  }
0x22: {  	[simem:s7], [sflag:s8] =	dma.local @!p0 [hbm:s6], $0xF7A  }
0x23: {  	s9 =	sor.u32 $0xD0000000, s2;
	s6 =	simm.s32 $0x108;
	_ =	swait.ge @!p0 [sflag:s8], $0x0  }
0x24: {  	s3 =	sadd.s32 $0x88, s3;
	s6 =	simm.s32 @!p1 $0x1082;
	[sflag:s4] =	ssyncset.s32 $0xFFFFF086  }
0x25: {  	[simem:s6], [sflag:s4] =	dma.local [hbm:s3], $0xF7A  }
0x26: {  	[smem:$0x3F98] =	sst s1;
	(tag) =	ssettag s2;
	_ =	strace s9  }
0x27: {  	s1 =	sld [smem:$0x3FA8]  }
0x28: {  	s2 =	sld [smem:$0x3FA9]  }
0x29: {  	s4 =	sld [smem:$0x3FAB]  }
0x2a: {  	p0 =	seq.s32 s5, $0x0;
	s5 =	sld [smem:$0x3FAC]  }
0x2b: {  	s6 =	sld [smem:$0x3FAD]  }
0x2c: {  	s7 =	sld [smem:$0x3FAE]  }
0x2d: {  	s3 =	simm.s32 $0x108;
	s8 =	sld [smem:$0x3FAF]  }
0x2e: {  	s3 =	simm.s32 @!p0 $0x1082;
	s9 =	sld [smem:$0x3FB0]  }
0x2f: {  	lr =	sadd.s32 s0, s3;
	s0 =	sld [smem:$0x3FA7]  }
0x30: {  	s3 =	sld [smem:$0x3FAA]  }
0x31: {  	[smem:$0x3FB3] =	sst s10  }
0x32: {  	s10 =	sld [smem:$0x3FB1];
	_ =	sdelay $0x3  }
0x33: {  	p0 =	seq.s32 s10, $0x1;
	s10 =	sld [smem:$0x3FB3];
	_ =	sdelay $0x3  }
0x34: {  	[smem:$0x3FB3] =	sst s10  }
0x35: {  	s10 =	sld [smem:$0x3FB2];
	_ =	sdelay $0x3  }
0x36: {  	p1 =	seq.s32 s10, $0x1;
	s10 =	sld [smem:$0x3FB3];
	_ =	sdelay $0x3  }
0x37: {  	[smem:$0x3FB3] =	sst s10  }
0x38: {  	s10 =	sld [smem:$0x3FB4]  }
0x39: {  	_ = 	snop;
	(pc) =	sbr.ind lr, $3  }
0x3a: {  	_ = 	snop  }
0x3b: {  	_ = 	snop  }
0x3c: {  	p2 =	seq.s32 s10, $0x1;
	s10 =	sld [smem:$0x3FB3]  }
0x3d: {  	_ =	shalt  }
0x3e: {  	_ =	shalt  }
0x3f: {  	_ =	shalt  }
0x40: {  	_ =	shalt  }
0x41: {  	_ =	shalt  }
0x42: {  	_ =	shalt  }
0x43: {  	_ =	shalt  }
0x44: {  	_ =	shalt  }
0x45: {  	_ =	shalt  }
0x46: {  	_ =	shalt  }
0x47: {  	_ =	shalt  }
0x48: {  	_ =	shalt  }
0x49: {  	_ =	shalt  }
0x4a: {  	_ =	shalt  }
0x4b: {  	_ =	shalt  }
0x4c: {  	_ =	shalt  }
0x4d: {  	_ =	shalt  }
0x4e: {  	_ =	shalt  }
0x4f: {  	_ =	shalt  }
0x50: {  	_ =	shalt  }
0x51: {  	_ =	shalt  }
0x52: {  	_ =	shalt  }
0x53: {  	_ =	shalt  }
0x54: {  	_ =	shalt  }
0x55: {  	_ =	shalt  }
0x56: {  	_ =	shalt  }
0x57: {  	_ =	shalt  }
0x58: {  	_ =	shalt  }
0x59: {  	_ =	shalt  }
0x5a: {  	_ =	shalt  }
0x5b: {  	_ =	shalt  }
0x5c: {  	_ =	shalt  }
0x5d: {  	_ =	shalt  }
0x5e: {  	_ =	shalt  }
0x5f: {  	_ =	shalt  }
0x60: {  	_ =	shalt  }
0x61: {  	_ =	shalt  }
0x62: {  	_ =	shalt  }
0x63: {  	_ =	shalt  }
0x64: {  	_ =	shalt  }
0x65: {  	_ =	shalt  }
0x66: {  	_ =	shalt  }
0x67: {  	_ =	shalt  }
0x68: {  	_ =	shalt  }
0x69: {  	_ =	shalt  }
0x6a: {  	_ =	shalt  }
0x6b: {  	_ =	shalt  }
0x6c: {  	_ =	shalt  }
0x6d: {  	_ =	shalt  }
0x6e: {  	_ =	shalt  }
0x6f: {  	_ =	shalt  }
0x70: {  	_ =	shalt  }
0x71: {  	_ =	shalt  }
0x72: {  	_ =	shalt  }
0x73: {  	_ =	shalt  }
0x74: {  	_ =	shalt  }
0x75: {  	_ =	shalt  }
0x76: {  	_ =	shalt  }
0x77: {  	_ =	shalt  }
0x78: {  	_ =	shalt  }
0x79: {  	_ =	shalt  }
0x7a: {  	_ =	shalt  }
0x7b: {  	_ =	shalt  }
0x7c: {  	_ =	shalt  }
0x7d: {  	_ =	shalt  }
0x7e: {  	_ =	shalt  }
0x7f: {  	_ =	shalt  }
0x80: {  	_ =	shalt  }
0x81: {  	_ =	shalt  }
0x82: {  	_ =	shalt  }
0x83: {  	_ =	shalt  }
0x84: {  	_ =	shalt  }
0x85: {  	_ =	shalt  }
0x86: {  	_ =	shalt  }
0x87: {  	_ =	shalt  }
.Lfunc_end0:
.L_simem_size_0:
called_computation.2_lowered:
.L_overlay_start_0:
0x88: {  	s2 =	sld [smem:$0x3FD9]  }
0x89: {  	s3 =	sld [smem:$0x3FFE];
	_ =	sdelay $0x1  }
0x8a: {  	s1 =	srdreg.scid  }
0x8b: {  	s0 =	sand.u32 $0x1, s1  }
0x8c: {  	s17 =	sshll.u32 s0, $0xA;
	s2 =	sadd.s32 s3, s2  }
0x8d: {  	s2 =	sadd.s32 s2, s17  }
0x8e: {  	[smem:$0x3FBF] =	sst s2  }
0x8f: {  	_ = 	snop  }
0x90: {  	s4 =	sld [smem:$0x3FC9]  }
0x91: {  	s18 =	sld [smem:$0x3FD0];
	(tm) =	ssettm $0x1  }
0x92: {  	s19 =	sld [smem:$0x3FFB];
	_ =	sdelay $0x3  }
0x93: {  	_ =	strace s19  }
0x94: {  	s2 =	sld [smem:$0x3FFC];
	_ =	sdelay $0x3  }
0x95: {  	_ =	strace s2  }
0x96: {  	s2 =	sld [smem:$0x3FFD];
	_ =	sdelay $0x3  }
0x97: {  	_ =	strace s2  }
0x98: {  	_ =	strace $0x8FFFFFFF  }
0x99: {  	s20 =	sld [smem:$0x3FDB];
	_ =	sdelay $0x1  }
0x9a: {  	s5 =	simm.s32 $_scs_section_size  }
0x9b: {  	s6 =	simm.s32 $_size__tile_overlayer_lowered;
	s7 =	simm.s32 $_tile_overlayer_lowered  }
0x9c: {  	s8 =	simm.s32 $0x1BFF;
	s21 =	sshll.u32 s7, $0x1;
	s5 =	sadd.s32 s5, s20  }
0x9d: {  	s22 =	simm.s32 $0x0;
	s6 =	sshll.u32 s6, $0x1;
	s7 =	sadd.s32 s21, s5  }
0x9e: {  	[timem:s22], [sflag:s8] =	dma.local [hbm:s7], s6  }
0x9f: {  	_ =	swait.ge [sflag:s8], s6  }
0xa0: {  	s6 =	ssub.s32 $0x0, s6;
	[sflag:s8] =	ssyncset.done $0x0  }
0xa1: {  	[sflag:s8] =	ssyncadd.s32 s6;
	_ =	sdelay $0x1  }
0xa2: {  	s23 =	simm.s32 $0x1B8B  }
0xa3: {  	_ =	swait.ge [sflag:s23], $0x1  }
0xa4: {  	[sflag:s23] =	ssyncset.done $0x0  }
0xa5: {  	[sflag:s23] =	ssyncadd.s32 $0xFFFFFFFF  }
0xa6: {  	s6 =	sld [smem:$0x0]  }
0xa7: {  	s7 =	sand.u32 $0xFFFFFFFE, s1  }
0xa8: {  	p0 =	sne.s32 s1, s7  }
0xa9: {  	s7 =	sshll.u32 @p0 s7, $0xE  }
0xaa: {  	s7 =	sadd.s32 @p0 $0x11B8D, s7;
	s8 =	sshll.u32 @p0 s6, $0x11  }
0xab: {  	s7 =	sor.u32 @p0 s8, s7  }
0xac: {  	[sflag:s7] =	ssyncadd.remote.s32 @p0 $0x1;
	_ =	sdelay $0x1  }
0xad: {  	s7 =	simm.s32 @p0 $0x1B8D  }
0xae: {  	_ =	swait.eq @p0 [sflag:s7], $0x1  }
0xaf: {  	[sflag:s7] =	ssyncadd.s32 @p0 $0xFFFFFFFF  }
0xb0: {  	s8 =	sshll.u32 @!p0 s1, $0xE  }
0xb1: {  	s8 =	sor.u32 @!p0 $0x4000, s8;
	s7 =	simm.s32 @!p0 $0x1B8D  }
0xb2: {  	s6 =	sshll.u32 @!p0 s6, $0x11;
	s8 =	sadd.s32 @!p0 $0x11B8D, s8;
	_ =	swait.eq @!p0 [sflag:s7], $0x1  }
0xb3: {  	s6 =	sor.u32 @!p0 s6, s8;
	[sflag:s7] =	ssyncadd.s32 @!p0 $0xFFFFFFFF  }
0xb4: {  	s25 =	simm.s32 $0x1B8E;
	s24 =	sld [smem:$0x3FFE];
	[sflag:s6] =	ssyncadd.remote.s32 @!p0 $0x1  }
0xb5: {  	s26 =	simm.s32 $execute0_lowered;
	[smem:$0x3FD2] =	sst s25  }
0xb6: {  	s7 =	sshll.u32 s26, $0x1;
	_ =	strace $0x80000049;
	[dreg:$0x1] =	wrdreg $0xFFFFFFFF  }
0xb7: {  	s28 =	simm.s32 $_size_execute0_lowered;
	s5 =	sadd.s32 s5, s7;
	[dreg:$0x0] =	wrdreg $0x0  }
0xb8: {  	s7 =	sshll.u32 s28, $0x1;
	[dreg:$0x2] =	wrdreg s5  }
0xb9: {  	[dreg:$0x3] =	wrdreg s7  }
0xba: {  	[dreg:$0x4] =	wrdreg $0xC0  }
0xbb: {  	_ =	task [dreg:s22], $0x5FFFF  }
0xbc: {  	[dreg:$0x1] =	wrdreg $0xFFFFFFFF  }
0xbd: {  	[dreg:$0x0] =	wrdreg $0x60  }
0xbe: {  	[dreg:$0x2] =	wrdreg s4  }
0xbf: {  	[dreg:$0x3] =	wrdreg s24  }
0xc0: {  	[dreg:$0x4] =	wrdreg s18  }
0xc1: {  	[dreg:$0x5] =	wrdreg $0xB  }
0xc2: {  	_ =	task.clear_ibuf [dreg:s22], $0x6FFFF;
	_ =	strace $0x90000049  }
0xc3: {  	s29 =	simm.s32 $0xB;
	_ =	strace $0x8000004B  }
0xc4: {  	_ =	swait.ge [sflag:s29], $0x1  }
0xc5: {  	[sflag:s29] =	ssyncadd.s32 $0xFFFFFFFF  }
0xc6: {  	_ =	strace $0x9000004B  }
0xc7: {  	_ =	sfence  }
0xc8: {  	s30 =	sld [smem:$0x0];
	_ =	sdelay $0x2  }
0xc9: {  	s31 =	sshll.u32 s1, $0xD;
	s1 =	sshrl.u32 s1, $0x2  }
0xca: {  	s4 =	sand.u32 $0x4000, s31;
	s1 =	sadd.s32 s1, s30  }
0xcb: {  	s0 =	sor.u32 s4, s0;
	s1 =	sshll.u32 s1, $0x11  }
0xcc: {  	s0 =	sor.u32 s1, s0  }
0xcd: {  	s0 =	sadd.s32 $0x8F2B, s0  }
0xce: {  	[sflag:s0] =	ssyncadd.remote.s32 $0x1  }
0xcf: {  	_ =	sfence.sel $0xFFFF  }
0xd0: {  	[dreg:$0x0] =	wrdreg $0xFFFFFFFF;
	(pc) =	sbr.abs _section_cstart, $3  }
0xd1: {  	[dreg:$0x1] =	wrdreg $0xFFFFFFFF  }
0xd2: {  	_ =	task.clear_ibuf [dreg:s22], $0x2FFFF;
	_ =	strace $0x9FFFFFFF  }
0xd3: {  	(tm) =	ssettm $0x7FFFFFFF  }
tec
execute0_lowered:
.L_overlay_start_1:
0x0: {  	(tag) =	ssettag $0x1  }
0x1: {  	s1 =	rddreg [dreg:$0x0]  }
0x2: {  	s0 =	srdreg.scid;
	s2 =	rddreg [dreg:$0x1]  }
0x3: {  	s12 =	stileid.u32;
	s4 =	rddreg [dreg:$0x2]  }
0x4: {  	s13 =	simm.s32 $0x9;
	s14 =	simm.s32 $0xC80;
	s15 =	simm.s32 $0x50  }
0x5: {  	s16 =	simm.s32 $0x1900;
	s17 =	simm.s32 $0x6900;
	s18 =	simm.s32 $0x4100  }
0x6: {  	s19 =	simm.s32 $0x9100;
	s20 =	simm.s32 $0x1;
	s21 =	simm.s32 $0x3  }
0x7: {  	s22 =	simm.s32 $0x5;
	s23 =	simm.s32 $0x7;
	s24 =	simm.s32 $0x2  }
0x8: {  	s0 =	sand.u32 $0x1, s0;
	s3 =	sshll.u32 s12, $0x1;
	s12 =	smul.u32 $0x19000, s12  }
0x9: {  	s5 =	sor.u32 s0, s3;
	s7 =	ssub.s32 $0x2, s0;
	s0 =	smul.u32 $0xC800, s0  }
0xa: {  	s28 =	simm.s32 $0x8;
	s31 =	simm.s32 $0x0;
	s6 =	smul.u32 $0xC80, s5  }
0xb: {  	s10 =	sadd.s32 $0x32FC00, s2;
	s3 =	simm.s32 $0x0;
	s5 =	smul.u32 $0x64000, s5  }
0xc: {  	[smem:$0x7FF] =	sst s3;
	s9 =	sshrl.u32 s7, $0x1;
	s30 =	sadd.s32 s12, s10  }
0xd: {  	_ =	strace $0x8000004A;
	s6 =	sshrl.u32 s6, $0x3;
	s5 =	sshrl.u32 s5, $0x3  }
0xe: {  	s11 =	ssub.s32 s7, s9;
	s6 =	sadd.s32 $0x4B00, s6;
	s26 =	sadd.s32 $0xBE00, s5  }
0xf: {  	s5 =	sadd.s32 $0xC300, s5;
	s8 =	sadd.s32 s6, s2;
	s4 =	sadd.s32 s4, s6  }
0x10: {  	s2 =	sadd.s32 $0x4BFC00, s2;
	s29 =	sadd.s32 s10, s26;
	[dreg:$0x5] =	wrdreg s4  }
0x11: {  	s25 =	sadd.s32 $0x5E00, s8;
	[dreg:$0x6] =	wrdreg s29;
	s7 =	sadd.s32 s2, s26  }
0x12: {  	s8 =	sadd.s32 s10, s5;
	s9 =	sadd.s32 s2, s5;
	s2 =	sadd.s32 s12, s2  }
0x13: {  	s10 =	smax.u32 s11, $0x1;
	s11 =	sadd.s32 s0, s30;
	s26 =	simm.s32 $0x6  }
0x14: {  	[dreg:$0x4] =	wrdreg s25;
	s12 =	sadd.s32 s0, s2;
	s25 =	simm.s32 $0x4  }
.LBB2_1:
0x15: {  	s0 =	rddreg [dreg:$0x4]  }
0x16: {  	[tilespmem:s3], [sflag:$0x9] =	stream.linear.gather [hbm4b:s0+s3], $0xC80, $0x38;
	[tilespmem:$0xB900] =	vst v63  }
0x17: {  	_ =	swait.ge [sflag:s13], $0xC80  }
0x18: {  	[sflag:s13] =	ssyncset.done $0x0  }
0x19: {  	s4 =	rddreg [dreg:$0x5];
	[sflag:s13] =	ssyncadd.s32 $0xFFFFF380  }
0x1a: {  	[tilespmem:s14], [sflag:$0x9] =	stream.linear.gather [hbm4b:s4+s3], $0xC80, $0x38;
	[tilespmem:$0xB900] =	vst v63  }
0x1b: {  	_ =	swait.ge [sflag:s13], $0xC80  }
0x1c: {  	[sflag:s13] =	ssyncset.done $0x0  }
0x1d: {  	[sflag:s13] =	ssyncadd.s32 $0xFFFFF380  }
0x1e: {  	[tilespmem:s16], [sflag:$0x1] =	stream.indirect.gather [hbm4b:s1+s15], $0x80, s3, s15, $0xb8;
	[tilespmem:$0xB900] =	vst v63  }
0x1f: {  	_ = 	snop  }
0x20: {  	[tilespmem:s17], [sflag:$0x3] =	stream.indirect.gather [hbm4b:s1+s15], $0x80, s14, s15, $0xb8;
	[tilespmem:$0xB900] =	vst v63  }
0x21: {  	s5 =	simm.s32 $0x50  }
0x22: {  	[tilespmem:s18], [sflag:$0x2] =	stream.indirect.gather [hbm4b:s1+s15], $0x80, s5, s15, $0xb8;
	[tilespmem:$0xB900] =	vst v63  }
0x23: {  	s6 =	simm.s32 $0xCD0  }
0x24: {  	[tilespmem:s19], [sflag:$0x4] =	stream.indirect.gather [hbm4b:s1+s15], $0x80, s6, s15, $0xb8;
	[tilespmem:$0xB900] =	vst v63  }
0x25: {  	_ =	swait.ge [sflag:s20], $0x2800  }
0x26: {  	[sflag:s20] =	ssyncset.done $0x0  }
0x27: {  	[sflag:s20] =	ssyncadd.s32 $0xFFFFD800  }
0x28: {  	_ =	swait.ge [sflag:s21], $0x2800  }
0x29: {  	[sflag:s21] =	ssyncset.done $0x0  }
0x2a: {  	[sflag:s21] =	ssyncadd.s32 $0xFFFFD800  }
0x2b: {  	[hbm4b:s11+s3] =	stream.linear.scatter [tilespmem:s16], [sflag:$0x5], $0x2800, $0x38;
	[tilespmem:$0xB900] =	vst v63  }
0x2c: {  	_ = 	snop  }
0x2d: {  	[hbm4b:s12+s3] =	stream.linear.scatter [tilespmem:s17], [sflag:$0x7], $0x2800, $0x38;
	[tilespmem:$0xB900] =	vst v63  }
0x2e: {  	_ =	swait.ge [sflag:s22], $0x2800  }
0x2f: {  	[sflag:s22] =	ssyncset.done $0x0  }
0x30: {  	[sflag:s22] =	ssyncadd.s32 $0xFFFFD800  }
0x31: {  	_ =	swait.ge [sflag:s23], $0x2800  }
0x32: {  	[sflag:s23] =	ssyncset.done $0x0  }
0x33: {  	s2 =	simm.s32 $0xA0;
	[sflag:s23] =	ssyncadd.s32 $0xFFFFD800  }
0x34: {  	[tilespmem:s16], [sflag:$0x1] =	stream.indirect.gather [hbm4b:s1+s15], $0x80, s2, s15, $0xb8;
	[tilespmem:$0xB900] =	vst v63  }
0x35: {  	s4 =	simm.s32 $0xD20  }
0x36: {  	[tilespmem:s17], [sflag:$0x3] =	stream.indirect.gather [hbm4b:s1+s15], $0x80, s4, s15, $0xb8;
	[tilespmem:$0xB900] =	vst v63  }
0x37: {  	_ =	swait.ge [sflag:s24], $0x2800  }
0x38: {  	[sflag:s24] =	ssyncset.done $0x0  }
0x39: {  	[sflag:s24] =	ssyncadd.s32 $0xFFFFD800  }
0x3a: {  	_ =	swait.ge [sflag:s25], $0x2800  }
0x3b: {  	[sflag:s25] =	ssyncset.done $0x0  }
0x3c: {  	s5 =	sadd.s32 $0x500, s11;
	[sflag:s25] =	ssyncadd.s32 $0xFFFFD800  }
0x3d: {  	[hbm4b:s5+s3] =	stream.linear.scatter [tilespmem:s18], [sflag:$0x6], $0x2800, $0x38;
	[tilespmem:$0xB900] =	vst v63  }
0x3e: {  	s6 =	sadd.s32 $0x500, s12  }
0x3f: {  	[hbm4b:s6+s3] =	stream.linear.scatter [tilespmem:s19], [sflag:$0x8], $0x2800, $0x38;
	[tilespmem:$0xB900] =	vst v63  }
0x40: {  	_ =	swait.ge [sflag:s26], $0x2800  }
0x41: {  	[sflag:s26] =	ssyncset.done $0x0  }
0x42: {  	[sflag:s26] =	ssyncadd.s32 $0xFFFFD800  }
0x43: {  	s30 =	simm.s32 $0x500;
	s29 =	simm.s32 $0xA0;
	_ =	swait.ge [sflag:s28], $0x2800  }
0x44: {  	s0 =	sadd.s32 $0xA00, s11;
	s2 =	sadd.s32 $0xA00, s12;
	[sflag:s28] =	ssyncset.done $0x0  }
.LBB2_2:
0x45: {  	s6 =	sadd.s32 $0x50, s29  }
0x46: {  	[sflag:s28] =	ssyncadd.s32 $0xFFFFD800;
	s4 =	smov.u32 s30;
	s5 =	sadd.s32 $0x280, s30  }
0x47: {  	[tilespmem:s18], [sflag:$0x2] =	stream.indirect.gather [hbm4b:s1+s15], $0x80, s6, s15, $0xb8;
	[tilespmem:$0xB900] =	vst v63  }
0x48: {  	p0 =	sne.s32 s30, $0x2D00;
	s6 =	sadd.s32 $0xCD0, s29  }
0x49: {  	[tilespmem:s19], [sflag:$0x4] =	stream.indirect.gather [hbm4b:s1+s15], $0x80, s6, s15, $0xb8;
	[tilespmem:$0xB900] =	vst v63  }
0x4a: {  	_ =	swait.ge [sflag:s20], $0x2800  }
0x4b: {  	[sflag:s20] =	ssyncset.done $0x0  }
0x4c: {  	[sflag:s20] =	ssyncadd.s32 $0xFFFFD800  }
0x4d: {  	_ =	swait.ge [sflag:s21], $0x2800  }
0x4e: {  	[sflag:s21] =	ssyncset.done $0x0  }
0x4f: {  	[sflag:s21] =	ssyncadd.s32 $0xFFFFD800  }
0x50: {  	[hbm4b:s0+s3] =	stream.linear.scatter [tilespmem:s16], [sflag:$0x5], $0x2800, $0x38;
	[tilespmem:$0xB900] =	vst v63  }
0x51: {  	_ = 	snop  }
0x52: {  	[hbm4b:s2+s3] =	stream.linear.scatter [tilespmem:s17], [sflag:$0x7], $0x2800, $0x38;
	[tilespmem:$0xB900] =	vst v63  }
0x53: {  	_ =	swait.ge [sflag:s22], $0x2800  }
0x54: {  	[sflag:s22] =	ssyncset.done $0x0  }
0x55: {  	[sflag:s22] =	ssyncadd.s32 $0xFFFFD800  }
0x56: {  	_ =	swait.ge [sflag:s23], $0x2800  }
0x57: {  	[sflag:s23] =	ssyncset.done $0x0  }
0x58: {  	s6 =	sadd.s32 $0xA0, s29;
	[sflag:s23] =	ssyncadd.s32 $0xFFFFD800  }
0x59: {  	[tilespmem:s16], [sflag:$0x1] =	stream.indirect.gather [hbm4b:s1+s15], $0x80, s6, s15, $0xb8;
	[tilespmem:$0xB900] =	vst v63  }
0x5a: {  	s6 =	sadd.s32 $0xD20, s29  }
0x5b: {  	[tilespmem:s17], [sflag:$0x3] =	stream.indirect.gather [hbm4b:s1+s15], $0x80, s6, s15, $0xb8;
	[tilespmem:$0xB900] =	vst v63  }
0x5c: {  	_ =	swait.ge [sflag:s24], $0x2800  }
0x5d: {  	[sflag:s24] =	ssyncset.done $0x0  }
0x5e: {  	[sflag:s24] =	ssyncadd.s32 $0xFFFFD800  }
0x5f: {  	_ =	swait.ge [sflag:s25], $0x2800  }
0x60: {  	[sflag:s25] =	ssyncset.done $0x0  }
0x61: {  	s6 =	sadd.s32 $0x500, s0;
	[sflag:s25] =	ssyncadd.s32 $0xFFFFD800  }
0x62: {  	[hbm4b:s6+s3] =	stream.linear.scatter [tilespmem:s18], [sflag:$0x6], $0x2800, $0x38;
	[tilespmem:$0xB900] =	vst v63  }
0x63: {  	s6 =	sadd.s32 $0x500, s2  }
0x64: {  	[hbm4b:s6+s3] =	stream.linear.scatter [tilespmem:s19], [sflag:$0x8], $0x2800, $0x38;
	[tilespmem:$0xB900] =	vst v63  }
.Ltmp0:
0x65: {  	_ =	swait.ge [sflag:s26], $0x2800;
	(pc) =	sbr.rel @p0 .LBB2_2-.Ltmp0, $4  }
0x66: {  	[sflag:s26] =	ssyncset.done $0x0  }
0x67: {  	[sflag:s26] =	ssyncadd.s32 $0xFFFFD800  }
0x68: {  	s30 =	smov.u32 s5;
	s2 =	sadd.s32 $0xA00, s2;
	_ =	swait.ge [sflag:s28], $0x2800  }
0x69: {  	s29 =	sshra.s32 s4, $0x2;
	s0 =	sadd.s32 $0xA00, s0;
	[sflag:s28] =	ssyncset.done $0x0  }
0x6a: {  	s4 =	sadd.s32 $0x50, s29;
	[sflag:s28] =	ssyncadd.s32 $0xFFFFD800  }
0x6b: {  	[tilespmem:s18], [sflag:$0x2] =	stream.indirect.gather [hbm4b:s1+s15], $0x80, s4, s15, $0xb8;
	[tilespmem:$0xB900] =	vst v63  }
0x6c: {  	s5 =	sadd.s32 $0xCD0, s29  }
0x6d: {  	[tilespmem:s19], [sflag:$0x4] =	stream.indirect.gather [hbm4b:s1+s15], $0x80, s5, s15, $0xb8;
	[tilespmem:$0xB900] =	vst v63  }
0x6e: {  	_ =	swait.ge [sflag:s20], $0x2800  }
0x6f: {  	[sflag:s20] =	ssyncset.done $0x0  }
0x70: {  	[sflag:s20] =	ssyncadd.s32 $0xFFFFD800  }
0x71: {  	_ =	swait.ge [sflag:s21], $0x2800  }
0x72: {  	[sflag:s21] =	ssyncset.done $0x0  }
0x73: {  	[sflag:s21] =	ssyncadd.s32 $0xFFFFD800  }
0x74: {  	[hbm4b:s0+s3] =	stream.linear.scatter [tilespmem:s16], [sflag:$0x5], $0x2800, $0x38;
	[tilespmem:$0xB900] =	vst v63  }
0x75: {  	_ = 	snop  }
0x76: {  	[hbm4b:s2+s3] =	stream.linear.scatter [tilespmem:s17], [sflag:$0x7], $0x2800, $0x38;
	[tilespmem:$0xB900] =	vst v63  }
0x77: {  	_ =	swait.ge [sflag:s22], $0x2800  }
0x78: {  	[sflag:s22] =	ssyncset.done $0x0  }
0x79: {  	[sflag:s22] =	ssyncadd.s32 $0xFFFFD800  }
0x7a: {  	_ =	swait.ge [sflag:s23], $0x2800  }
0x7b: {  	[sflag:s23] =	ssyncset.done $0x0  }
0x7c: {  	s6 =	sadd.s32 $0xA0, s29;
	[sflag:s23] =	ssyncadd.s32 $0xFFFFD800  }
0x7d: {  	[tilespmem:s16], [sflag:$0x1] =	stream.indirect.gather [hbm4b:s1+s15], $0x80, s6, s15, $0xb8;
	[tilespmem:$0xB900] =	vst v63  }
0x7e: {  	s30 =	sadd.s32 $0xD20, s29  }
0x7f: {  	[tilespmem:s17], [sflag:$0x3] =	stream.indirect.gather [hbm4b:s1+s15], $0x80, s30, s15, $0xb8;
	[tilespmem:$0xB900] =	vst v63  }
0x80: {  	_ =	swait.ge [sflag:s24], $0x2800  }
0x81: {  	[sflag:s24] =	ssyncset.done $0x0  }
0x82: {  	[sflag:s24] =	ssyncadd.s32 $0xFFFFD800  }
0x83: {  	_ =	swait.ge [sflag:s25], $0x2800  }
0x84: {  	[sflag:s25] =	ssyncset.done $0x0  }
0x85: {  	s4 =	sadd.s32 $0x500, s0;
	[sflag:s25] =	ssyncadd.s32 $0xFFFFD800  }
0x86: {  	[hbm4b:s4+s3] =	stream.linear.scatter [tilespmem:s18], [sflag:$0x6], $0x2800, $0x38;
	[tilespmem:$0xB900] =	vst v63  }
0x87: {  	s5 =	sadd.s32 $0x500, s2  }
0x88: {  	[hbm4b:s5+s3] =	stream.linear.scatter [tilespmem:s19], [sflag:$0x8], $0x2800, $0x38;
	[tilespmem:$0xB900] =	vst v63  }
0x89: {  	_ =	swait.ge [sflag:s26], $0x2800  }
0x8a: {  	[sflag:s26] =	ssyncset.done $0x0  }
0x8b: {  	[sflag:s26] =	ssyncadd.s32 $0xFFFFD800  }
0x8c: {  	_ =	swait.ge [sflag:s28], $0x2800  }
0x8d: {  	[sflag:s28] =	ssyncset.done $0x0  }
0x8e: {  	s6 =	simm.s32 $0xC30;
	[sflag:s28] =	ssyncadd.s32 $0xFFFFD800  }
0x8f: {  	[tilespmem:s18], [sflag:$0x2] =	stream.indirect.gather [hbm4b:s1+s15], $0x80, s6, s15, $0xb8;
	[tilespmem:$0xB900] =	vst v63  }
0x90: {  	s29 =	simm.s32 $0x18B0  }
0x91: {  	[tilespmem:s19], [sflag:$0x4] =	stream.indirect.gather [hbm4b:s1+s15], $0x80, s29, s15, $0xb8;
	[tilespmem:$0xB900] =	vst v63  }
0x92: {  	_ =	swait.ge [sflag:s20], $0x2800  }
0x93: {  	[sflag:s20] =	ssyncset.done $0x0  }
0x94: {  	[sflag:s20] =	ssyncadd.s32 $0xFFFFD800  }
0x95: {  	_ =	swait.ge [sflag:s21], $0x2800  }
0x96: {  	[sflag:s21] =	ssyncset.done $0x0  }
0x97: {  	s30 =	rddreg [dreg:$0x6];
	[sflag:s21] =	ssyncadd.s32 $0xFFFFD800  }
0x98: {  	[hbm4b:s30+s3] =	stream.linear.scatter [tilespmem:s16], [sflag:$0x5], $0x2800, $0x38;
	[tilespmem:$0xB900] =	vst v63  }
0x99: {  	_ = 	snop  }
0x9a: {  	[hbm4b:s7+s3] =	stream.linear.scatter [tilespmem:s17], [sflag:$0x7], $0x2800, $0x38;
	[tilespmem:$0xB900] =	vst v63  }
0x9b: {  	_ =	swait.ge [sflag:s22], $0x2800  }
0x9c: {  	[sflag:s22] =	ssyncset.done $0x0  }
0x9d: {  	[sflag:s22] =	ssyncadd.s32 $0xFFFFD800  }
0x9e: {  	_ =	swait.ge [sflag:s23], $0x2800  }
0x9f: {  	[sflag:s23] =	ssyncset.done $0x0  }
0xa0: {  	[sflag:s23] =	ssyncadd.s32 $0xFFFFD800  }
0xa1: {  	_ =	swait.ge [sflag:s24], $0x2800  }
0xa2: {  	[sflag:s24] =	ssyncset.done $0x0  }
0xa3: {  	[sflag:s24] =	ssyncadd.s32 $0xFFFFD800  }
0xa4: {  	_ =	swait.ge [sflag:s25], $0x2800  }
0xa5: {  	[sflag:s25] =	ssyncset.done $0x0  }
0xa6: {  	[sflag:s25] =	ssyncadd.s32 $0xFFFFD800  }
0xa7: {  	[hbm4b:s8+s3] =	stream.linear.scatter [tilespmem:s18], [sflag:$0x6], $0x2800, $0x38;
	[tilespmem:$0xB900] =	vst v63  }
0xa8: {  	s31 =	sadd.s32 $0x1, s31  }
0xa9: {  	[hbm4b:s9+s3] =	stream.linear.scatter [tilespmem:s19], [sflag:$0x8], $0x2800, $0x38;
	[tilespmem:$0xB900] =	vst v63  }
0xaa: {  	p0 =	sne.s32 s31, s10;
	_ =	swait.ge [sflag:s26], $0x2800  }
.Ltmp1:
0xab: {  	[sflag:s26] =	ssyncset.done $0x0;
	(pc) =	sbr.rel @p0 .LBB2_1-.Ltmp1, $4  }
0xac: {  	[sflag:s26] =	ssyncadd.s32 $0xFFFFD800  }
0xad: {  	_ =	swait.ge [sflag:s28], $0x2800  }
0xae: {  	[sflag:s28] =	ssyncset.done $0x0  }
0xaf: {  	[sflag:s28] =	ssyncadd.s32 $0xFFFFD800  }
0xb0: {  	_ =	sfence.sel $0x180000  }
0xb1: {  	[bflag:$0x0] =	sbarrier.arrive $0xFFFF  }
0xb2: {  	_ =	strace $0x9000004A  }
0xb3: {  	s0 =	stileid.u32;
	[bflag:$0x2] =	sbarrier.arrive $0xFFFF  }
0xb4: {  	p0 =	sne.s32 s0, $0x0;
	s0 =	rddreg [dreg:$0x3]  }
0xb5: {  	s0 =	sadd.s32 @!p0 $0x100000, s0  }
0xb6: {  	[sflag:s0] =	ssyncadd.tile.s32 @!p0 $0x1;
	_ =	shalt  }
.Lfunc_end2:
_tile_overlayer_lowered:
.L_overlay_start_2:
0xb7: {  	(tag) =	ssettag $0x2  }
0xb8: {  	s0 =	rddreg [dreg:$0x0];
	s2 =	stileid.u32  }
0xb9: {  	s1 =	rddreg [dreg:$0x1];
	p0 =	sne.s32 s2, $0x0  }
0xba: {  	s3 =	rddreg [dreg:$0x2];
	[bflag:$0x3] =	sbarrier.arrive $0xFFFF;
	s2 =	simm.s32 @!p0 $0x1C09  }
0xbb: {  	[timem:s3], [sflag:s2] =	dma.local @!p0 [hbm:s0], s1  }
0xbc: {  	s0 =	simm.s32 @!p0 $0x9  }
0xbd: {  	_ =	swait.ge @!p0 [sflag:s0], s1  }
0xbe: {  	s1 =	ssub.s32 @!p0 $0x0, s1;
	[sflag:s0] =	ssyncset.done @!p0 $0x0  }
0xbf: {  	[sflag:s0] =	ssyncadd.s32 @!p0 s1  }
0xc0: {  	[bflag:$0x3] =	sbarrier.arrive $0xFFFF  }
0xc1: {  	_ =	shalt  }

// kernel: kernel.28.cloned.1.call-start
scs
__scs_entry_jumppad:
0x0: {  	(pc) =	sbr.rel $0x88, $3  }
0x1: {  	(tag) =	ssettag $0x0;
	lr =	simm.s32 $0x1  }
0x2: {  	[smem:$0x3F98] =	sst lr;
	_ =	strace $0xD0000000  }
0x3: {  	_ = 	snop  }
0x4: {  	_ = 	snop  }
0x5: {  	_ = 	snop  }
0x6: {  	_ = 	snop  }
0x7: {  	_ = 	snop  }
__scs_overlays_trampoline_lowered:
0x8: {  	[smem:$0x3FA7] =	sst s0  }
0x9: {  	[smem:$0x3FA8] =	sst s1  }
0xa: {  	[smem:$0x3FA9] =	sst s2  }
0xb: {  	[smem:$0x3FAA] =	sst s3  }
0xc: {  	[smem:$0x3FAB] =	sst s4  }
0xd: {  	[smem:$0x3FAC] =	sst s5  }
0xe: {  	[smem:$0x3FAD] =	sst s6  }
0xf: {  	[smem:$0x3FAE] =	sst s7  }
0x10: {  	[smem:$0x3FAF] =	sst s8  }
0x11: {  	[smem:$0x3FB0] =	sst s9;
	s0 =	simm.s32 @!p0 $0x0  }
0x12: {  	s1 =	sld [smem:$0x3F96];
	s0 =	simm.s32 @p0 $0x1  }
0x13: {  	[smem:$0x3FB1] =	sst s0;
	s0 =	simm.s32 @!p1 $0x0  }
0x14: {  	s2 =	sld [smem:$0x3F95];
	s0 =	simm.s32 @p1 $0x1  }
0x15: {  	[smem:$0x3FB2] =	sst s0;
	s0 =	simm.s32 @!p2 $0x0  }
0x16: {  	s3 =	sld [smem:$0x3FDB];
	s0 =	simm.s32 @p2 $0x1  }
0x17: {  	s4 =	simm.s32 $0x1BF5;
	[smem:$0x3FB4] =	sst s0  }
0x18: {  	s0 =	sld [smem:$0x3F97];
	_ =	swait.ge [sflag:s4], $0x0  }
0x19: {  	s7 =	sld [smem:$0x3F98]  }
0x1a: {  	s8 =	sadd.s32 $0xFFFFE003, lr  }
0x1b: {  	s9 =	sadd.s32 $0xFFFFFEF7, lr;
	s5 =	simm.s32 $0xFFFFFFFF;
	p2 =	slt.u32 s8, $0xFFFFF086  }
0x1c: {  	p1 =	slt.u32 s9, $0xF7A;
	s5 =	simm.s32 @!p2 $0x0  }
0x1d: {  	s5 =	simm.s32 @p1 $0x1;
	p0 =	seq.s32 s7, s2  }
0x1e: {  	s7 =	smul.u32 @!p0 $0xF7A, s2;
	p2 =	seq.s32 @!p0 s5, $0x0  }
0x1f: {  	s9 =	smul.u32 $0xF7A, s1;
	s8 =	simm.s32 @!p0 $0x1BF5;
	p2 =	por !p2, p0  }
0x20: {  	[sflag:s8] =	ssyncset.s32 @!p0 $0xFFFFF086;
	s6 =	sadd.s32 @!p0 s3, s7;
	s7 =	simm.s32 @!p0 $0x108  }
0x21: {  	s3 =	sadd.s32 s3, s9;
	s6 =	sadd.s32 @!p0 $0x88, s6;
	s7 =	simm.s32 @p2 $0x1082  }
0x22: {  	[simem:s7], [sflag:s8] =	dma.local @!p0 [hbm:s6], $0xF7A  }
0x23: {  	s9 =	sor.u32 $0xD0000000, s2;
	s6 =	simm.s32 $0x108;
	_ =	swait.ge @!p0 [sflag:s8], $0x0  }
0x24: {  	s3 =	sadd.s32 $0x88, s3;
	s6 =	simm.s32 @!p1 $0x1082;
	[sflag:s4] =	ssyncset.s32 $0xFFFFF086  }
0x25: {  	[simem:s6], [sflag:s4] =	dma.local [hbm:s3], $0xF7A  }
0x26: {  	[smem:$0x3F98] =	sst s1;
	(tag) =	ssettag s2;
	_ =	strace s9  }
0x27: {  	s1 =	sld [smem:$0x3FA8]  }
0x28: {  	s2 =	sld [smem:$0x3FA9]  }
0x29: {  	s4 =	sld [smem:$0x3FAB]  }
0x2a: {  	p0 =	seq.s32 s5, $0x0;
	s5 =	sld [smem:$0x3FAC]  }
0x2b: {  	s6 =	sld [smem:$0x3FAD]  }
0x2c: {  	s7 =	sld [smem:$0x3FAE]  }
0x2d: {  	s3 =	simm.s32 $0x108;
	s8 =	sld [smem:$0x3FAF]  }
0x2e: {  	s3 =	simm.s32 @!p0 $0x1082;
	s9 =	sld [smem:$0x3FB0]  }
0x2f: {  	lr =	sadd.s32 s0, s3;
	s0 =	sld [smem:$0x3FA7]  }
0x30: {  	s3 =	sld [smem:$0x3FAA]  }
0x31: {  	[smem:$0x3FB3] =	sst s10  }
0x32: {  	s10 =	sld [smem:$0x3FB1];
	_ =	sdelay $0x3  }
0x33: {  	p0 =	seq.s32 s10, $0x1;
	s10 =	sld [smem:$0x3FB3];
	_ =	sdelay $0x3  }
0x34: {  	[smem:$0x3FB3] =	sst s10  }
0x35: {  	s10 =	sld [smem:$0x3FB2];
	_ =	sdelay $0x3  }
0x36: {  	p1 =	seq.s32 s10, $0x1;
	s10 =	sld [smem:$0x3FB3];
	_ =	sdelay $0x3  }
0x37: {  	[smem:$0x3FB3] =	sst s10  }
0x38: {  	s10 =	sld [smem:$0x3FB4]  }
0x39: {  	_ = 	snop;
	(pc) =	sbr.ind lr, $3  }
0x3a: {  	_ = 	snop  }
0x3b: {  	_ = 	snop  }
0x3c: {  	p2 =	seq.s32 s10, $0x1;
	s10 =	sld [smem:$0x3FB3]  }
0x3d: {  	_ =	shalt  }
0x3e: {  	_ =	shalt  }
0x3f: {  	_ =	shalt  }
0x40: {  	_ =	shalt  }
0x41: {  	_ =	shalt  }
0x42: {  	_ =	shalt  }
0x43: {  	_ =	shalt  }
0x44: {  	_ =	shalt  }
0x45: {  	_ =	shalt  }
0x46: {  	_ =	shalt  }
0x47: {  	_ =	shalt  }
0x48: {  	_ =	shalt  }
0x49: {  	_ =	shalt  }
0x4a: {  	_ =	shalt  }
0x4b: {  	_ =	shalt  }
0x4c: {  	_ =	shalt  }
0x4d: {  	_ =	shalt  }
0x4e: {  	_ =	shalt  }
0x4f: {  	_ =	shalt  }
0x50: {  	_ =	shalt  }
0x51: {  	_ =	shalt  }
0x52: {  	_ =	shalt  }
0x53: {  	_ =	shalt  }
0x54: {  	_ =	shalt  }
0x55: {  	_ =	shalt  }
0x56: {  	_ =	shalt  }
0x57: {  	_ =	shalt  }
0x58: {  	_ =	shalt  }
0x59: {  	_ =	shalt  }
0x5a: {  	_ =	shalt  }
0x5b: {  	_ =	shalt  }
0x5c: {  	_ =	shalt  }
0x5d: {  	_ =	shalt  }
0x5e: {  	_ =	shalt  }
0x5f: {  	_ =	shalt  }
0x60: {  	_ =	shalt  }
0x61: {  	_ =	shalt  }
0x62: {  	_ =	shalt  }
0x63: {  	_ =	shalt  }
0x64: {  	_ =	shalt  }
0x65: {  	_ =	shalt  }
0x66: {  	_ =	shalt  }
0x67: {  	_ =	shalt  }
0x68: {  	_ =	shalt  }
0x69: {  	_ =	shalt  }
0x6a: {  	_ =	shalt  }
0x6b: {  	_ =	shalt  }
0x6c: {  	_ =	shalt  }
0x6d: {  	_ =	shalt  }
0x6e: {  	_ =	shalt  }
0x6f: {  	_ =	shalt  }
0x70: {  	_ =	shalt  }
0x71: {  	_ =	shalt  }
0x72: {  	_ =	shalt  }
0x73: {  	_ =	shalt  }
0x74: {  	_ =	shalt  }
0x75: {  	_ =	shalt  }
0x76: {  	_ =	shalt  }
0x77: {  	_ =	shalt  }
0x78: {  	_ =	shalt  }
0x79: {  	_ =	shalt  }
0x7a: {  	_ =	shalt  }
0x7b: {  	_ =	shalt  }
0x7c: {  	_ =	shalt  }
0x7d: {  	_ =	shalt  }
0x7e: {  	_ =	shalt  }
0x7f: {  	_ =	shalt  }
0x80: {  	_ =	shalt  }
0x81: {  	_ =	shalt  }
0x82: {  	_ =	shalt  }
0x83: {  	_ =	shalt  }
0x84: {  	_ =	shalt  }
0x85: {  	_ =	shalt  }
0x86: {  	_ =	shalt  }
0x87: {  	_ =	shalt  }
.Lfunc_end0:
.L_simem_size_0:
called_computation.3_lowered:
.L_overlay_start_0:
0x88: {  	s2 =	sld [smem:$0x3FD9]  }
0x89: {  	s3 =	sld [smem:$0x3FFE];
	_ =	sdelay $0x1  }
0x8a: {  	s1 =	srdreg.scid  }
0x8b: {  	s0 =	sand.u32 $0x1, s1  }
0x8c: {  	s17 =	sshll.u32 s0, $0xA;
	s2 =	sadd.s32 s3, s2  }
0x8d: {  	s2 =	sadd.s32 s2, s17  }
0x8e: {  	[smem:$0x3FBF] =	sst s2  }
0x8f: {  	_ = 	snop  }
0x90: {  	s4 =	sld [smem:$0x3FC9]  }
0x91: {  	s18 =	sld [smem:$0x3FD0];
	(tm) =	ssettm $0x1  }
0x92: {  	s19 =	sld [smem:$0x3FFB];
	_ =	sdelay $0x3  }
0x93: {  	_ =	strace s19  }
0x94: {  	s2 =	sld [smem:$0x3FFC];
	_ =	sdelay $0x3  }
0x95: {  	_ =	strace s2  }
0x96: {  	s2 =	sld [smem:$0x3FFD];
	_ =	sdelay $0x3  }
0x97: {  	_ =	strace s2  }
0x98: {  	_ =	strace $0x8FFFFFFF  }
0x99: {  	s20 =	sld [smem:$0x3FDB];
	_ =	sdelay $0x1  }
0x9a: {  	s5 =	simm.s32 $_scs_section_size  }
0x9b: {  	s6 =	simm.s32 $_size__tile_overlayer_lowered;
	s7 =	simm.s32 $_tile_overlayer_lowered  }
0x9c: {  	s8 =	simm.s32 $0x1BFF;
	s21 =	sshll.u32 s7, $0x1;
	s5 =	sadd.s32 s5, s20  }
0x9d: {  	s22 =	simm.s32 $0x0;
	s6 =	sshll.u32 s6, $0x1;
	s7 =	sadd.s32 s21, s5  }
0x9e: {  	[timem:s22], [sflag:s8] =	dma.local [hbm:s7], s6  }
0x9f: {  	_ =	swait.ge [sflag:s8], s6  }
0xa0: {  	s6 =	ssub.s32 $0x0, s6;
	[sflag:s8] =	ssyncset.done $0x0  }
0xa1: {  	[sflag:s8] =	ssyncadd.s32 s6;
	_ =	sdelay $0x1  }
0xa2: {  	s23 =	simm.s32 $0x1B8B  }
0xa3: {  	_ =	swait.ge [sflag:s23], $0x1  }
0xa4: {  	[sflag:s23] =	ssyncset.done $0x0  }
0xa5: {  	[sflag:s23] =	ssyncadd.s32 $0xFFFFFFFF  }
0xa6: {  	s6 =	sld [smem:$0x0]  }
0xa7: {  	s7 =	sand.u32 $0xFFFFFFFE, s1  }
0xa8: {  	p0 =	sne.s32 s1, s7  }
0xa9: {  	s7 =	sshll.u32 @p0 s7, $0xE  }
0xaa: {  	s7 =	sadd.s32 @p0 $0x11B8D, s7;
	s8 =	sshll.u32 @p0 s6, $0x11  }
0xab: {  	s7 =	sor.u32 @p0 s8, s7  }
0xac: {  	[sflag:s7] =	ssyncadd.remote.s32 @p0 $0x1;
	_ =	sdelay $0x1  }
0xad: {  	s7 =	simm.s32 @p0 $0x1B8D  }
0xae: {  	_ =	swait.eq @p0 [sflag:s7], $0x1  }
0xaf: {  	[sflag:s7] =	ssyncadd.s32 @p0 $0xFFFFFFFF  }
0xb0: {  	s8 =	sshll.u32 @!p0 s1, $0xE  }
0xb1: {  	s8 =	sor.u32 @!p0 $0x4000, s8;
	s7 =	simm.s32 @!p0 $0x1B8D  }
0xb2: {  	s6 =	sshll.u32 @!p0 s6, $0x11;
	s8 =	sadd.s32 @!p0 $0x11B8D, s8;
	_ =	swait.eq @!p0 [sflag:s7], $0x1  }
0xb3: {  	s6 =	sor.u32 @!p0 s6, s8;
	[sflag:s7] =	ssyncadd.s32 @!p0 $0xFFFFFFFF  }
0xb4: {  	s25 =	simm.s32 $0x1B8E;
	s24 =	sld [smem:$0x3FFE];
	[sflag:s6] =	ssyncadd.remote.s32 @!p0 $0x1  }
0xb5: {  	s26 =	simm.s32 $execute0_lowered;
	[smem:$0x3FD2] =	sst s25  }
0xb6: {  	s7 =	sshll.u32 s26, $0x1;
	_ =	strace $0x8000004F;
	[dreg:$0x1] =	wrdreg $0xFFFFFFFF  }
0xb7: {  	s28 =	simm.s32 $_size_execute0_lowered;
	s5 =	sadd.s32 s5, s7;
	[dreg:$0x0] =	wrdreg $0x0  }
0xb8: {  	s7 =	sshll.u32 s28, $0x1;
	[dreg:$0x2] =	wrdreg s5  }
0xb9: {  	[dreg:$0x3] =	wrdreg s7  }
0xba: {  	[dreg:$0x4] =	wrdreg $0xC0  }
0xbb: {  	_ =	task [dreg:s22], $0x5FFFF  }
0xbc: {  	[dreg:$0x1] =	wrdreg $0xFFFFFFFF  }
0xbd: {  	[dreg:$0x0] =	wrdreg $0x60  }
0xbe: {  	[dreg:$0x2] =	wrdreg s4  }
0xbf: {  	[dreg:$0x3] =	wrdreg s24  }
0xc0: {  	[dreg:$0x4] =	wrdreg s18  }
0xc1: {  	[dreg:$0x5] =	wrdreg $0xC  }
0xc2: {  	_ =	task.clear_ibuf [dreg:s22], $0x6FFFF;
	_ =	strace $0x9000004F  }
0xc3: {  	s29 =	simm.s32 $0xC;
	_ =	strace $0x80000051  }
0xc4: {  	_ =	swait.ge [sflag:s29], $0x1  }
0xc5: {  	[sflag:s29] =	ssyncadd.s32 $0xFFFFFFFF  }
0xc6: {  	_ =	strace $0x90000051  }
0xc7: {  	_ =	sfence  }
0xc8: {  	s30 =	sld [smem:$0x0];
	_ =	sdelay $0x2  }
0xc9: {  	s31 =	sshll.u32 s1, $0xD;
	s1 =	sshrl.u32 s1, $0x2  }
0xca: {  	s4 =	sand.u32 $0x4000, s31;
	s1 =	sadd.s32 s1, s30  }
0xcb: {  	s0 =	sor.u32 s4, s0;
	s1 =	sshll.u32 s1, $0x11  }
0xcc: {  	s0 =	sor.u32 s1, s0  }
0xcd: {  	s0 =	sadd.s32 $0x8F2B, s0  }
0xce: {  	[sflag:s0] =	ssyncadd.remote.s32 $0x1  }
0xcf: {  	_ =	sfence.sel $0xFFFF  }
0xd0: {  	[dreg:$0x0] =	wrdreg $0xFFFFFFFF;
	(pc) =	sbr.abs _section_cstart, $3  }
0xd1: {  	[dreg:$0x1] =	wrdreg $0xFFFFFFFF  }
0xd2: {  	_ =	task.clear_ibuf [dreg:s22], $0x2FFFF;
	_ =	strace $0x9FFFFFFF  }
0xd3: {  	(tm) =	ssettm $0x7FFFFFFF  }
tec
execute0_lowered:
.L_overlay_start_1:
0x0: {  	(tag) =	ssettag $0x1  }
0x1: {  	s1 =	rddreg [dreg:$0x0]  }
0x2: {  	s0 =	srdreg.scid;
	s4 =	rddreg [dreg:$0x1]  }
0x3: {  	s11 =	stileid.u32;
	s5 =	rddreg [dreg:$0x2];
	s3 =	simm.s32 $0x0  }
0x4: {  	s12 =	simm.s32 $0x800;
	s13 =	simm.s32 $0x50;
	s14 =	simm.s32 $0x1000  }
0x5: {  	s15 =	simm.s32 $0x6000;
	s16 =	simm.s32 $0x3800;
	s17 =	simm.s32 $0x8800  }
0x6: {  	s18 =	simm.s32 $0x1;
	s19 =	simm.s32 $0x3;
	s20 =	simm.s32 $0x5  }
0x7: {  	s21 =	simm.s32 $0x7;
	s22 =	simm.s32 $0x2;
	s23 =	simm.s32 $0x4  }
0x8: {  	s24 =	simm.s32 $0x6;
	s25 =	simm.s32 $0x8;
	s0 =	sand.u32 $0x1, s0  }
0x9: {  	s2 =	sshll.u32 s11, $0x1;
	s9 =	sadd.s32 $0x7DFC00, s4;
	s11 =	smul.u32 $0xFA00, s11  }
0xa: {  	s2 =	sor.u32 s0, s2;
	s8 =	ssub.s32 $0x2, s0;
	s0 =	smul.u32 $0x7D00, s0  }
0xb: {  	[smem:$0x7FF] =	sst s3;
	s10 =	sadd.s32 $0x8D9C00, s4;
	s6 =	smul.u32 $0x7D0, s2  }
0xc: {  	s26 =	simm.s32 $0x0;
	_ =	strace $0x80000050;
	s2 =	smul.u32 $0x3E800, s2  }
0xd: {  	s29 =	sshrl.u32 s8, $0x1;
	s31 =	sadd.s32 s11, s9;
	s6 =	sshrl.u32 s6, $0x3  }
0xe: {  	s8 =	ssub.s32 s8, s29;
	s2 =	sshrl.u32 s2, $0x3;
	s6 =	sadd.s32 $0x7D00, s6  }
0xf: {  	s8 =	smax.u32 s8, $0x1;
	s2 =	sadd.s32 $0x7800, s2;
	s7 =	sadd.s32 s6, s4  }
0x10: {  	s5 =	sadd.s32 s5, s6;
	s6 =	sadd.s32 s9, s2;
	s9 =	sadd.s32 s0, s31  }
0x11: {  	s30 =	sadd.s32 $0x5E00, s7;
	s7 =	sadd.s32 s10, s2;
	s10 =	sadd.s32 s11, s10  }
0x12: {  	s11 =	simm.s32 $0x9;
	[dreg:$0x4] =	wrdreg s30;
	s10 =	sadd.s32 s0, s10  }
.LBB2_1:
0x13: {  	s0 =	rddreg [dreg:$0x4]  }
0x14: {  	[tilespmem:s3], [sflag:$0x9] =	stream.linear.gather [hbm4b:s0+s3], $0x7D0, $0x38;
	[tilespmem:$0xB000] =	vst v63  }
0x15: {  	_ =	swait.ge [sflag:s11], $0x7D0  }
0x16: {  	[sflag:s11] =	ssyncset.done $0x0  }
0x17: {  	[sflag:s11] =	ssyncadd.s32 $0xFFFFF830  }
0x18: {  	[tilespmem:s12], [sflag:$0x9] =	stream.linear.gather [hbm4b:s5+s3], $0x7D0, $0x38;
	[tilespmem:$0xB000] =	vst v63  }
0x19: {  	_ =	swait.ge [sflag:s11], $0x7D0  }
0x1a: {  	[sflag:s11] =	ssyncset.done $0x0  }
0x1b: {  	[sflag:s11] =	ssyncadd.s32 $0xFFFFF830  }
0x1c: {  	[tilespmem:s14], [sflag:$0x1] =	stream.indirect.gather [hbm4b:s1+s13], $0x80, s3, s13, $0xb8;
	[tilespmem:$0xB000] =	vst v63  }
0x1d: {  	_ = 	snop  }
0x1e: {  	[tilespmem:s15], [sflag:$0x3] =	stream.indirect.gather [hbm4b:s1+s13], $0x80, s12, s13, $0xb8;
	[tilespmem:$0xB000] =	vst v63  }
0x1f: {  	s2 =	simm.s32 $0x50  }
0x20: {  	[tilespmem:s16], [sflag:$0x2] =	stream.indirect.gather [hbm4b:s1+s13], $0x80, s2, s13, $0xb8;
	[tilespmem:$0xB000] =	vst v63  }
0x21: {  	s4 =	simm.s32 $0x850  }
0x22: {  	[tilespmem:s17], [sflag:$0x4] =	stream.indirect.gather [hbm4b:s1+s13], $0x80, s4, s13, $0xb8;
	[tilespmem:$0xB000] =	vst v63  }
0x23: {  	_ =	swait.ge [sflag:s18], $0x2800  }
0x24: {  	[sflag:s18] =	ssyncset.done $0x0  }
0x25: {  	[sflag:s18] =	ssyncadd.s32 $0xFFFFD800  }
0x26: {  	_ =	swait.ge [sflag:s19], $0x2800  }
0x27: {  	[sflag:s19] =	ssyncset.done $0x0  }
0x28: {  	[sflag:s19] =	ssyncadd.s32 $0xFFFFD800  }
0x29: {  	[hbm4b:s9+s3] =	stream.linear.scatter [tilespmem:s14], [sflag:$0x5], $0x2800, $0x38;
	[tilespmem:$0xB000] =	vst v63  }
0x2a: {  	_ = 	snop  }
0x2b: {  	[hbm4b:s10+s3] =	stream.linear.scatter [tilespmem:s15], [sflag:$0x7], $0x2800, $0x38;
	[tilespmem:$0xB000] =	vst v63  }
0x2c: {  	_ =	swait.ge [sflag:s20], $0x2800  }
0x2d: {  	[sflag:s20] =	ssyncset.done $0x0  }
0x2e: {  	[sflag:s20] =	ssyncadd.s32 $0xFFFFD800  }
0x2f: {  	_ =	swait.ge [sflag:s21], $0x2800  }
0x30: {  	[sflag:s21] =	ssyncset.done $0x0  }
0x31: {  	s2 =	simm.s32 $0xA0;
	[sflag:s21] =	ssyncadd.s32 $0xFFFFD800  }
0x32: {  	[tilespmem:s14], [sflag:$0x1] =	stream.indirect.gather [hbm4b:s1+s13], $0x80, s2, s13, $0xb8;
	[tilespmem:$0xB000] =	vst v63  }
0x33: {  	s4 =	simm.s32 $0x8A0  }
0x34: {  	[tilespmem:s15], [sflag:$0x3] =	stream.indirect.gather [hbm4b:s1+s13], $0x80, s4, s13, $0xb8;
	[tilespmem:$0xB000] =	vst v63  }
0x35: {  	_ =	swait.ge [sflag:s22], $0x2800  }
0x36: {  	[sflag:s22] =	ssyncset.done $0x0  }
0x37: {  	[sflag:s22] =	ssyncadd.s32 $0xFFFFD800  }
0x38: {  	_ =	swait.ge [sflag:s23], $0x2800  }
0x39: {  	[sflag:s23] =	ssyncset.done $0x0  }
0x3a: {  	s2 =	sadd.s32 $0x500, s9;
	[sflag:s23] =	ssyncadd.s32 $0xFFFFD800  }
0x3b: {  	[hbm4b:s2+s3] =	stream.linear.scatter [tilespmem:s16], [sflag:$0x6], $0x2800, $0x38;
	[tilespmem:$0xB000] =	vst v63  }
0x3c: {  	s4 =	sadd.s32 $0x500, s10  }
0x3d: {  	[hbm4b:s4+s3] =	stream.linear.scatter [tilespmem:s17], [sflag:$0x8], $0x2800, $0x38;
	[tilespmem:$0xB000] =	vst v63  }
0x3e: {  	_ =	swait.ge [sflag:s24], $0x2800  }
0x3f: {  	[sflag:s24] =	ssyncset.done $0x0  }
0x40: {  	[sflag:s24] =	ssyncadd.s32 $0xFFFFD800  }
0x41: {  	s31 =	simm.s32 $0x500;
	s28 =	sadd.s32 $0xA00, s10;
	_ =	swait.ge [sflag:s25], $0x2800  }
0x42: {  	s30 =	simm.s32 $0xA0;
	s29 =	sadd.s32 $0xA00, s9;
	[sflag:s25] =	ssyncset.done $0x0  }
.LBB2_2:
0x43: {  	s4 =	sadd.s32 $0x50, s30  }
0x44: {  	[sflag:s25] =	ssyncadd.s32 $0xFFFFD800;
	s2 =	smov.u32 s31;
	s0 =	sadd.s32 $0x280, s31  }
0x45: {  	[tilespmem:s16], [sflag:$0x2] =	stream.indirect.gather [hbm4b:s1+s13], $0x80, s4, s13, $0xb8;
	[tilespmem:$0xB000] =	vst v63  }
0x46: {  	p0 =	sne.s32 s31, $0x1B80;
	s4 =	sadd.s32 $0x850, s30  }
0x47: {  	[tilespmem:s17], [sflag:$0x4] =	stream.indirect.gather [hbm4b:s1+s13], $0x80, s4, s13, $0xb8;
	[tilespmem:$0xB000] =	vst v63  }
0x48: {  	_ =	swait.ge [sflag:s18], $0x2800  }
0x49: {  	[sflag:s18] =	ssyncset.done $0x0  }
0x4a: {  	[sflag:s18] =	ssyncadd.s32 $0xFFFFD800  }
0x4b: {  	_ =	swait.ge [sflag:s19], $0x2800  }
0x4c: {  	[sflag:s19] =	ssyncset.done $0x0  }
0x4d: {  	[sflag:s19] =	ssyncadd.s32 $0xFFFFD800  }
0x4e: {  	[hbm4b:s29+s3] =	stream.linear.scatter [tilespmem:s14], [sflag:$0x5], $0x2800, $0x38;
	[tilespmem:$0xB000] =	vst v63  }
0x4f: {  	_ = 	snop  }
0x50: {  	[hbm4b:s28+s3] =	stream.linear.scatter [tilespmem:s15], [sflag:$0x7], $0x2800, $0x38;
	[tilespmem:$0xB000] =	vst v63  }
0x51: {  	_ =	swait.ge [sflag:s20], $0x2800  }
0x52: {  	[sflag:s20] =	ssyncset.done $0x0  }
0x53: {  	[sflag:s20] =	ssyncadd.s32 $0xFFFFD800  }
0x54: {  	_ =	swait.ge [sflag:s21], $0x2800  }
0x55: {  	[sflag:s21] =	ssyncset.done $0x0  }
0x56: {  	s4 =	sadd.s32 $0xA0, s30;
	[sflag:s21] =	ssyncadd.s32 $0xFFFFD800  }
0x57: {  	[tilespmem:s14], [sflag:$0x1] =	stream.indirect.gather [hbm4b:s1+s13], $0x80, s4, s13, $0xb8;
	[tilespmem:$0xB000] =	vst v63  }
0x58: {  	s4 =	sadd.s32 $0x8A0, s30  }
0x59: {  	[tilespmem:s15], [sflag:$0x3] =	stream.indirect.gather [hbm4b:s1+s13], $0x80, s4, s13, $0xb8;
	[tilespmem:$0xB000] =	vst v63  }
0x5a: {  	_ =	swait.ge [sflag:s22], $0x2800  }
0x5b: {  	[sflag:s22] =	ssyncset.done $0x0  }
0x5c: {  	[sflag:s22] =	ssyncadd.s32 $0xFFFFD800  }
0x5d: {  	_ =	swait.ge [sflag:s23], $0x2800  }
0x5e: {  	[sflag:s23] =	ssyncset.done $0x0  }
0x5f: {  	s4 =	sadd.s32 $0x500, s29;
	[sflag:s23] =	ssyncadd.s32 $0xFFFFD800  }
0x60: {  	[hbm4b:s4+s3] =	stream.linear.scatter [tilespmem:s16], [sflag:$0x6], $0x2800, $0x38;
	[tilespmem:$0xB000] =	vst v63  }
0x61: {  	s4 =	sadd.s32 $0x500, s28  }
0x62: {  	[hbm4b:s4+s3] =	stream.linear.scatter [tilespmem:s17], [sflag:$0x8], $0x2800, $0x38;
	[tilespmem:$0xB000] =	vst v63  }
.Ltmp0:
0x63: {  	_ =	swait.ge [sflag:s24], $0x2800;
	(pc) =	sbr.rel @p0 .LBB2_2-.Ltmp0, $4  }
0x64: {  	[sflag:s24] =	ssyncset.done $0x0  }
0x65: {  	[sflag:s24] =	ssyncadd.s32 $0xFFFFD800  }
0x66: {  	s31 =	smov.u32 s0;
	s28 =	sadd.s32 $0xA00, s28;
	_ =	swait.ge [sflag:s25], $0x2800  }
0x67: {  	s30 =	sshra.s32 s2, $0x2;
	s29 =	sadd.s32 $0xA00, s29;
	[sflag:s25] =	ssyncset.done $0x0  }
0x68: {  	s0 =	sadd.s32 $0x50, s30;
	[sflag:s25] =	ssyncadd.s32 $0xFFFFD800  }
0x69: {  	[tilespmem:s16], [sflag:$0x2] =	stream.indirect.gather [hbm4b:s1+s13], $0x80, s0, s13, $0xb8;
	[tilespmem:$0xB000] =	vst v63  }
0x6a: {  	s31 =	sadd.s32 $0x850, s30  }
0x6b: {  	[tilespmem:s17], [sflag:$0x4] =	stream.indirect.gather [hbm4b:s1+s13], $0x80, s31, s13, $0xb8;
	[tilespmem:$0xB000] =	vst v63  }
0x6c: {  	_ =	swait.ge [sflag:s18], $0x2800  }
0x6d: {  	[sflag:s18] =	ssyncset.done $0x0  }
0x6e: {  	[sflag:s18] =	ssyncadd.s32 $0xFFFFD800  }
0x6f: {  	_ =	swait.ge [sflag:s19], $0x2800  }
0x70: {  	[sflag:s19] =	ssyncset.done $0x0  }
0x71: {  	[sflag:s19] =	ssyncadd.s32 $0xFFFFD800  }
0x72: {  	[hbm4b:s29+s3] =	stream.linear.scatter [tilespmem:s14], [sflag:$0x5], $0x2800, $0x38;
	[tilespmem:$0xB000] =	vst v63  }
0x73: {  	_ = 	snop  }
0x74: {  	[hbm4b:s28+s3] =	stream.linear.scatter [tilespmem:s15], [sflag:$0x7], $0x2800, $0x38;
	[tilespmem:$0xB000] =	vst v63  }
0x75: {  	_ =	swait.ge [sflag:s20], $0x2800  }
0x76: {  	[sflag:s20] =	ssyncset.done $0x0  }
0x77: {  	[sflag:s20] =	ssyncadd.s32 $0xFFFFD800  }
0x78: {  	_ =	swait.ge [sflag:s21], $0x2800  }
0x79: {  	[sflag:s21] =	ssyncset.done $0x0  }
0x7a: {  	s2 =	sadd.s32 $0xA0, s30;
	[sflag:s21] =	ssyncadd.s32 $0xFFFFD800  }
0x7b: {  	[tilespmem:s14], [sflag:$0x1] =	stream.indirect.gather [hbm4b:s1+s13], $0x80, s2, s13, $0xb8;
	[tilespmem:$0xB000] =	vst v63  }
0x7c: {  	s4 =	sadd.s32 $0x8A0, s30  }
0x7d: {  	[tilespmem:s15], [sflag:$0x3] =	stream.indirect.gather [hbm4b:s1+s13], $0x80, s4, s13, $0xb8;
	[tilespmem:$0xB000] =	vst v63  }
0x7e: {  	_ =	swait.ge [sflag:s22], $0x2800  }
0x7f: {  	[sflag:s22] =	ssyncset.done $0x0  }
0x80: {  	[sflag:s22] =	ssyncadd.s32 $0xFFFFD800  }
0x81: {  	_ =	swait.ge [sflag:s23], $0x2800  }
0x82: {  	[sflag:s23] =	ssyncset.done $0x0  }
0x83: {  	s30 =	sadd.s32 $0x500, s29;
	[sflag:s23] =	ssyncadd.s32 $0xFFFFD800  }
0x84: {  	[hbm4b:s30+s3] =	stream.linear.scatter [tilespmem:s16], [sflag:$0x6], $0x2800, $0x38;
	[tilespmem:$0xB000] =	vst v63  }
0x85: {  	s31 =	sadd.s32 $0x500, s28  }
0x86: {  	[hbm4b:s31+s3] =	stream.linear.scatter [tilespmem:s17], [sflag:$0x8], $0x2800, $0x38;
	[tilespmem:$0xB000] =	vst v63  }
0x87: {  	_ =	swait.ge [sflag:s24], $0x2800  }
0x88: {  	[sflag:s24] =	ssyncset.done $0x0  }
0x89: {  	[sflag:s24] =	ssyncadd.s32 $0xFFFFD800  }
0x8a: {  	_ =	swait.ge [sflag:s25], $0x2800  }
0x8b: {  	[sflag:s25] =	ssyncset.done $0x0  }
0x8c: {  	[sflag:s25] =	ssyncadd.s32 $0xFFFFD800  }
0x8d: {  	_ =	swait.ge [sflag:s18], $0x2800  }
0x8e: {  	[sflag:s18] =	ssyncset.done $0x0  }
0x8f: {  	[sflag:s18] =	ssyncadd.s32 $0xFFFFD800  }
0x90: {  	_ =	swait.ge [sflag:s19], $0x2800  }
0x91: {  	[sflag:s19] =	ssyncset.done $0x0  }
0x92: {  	[sflag:s19] =	ssyncadd.s32 $0xFFFFD800  }
0x93: {  	[hbm4b:s6+s3] =	stream.linear.scatter [tilespmem:s14], [sflag:$0x5], $0x2800, $0x38;
	[tilespmem:$0xB000] =	vst v63  }
0x94: {  	s26 =	sadd.s32 $0x1, s26  }
0x95: {  	[hbm4b:s7+s3] =	stream.linear.scatter [tilespmem:s15], [sflag:$0x7], $0x2800, $0x38;
	[tilespmem:$0xB000] =	vst v63  }
0x96: {  	p0 =	sne.s32 s26, s8;
	_ =	swait.ge [sflag:s20], $0x2800  }
.Ltmp1:
0x97: {  	[sflag:s20] =	ssyncset.done $0x0;
	(pc) =	sbr.rel @p0 .LBB2_1-.Ltmp1, $4  }
0x98: {  	[sflag:s20] =	ssyncadd.s32 $0xFFFFD800  }
0x99: {  	_ =	swait.ge [sflag:s21], $0x2800  }
0x9a: {  	[sflag:s21] =	ssyncset.done $0x0  }
0x9b: {  	[sflag:s21] =	ssyncadd.s32 $0xFFFFD800  }
0x9c: {  	_ =	sfence.sel $0x180000  }
0x9d: {  	[bflag:$0x0] =	sbarrier.arrive $0xFFFF  }
0x9e: {  	_ =	strace $0x90000050  }
0x9f: {  	s0 =	stileid.u32;
	[bflag:$0x2] =	sbarrier.arrive $0xFFFF  }
0xa0: {  	p0 =	sne.s32 s0, $0x0;
	s0 =	rddreg [dreg:$0x3]  }
0xa1: {  	s0 =	sadd.s32 @!p0 $0x100000, s0  }
0xa2: {  	[sflag:s0] =	ssyncadd.tile.s32 @!p0 $0x1;
	_ =	shalt  }
.Lfunc_end2:
_tile_overlayer_lowered:
.L_overlay_start_2:
0xa3: {  	(tag) =	ssettag $0x2  }
0xa4: {  	s0 =	rddreg [dreg:$0x0];
	s2 =	stileid.u32  }
0xa5: {  	s1 =	rddreg [dreg:$0x1];
	p0 =	sne.s32 s2, $0x0  }
0xa6: {  	s3 =	rddreg [dreg:$0x2];
	[bflag:$0x3] =	sbarrier.arrive $0xFFFF;
	s2 =	simm.s32 @!p0 $0x1C09  }
0xa7: {  	[timem:s3], [sflag:s2] =	dma.local @!p0 [hbm:s0], s1  }
0xa8: {  	s0 =	simm.s32 @!p0 $0x9  }
0xa9: {  	_ =	swait.ge @!p0 [sflag:s0], s1  }
0xaa: {  	s1 =	ssub.s32 @!p0 $0x0, s1;
	[sflag:s0] =	ssyncset.done @!p0 $0x0  }
0xab: {  	[sflag:s0] =	ssyncadd.s32 @!p0 s1  }
0xac: {  	[bflag:$0x3] =	sbarrier.arrive $0xFFFF  }
0xad: {  	_ =	shalt  }

// kernel: kernel.31.cloned.1.call-start
scs
__scs_entry_jumppad:
0x0: {  	(pc) =	sbr.rel $0x88, $3  }
0x1: {  	(tag) =	ssettag $0x0;
	lr =	simm.s32 $0x1  }
0x2: {  	[smem:$0x3F98] =	sst lr;
	_ =	strace $0xD0000000  }
0x3: {  	_ = 	snop  }
0x4: {  	_ = 	snop  }
0x5: {  	_ = 	snop  }
0x6: {  	_ = 	snop  }
0x7: {  	_ = 	snop  }
__scs_overlays_trampoline_lowered:
0x8: {  	[smem:$0x3FA7] =	sst s0  }
0x9: {  	[smem:$0x3FA8] =	sst s1  }
0xa: {  	[smem:$0x3FA9] =	sst s2  }
0xb: {  	[smem:$0x3FAA] =	sst s3  }
0xc: {  	[smem:$0x3FAB] =	sst s4  }
0xd: {  	[smem:$0x3FAC] =	sst s5  }
0xe: {  	[smem:$0x3FAD] =	sst s6  }
0xf: {  	[smem:$0x3FAE] =	sst s7  }
0x10: {  	[smem:$0x3FAF] =	sst s8  }
0x11: {  	[smem:$0x3FB0] =	sst s9;
	s0 =	simm.s32 @!p0 $0x0  }
0x12: {  	s1 =	sld [smem:$0x3F96];
	s0 =	simm.s32 @p0 $0x1  }
0x13: {  	[smem:$0x3FB1] =	sst s0;
	s0 =	simm.s32 @!p1 $0x0  }
0x14: {  	s2 =	sld [smem:$0x3F95];
	s0 =	simm.s32 @p1 $0x1  }
0x15: {  	[smem:$0x3FB2] =	sst s0;
	s0 =	simm.s32 @!p2 $0x0  }
0x16: {  	s3 =	sld [smem:$0x3FDB];
	s0 =	simm.s32 @p2 $0x1  }
0x17: {  	s4 =	simm.s32 $0x1BF5;
	[smem:$0x3FB4] =	sst s0  }
0x18: {  	s0 =	sld [smem:$0x3F97];
	_ =	swait.ge [sflag:s4], $0x0  }
0x19: {  	s7 =	sld [smem:$0x3F98]  }
0x1a: {  	s8 =	sadd.s32 $0xFFFFE003, lr  }
0x1b: {  	s9 =	sadd.s32 $0xFFFFFEF7, lr;
	s5 =	simm.s32 $0xFFFFFFFF;
	p2 =	slt.u32 s8, $0xFFFFF086  }
0x1c: {  	p1 =	slt.u32 s9, $0xF7A;
	s5 =	simm.s32 @!p2 $0x0  }
0x1d: {  	s5 =	simm.s32 @p1 $0x1;
	p0 =	seq.s32 s7, s2  }
0x1e: {  	s7 =	smul.u32 @!p0 $0xF7A, s2;
	p2 =	seq.s32 @!p0 s5, $0x0  }
0x1f: {  	s9 =	smul.u32 $0xF7A, s1;
	s8 =	simm.s32 @!p0 $0x1BF5;
	p2 =	por !p2, p0  }
0x20: {  	[sflag:s8] =	ssyncset.s32 @!p0 $0xFFFFF086;
	s6 =	sadd.s32 @!p0 s3, s7;
	s7 =	simm.s32 @!p0 $0x108  }
0x21: {  	s3 =	sadd.s32 s3, s9;
	s6 =	sadd.s32 @!p0 $0x88, s6;
	s7 =	simm.s32 @p2 $0x1082  }
0x22: {  	[simem:s7], [sflag:s8] =	dma.local @!p0 [hbm:s6], $0xF7A  }
0x23: {  	s9 =	sor.u32 $0xD0000000, s2;
	s6 =	simm.s32 $0x108;
	_ =	swait.ge @!p0 [sflag:s8], $0x0  }
0x24: {  	s3 =	sadd.s32 $0x88, s3;
	s6 =	simm.s32 @!p1 $0x1082;
	[sflag:s4] =	ssyncset.s32 $0xFFFFF086  }
0x25: {  	[simem:s6], [sflag:s4] =	dma.local [hbm:s3], $0xF7A  }
0x26: {  	[smem:$0x3F98] =	sst s1;
	(tag) =	ssettag s2;
	_ =	strace s9  }
0x27: {  	s1 =	sld [smem:$0x3FA8]  }
0x28: {  	s2 =	sld [smem:$0x3FA9]  }
0x29: {  	s4 =	sld [smem:$0x3FAB]  }
0x2a: {  	p0 =	seq.s32 s5, $0x0;
	s5 =	sld [smem:$0x3FAC]  }
0x2b: {  	s6 =	sld [smem:$0x3FAD]  }
0x2c: {  	s7 =	sld [smem:$0x3FAE]  }
0x2d: {  	s3 =	simm.s32 $0x108;
	s8 =	sld [smem:$0x3FAF]  }
0x2e: {  	s3 =	simm.s32 @!p0 $0x1082;
	s9 =	sld [smem:$0x3FB0]  }
0x2f: {  	lr =	sadd.s32 s0, s3;
	s0 =	sld [smem:$0x3FA7]  }
0x30: {  	s3 =	sld [smem:$0x3FAA]  }
0x31: {  	[smem:$0x3FB3] =	sst s10  }
0x32: {  	s10 =	sld [smem:$0x3FB1];
	_ =	sdelay $0x3  }
0x33: {  	p0 =	seq.s32 s10, $0x1;
	s10 =	sld [smem:$0x3FB3];
	_ =	sdelay $0x3  }
0x34: {  	[smem:$0x3FB3] =	sst s10  }
0x35: {  	s10 =	sld [smem:$0x3FB2];
	_ =	sdelay $0x3  }
0x36: {  	p1 =	seq.s32 s10, $0x1;
	s10 =	sld [smem:$0x3FB3];
	_ =	sdelay $0x3  }
0x37: {  	[smem:$0x3FB3] =	sst s10  }
0x38: {  	s10 =	sld [smem:$0x3FB4]  }
0x39: {  	_ = 	snop;
	(pc) =	sbr.ind lr, $3  }
0x3a: {  	_ = 	snop  }
0x3b: {  	_ = 	snop  }
0x3c: {  	p2 =	seq.s32 s10, $0x1;
	s10 =	sld [smem:$0x3FB3]  }
0x3d: {  	_ =	shalt  }
0x3e: {  	_ =	shalt  }
0x3f: {  	_ =	shalt  }
0x40: {  	_ =	shalt  }
0x41: {  	_ =	shalt  }
0x42: {  	_ =	shalt  }
0x43: {  	_ =	shalt  }
0x44: {  	_ =	shalt  }
0x45: {  	_ =	shalt  }
0x46: {  	_ =	shalt  }
0x47: {  	_ =	shalt  }
0x48: {  	_ =	shalt  }
0x49: {  	_ =	shalt  }
0x4a: {  	_ =	shalt  }
0x4b: {  	_ =	shalt  }
0x4c: {  	_ =	shalt  }
0x4d: {  	_ =	shalt  }
0x4e: {  	_ =	shalt  }
0x4f: {  	_ =	shalt  }
0x50: {  	_ =	shalt  }
0x51: {  	_ =	shalt  }
0x52: {  	_ =	shalt  }
0x53: {  	_ =	shalt  }
0x54: {  	_ =	shalt  }
0x55: {  	_ =	shalt  }
0x56: {  	_ =	shalt  }
0x57: {  	_ =	shalt  }
0x58: {  	_ =	shalt  }
0x59: {  	_ =	shalt  }
0x5a: {  	_ =	shalt  }
0x5b: {  	_ =	shalt  }
0x5c: {  	_ =	shalt  }
0x5d: {  	_ =	shalt  }
0x5e: {  	_ =	shalt  }
0x5f: {  	_ =	shalt  }
0x60: {  	_ =	shalt  }
0x61: {  	_ =	shalt  }
0x62: {  	_ =	shalt  }
0x63: {  	_ =	shalt  }
0x64: {  	_ =	shalt  }
0x65: {  	_ =	shalt  }
0x66: {  	_ =	shalt  }
0x67: {  	_ =	shalt  }
0x68: {  	_ =	shalt  }
0x69: {  	_ =	shalt  }
0x6a: {  	_ =	shalt  }
0x6b: {  	_ =	shalt  }
0x6c: {  	_ =	shalt  }
0x6d: {  	_ =	shalt  }
0x6e: {  	_ =	shalt  }
0x6f: {  	_ =	shalt  }
0x70: {  	_ =	shalt  }
0x71: {  	_ =	shalt  }
0x72: {  	_ =	shalt  }
0x73: {  	_ =	shalt  }
0x74: {  	_ =	shalt  }
0x75: {  	_ =	shalt  }
0x76: {  	_ =	shalt  }
0x77: {  	_ =	shalt  }
0x78: {  	_ =	shalt  }
0x79: {  	_ =	shalt  }
0x7a: {  	_ =	shalt  }
0x7b: {  	_ =	shalt  }
0x7c: {  	_ =	shalt  }
0x7d: {  	_ =	shalt  }
0x7e: {  	_ =	shalt  }
0x7f: {  	_ =	shalt  }
0x80: {  	_ =	shalt  }
0x81: {  	_ =	shalt  }
0x82: {  	_ =	shalt  }
0x83: {  	_ =	shalt  }
0x84: {  	_ =	shalt  }
0x85: {  	_ =	shalt  }
0x86: {  	_ =	shalt  }
0x87: {  	_ =	shalt  }
.Lfunc_end0:
.L_simem_size_0:
called_computation.4_lowered:
.L_overlay_start_0:
0x88: {  	s2 =	sld [smem:$0x3FD9]  }
0x89: {  	s3 =	sld [smem:$0x3FFE];
	_ =	sdelay $0x1  }
0x8a: {  	s1 =	srdreg.scid  }
0x8b: {  	s0 =	sand.u32 $0x1, s1  }
0x8c: {  	s17 =	sshll.u32 s0, $0xA;
	s2 =	sadd.s32 s3, s2  }
0x8d: {  	s2 =	sadd.s32 s2, s17  }
0x8e: {  	[smem:$0x3FBF] =	sst s2  }
0x8f: {  	_ = 	snop  }
0x90: {  	(tm) =	ssettm $0x1  }
0x91: {  	s18 =	sld [smem:$0x3FFB];
	_ =	sdelay $0x3  }
0x92: {  	_ =	strace s18  }
0x93: {  	s2 =	sld [smem:$0x3FFC];
	_ =	sdelay $0x3  }
0x94: {  	_ =	strace s2  }
0x95: {  	s2 =	sld [smem:$0x3FFD];
	_ =	sdelay $0x3  }
0x96: {  	_ =	strace s2  }
0x97: {  	_ =	strace $0x8FFFFFFF  }
0x98: {  	s19 =	sld [smem:$0x3FDB];
	_ =	sdelay $0x1  }
0x99: {  	s20 =	simm.s32 $_scs_section_size  }
0x9a: {  	s4 =	simm.s32 $_size__tile_overlayer_lowered;
	s5 =	simm.s32 $_tile_overlayer_lowered  }
0x9b: {  	s6 =	simm.s32 $0x1BFF;
	s21 =	sshll.u32 s5, $0x1;
	s3 =	sadd.s32 s20, s19  }
0x9c: {  	s22 =	simm.s32 $0x0;
	s4 =	sshll.u32 s4, $0x1;
	s5 =	sadd.s32 s21, s3  }
0x9d: {  	[timem:s22], [sflag:s6] =	dma.local [hbm:s5], s4  }
0x9e: {  	_ =	swait.ge [sflag:s6], s4  }
0x9f: {  	s4 =	ssub.s32 $0x0, s4;
	[sflag:s6] =	ssyncset.done $0x0  }
0xa0: {  	[sflag:s6] =	ssyncadd.s32 s4;
	_ =	sdelay $0x1  }
0xa1: {  	s23 =	simm.s32 $0x1B8B  }
0xa2: {  	_ =	swait.ge [sflag:s23], $0x1  }
0xa3: {  	[sflag:s23] =	ssyncset.done $0x0  }
0xa4: {  	[sflag:s23] =	ssyncadd.s32 $0xFFFFFFFF  }
0xa5: {  	s4 =	sld [smem:$0x0]  }
0xa6: {  	s5 =	sand.u32 $0xFFFFFFFE, s1  }
0xa7: {  	p0 =	sne.s32 s1, s5  }
0xa8: {  	s5 =	sshll.u32 @p0 s5, $0xE  }
0xa9: {  	s5 =	sadd.s32 @p0 $0x11B8D, s5;
	s6 =	sshll.u32 @p0 s4, $0x11  }
0xaa: {  	s5 =	sor.u32 @p0 s6, s5  }
0xab: {  	[sflag:s5] =	ssyncadd.remote.s32 @p0 $0x1;
	_ =	sdelay $0x1  }
0xac: {  	s5 =	simm.s32 @p0 $0x1B8D  }
0xad: {  	_ =	swait.eq @p0 [sflag:s5], $0x1  }
0xae: {  	[sflag:s5] =	ssyncadd.s32 @p0 $0xFFFFFFFF  }
0xaf: {  	s6 =	sshll.u32 @!p0 s1, $0xE  }
0xb0: {  	s6 =	sor.u32 @!p0 $0x4000, s6;
	s5 =	simm.s32 @!p0 $0x1B8D  }
0xb1: {  	s4 =	sshll.u32 @!p0 s4, $0x11;
	s6 =	sadd.s32 @!p0 $0x11B8D, s6;
	_ =	swait.eq @!p0 [sflag:s5], $0x1  }
0xb2: {  	s4 =	sor.u32 @!p0 s4, s6;
	[sflag:s5] =	ssyncadd.s32 @!p0 $0xFFFFFFFF  }
0xb3: {  	s25 =	simm.s32 $0x1B8E;
	s24 =	sld [smem:$0x3FFE];
	[sflag:s4] =	ssyncadd.remote.s32 @!p0 $0x1  }
0xb4: {  	s26 =	simm.s32 $execute0_lowered;
	[smem:$0x3FD2] =	sst s25  }
0xb5: {  	s5 =	sshll.u32 s26, $0x1;
	_ =	strace $0x8000005B;
	[dreg:$0x1] =	wrdreg $0xFFFFFFFF  }
0xb6: {  	s28 =	simm.s32 $_size_execute0_lowered;
	s3 =	sadd.s32 s3, s5;
	[dreg:$0x0] =	wrdreg $0x0  }
0xb7: {  	s5 =	sshll.u32 s28, $0x1;
	[dreg:$0x2] =	wrdreg s3  }
0xb8: {  	[dreg:$0x3] =	wrdreg s5  }
0xb9: {  	[dreg:$0x4] =	wrdreg $0xC0  }
0xba: {  	_ =	task [dreg:s22], $0x5FFFF  }
0xbb: {  	[dreg:$0x1] =	wrdreg $0xFFFFFFFF  }
0xbc: {  	[dreg:$0x0] =	wrdreg $0x60  }
0xbd: {  	[dreg:$0x2] =	wrdreg s24  }
0xbe: {  	[dreg:$0x3] =	wrdreg $0x51000  }
0xbf: {  	[dreg:$0x4] =	wrdreg $0x9  }
0xc0: {  	_ =	task.clear_ibuf [dreg:s22], $0x5FFFF;
	_ =	strace $0x9000005B  }
0xc1: {  	s29 =	simm.s32 $0x9;
	_ =	strace $0x8000005D  }
0xc2: {  	_ =	swait.ge [sflag:s29], $0x1  }
0xc3: {  	[sflag:s29] =	ssyncadd.s32 $0xFFFFFFFF  }
0xc4: {  	_ =	strace $0x9000005D  }
0xc5: {  	_ =	sfence  }
0xc6: {  	s30 =	sld [smem:$0x0];
	_ =	sdelay $0x2  }
0xc7: {  	s31 =	sshll.u32 s1, $0xD;
	s1 =	sshrl.u32 s1, $0x2  }
0xc8: {  	s4 =	sand.u32 $0x4000, s31;
	s1 =	sadd.s32 s1, s30  }
0xc9: {  	s0 =	sor.u32 s4, s0;
	s1 =	sshll.u32 s1, $0x11  }
0xca: {  	s0 =	sor.u32 s1, s0  }
0xcb: {  	s0 =	sadd.s32 $0x8F2B, s0  }
0xcc: {  	[sflag:s0] =	ssyncadd.remote.s32 $0x1  }
0xcd: {  	_ =	sfence.sel $0xFFFF  }
0xce: {  	[dreg:$0x0] =	wrdreg $0xFFFFFFFF;
	(pc) =	sbr.abs _section_cstart, $3  }
0xcf: {  	[dreg:$0x1] =	wrdreg $0xFFFFFFFF  }
0xd0: {  	_ =	task.clear_ibuf [dreg:s22], $0x2FFFF;
	_ =	strace $0x9FFFFFFF  }
0xd1: {  	(tm) =	ssettm $0x7FFFFFFF  }
tec
execute0_lowered:
.L_overlay_start_1:
0x0: {  	(tag) =	ssettag $0x1  }
0x1: {  	s5 =	rddreg [dreg:$0x0];
	s0 =	stileid.u32  }
0x2: {  	s2 =	rddreg [dreg:$0x1];
	s24 =	smul.u32 $0x2800, s0  }
0x3: {  	s3 =	simm.s32 $0x0;
	s4 =	srdreg.scid;
	s10 =	smul.u32 $0x50000, s0  }
0x4: {  	s12 =	sand.u32 $0x1, s4;
	s9 =	sshll.u32 s0, $0x1;
	s28 =	smul.u32 $0xC800, s0  }
0x5: {  	[smem:$0x7FF] =	sst s3;
	s7 =	smul.u32 $0x28000, s12;
	s18 =	sor.u32 s12, s9  }
0x6: {  	s11 =	sadd.s32 $0x63BC00, s5;
	s4 =	sadd.s32 $0x5E00, s5;
	s19 =	smul.u32 $0x640, s18  }
0x7: {  	s21 =	sshll.u32 s0, $0x6;
	_ =	strace $0x8000005C;
	s23 =	smul.u32 $0x6400, s18  }
0x8: {  	s8 =	ssub.s32 $0x2, s12;
	s6 =	sadd.s32 s24, s5;
	s18 =	smul.u32 $0x640, s12  }
0x9: {  	s17 =	sshrl.u32 s8, $0x1;
	s20 =	sshrl.u32 s10, $0x2;
	s12 =	smul.u32 $0x6400, s12  }
0xa: {  	s29 =	sadd.s32 s28, s11;
	s13 =	sadd.s32 s7, s5;
	s14 =	ssub.s32 s8, s17  }
0xb: {  	s15 =	sadd.s32 s20, s2;
	s5 =	sadd.s32 $0x267C00, s6;
	s6 =	sor.u32 $0x1C05, s21  }
0xc: {  	s17 =	smul.u32 $0xC80, s0;
	s20 =	simm.s32 $0x3;
	s21 =	simm.s32 $0x1  }
0xd: {  	s22 =	sshrl.u32 s19, $0x3;
	s16 =	sadd.s32 $0x5F0, s19;
	s8 =	sadd.s32 s11, s23  }
0xe: {  	s12 =	sadd.s32 s12, s29;
	s15 =	sshrl.u32 s15, $0x3;
	s19 =	simm.s32 $0x2900  }
0xf: {  	s23 =	simm.s32 $0x4;
	s7 =	sadd.s32 s4, s22;
	s25 =	sshrl.u32 s16, $0x3  }
0x10: {  	s26 =	sshll.u32 s16, $0x4;
	s17 =	sadd.s32 s18, s17;
	s12 =	sadd.s32 $0xA00, s12  }
0x11: {  	s16 =	simm.s32 $0x5;
	s18 =	simm.s32 $0x80;
	s22 =	simm.s32 $0x50  }
0x12: {  	s9 =	sadd.s32 s4, s25;
	s10 =	sadd.s32 s11, s26;
	s25 =	sadd.s32 $0x19FC00, s13  }
0x13: {  	s30 =	sadd.s32 $0x50, s17;
	s11 =	smax.u32 s14, $0x1;
	s13 =	sadd.s32 $0xA0, s17  }
0x14: {  	s17 =	simm.s32 $0x100;
	s26 =	simm.s32 $0x0;
	s31 =	sshrl.u32 s30, $0x3  }
0x15: {  	s24 =	sadd.s32 s24, s25;
	s25 =	simm.s32 $0x2;
	s14 =	sadd.s32 s31, s4  }
.LBB2_1:
0x16: {  	[spmem:s15], [sflag:s6] =	dma.local [hbm:s5], $0x2800  }
0x17: {  	_ =	swait.ge [sflag:s16], $0x2800  }
0x18: {  	[sflag:s16] =	ssyncset.done $0x0  }
0x19: {  	[sflag:s16] =	ssyncadd.s32 $0xFFFFD800  }
0x1a: {  	[bflag:$0x0] =	sbarrier.arrive $0xFFFF  }
0x1b: {  	[tilespmem:s3], [sflag:$0x3] =	stream.linear.gather [hbm4b:s7+s3], $0x50, $0x38;
	[tilespmem:$0x19100] =	vst v63  }
0x1c: {  	_ = 	snop  }
0x1d: {  	[tilespmem:s17], [sflag:$0x1] =	stream.linear.gather [hbm4b:s8+s3], $0x2800, $0x38;
	[tilespmem:$0x19100] =	vst v63  }
0x1e: {  	s28 =	sadd.s32 $0x0, s14  }
0x1f: {  	[tilespmem:s18], [sflag:$0x4] =	stream.linear.gather [hbm4b:s28+s3], $0x50, $0x38;
	[tilespmem:$0x19100] =	vst v63  }
0x20: {  	s28 =	sadd.s32 $0xFFFFFB00, s12  }
0x21: {  	[tilespmem:s19], [sflag:$0x2] =	stream.linear.gather [hbm4b:s28+s3], $0x2800, $0x38;
	[tilespmem:$0x19100] =	vst v63  }
0x22: {  	_ =	swait.ge [sflag:s20], $0x50  }
0x23: {  	[sflag:s20] =	ssyncset.done $0x0  }
0x24: {  	[sflag:s20] =	ssyncadd.s32 $0xFFFFFFB0  }
0x25: {  	_ =	swait.ge [sflag:s21], $0x2800  }
0x26: {  	[sflag:s21] =	ssyncset.done $0x0  }
0x27: {  	[sflag:s21] =	ssyncadd.s32 $0xFFFFD800  }
0x28: {  	[spmem:s2] =	stream.indirect.scatter.add.f32 [tilespmem:s17], [sflag:$0x5], $0x80, s3, s22, $0xb8;
	[tilespmem:$0x19100] =	vst v63  }
0x29: {  	_ =	swait.ge [sflag:s16], $0x2800  }
0x2a: {  	s28 =	sshrl.u32 s13, $0x3;
	[sflag:s16] =	ssyncset.done $0x0  }
0x2b: {  	s28 =	sadd.s32 s4, s28;
	[sflag:s16] =	ssyncadd.s32 $0xFFFFD800  }
0x2c: {  	[tilespmem:s3], [sflag:$0x3] =	stream.linear.gather [hbm4b:s28+s3], $0x50, $0x38;
	[tilespmem:$0x19100] =	vst v63  }
0x2d: {  	_ = 	snop  }
0x2e: {  	[tilespmem:s17], [sflag:$0x1] =	stream.linear.gather [hbm4b:s12+s3], $0x2800, $0x38;
	[tilespmem:$0x19100] =	vst v63  }
0x2f: {  	_ =	swait.ge [sflag:s23], $0x50  }
0x30: {  	[sflag:s23] =	ssyncset.done $0x0  }
0x31: {  	[sflag:s23] =	ssyncadd.s32 $0xFFFFFFB0  }
0x32: {  	_ =	swait.ge [sflag:s25], $0x2800  }
0x33: {  	[sflag:s25] =	ssyncset.done $0x0  }
0x34: {  	[sflag:s25] =	ssyncadd.s32 $0xFFFFD800  }
0x35: {  	[spmem:s2] =	stream.indirect.scatter.add.f32 [tilespmem:s19], [sflag:$0x5], $0x80, s18, s22, $0xb8;
	[tilespmem:$0x19100] =	vst v63  }
0x36: {  	s30 =	simm.s32 $0x14;
	s31 =	simm.s32 $0x28;
	_ =	swait.ge [sflag:s16], $0x2800  }
0x37: {  	s29 =	sadd.s32 $0xA0, s13;
	s28 =	sadd.s32 $0xA00, s12;
	[sflag:s16] =	ssyncset.done $0x0  }
.LBB2_2:
0x38: {  	s0 =	sadd.s32 s30, s14  }
0x39: {  	[sflag:s16] =	ssyncadd.s32 $0xFFFFD800;
	s30 =	smov.u32 s31;
	s1 =	sadd.s32 $0x14, s31  }
0x3a: {  	[tilespmem:s18], [sflag:$0x4] =	stream.linear.gather [hbm4b:s0+s3], $0x50, $0x38;
	[tilespmem:$0x19100] =	vst v63  }
0x3b: {  	p0 =	sne.s32 s31, $0xA0;
	s0 =	sadd.s32 $0xFFFFFB00, s28  }
0x3c: {  	[tilespmem:s19], [sflag:$0x2] =	stream.linear.gather [hbm4b:s0+s3], $0x2800, $0x38;
	[tilespmem:$0x19100] =	vst v63  }
0x3d: {  	_ =	swait.ge [sflag:s20], $0x50  }
0x3e: {  	[sflag:s20] =	ssyncset.done $0x0  }
0x3f: {  	[sflag:s20] =	ssyncadd.s32 $0xFFFFFFB0  }
0x40: {  	_ =	swait.ge [sflag:s21], $0x2800  }
0x41: {  	[sflag:s21] =	ssyncset.done $0x0  }
0x42: {  	[sflag:s21] =	ssyncadd.s32 $0xFFFFD800  }
0x43: {  	[spmem:s2] =	stream.indirect.scatter.add.f32 [tilespmem:s17], [sflag:$0x5], $0x80, s3, s22, $0xb8;
	[tilespmem:$0x19100] =	vst v63  }
0x44: {  	_ =	swait.ge [sflag:s16], $0x2800  }
0x45: {  	s0 =	sshrl.u32 s29, $0x3;
	[sflag:s16] =	ssyncset.done $0x0  }
0x46: {  	s0 =	sadd.s32 s4, s0;
	[sflag:s16] =	ssyncadd.s32 $0xFFFFD800  }
0x47: {  	[tilespmem:s3], [sflag:$0x3] =	stream.linear.gather [hbm4b:s0+s3], $0x50, $0x38;
	[tilespmem:$0x19100] =	vst v63  }
0x48: {  	_ = 	snop  }
0x49: {  	[tilespmem:s17], [sflag:$0x1] =	stream.linear.gather [hbm4b:s28+s3], $0x2800, $0x38;
	[tilespmem:$0x19100] =	vst v63  }
0x4a: {  	_ =	swait.ge [sflag:s23], $0x50  }
0x4b: {  	[sflag:s23] =	ssyncset.done $0x0  }
0x4c: {  	[sflag:s23] =	ssyncadd.s32 $0xFFFFFFB0  }
0x4d: {  	_ =	swait.ge [sflag:s25], $0x2800  }
.Ltmp0:
0x4e: {  	[sflag:s25] =	ssyncset.done $0x0;
	(pc) =	sbr.rel @p0 .LBB2_2-.Ltmp0, $4  }
0x4f: {  	[sflag:s25] =	ssyncadd.s32 $0xFFFFD800  }
0x50: {  	[spmem:s2] =	stream.indirect.scatter.add.f32 [tilespmem:s19], [sflag:$0x5], $0x80, s18, s22, $0xb8;
	[tilespmem:$0x19100] =	vst v63  }
0x51: {  	s31 =	smov.u32 s1;
	_ =	swait.ge [sflag:s16], $0x2800  }
0x52: {  	s29 =	sadd.s32 $0xA0, s29;
	s28 =	sadd.s32 $0xA00, s28;
	[sflag:s16] =	ssyncset.done $0x0  }
0x53: {  	s0 =	sadd.s32 s30, s14;
	[sflag:s16] =	ssyncadd.s32 $0xFFFFD800  }
0x54: {  	[tilespmem:s18], [sflag:$0x4] =	stream.linear.gather [hbm4b:s0+s3], $0x50, $0x38;
	[tilespmem:$0x19100] =	vst v63  }
0x55: {  	s30 =	sadd.s32 $0xFFFFFB00, s28  }
0x56: {  	[tilespmem:s19], [sflag:$0x2] =	stream.linear.gather [hbm4b:s30+s3], $0x2800, $0x38;
	[tilespmem:$0x19100] =	vst v63  }
0x57: {  	_ =	swait.ge [sflag:s20], $0x50  }
0x58: {  	[sflag:s20] =	ssyncset.done $0x0  }
0x59: {  	[sflag:s20] =	ssyncadd.s32 $0xFFFFFFB0  }
0x5a: {  	_ =	swait.ge [sflag:s21], $0x2800  }
0x5b: {  	[sflag:s21] =	ssyncset.done $0x0  }
0x5c: {  	[sflag:s21] =	ssyncadd.s32 $0xFFFFD800  }
0x5d: {  	[spmem:s2] =	stream.indirect.scatter.add.f32 [tilespmem:s17], [sflag:$0x5], $0x80, s3, s22, $0xb8;
	[tilespmem:$0x19100] =	vst v63  }
0x5e: {  	_ =	swait.ge [sflag:s16], $0x2800  }
0x5f: {  	s31 =	sshrl.u32 s29, $0x3;
	[sflag:s16] =	ssyncset.done $0x0  }
0x60: {  	s0 =	sadd.s32 s4, s31;
	[sflag:s16] =	ssyncadd.s32 $0xFFFFD800  }
0x61: {  	[tilespmem:s3], [sflag:$0x3] =	stream.linear.gather [hbm4b:s0+s3], $0x50, $0x38;
	[tilespmem:$0x19100] =	vst v63  }
0x62: {  	_ = 	snop  }
0x63: {  	[tilespmem:s17], [sflag:$0x1] =	stream.linear.gather [hbm4b:s28+s3], $0x2800, $0x38;
	[tilespmem:$0x19100] =	vst v63  }
0x64: {  	_ =	swait.ge [sflag:s23], $0x50  }
0x65: {  	[sflag:s23] =	ssyncset.done $0x0  }
0x66: {  	[sflag:s23] =	ssyncadd.s32 $0xFFFFFFB0  }
0x67: {  	_ =	swait.ge [sflag:s25], $0x2800  }
0x68: {  	[sflag:s25] =	ssyncset.done $0x0  }
0x69: {  	[sflag:s25] =	ssyncadd.s32 $0xFFFFD800  }
0x6a: {  	[spmem:s2] =	stream.indirect.scatter.add.f32 [tilespmem:s19], [sflag:$0x5], $0x80, s18, s22, $0xb8;
	[tilespmem:$0x19100] =	vst v63  }
0x6b: {  	_ =	swait.ge [sflag:s16], $0x2800  }
0x6c: {  	[sflag:s16] =	ssyncset.done $0x0  }
0x6d: {  	[sflag:s16] =	ssyncadd.s32 $0xFFFFD800  }
0x6e: {  	[tilespmem:s18], [sflag:$0x4] =	stream.linear.gather [hbm4b:s9+s3], $0x50, $0x38;
	[tilespmem:$0x19100] =	vst v63  }
0x6f: {  	_ = 	snop  }
0x70: {  	[tilespmem:s19], [sflag:$0x2] =	stream.linear.gather [hbm4b:s10+s3], $0x2800, $0x38;
	[tilespmem:$0x19100] =	vst v63  }
0x71: {  	_ =	swait.ge [sflag:s20], $0x50  }
0x72: {  	[sflag:s20] =	ssyncset.done $0x0  }
0x73: {  	[sflag:s20] =	ssyncadd.s32 $0xFFFFFFB0  }
0x74: {  	_ =	swait.ge [sflag:s21], $0x2800  }
0x75: {  	[sflag:s21] =	ssyncset.done $0x0  }
0x76: {  	[sflag:s21] =	ssyncadd.s32 $0xFFFFD800  }
0x77: {  	[spmem:s2] =	stream.indirect.scatter.add.f32 [tilespmem:s17], [sflag:$0x5], $0x80, s3, s22, $0xb8;
	[tilespmem:$0x19100] =	vst v63  }
0x78: {  	_ =	swait.ge [sflag:s16], $0x2800  }
0x79: {  	[sflag:s16] =	ssyncset.done $0x0  }
0x7a: {  	[sflag:s16] =	ssyncadd.s32 $0xFFFFD800  }
0x7b: {  	_ =	swait.ge [sflag:s23], $0x50  }
0x7c: {  	[sflag:s23] =	ssyncset.done $0x0  }
0x7d: {  	[sflag:s23] =	ssyncadd.s32 $0xFFFFFFB0  }
0x7e: {  	_ =	swait.ge [sflag:s25], $0x2800  }
0x7f: {  	[sflag:s25] =	ssyncset.done $0x0  }
0x80: {  	[sflag:s25] =	ssyncadd.s32 $0xFFFFD800  }
0x81: {  	[spmem:s2] =	stream.indirect.scatter.add.f32 [tilespmem:s19], [sflag:$0x5], $0x80, s18, s22, $0xb8;
	[tilespmem:$0x19100] =	vst v63  }
0x82: {  	_ =	swait.ge [sflag:s16], $0x2800  }
0x83: {  	s26 =	sadd.s32 $0x1, s26;
	[sflag:s16] =	ssyncset.done $0x0  }
0x84: {  	p0 =	sne.s32 s26, s11;
	[sflag:s16] =	ssyncadd.s32 $0xFFFFD800  }
.Ltmp1:
0x85: {  	[bflag:$0x0] =	sbarrier.arrive $0xFFFF;
	(pc) =	sbr.rel @p0 .LBB2_1-.Ltmp1, $4  }
0x86: {  	[hbm:s24], [sflag:s6] =	dma.local [spmem:s15], $0x2800  }
0x87: {  	_ =	swait.ge [sflag:s16], $0x2800  }
0x88: {  	[sflag:s16] =	ssyncset.done $0x0  }
0x89: {  	[sflag:s16] =	ssyncadd.s32 $0xFFFFD800  }
0x8a: {  	_ =	sfence.sel $0x180000  }
0x8b: {  	[bflag:$0x0] =	sbarrier.arrive $0xFFFF  }
0x8c: {  	_ =	strace $0x9000005C  }
0x8d: {  	s0 =	stileid.u32;
	[bflag:$0x2] =	sbarrier.arrive $0xFFFF  }
0x8e: {  	p0 =	sne.s32 s0, $0x0;
	s0 =	rddreg [dreg:$0x2]  }
0x8f: {  	s0 =	sadd.s32 @!p0 $0x100000, s0  }
0x90: {  	[sflag:s0] =	ssyncadd.tile.s32 @!p0 $0x1;
	_ =	shalt  }
.Lfunc_end2:
_tile_overlayer_lowered:
.L_overlay_start_2:
0x91: {  	(tag) =	ssettag $0x2  }
0x92: {  	s0 =	rddreg [dreg:$0x0];
	s2 =	stileid.u32  }
0x93: {  	s1 =	rddreg [dreg:$0x1];
	p0 =	sne.s32 s2, $0x0  }
0x94: {  	s3 =	rddreg [dreg:$0x2];
	[bflag:$0x3] =	sbarrier.arrive $0xFFFF;
	s2 =	simm.s32 @!p0 $0x1C05  }
0x95: {  	[timem:s3], [sflag:s2] =	dma.local @!p0 [hbm:s0], s1  }
0x96: {  	s0 =	simm.s32 @!p0 $0x5  }
0x97: {  	_ =	swait.ge @!p0 [sflag:s0], s1  }
0x98: {  	s1 =	ssub.s32 @!p0 $0x0, s1;
	[sflag:s0] =	ssyncset.done @!p0 $0x0  }
0x99: {  	[sflag:s0] =	ssyncadd.s32 @!p0 s1  }
0x9a: {  	[bflag:$0x3] =	sbarrier.arrive $0xFFFF  }
0x9b: {  	_ =	shalt  }

// kernel: kernel.34.cloned.1.call-start
scs
__scs_entry_jumppad:
0x0: {  	(pc) =	sbr.rel $0x88, $3  }
0x1: {  	(tag) =	ssettag $0x0;
	lr =	simm.s32 $0x1  }
0x2: {  	[smem:$0x3F98] =	sst lr;
	_ =	strace $0xD0000000  }
0x3: {  	_ = 	snop  }
0x4: {  	_ = 	snop  }
0x5: {  	_ = 	snop  }
0x6: {  	_ = 	snop  }
0x7: {  	_ = 	snop  }
__scs_overlays_trampoline_lowered:
0x8: {  	[smem:$0x3FA7] =	sst s0  }
0x9: {  	[smem:$0x3FA8] =	sst s1  }
0xa: {  	[smem:$0x3FA9] =	sst s2  }
0xb: {  	[smem:$0x3FAA] =	sst s3  }
0xc: {  	[smem:$0x3FAB] =	sst s4  }
0xd: {  	[smem:$0x3FAC] =	sst s5  }
0xe: {  	[smem:$0x3FAD] =	sst s6  }
0xf: {  	[smem:$0x3FAE] =	sst s7  }
0x10: {  	[smem:$0x3FAF] =	sst s8  }
0x11: {  	[smem:$0x3FB0] =	sst s9;
	s0 =	simm.s32 @!p0 $0x0  }
0x12: {  	s1 =	sld [smem:$0x3F96];
	s0 =	simm.s32 @p0 $0x1  }
0x13: {  	[smem:$0x3FB1] =	sst s0;
	s0 =	simm.s32 @!p1 $0x0  }
0x14: {  	s2 =	sld [smem:$0x3F95];
	s0 =	simm.s32 @p1 $0x1  }
0x15: {  	[smem:$0x3FB2] =	sst s0;
	s0 =	simm.s32 @!p2 $0x0  }
0x16: {  	s3 =	sld [smem:$0x3FDB];
	s0 =	simm.s32 @p2 $0x1  }
0x17: {  	s4 =	simm.s32 $0x1BF5;
	[smem:$0x3FB4] =	sst s0  }
0x18: {  	s0 =	sld [smem:$0x3F97];
	_ =	swait.ge [sflag:s4], $0x0  }
0x19: {  	s7 =	sld [smem:$0x3F98]  }
0x1a: {  	s8 =	sadd.s32 $0xFFFFE003, lr  }
0x1b: {  	s9 =	sadd.s32 $0xFFFFFEF7, lr;
	s5 =	simm.s32 $0xFFFFFFFF;
	p2 =	slt.u32 s8, $0xFFFFF086  }
0x1c: {  	p1 =	slt.u32 s9, $0xF7A;
	s5 =	simm.s32 @!p2 $0x0  }
0x1d: {  	s5 =	simm.s32 @p1 $0x1;
	p0 =	seq.s32 s7, s2  }
0x1e: {  	s7 =	smul.u32 @!p0 $0xF7A, s2;
	p2 =	seq.s32 @!p0 s5, $0x0  }
0x1f: {  	s9 =	smul.u32 $0xF7A, s1;
	s8 =	simm.s32 @!p0 $0x1BF5;
	p2 =	por !p2, p0  }
0x20: {  	[sflag:s8] =	ssyncset.s32 @!p0 $0xFFFFF086;
	s6 =	sadd.s32 @!p0 s3, s7;
	s7 =	simm.s32 @!p0 $0x108  }
0x21: {  	s3 =	sadd.s32 s3, s9;
	s6 =	sadd.s32 @!p0 $0x88, s6;
	s7 =	simm.s32 @p2 $0x1082  }
0x22: {  	[simem:s7], [sflag:s8] =	dma.local @!p0 [hbm:s6], $0xF7A  }
0x23: {  	s9 =	sor.u32 $0xD0000000, s2;
	s6 =	simm.s32 $0x108;
	_ =	swait.ge @!p0 [sflag:s8], $0x0  }
0x24: {  	s3 =	sadd.s32 $0x88, s3;
	s6 =	simm.s32 @!p1 $0x1082;
	[sflag:s4] =	ssyncset.s32 $0xFFFFF086  }
0x25: {  	[simem:s6], [sflag:s4] =	dma.local [hbm:s3], $0xF7A  }
0x26: {  	[smem:$0x3F98] =	sst s1;
	(tag) =	ssettag s2;
	_ =	strace s9  }
0x27: {  	s1 =	sld [smem:$0x3FA8]  }
0x28: {  	s2 =	sld [smem:$0x3FA9]  }
0x29: {  	s4 =	sld [smem:$0x3FAB]  }
0x2a: {  	p0 =	seq.s32 s5, $0x0;
	s5 =	sld [smem:$0x3FAC]  }
0x2b: {  	s6 =	sld [smem:$0x3FAD]  }
0x2c: {  	s7 =	sld [smem:$0x3FAE]  }
0x2d: {  	s3 =	simm.s32 $0x108;
	s8 =	sld [smem:$0x3FAF]  }
0x2e: {  	s3 =	simm.s32 @!p0 $0x1082;
	s9 =	sld [smem:$0x3FB0]  }
0x2f: {  	lr =	sadd.s32 s0, s3;
	s0 =	sld [smem:$0x3FA7]  }
0x30: {  	s3 =	sld [smem:$0x3FAA]  }
0x31: {  	[smem:$0x3FB3] =	sst s10  }
0x32: {  	s10 =	sld [smem:$0x3FB1];
	_ =	sdelay $0x3  }
0x33: {  	p0 =	seq.s32 s10, $0x1;
	s10 =	sld [smem:$0x3FB3];
	_ =	sdelay $0x3  }
0x34: {  	[smem:$0x3FB3] =	sst s10  }
0x35: {  	s10 =	sld [smem:$0x3FB2];
	_ =	sdelay $0x3  }
0x36: {  	p1 =	seq.s32 s10, $0x1;
	s10 =	sld [smem:$0x3FB3];
	_ =	sdelay $0x3  }
0x37: {  	[smem:$0x3FB3] =	sst s10  }
0x38: {  	s10 =	sld [smem:$0x3FB4]  }
0x39: {  	_ = 	snop;
	(pc) =	sbr.ind lr, $3  }
0x3a: {  	_ = 	snop  }
0x3b: {  	_ = 	snop  }
0x3c: {  	p2 =	seq.s32 s10, $0x1;
	s10 =	sld [smem:$0x3FB3]  }
0x3d: {  	_ =	shalt  }
0x3e: {  	_ =	shalt  }
0x3f: {  	_ =	shalt  }
0x40: {  	_ =	shalt  }
0x41: {  	_ =	shalt  }
0x42: {  	_ =	shalt  }
0x43: {  	_ =	shalt  }
0x44: {  	_ =	shalt  }
0x45: {  	_ =	shalt  }
0x46: {  	_ =	shalt  }
0x47: {  	_ =	shalt  }
0x48: {  	_ =	shalt  }
0x49: {  	_ =	shalt  }
0x4a: {  	_ =	shalt  }
0x4b: {  	_ =	shalt  }
0x4c: {  	_ =	shalt  }
0x4d: {  	_ =	shalt  }
0x4e: {  	_ =	shalt  }
0x4f: {  	_ =	shalt  }
0x50: {  	_ =	shalt  }
0x51: {  	_ =	shalt  }
0x52: {  	_ =	shalt  }
0x53: {  	_ =	shalt  }
0x54: {  	_ =	shalt  }
0x55: {  	_ =	shalt  }
0x56: {  	_ =	shalt  }
0x57: {  	_ =	shalt  }
0x58: {  	_ =	shalt  }
0x59: {  	_ =	shalt  }
0x5a: {  	_ =	shalt  }
0x5b: {  	_ =	shalt  }
0x5c: {  	_ =	shalt  }
0x5d: {  	_ =	shalt  }
0x5e: {  	_ =	shalt  }
0x5f: {  	_ =	shalt  }
0x60: {  	_ =	shalt  }
0x61: {  	_ =	shalt  }
0x62: {  	_ =	shalt  }
0x63: {  	_ =	shalt  }
0x64: {  	_ =	shalt  }
0x65: {  	_ =	shalt  }
0x66: {  	_ =	shalt  }
0x67: {  	_ =	shalt  }
0x68: {  	_ =	shalt  }
0x69: {  	_ =	shalt  }
0x6a: {  	_ =	shalt  }
0x6b: {  	_ =	shalt  }
0x6c: {  	_ =	shalt  }
0x6d: {  	_ =	shalt  }
0x6e: {  	_ =	shalt  }
0x6f: {  	_ =	shalt  }
0x70: {  	_ =	shalt  }
0x71: {  	_ =	shalt  }
0x72: {  	_ =	shalt  }
0x73: {  	_ =	shalt  }
0x74: {  	_ =	shalt  }
0x75: {  	_ =	shalt  }
0x76: {  	_ =	shalt  }
0x77: {  	_ =	shalt  }
0x78: {  	_ =	shalt  }
0x79: {  	_ =	shalt  }
0x7a: {  	_ =	shalt  }
0x7b: {  	_ =	shalt  }
0x7c: {  	_ =	shalt  }
0x7d: {  	_ =	shalt  }
0x7e: {  	_ =	shalt  }
0x7f: {  	_ =	shalt  }
0x80: {  	_ =	shalt  }
0x81: {  	_ =	shalt  }
0x82: {  	_ =	shalt  }
0x83: {  	_ =	shalt  }
0x84: {  	_ =	shalt  }
0x85: {  	_ =	shalt  }
0x86: {  	_ =	shalt  }
0x87: {  	_ =	shalt  }
.Lfunc_end0:
.L_simem_size_0:
called_computation.5_lowered:
.L_overlay_start_0:
0x88: {  	s2 =	sld [smem:$0x3FD9]  }
0x89: {  	s3 =	sld [smem:$0x3FFE];
	_ =	sdelay $0x1  }
0x8a: {  	s1 =	srdreg.scid  }
0x8b: {  	s0 =	sand.u32 $0x1, s1  }
0x8c: {  	s17 =	sshll.u32 s0, $0xA;
	s2 =	sadd.s32 s3, s2  }
0x8d: {  	s2 =	sadd.s32 s2, s17  }
0x8e: {  	[smem:$0x3FBF] =	sst s2  }
0x8f: {  	_ = 	snop  }
0x90: {  	(tm) =	ssettm $0x1  }
0x91: {  	s18 =	sld [smem:$0x3FFB];
	_ =	sdelay $0x3  }
0x92: {  	_ =	strace s18  }
0x93: {  	s2 =	sld [smem:$0x3FFC];
	_ =	sdelay $0x3  }
0x94: {  	_ =	strace s2  }
0x95: {  	s2 =	sld [smem:$0x3FFD];
	_ =	sdelay $0x3  }
0x96: {  	_ =	strace s2  }
0x97: {  	_ =	strace $0x8FFFFFFF  }
0x98: {  	s19 =	sld [smem:$0x3FDB];
	_ =	sdelay $0x1  }
0x99: {  	s20 =	simm.s32 $_scs_section_size  }
0x9a: {  	s4 =	simm.s32 $_size__tile_overlayer_lowered;
	s5 =	simm.s32 $_tile_overlayer_lowered  }
0x9b: {  	s6 =	simm.s32 $0x1BFF;
	s21 =	sshll.u32 s5, $0x1;
	s3 =	sadd.s32 s20, s19  }
0x9c: {  	s22 =	simm.s32 $0x0;
	s4 =	sshll.u32 s4, $0x1;
	s5 =	sadd.s32 s21, s3  }
0x9d: {  	[timem:s22], [sflag:s6] =	dma.local [hbm:s5], s4  }
0x9e: {  	_ =	swait.ge [sflag:s6], s4  }
0x9f: {  	s4 =	ssub.s32 $0x0, s4;
	[sflag:s6] =	ssyncset.done $0x0  }
0xa0: {  	[sflag:s6] =	ssyncadd.s32 s4;
	_ =	sdelay $0x1  }
0xa1: {  	s23 =	simm.s32 $0x1B8B  }
0xa2: {  	_ =	swait.ge [sflag:s23], $0x1  }
0xa3: {  	[sflag:s23] =	ssyncset.done $0x0  }
0xa4: {  	[sflag:s23] =	ssyncadd.s32 $0xFFFFFFFF  }
0xa5: {  	s4 =	sld [smem:$0x0]  }
0xa6: {  	s5 =	sand.u32 $0xFFFFFFFE, s1  }
0xa7: {  	p0 =	sne.s32 s1, s5  }
0xa8: {  	s5 =	sshll.u32 @p0 s5, $0xE  }
0xa9: {  	s5 =	sadd.s32 @p0 $0x11B8D, s5;
	s6 =	sshll.u32 @p0 s4, $0x11  }
0xaa: {  	s5 =	sor.u32 @p0 s6, s5  }
0xab: {  	[sflag:s5] =	ssyncadd.remote.s32 @p0 $0x1;
	_ =	sdelay $0x1  }
0xac: {  	s5 =	simm.s32 @p0 $0x1B8D  }
0xad: {  	_ =	swait.eq @p0 [sflag:s5], $0x1  }
0xae: {  	[sflag:s5] =	ssyncadd.s32 @p0 $0xFFFFFFFF  }
0xaf: {  	s6 =	sshll.u32 @!p0 s1, $0xE  }
0xb0: {  	s6 =	sor.u32 @!p0 $0x4000, s6;
	s5 =	simm.s32 @!p0 $0x1B8D  }
0xb1: {  	s4 =	sshll.u32 @!p0 s4, $0x11;
	s6 =	sadd.s32 @!p0 $0x11B8D, s6;
	_ =	swait.eq @!p0 [sflag:s5], $0x1  }
0xb2: {  	s4 =	sor.u32 @!p0 s4, s6;
	[sflag:s5] =	ssyncadd.s32 @!p0 $0xFFFFFFFF  }
0xb3: {  	s25 =	simm.s32 $0x1B8E;
	s24 =	sld [smem:$0x3FFE];
	[sflag:s4] =	ssyncadd.remote.s32 @!p0 $0x1  }
0xb4: {  	s26 =	simm.s32 $execute0_lowered;
	[smem:$0x3FD2] =	sst s25  }
0xb5: {  	s5 =	sshll.u32 s26, $0x1;
	_ =	strace $0x80000058;
	[dreg:$0x1] =	wrdreg $0xFFFFFFFF  }
0xb6: {  	s28 =	simm.s32 $_size_execute0_lowered;
	s3 =	sadd.s32 s3, s5;
	[dreg:$0x0] =	wrdreg $0x0  }
0xb7: {  	s5 =	sshll.u32 s28, $0x1;
	[dreg:$0x2] =	wrdreg s3  }
0xb8: {  	[dreg:$0x3] =	wrdreg s5  }
0xb9: {  	[dreg:$0x4] =	wrdreg $0xC0  }
0xba: {  	_ =	task [dreg:s22], $0x5FFFF  }
0xbb: {  	[dreg:$0x1] =	wrdreg $0xFFFFFFFF  }
0xbc: {  	[dreg:$0x0] =	wrdreg $0x60  }
0xbd: {  	[dreg:$0x2] =	wrdreg s24  }
0xbe: {  	[dreg:$0x3] =	wrdreg $0x51000  }
0xbf: {  	[dreg:$0x4] =	wrdreg $0xA  }
0xc0: {  	_ =	task.clear_ibuf [dreg:s22], $0x5FFFF;
	_ =	strace $0x90000058  }
0xc1: {  	s29 =	simm.s32 $0xA;
	_ =	strace $0x8000005A  }
0xc2: {  	_ =	swait.ge [sflag:s29], $0x1  }
0xc3: {  	[sflag:s29] =	ssyncadd.s32 $0xFFFFFFFF  }
0xc4: {  	_ =	strace $0x9000005A  }
0xc5: {  	_ =	sfence  }
0xc6: {  	s30 =	sld [smem:$0x0];
	_ =	sdelay $0x2  }
0xc7: {  	s31 =	sshll.u32 s1, $0xD;
	s1 =	sshrl.u32 s1, $0x2  }
0xc8: {  	s4 =	sand.u32 $0x4000, s31;
	s1 =	sadd.s32 s1, s30  }
0xc9: {  	s0 =	sor.u32 s4, s0;
	s1 =	sshll.u32 s1, $0x11  }
0xca: {  	s0 =	sor.u32 s1, s0  }
0xcb: {  	s0 =	sadd.s32 $0x8F2B, s0  }
0xcc: {  	[sflag:s0] =	ssyncadd.remote.s32 $0x1  }
0xcd: {  	_ =	sfence.sel $0xFFFF  }
0xce: {  	[dreg:$0x0] =	wrdreg $0xFFFFFFFF;
	(pc) =	sbr.abs _section_cstart, $3  }
0xcf: {  	[dreg:$0x1] =	wrdreg $0xFFFFFFFF  }
0xd0: {  	_ =	task.clear_ibuf [dreg:s22], $0x2FFFF;
	_ =	strace $0x9FFFFFFF  }
0xd1: {  	(tm) =	ssettm $0x7FFFFFFF  }
tec
execute0_lowered:
.L_overlay_start_1:
0x0: {  	(tag) =	ssettag $0x1  }
0x1: {  	s2 =	stileid.u32  }
0x2: {  	s4 =	rddreg [dreg:$0x0];
	s24 =	smul.u32 $0x2800, s2  }
0x3: {  	s1 =	rddreg [dreg:$0x1];
	s8 =	smul.u32 $0x50000, s2  }
0x4: {  	s5 =	srdreg.scid;
	s28 =	smul.u32 $0x1900, s2  }
0x5: {  	s3 =	simm.s32 $0x0;
	s12 =	sand.u32 $0x1, s5;
	s29 =	smul.u32 $0x19000, s2  }
0x6: {  	s18 =	simm.s32 $0x2900;
	[smem:$0x7FF] =	sst s3;
	s5 =	smul.u32 $0x28000, s12  }
0x7: {  	s11 =	sadd.s32 $0xFC00, s4;
	s6 =	sshll.u32 s2, $0x1;
	s17 =	smul.u32 $0xC80, s12  }
0x8: {  	s7 =	ssub.s32 $0x2, s12;
	s6 =	sor.u32 s12, s6;
	s12 =	smul.u32 $0xC800, s12  }
0x9: {  	s13 =	sadd.s32 $0x5E00, s4;
	s22 =	sshll.u32 s2, $0x6;
	s14 =	smul.u32 $0xC80, s6  }
0xa: {  	_ =	strace $0x80000059;
	s9 =	sadd.s32 s24, s4;
	s21 =	smul.u32 $0xC800, s6  }
0xb: {  	s10 =	sshrl.u32 s7, $0x1;
	s19 =	sshrl.u32 s8, $0x2;
	s25 =	smul.u32 $0x64000, s6  }
0xc: {  	s15 =	sadd.s32 s5, s4;
	s10 =	ssub.s32 s7, s10;
	s16 =	sadd.s32 s19, s1  }
0xd: {  	s4 =	sadd.s32 $0x267C00, s9;
	s5 =	sor.u32 $0x1C05, s22;
	s19 =	simm.s32 $0x3  }
0xe: {  	s22 =	simm.s32 $0x4;
	s20 =	sshrl.u32 s14, $0x3;
	s7 =	sadd.s32 s11, s21  }
0xf: {  	s26 =	sshrl.u32 s25, $0x3;
	s25 =	sadd.s32 $0x5EBC00, s15;
	s10 =	smax.u32 s10, $0x1  }
0x10: {  	s14 =	sadd.s32 s17, s28;
	s15 =	simm.s32 $0x5;
	s17 =	simm.s32 $0x80  }
0x11: {  	s21 =	simm.s32 $0x50;
	s23 =	sadd.s32 s13, s20;
	s9 =	sadd.s32 s11, s26  }
0x12: {  	s11 =	sadd.s32 s29, s11;
	s30 =	sadd.s32 $0xC8A0, s14;
	s14 =	sadd.s32 $0xC850, s14  }
0x13: {  	s20 =	simm.s32 $0x1;
	s24 =	sadd.s32 s24, s25;
	s25 =	simm.s32 $0x0  }
0x14: {  	s6 =	sadd.s32 $0x1900, s23;
	s8 =	sadd.s32 $0x1A86, s23;
	s9 =	sadd.s32 $0xC300, s9  }
0x15: {  	s11 =	sadd.s32 s12, s11;
	s31 =	sshrl.u32 s30, $0x3;
	s14 =	sshrl.u32 s14, $0x3  }
0x16: {  	s23 =	simm.s32 $0x2;
	s11 =	sadd.s32 $0xA00, s11;
	s12 =	sadd.s32 s31, s13  }
0x17: {  	s13 =	sadd.s32 s14, s13;
	s14 =	sshrl.u32 s16, $0x3;
	s16 =	simm.s32 $0x100  }
.LBB2_1:
0x18: {  	[spmem:s14], [sflag:s5] =	dma.local [hbm:s4], $0x2800  }
0x19: {  	_ =	swait.ge [sflag:s15], $0x2800  }
0x1a: {  	[sflag:s15] =	ssyncset.done $0x0  }
0x1b: {  	[sflag:s15] =	ssyncadd.s32 $0xFFFFD800  }
0x1c: {  	[bflag:$0x0] =	sbarrier.arrive $0xFFFF  }
0x1d: {  	[tilespmem:s3], [sflag:$0x3] =	stream.linear.gather [hbm4b:s6+s3], $0x50, $0x38;
	[tilespmem:$0x19100] =	vst v63  }
0x1e: {  	_ = 	snop  }
0x1f: {  	[tilespmem:s16], [sflag:$0x1] =	stream.linear.gather [hbm4b:s7+s3], $0x2800, $0x38;
	[tilespmem:$0x19100] =	vst v63  }
0x20: {  	s26 =	sadd.s32 $0x0, s13  }
0x21: {  	[tilespmem:s17], [sflag:$0x4] =	stream.linear.gather [hbm4b:s26+s3], $0x50, $0x38;
	[tilespmem:$0x19100] =	vst v63  }
0x22: {  	s30 =	sadd.s32 $0xFFFFFB00, s11  }
0x23: {  	[tilespmem:s18], [sflag:$0x2] =	stream.linear.gather [hbm4b:s30+s3], $0x2800, $0x38;
	[tilespmem:$0x19100] =	vst v63  }
0x24: {  	_ =	swait.ge [sflag:s19], $0x50  }
0x25: {  	[sflag:s19] =	ssyncset.done $0x0  }
0x26: {  	[sflag:s19] =	ssyncadd.s32 $0xFFFFFFB0  }
0x27: {  	_ =	swait.ge [sflag:s20], $0x2800  }
0x28: {  	[sflag:s20] =	ssyncset.done $0x0  }
0x29: {  	[sflag:s20] =	ssyncadd.s32 $0xFFFFD800  }
0x2a: {  	[spmem:s1] =	stream.indirect.scatter.add.f32 [tilespmem:s16], [sflag:$0x5], $0x80, s3, s21, $0xb8;
	[tilespmem:$0x19100] =	vst v63  }
0x2b: {  	_ =	swait.ge [sflag:s15], $0x2800  }
0x2c: {  	[sflag:s15] =	ssyncset.done $0x0  }
0x2d: {  	s31 =	sadd.s32 $0x0, s12;
	[sflag:s15] =	ssyncadd.s32 $0xFFFFD800  }
0x2e: {  	[tilespmem:s3], [sflag:$0x3] =	stream.linear.gather [hbm4b:s31+s3], $0x50, $0x38;
	[tilespmem:$0x19100] =	vst v63  }
0x2f: {  	_ = 	snop  }
0x30: {  	[tilespmem:s16], [sflag:$0x1] =	stream.linear.gather [hbm4b:s11+s3], $0x2800, $0x38;
	[tilespmem:$0x19100] =	vst v63  }
0x31: {  	_ =	swait.ge [sflag:s22], $0x50  }
0x32: {  	[sflag:s22] =	ssyncset.done $0x0  }
0x33: {  	[sflag:s22] =	ssyncadd.s32 $0xFFFFFFB0  }
0x34: {  	_ =	swait.ge [sflag:s23], $0x2800  }
0x35: {  	[sflag:s23] =	ssyncset.done $0x0  }
0x36: {  	[sflag:s23] =	ssyncadd.s32 $0xFFFFD800  }
0x37: {  	[spmem:s1] =	stream.indirect.scatter.add.f32 [tilespmem:s18], [sflag:$0x5], $0x80, s17, s21, $0xb8;
	[tilespmem:$0x19100] =	vst v63  }
0x38: {  	s29 =	simm.s32 $0x28;
	_ =	swait.ge [sflag:s15], $0x2800  }
0x39: {  	s28 =	sadd.s32 $0xA00, s11;
	s26 =	simm.s32 $0x14;
	[sflag:s15] =	ssyncset.done $0x0  }
.LBB2_2:
0x3a: {  	s30 =	sadd.s32 s26, s13  }
0x3b: {  	[sflag:s15] =	ssyncadd.s32 $0xFFFFD800;
	s31 =	smov.u32 s29;
	s0 =	sadd.s32 $0x14, s29  }
0x3c: {  	[tilespmem:s17], [sflag:$0x4] =	stream.linear.gather [hbm4b:s30+s3], $0x50, $0x38;
	[tilespmem:$0x19100] =	vst v63  }
0x3d: {  	p0 =	sne.s32 s29, $0x168;
	s29 =	sadd.s32 $0xFFFFFB00, s28  }
0x3e: {  	[tilespmem:s18], [sflag:$0x2] =	stream.linear.gather [hbm4b:s29+s3], $0x2800, $0x38;
	[tilespmem:$0x19100] =	vst v63  }
0x3f: {  	_ =	swait.ge [sflag:s19], $0x50  }
0x40: {  	[sflag:s19] =	ssyncset.done $0x0  }
0x41: {  	[sflag:s19] =	ssyncadd.s32 $0xFFFFFFB0  }
0x42: {  	_ =	swait.ge [sflag:s20], $0x2800  }
0x43: {  	[sflag:s20] =	ssyncset.done $0x0  }
0x44: {  	[sflag:s20] =	ssyncadd.s32 $0xFFFFD800  }
0x45: {  	[spmem:s1] =	stream.indirect.scatter.add.f32 [tilespmem:s16], [sflag:$0x5], $0x80, s3, s21, $0xb8;
	[tilespmem:$0x19100] =	vst v63  }
0x46: {  	_ =	swait.ge [sflag:s15], $0x2800  }
0x47: {  	[sflag:s15] =	ssyncset.done $0x0  }
0x48: {  	s29 =	sadd.s32 s26, s12;
	s26 =	smov.u32 s31;
	[sflag:s15] =	ssyncadd.s32 $0xFFFFD800  }
0x49: {  	[tilespmem:s3], [sflag:$0x3] =	stream.linear.gather [hbm4b:s29+s3], $0x50, $0x38;
	[tilespmem:$0x19100] =	vst v63  }
0x4a: {  	_ = 	snop  }
0x4b: {  	[tilespmem:s16], [sflag:$0x1] =	stream.linear.gather [hbm4b:s28+s3], $0x2800, $0x38;
	[tilespmem:$0x19100] =	vst v63  }
0x4c: {  	_ =	swait.ge [sflag:s22], $0x50  }
0x4d: {  	[sflag:s22] =	ssyncset.done $0x0  }
0x4e: {  	[sflag:s22] =	ssyncadd.s32 $0xFFFFFFB0  }
0x4f: {  	_ =	swait.ge [sflag:s23], $0x2800  }
.Ltmp0:
0x50: {  	[sflag:s23] =	ssyncset.done $0x0;
	(pc) =	sbr.rel @p0 .LBB2_2-.Ltmp0, $4  }
0x51: {  	[sflag:s23] =	ssyncadd.s32 $0xFFFFD800  }
0x52: {  	[spmem:s1] =	stream.indirect.scatter.add.f32 [tilespmem:s18], [sflag:$0x5], $0x80, s17, s21, $0xb8;
	[tilespmem:$0x19100] =	vst v63  }
0x53: {  	_ =	swait.ge [sflag:s15], $0x2800  }
0x54: {  	s29 =	smov.u32 s0;
	s28 =	sadd.s32 $0xA00, s28;
	[sflag:s15] =	ssyncset.done $0x0  }
0x55: {  	s0 =	sadd.s32 s26, s13;
	[sflag:s15] =	ssyncadd.s32 $0xFFFFD800  }
0x56: {  	[tilespmem:s17], [sflag:$0x4] =	stream.linear.gather [hbm4b:s0+s3], $0x50, $0x38;
	[tilespmem:$0x19100] =	vst v63  }
0x57: {  	s30 =	sadd.s32 $0xFFFFFB00, s28  }
0x58: {  	[tilespmem:s18], [sflag:$0x2] =	stream.linear.gather [hbm4b:s30+s3], $0x2800, $0x38;
	[tilespmem:$0x19100] =	vst v63  }
0x59: {  	_ =	swait.ge [sflag:s19], $0x50  }
0x5a: {  	[sflag:s19] =	ssyncset.done $0x0  }
0x5b: {  	[sflag:s19] =	ssyncadd.s32 $0xFFFFFFB0  }
0x5c: {  	_ =	swait.ge [sflag:s20], $0x2800  }
0x5d: {  	[sflag:s20] =	ssyncset.done $0x0  }
0x5e: {  	[sflag:s20] =	ssyncadd.s32 $0xFFFFD800  }
0x5f: {  	[spmem:s1] =	stream.indirect.scatter.add.f32 [tilespmem:s16], [sflag:$0x5], $0x80, s3, s21, $0xb8;
	[tilespmem:$0x19100] =	vst v63  }
0x60: {  	_ =	swait.ge [sflag:s15], $0x2800  }
0x61: {  	[sflag:s15] =	ssyncset.done $0x0  }
0x62: {  	s31 =	sadd.s32 s26, s12;
	[sflag:s15] =	ssyncadd.s32 $0xFFFFD800  }
0x63: {  	[tilespmem:s3], [sflag:$0x3] =	stream.linear.gather [hbm4b:s31+s3], $0x50, $0x38;
	[tilespmem:$0x19100] =	vst v63  }
0x64: {  	_ = 	snop  }
0x65: {  	[tilespmem:s16], [sflag:$0x1] =	stream.linear.gather [hbm4b:s28+s3], $0x2800, $0x38;
	[tilespmem:$0x19100] =	vst v63  }
0x66: {  	_ =	swait.ge [sflag:s22], $0x50  }
0x67: {  	[sflag:s22] =	ssyncset.done $0x0  }
0x68: {  	[sflag:s22] =	ssyncadd.s32 $0xFFFFFFB0  }
0x69: {  	_ =	swait.ge [sflag:s23], $0x2800  }
0x6a: {  	[sflag:s23] =	ssyncset.done $0x0  }
0x6b: {  	[sflag:s23] =	ssyncadd.s32 $0xFFFFD800  }
0x6c: {  	[spmem:s1] =	stream.indirect.scatter.add.f32 [tilespmem:s18], [sflag:$0x5], $0x80, s17, s21, $0xb8;
	[tilespmem:$0x19100] =	vst v63  }
0x6d: {  	_ =	swait.ge [sflag:s15], $0x2800  }
0x6e: {  	[sflag:s15] =	ssyncset.done $0x0  }
0x6f: {  	[sflag:s15] =	ssyncadd.s32 $0xFFFFD800  }
0x70: {  	[tilespmem:s17], [sflag:$0x4] =	stream.linear.gather [hbm4b:s8+s3], $0x50, $0x38;
	[tilespmem:$0x19100] =	vst v63  }
0x71: {  	_ = 	snop  }
0x72: {  	[tilespmem:s18], [sflag:$0x2] =	stream.linear.gather [hbm4b:s9+s3], $0x2800, $0x38;
	[tilespmem:$0x19100] =	vst v63  }
0x73: {  	_ =	swait.ge [sflag:s19], $0x50  }
0x74: {  	[sflag:s19] =	ssyncset.done $0x0  }
0x75: {  	[sflag:s19] =	ssyncadd.s32 $0xFFFFFFB0  }
0x76: {  	_ =	swait.ge [sflag:s20], $0x2800  }
0x77: {  	[sflag:s20] =	ssyncset.done $0x0  }
0x78: {  	[sflag:s20] =	ssyncadd.s32 $0xFFFFD800  }
0x79: {  	[spmem:s1] =	stream.indirect.scatter.add.f32 [tilespmem:s16], [sflag:$0x5], $0x80, s3, s21, $0xb8;
	[tilespmem:$0x19100] =	vst v63  }
0x7a: {  	_ =	swait.ge [sflag:s15], $0x2800  }
0x7b: {  	[sflag:s15] =	ssyncset.done $0x0  }
0x7c: {  	[sflag:s15] =	ssyncadd.s32 $0xFFFFD800  }
0x7d: {  	_ =	swait.ge [sflag:s22], $0x50  }
0x7e: {  	[sflag:s22] =	ssyncset.done $0x0  }
0x7f: {  	[sflag:s22] =	ssyncadd.s32 $0xFFFFFFB0  }
0x80: {  	_ =	swait.ge [sflag:s23], $0x2800  }
0x81: {  	[sflag:s23] =	ssyncset.done $0x0  }
0x82: {  	[sflag:s23] =	ssyncadd.s32 $0xFFFFD800  }
0x83: {  	[spmem:s1] =	stream.indirect.scatter.add.f32 [tilespmem:s18], [sflag:$0x5], $0x80, s17, s21, $0xb8;
	[tilespmem:$0x19100] =	vst v63  }
0x84: {  	_ =	swait.ge [sflag:s15], $0x2800  }
0x85: {  	s25 =	sadd.s32 $0x1, s25;
	[sflag:s15] =	ssyncset.done $0x0  }
0x86: {  	p0 =	sne.s32 s25, s10;
	[sflag:s15] =	ssyncadd.s32 $0xFFFFD800  }
.Ltmp1:
0x87: {  	[bflag:$0x0] =	sbarrier.arrive $0xFFFF;
	(pc) =	sbr.rel @p0 .LBB2_1-.Ltmp1, $4  }
0x88: {  	[hbm:s24], [sflag:s5] =	dma.local [spmem:s14], $0x2800  }
0x89: {  	_ =	swait.ge [sflag:s15], $0x2800  }
0x8a: {  	[sflag:s15] =	ssyncset.done $0x0  }
0x8b: {  	[sflag:s15] =	ssyncadd.s32 $0xFFFFD800  }
0x8c: {  	_ =	sfence.sel $0x180000  }
0x8d: {  	[bflag:$0x0] =	sbarrier.arrive $0xFFFF  }
0x8e: {  	_ =	strace $0x90000059  }
0x8f: {  	[bflag:$0x2] =	sbarrier.arrive $0xFFFF  }
0x90: {  	p0 =	sne.s32 s2, $0x0;
	s0 =	rddreg [dreg:$0x2]  }
0x91: {  	s0 =	sadd.s32 @!p0 $0x100000, s0  }
0x92: {  	[sflag:s0] =	ssyncadd.tile.s32 @!p0 $0x1;
	_ =	shalt  }
.Lfunc_end2:
_tile_overlayer_lowered:
.L_overlay_start_2:
0x93: {  	(tag) =	ssettag $0x2  }
0x94: {  	s0 =	rddreg [dreg:$0x0];
	s2 =	stileid.u32  }
0x95: {  	s1 =	rddreg [dreg:$0x1];
	p0 =	sne.s32 s2, $0x0  }
0x96: {  	s3 =	rddreg [dreg:$0x2];
	[bflag:$0x3] =	sbarrier.arrive $0xFFFF;
	s2 =	simm.s32 @!p0 $0x1C05  }
0x97: {  	[timem:s3], [sflag:s2] =	dma.local @!p0 [hbm:s0], s1  }
0x98: {  	s0 =	simm.s32 @!p0 $0x5  }
0x99: {  	_ =	swait.ge @!p0 [sflag:s0], s1  }
0x9a: {  	s1 =	ssub.s32 @!p0 $0x0, s1;
	[sflag:s0] =	ssyncset.done @!p0 $0x0  }
0x9b: {  	[sflag:s0] =	ssyncadd.s32 @!p0 s1  }
0x9c: {  	[bflag:$0x3] =	sbarrier.arrive $0xFFFF  }
0x9d: {  	_ =	shalt  }

// kernel: kernel.37.cloned.1.call-start
scs
__scs_entry_jumppad:
0x0: {  	(pc) =	sbr.rel $0x88, $3  }
0x1: {  	(tag) =	ssettag $0x0;
	lr =	simm.s32 $0x1  }
0x2: {  	[smem:$0x3F98] =	sst lr;
	_ =	strace $0xD0000000  }
0x3: {  	_ = 	snop  }
0x4: {  	_ = 	snop  }
0x5: {  	_ = 	snop  }
0x6: {  	_ = 	snop  }
0x7: {  	_ = 	snop  }
__scs_overlays_trampoline_lowered:
0x8: {  	[smem:$0x3FA7] =	sst s0  }
0x9: {  	[smem:$0x3FA8] =	sst s1  }
0xa: {  	[smem:$0x3FA9] =	sst s2  }
0xb: {  	[smem:$0x3FAA] =	sst s3  }
0xc: {  	[smem:$0x3FAB] =	sst s4  }
0xd: {  	[smem:$0x3FAC] =	sst s5  }
0xe: {  	[smem:$0x3FAD] =	sst s6  }
0xf: {  	[smem:$0x3FAE] =	sst s7  }
0x10: {  	[smem:$0x3FAF] =	sst s8  }
0x11: {  	[smem:$0x3FB0] =	sst s9;
	s0 =	simm.s32 @!p0 $0x0  }
0x12: {  	s1 =	sld [smem:$0x3F96];
	s0 =	simm.s32 @p0 $0x1  }
0x13: {  	[smem:$0x3FB1] =	sst s0;
	s0 =	simm.s32 @!p1 $0x0  }
0x14: {  	s2 =	sld [smem:$0x3F95];
	s0 =	simm.s32 @p1 $0x1  }
0x15: {  	[smem:$0x3FB2] =	sst s0;
	s0 =	simm.s32 @!p2 $0x0  }
0x16: {  	s3 =	sld [smem:$0x3FDB];
	s0 =	simm.s32 @p2 $0x1  }
0x17: {  	s4 =	simm.s32 $0x1BF5;
	[smem:$0x3FB4] =	sst s0  }
0x18: {  	s0 =	sld [smem:$0x3F97];
	_ =	swait.ge [sflag:s4], $0x0  }
0x19: {  	s7 =	sld [smem:$0x3F98]  }
0x1a: {  	s8 =	sadd.s32 $0xFFFFE003, lr  }
0x1b: {  	s9 =	sadd.s32 $0xFFFFFEF7, lr;
	s5 =	simm.s32 $0xFFFFFFFF;
	p2 =	slt.u32 s8, $0xFFFFF086  }
0x1c: {  	p1 =	slt.u32 s9, $0xF7A;
	s5 =	simm.s32 @!p2 $0x0  }
0x1d: {  	s5 =	simm.s32 @p1 $0x1;
	p0 =	seq.s32 s7, s2  }
0x1e: {  	s7 =	smul.u32 @!p0 $0xF7A, s2;
	p2 =	seq.s32 @!p0 s5, $0x0  }
0x1f: {  	s9 =	smul.u32 $0xF7A, s1;
	s8 =	simm.s32 @!p0 $0x1BF5;
	p2 =	por !p2, p0  }
0x20: {  	[sflag:s8] =	ssyncset.s32 @!p0 $0xFFFFF086;
	s6 =	sadd.s32 @!p0 s3, s7;
	s7 =	simm.s32 @!p0 $0x108  }
0x21: {  	s3 =	sadd.s32 s3, s9;
	s6 =	sadd.s32 @!p0 $0x88, s6;
	s7 =	simm.s32 @p2 $0x1082  }
0x22: {  	[simem:s7], [sflag:s8] =	dma.local @!p0 [hbm:s6], $0xF7A  }
0x23: {  	s9 =	sor.u32 $0xD0000000, s2;
	s6 =	simm.s32 $0x108;
	_ =	swait.ge @!p0 [sflag:s8], $0x0  }
0x24: {  	s3 =	sadd.s32 $0x88, s3;
	s6 =	simm.s32 @!p1 $0x1082;
	[sflag:s4] =	ssyncset.s32 $0xFFFFF086  }
0x25: {  	[simem:s6], [sflag:s4] =	dma.local [hbm:s3], $0xF7A  }
0x26: {  	[smem:$0x3F98] =	sst s1;
	(tag) =	ssettag s2;
	_ =	strace s9  }
0x27: {  	s1 =	sld [smem:$0x3FA8]  }
0x28: {  	s2 =	sld [smem:$0x3FA9]  }
0x29: {  	s4 =	sld [smem:$0x3FAB]  }
0x2a: {  	p0 =	seq.s32 s5, $0x0;
	s5 =	sld [smem:$0x3FAC]  }
0x2b: {  	s6 =	sld [smem:$0x3FAD]  }
0x2c: {  	s7 =	sld [smem:$0x3FAE]  }
0x2d: {  	s3 =	simm.s32 $0x108;
	s8 =	sld [smem:$0x3FAF]  }
0x2e: {  	s3 =	simm.s32 @!p0 $0x1082;
	s9 =	sld [smem:$0x3FB0]  }
0x2f: {  	lr =	sadd.s32 s0, s3;
	s0 =	sld [smem:$0x3FA7]  }
0x30: {  	s3 =	sld [smem:$0x3FAA]  }
0x31: {  	[smem:$0x3FB3] =	sst s10  }
0x32: {  	s10 =	sld [smem:$0x3FB1];
	_ =	sdelay $0x3  }
0x33: {  	p0 =	seq.s32 s10, $0x1;
	s10 =	sld [smem:$0x3FB3];
	_ =	sdelay $0x3  }
0x34: {  	[smem:$0x3FB3] =	sst s10  }
0x35: {  	s10 =	sld [smem:$0x3FB2];
	_ =	sdelay $0x3  }
0x36: {  	p1 =	seq.s32 s10, $0x1;
	s10 =	sld [smem:$0x3FB3];
	_ =	sdelay $0x3  }
0x37: {  	[smem:$0x3FB3] =	sst s10  }
0x38: {  	s10 =	sld [smem:$0x3FB4]  }
0x39: {  	_ = 	snop;
	(pc) =	sbr.ind lr, $3  }
0x3a: {  	_ = 	snop  }
0x3b: {  	_ = 	snop  }
0x3c: {  	p2 =	seq.s32 s10, $0x1;
	s10 =	sld [smem:$0x3FB3]  }
0x3d: {  	_ =	shalt  }
0x3e: {  	_ =	shalt  }
0x3f: {  	_ =	shalt  }
0x40: {  	_ =	shalt  }
0x41: {  	_ =	shalt  }
0x42: {  	_ =	shalt  }
0x43: {  	_ =	shalt  }
0x44: {  	_ =	shalt  }
0x45: {  	_ =	shalt  }
0x46: {  	_ =	shalt  }
0x47: {  	_ =	shalt  }
0x48: {  	_ =	shalt  }
0x49: {  	_ =	shalt  }
0x4a: {  	_ =	shalt  }
0x4b: {  	_ =	shalt  }
0x4c: {  	_ =	shalt  }
0x4d: {  	_ =	shalt  }
0x4e: {  	_ =	shalt  }
0x4f: {  	_ =	shalt  }
0x50: {  	_ =	shalt  }
0x51: {  	_ =	shalt  }
0x52: {  	_ =	shalt  }
0x53: {  	_ =	shalt  }
0x54: {  	_ =	shalt  }
0x55: {  	_ =	shalt  }
0x56: {  	_ =	shalt  }
0x57: {  	_ =	shalt  }
0x58: {  	_ =	shalt  }
0x59: {  	_ =	shalt  }
0x5a: {  	_ =	shalt  }
0x5b: {  	_ =	shalt  }
0x5c: {  	_ =	shalt  }
0x5d: {  	_ =	shalt  }
0x5e: {  	_ =	shalt  }
0x5f: {  	_ =	shalt  }
0x60: {  	_ =	shalt  }
0x61: {  	_ =	shalt  }
0x62: {  	_ =	shalt  }
0x63: {  	_ =	shalt  }
0x64: {  	_ =	shalt  }
0x65: {  	_ =	shalt  }
0x66: {  	_ =	shalt  }
0x67: {  	_ =	shalt  }
0x68: {  	_ =	shalt  }
0x69: {  	_ =	shalt  }
0x6a: {  	_ =	shalt  }
0x6b: {  	_ =	shalt  }
0x6c: {  	_ =	shalt  }
0x6d: {  	_ =	shalt  }
0x6e: {  	_ =	shalt  }
0x6f: {  	_ =	shalt  }
0x70: {  	_ =	shalt  }
0x71: {  	_ =	shalt  }
0x72: {  	_ =	shalt  }
0x73: {  	_ =	shalt  }
0x74: {  	_ =	shalt  }
0x75: {  	_ =	shalt  }
0x76: {  	_ =	shalt  }
0x77: {  	_ =	shalt  }
0x78: {  	_ =	shalt  }
0x79: {  	_ =	shalt  }
0x7a: {  	_ =	shalt  }
0x7b: {  	_ =	shalt  }
0x7c: {  	_ =	shalt  }
0x7d: {  	_ =	shalt  }
0x7e: {  	_ =	shalt  }
0x7f: {  	_ =	shalt  }
0x80: {  	_ =	shalt  }
0x81: {  	_ =	shalt  }
0x82: {  	_ =	shalt  }
0x83: {  	_ =	shalt  }
0x84: {  	_ =	shalt  }
0x85: {  	_ =	shalt  }
0x86: {  	_ =	shalt  }
0x87: {  	_ =	shalt  }
.Lfunc_end0:
.L_simem_size_0:
called_computation.6_lowered:
.L_overlay_start_0:
0x88: {  	s2 =	sld [smem:$0x3FD9]  }
0x89: {  	s3 =	sld [smem:$0x3FFE];
	_ =	sdelay $0x1  }
0x8a: {  	s1 =	srdreg.scid  }
0x8b: {  	s0 =	sand.u32 $0x1, s1  }
0x8c: {  	s17 =	sshll.u32 s0, $0xA;
	s2 =	sadd.s32 s3, s2  }
0x8d: {  	s2 =	sadd.s32 s2, s17  }
0x8e: {  	[smem:$0x3FBF] =	sst s2  }
0x8f: {  	_ = 	snop  }
0x90: {  	(tm) =	ssettm $0x1  }
0x91: {  	s18 =	sld [smem:$0x3FFB];
	_ =	sdelay $0x3  }
0x92: {  	_ =	strace s18  }
0x93: {  	s2 =	sld [smem:$0x3FFC];
	_ =	sdelay $0x3  }
0x94: {  	_ =	strace s2  }
0x95: {  	s2 =	sld [smem:$0x3FFD];
	_ =	sdelay $0x3  }
0x96: {  	_ =	strace s2  }
0x97: {  	_ =	strace $0x8FFFFFFF  }
0x98: {  	s19 =	sld [smem:$0x3FDB];
	_ =	sdelay $0x1  }
0x99: {  	s20 =	simm.s32 $_scs_section_size  }
0x9a: {  	s4 =	simm.s32 $_size__tile_overlayer_lowered;
	s5 =	simm.s32 $_tile_overlayer_lowered  }
0x9b: {  	s6 =	simm.s32 $0x1BFF;
	s21 =	sshll.u32 s5, $0x1;
	s3 =	sadd.s32 s20, s19  }
0x9c: {  	s22 =	simm.s32 $0x0;
	s4 =	sshll.u32 s4, $0x1;
	s5 =	sadd.s32 s21, s3  }
0x9d: {  	[timem:s22], [sflag:s6] =	dma.local [hbm:s5], s4  }
0x9e: {  	_ =	swait.ge [sflag:s6], s4  }
0x9f: {  	s4 =	ssub.s32 $0x0, s4;
	[sflag:s6] =	ssyncset.done $0x0  }
0xa0: {  	[sflag:s6] =	ssyncadd.s32 s4;
	_ =	sdelay $0x1  }
0xa1: {  	s23 =	simm.s32 $0x1B8B  }
0xa2: {  	_ =	swait.ge [sflag:s23], $0x1  }
0xa3: {  	[sflag:s23] =	ssyncset.done $0x0  }
0xa4: {  	[sflag:s23] =	ssyncadd.s32 $0xFFFFFFFF  }
0xa5: {  	s4 =	sld [smem:$0x0]  }
0xa6: {  	s5 =	sand.u32 $0xFFFFFFFE, s1  }
0xa7: {  	p0 =	sne.s32 s1, s5  }
0xa8: {  	s5 =	sshll.u32 @p0 s5, $0xE  }
0xa9: {  	s5 =	sadd.s32 @p0 $0x11B8D, s5;
	s6 =	sshll.u32 @p0 s4, $0x11  }
0xaa: {  	s5 =	sor.u32 @p0 s6, s5  }
0xab: {  	[sflag:s5] =	ssyncadd.remote.s32 @p0 $0x1;
	_ =	sdelay $0x1  }
0xac: {  	s5 =	simm.s32 @p0 $0x1B8D  }
0xad: {  	_ =	swait.eq @p0 [sflag:s5], $0x1  }
0xae: {  	[sflag:s5] =	ssyncadd.s32 @p0 $0xFFFFFFFF  }
0xaf: {  	s6 =	sshll.u32 @!p0 s1, $0xE  }
0xb0: {  	s6 =	sor.u32 @!p0 $0x4000, s6;
	s5 =	simm.s32 @!p0 $0x1B8D  }
0xb1: {  	s4 =	sshll.u32 @!p0 s4, $0x11;
	s6 =	sadd.s32 @!p0 $0x11B8D, s6;
	_ =	swait.eq @!p0 [sflag:s5], $0x1  }
0xb2: {  	s4 =	sor.u32 @!p0 s4, s6;
	[sflag:s5] =	ssyncadd.s32 @!p0 $0xFFFFFFFF  }
0xb3: {  	s25 =	simm.s32 $0x1B8E;
	s24 =	sld [smem:$0x3FFE];
	[sflag:s4] =	ssyncadd.remote.s32 @!p0 $0x1  }
0xb4: {  	s26 =	simm.s32 $execute0_lowered;
	[smem:$0x3FD2] =	sst s25  }
0xb5: {  	s5 =	sshll.u32 s26, $0x1;
	_ =	strace $0x80000055;
	[dreg:$0x1] =	wrdreg $0xFFFFFFFF  }
0xb6: {  	s28 =	simm.s32 $_size_execute0_lowered;
	s3 =	sadd.s32 s3, s5;
	[dreg:$0x0] =	wrdreg $0x0  }
0xb7: {  	s5 =	sshll.u32 s28, $0x1;
	[dreg:$0x2] =	wrdreg s3  }
0xb8: {  	[dreg:$0x3] =	wrdreg s5  }
0xb9: {  	[dreg:$0x4] =	wrdreg $0xC0  }
0xba: {  	_ =	task [dreg:s22], $0x5FFFF  }
0xbb: {  	[dreg:$0x1] =	wrdreg $0xFFFFFFFF  }
0xbc: {  	[dreg:$0x0] =	wrdreg $0x60  }
0xbd: {  	[dreg:$0x2] =	wrdreg s24  }
0xbe: {  	[dreg:$0x3] =	wrdreg $0x51000  }
0xbf: {  	[dreg:$0x4] =	wrdreg $0xB  }
0xc0: {  	_ =	task.clear_ibuf [dreg:s22], $0x5FFFF;
	_ =	strace $0x90000055  }
0xc1: {  	s29 =	simm.s32 $0xB;
	_ =	strace $0x80000057  }
0xc2: {  	_ =	swait.ge [sflag:s29], $0x1  }
0xc3: {  	[sflag:s29] =	ssyncadd.s32 $0xFFFFFFFF  }
0xc4: {  	_ =	strace $0x90000057  }
0xc5: {  	_ =	sfence  }
0xc6: {  	s30 =	sld [smem:$0x0];
	_ =	sdelay $0x2  }
0xc7: {  	s31 =	sshll.u32 s1, $0xD;
	s1 =	sshrl.u32 s1, $0x2  }
0xc8: {  	s4 =	sand.u32 $0x4000, s31;
	s1 =	sadd.s32 s1, s30  }
0xc9: {  	s0 =	sor.u32 s4, s0;
	s1 =	sshll.u32 s1, $0x11  }
0xca: {  	s0 =	sor.u32 s1, s0  }
0xcb: {  	s0 =	sadd.s32 $0x8F2B, s0  }
0xcc: {  	[sflag:s0] =	ssyncadd.remote.s32 $0x1  }
0xcd: {  	_ =	sfence.sel $0xFFFF  }
0xce: {  	[dreg:$0x0] =	wrdreg $0xFFFFFFFF;
	(pc) =	sbr.abs _section_cstart, $3  }
0xcf: {  	[dreg:$0x1] =	wrdreg $0xFFFFFFFF  }
0xd0: {  	_ =	task.clear_ibuf [dreg:s22], $0x2FFFF;
	_ =	strace $0x9FFFFFFF  }
0xd1: {  	(tm) =	ssettm $0x7FFFFFFF  }
tec
execute0_lowered:
.L_overlay_start_1:
0x0: {  	(tag) =	ssettag $0x1  }
0x1: {  	s2 =	stileid.u32  }
0x2: {  	s4 =	rddreg [dreg:$0x0];
	s24 =	smul.u32 $0x2800, s2  }
0x3: {  	s1 =	rddreg [dreg:$0x1];
	s8 =	smul.u32 $0x50000, s2  }
0x4: {  	s5 =	srdreg.scid;
	s28 =	smul.u32 $0x1900, s2  }
0x5: {  	s3 =	simm.s32 $0x0;
	s12 =	sand.u32 $0x1, s5;
	s29 =	smul.u32 $0x19000, s2  }
0x6: {  	s18 =	simm.s32 $0x2900;
	[smem:$0x7FF] =	sst s3;
	s5 =	smul.u32 $0x28000, s12  }
0x7: {  	s11 =	sadd.s32 $0x45BC00, s4;
	s6 =	sshll.u32 s2, $0x1;
	s17 =	smul.u32 $0xC80, s12  }
0x8: {  	s7 =	ssub.s32 $0x2, s12;
	s6 =	sor.u32 s12, s6;
	s12 =	smul.u32 $0xC800, s12  }
0x9: {  	s13 =	sadd.s32 $0x5E00, s4;
	s22 =	sshll.u32 s2, $0x6;
	s14 =	smul.u32 $0xC80, s6  }
0xa: {  	_ =	strace $0x80000056;
	s9 =	sadd.s32 s24, s4;
	s21 =	smul.u32 $0xC800, s6  }
0xb: {  	s10 =	sshrl.u32 s7, $0x1;
	s19 =	sshrl.u32 s8, $0x2;
	s25 =	smul.u32 $0x64000, s6  }
0xc: {  	s15 =	sadd.s32 s5, s4;
	s10 =	ssub.s32 s7, s10;
	s16 =	sadd.s32 s19, s1  }
0xd: {  	s4 =	sadd.s32 $0x267C00, s9;
	s5 =	sor.u32 $0x1C05, s22;
	s19 =	simm.s32 $0x3  }
0xe: {  	s22 =	simm.s32 $0x4;
	s20 =	sshrl.u32 s14, $0x3;
	s7 =	sadd.s32 s11, s21  }
0xf: {  	s26 =	sshrl.u32 s25, $0x3;
	s25 =	sadd.s32 $0x2DFC00, s15;
	s10 =	smax.u32 s10, $0x1  }
0x10: {  	s14 =	sadd.s32 s17, s28;
	s15 =	simm.s32 $0x5;
	s17 =	simm.s32 $0x80  }
0x11: {  	s21 =	simm.s32 $0x50;
	s23 =	sadd.s32 s13, s20;
	s9 =	sadd.s32 s11, s26  }
0x12: {  	s11 =	sadd.s32 s29, s11;
	s30 =	sadd.s32 $0x258A0, s14;
	s14 =	sadd.s32 $0x25850, s14  }
0x13: {  	s20 =	simm.s32 $0x1;
	s24 =	sadd.s32 s24, s25;
	s25 =	simm.s32 $0x0  }
0x14: {  	s6 =	sadd.s32 $0x4B00, s23;
	s8 =	sadd.s32 $0x4C86, s23;
	s9 =	sadd.s32 $0xC300, s9  }
0x15: {  	s11 =	sadd.s32 s12, s11;
	s31 =	sshrl.u32 s30, $0x3;
	s14 =	sshrl.u32 s14, $0x3  }
0x16: {  	s23 =	simm.s32 $0x2;
	s11 =	sadd.s32 $0xA00, s11;
	s12 =	sadd.s32 s31, s13  }
0x17: {  	s13 =	sadd.s32 s14, s13;
	s14 =	sshrl.u32 s16, $0x3;
	s16 =	simm.s32 $0x100  }
.LBB2_1:
0x18: {  	[spmem:s14], [sflag:s5] =	dma.local [hbm:s4], $0x2800  }
0x19: {  	_ =	swait.ge [sflag:s15], $0x2800  }
0x1a: {  	[sflag:s15] =	ssyncset.done $0x0  }
0x1b: {  	[sflag:s15] =	ssyncadd.s32 $0xFFFFD800  }
0x1c: {  	[bflag:$0x0] =	sbarrier.arrive $0xFFFF  }
0x1d: {  	[tilespmem:s3], [sflag:$0x3] =	stream.linear.gather [hbm4b:s6+s3], $0x50, $0x38;
	[tilespmem:$0x19100] =	vst v63  }
0x1e: {  	_ = 	snop  }
0x1f: {  	[tilespmem:s16], [sflag:$0x1] =	stream.linear.gather [hbm4b:s7+s3], $0x2800, $0x38;
	[tilespmem:$0x19100] =	vst v63  }
0x20: {  	s26 =	sadd.s32 $0x0, s13  }
0x21: {  	[tilespmem:s17], [sflag:$0x4] =	stream.linear.gather [hbm4b:s26+s3], $0x50, $0x38;
	[tilespmem:$0x19100] =	vst v63  }
0x22: {  	s30 =	sadd.s32 $0xFFFFFB00, s11  }
0x23: {  	[tilespmem:s18], [sflag:$0x2] =	stream.linear.gather [hbm4b:s30+s3], $0x2800, $0x38;
	[tilespmem:$0x19100] =	vst v63  }
0x24: {  	_ =	swait.ge [sflag:s19], $0x50  }
0x25: {  	[sflag:s19] =	ssyncset.done $0x0  }
0x26: {  	[sflag:s19] =	ssyncadd.s32 $0xFFFFFFB0  }
0x27: {  	_ =	swait.ge [sflag:s20], $0x2800  }
0x28: {  	[sflag:s20] =	ssyncset.done $0x0  }
0x29: {  	[sflag:s20] =	ssyncadd.s32 $0xFFFFD800  }
0x2a: {  	[spmem:s1] =	stream.indirect.scatter.add.f32 [tilespmem:s16], [sflag:$0x5], $0x80, s3, s21, $0xb8;
	[tilespmem:$0x19100] =	vst v63  }
0x2b: {  	_ =	swait.ge [sflag:s15], $0x2800  }
0x2c: {  	[sflag:s15] =	ssyncset.done $0x0  }
0x2d: {  	s31 =	sadd.s32 $0x0, s12;
	[sflag:s15] =	ssyncadd.s32 $0xFFFFD800  }
0x2e: {  	[tilespmem:s3], [sflag:$0x3] =	stream.linear.gather [hbm4b:s31+s3], $0x50, $0x38;
	[tilespmem:$0x19100] =	vst v63  }
0x2f: {  	_ = 	snop  }
0x30: {  	[tilespmem:s16], [sflag:$0x1] =	stream.linear.gather [hbm4b:s11+s3], $0x2800, $0x38;
	[tilespmem:$0x19100] =	vst v63  }
0x31: {  	_ =	swait.ge [sflag:s22], $0x50  }
0x32: {  	[sflag:s22] =	ssyncset.done $0x0  }
0x33: {  	[sflag:s22] =	ssyncadd.s32 $0xFFFFFFB0  }
0x34: {  	_ =	swait.ge [sflag:s23], $0x2800  }
0x35: {  	[sflag:s23] =	ssyncset.done $0x0  }
0x36: {  	[sflag:s23] =	ssyncadd.s32 $0xFFFFD800  }
0x37: {  	[spmem:s1] =	stream.indirect.scatter.add.f32 [tilespmem:s18], [sflag:$0x5], $0x80, s17, s21, $0xb8;
	[tilespmem:$0x19100] =	vst v63  }
0x38: {  	s29 =	simm.s32 $0x28;
	_ =	swait.ge [sflag:s15], $0x2800  }
0x39: {  	s28 =	sadd.s32 $0xA00, s11;
	s26 =	simm.s32 $0x14;
	[sflag:s15] =	ssyncset.done $0x0  }
.LBB2_2:
0x3a: {  	s30 =	sadd.s32 s26, s13  }
0x3b: {  	[sflag:s15] =	ssyncadd.s32 $0xFFFFD800;
	s31 =	smov.u32 s29;
	s0 =	sadd.s32 $0x14, s29  }
0x3c: {  	[tilespmem:s17], [sflag:$0x4] =	stream.linear.gather [hbm4b:s30+s3], $0x50, $0x38;
	[tilespmem:$0x19100] =	vst v63  }
0x3d: {  	p0 =	sne.s32 s29, $0x168;
	s29 =	sadd.s32 $0xFFFFFB00, s28  }
0x3e: {  	[tilespmem:s18], [sflag:$0x2] =	stream.linear.gather [hbm4b:s29+s3], $0x2800, $0x38;
	[tilespmem:$0x19100] =	vst v63  }
0x3f: {  	_ =	swait.ge [sflag:s19], $0x50  }
0x40: {  	[sflag:s19] =	ssyncset.done $0x0  }
0x41: {  	[sflag:s19] =	ssyncadd.s32 $0xFFFFFFB0  }
0x42: {  	_ =	swait.ge [sflag:s20], $0x2800  }
0x43: {  	[sflag:s20] =	ssyncset.done $0x0  }
0x44: {  	[sflag:s20] =	ssyncadd.s32 $0xFFFFD800  }
0x45: {  	[spmem:s1] =	stream.indirect.scatter.add.f32 [tilespmem:s16], [sflag:$0x5], $0x80, s3, s21, $0xb8;
	[tilespmem:$0x19100] =	vst v63  }
0x46: {  	_ =	swait.ge [sflag:s15], $0x2800  }
0x47: {  	[sflag:s15] =	ssyncset.done $0x0  }
0x48: {  	s29 =	sadd.s32 s26, s12;
	s26 =	smov.u32 s31;
	[sflag:s15] =	ssyncadd.s32 $0xFFFFD800  }
0x49: {  	[tilespmem:s3], [sflag:$0x3] =	stream.linear.gather [hbm4b:s29+s3], $0x50, $0x38;
	[tilespmem:$0x19100] =	vst v63  }
0x4a: {  	_ = 	snop  }
0x4b: {  	[tilespmem:s16], [sflag:$0x1] =	stream.linear.gather [hbm4b:s28+s3], $0x2800, $0x38;
	[tilespmem:$0x19100] =	vst v63  }
0x4c: {  	_ =	swait.ge [sflag:s22], $0x50  }
0x4d: {  	[sflag:s22] =	ssyncset.done $0x0  }
0x4e: {  	[sflag:s22] =	ssyncadd.s32 $0xFFFFFFB0  }
0x4f: {  	_ =	swait.ge [sflag:s23], $0x2800  }
.Ltmp0:
0x50: {  	[sflag:s23] =	ssyncset.done $0x0;
	(pc) =	sbr.rel @p0 .LBB2_2-.Ltmp0, $4  }
0x51: {  	[sflag:s23] =	ssyncadd.s32 $0xFFFFD800  }
0x52: {  	[spmem:s1] =	stream.indirect.scatter.add.f32 [tilespmem:s18], [sflag:$0x5], $0x80, s17, s21, $0xb8;
	[tilespmem:$0x19100] =	vst v63  }
0x53: {  	_ =	swait.ge [sflag:s15], $0x2800  }
0x54: {  	s29 =	smov.u32 s0;
	s28 =	sadd.s32 $0xA00, s28;
	[sflag:s15] =	ssyncset.done $0x0  }
0x55: {  	s0 =	sadd.s32 s26, s13;
	[sflag:s15] =	ssyncadd.s32 $0xFFFFD800  }
0x56: {  	[tilespmem:s17], [sflag:$0x4] =	stream.linear.gather [hbm4b:s0+s3], $0x50, $0x38;
	[tilespmem:$0x19100] =	vst v63  }
0x57: {  	s30 =	sadd.s32 $0xFFFFFB00, s28  }
0x58: {  	[tilespmem:s18], [sflag:$0x2] =	stream.linear.gather [hbm4b:s30+s3], $0x2800, $0x38;
	[tilespmem:$0x19100] =	vst v63  }
0x59: {  	_ =	swait.ge [sflag:s19], $0x50  }
0x5a: {  	[sflag:s19] =	ssyncset.done $0x0  }
0x5b: {  	[sflag:s19] =	ssyncadd.s32 $0xFFFFFFB0  }
0x5c: {  	_ =	swait.ge [sflag:s20], $0x2800  }
0x5d: {  	[sflag:s20] =	ssyncset.done $0x0  }
0x5e: {  	[sflag:s20] =	ssyncadd.s32 $0xFFFFD800  }
0x5f: {  	[spmem:s1] =	stream.indirect.scatter.add.f32 [tilespmem:s16], [sflag:$0x5], $0x80, s3, s21, $0xb8;
	[tilespmem:$0x19100] =	vst v63  }
0x60: {  	_ =	swait.ge [sflag:s15], $0x2800  }
0x61: {  	[sflag:s15] =	ssyncset.done $0x0  }
0x62: {  	s31 =	sadd.s32 s26, s12;
	[sflag:s15] =	ssyncadd.s32 $0xFFFFD800  }
0x63: {  	[tilespmem:s3], [sflag:$0x3] =	stream.linear.gather [hbm4b:s31+s3], $0x50, $0x38;
	[tilespmem:$0x19100] =	vst v63  }
0x64: {  	_ = 	snop  }
0x65: {  	[tilespmem:s16], [sflag:$0x1] =	stream.linear.gather [hbm4b:s28+s3], $0x2800, $0x38;
	[tilespmem:$0x19100] =	vst v63  }
0x66: {  	_ =	swait.ge [sflag:s22], $0x50  }
0x67: {  	[sflag:s22] =	ssyncset.done $0x0  }
0x68: {  	[sflag:s22] =	ssyncadd.s32 $0xFFFFFFB0  }
0x69: {  	_ =	swait.ge [sflag:s23], $0x2800  }
0x6a: {  	[sflag:s23] =	ssyncset.done $0x0  }
0x6b: {  	[sflag:s23] =	ssyncadd.s32 $0xFFFFD800  }
0x6c: {  	[spmem:s1] =	stream.indirect.scatter.add.f32 [tilespmem:s18], [sflag:$0x5], $0x80, s17, s21, $0xb8;
	[tilespmem:$0x19100] =	vst v63  }
0x6d: {  	_ =	swait.ge [sflag:s15], $0x2800  }
0x6e: {  	[sflag:s15] =	ssyncset.done $0x0  }
0x6f: {  	[sflag:s15] =	ssyncadd.s32 $0xFFFFD800  }
0x70: {  	[tilespmem:s17], [sflag:$0x4] =	stream.linear.gather [hbm4b:s8+s3], $0x50, $0x38;
	[tilespmem:$0x19100] =	vst v63  }
0x71: {  	_ = 	snop  }
0x72: {  	[tilespmem:s18], [sflag:$0x2] =	stream.linear.gather [hbm4b:s9+s3], $0x2800, $0x38;
	[tilespmem:$0x19100] =	vst v63  }
0x73: {  	_ =	swait.ge [sflag:s19], $0x50  }
0x74: {  	[sflag:s19] =	ssyncset.done $0x0  }
0x75: {  	[sflag:s19] =	ssyncadd.s32 $0xFFFFFFB0  }
0x76: {  	_ =	swait.ge [sflag:s20], $0x2800  }
0x77: {  	[sflag:s20] =	ssyncset.done $0x0  }
0x78: {  	[sflag:s20] =	ssyncadd.s32 $0xFFFFD800  }
0x79: {  	[spmem:s1] =	stream.indirect.scatter.add.f32 [tilespmem:s16], [sflag:$0x5], $0x80, s3, s21, $0xb8;
	[tilespmem:$0x19100] =	vst v63  }
0x7a: {  	_ =	swait.ge [sflag:s15], $0x2800  }
0x7b: {  	[sflag:s15] =	ssyncset.done $0x0  }
0x7c: {  	[sflag:s15] =	ssyncadd.s32 $0xFFFFD800  }
0x7d: {  	_ =	swait.ge [sflag:s22], $0x50  }
0x7e: {  	[sflag:s22] =	ssyncset.done $0x0  }
0x7f: {  	[sflag:s22] =	ssyncadd.s32 $0xFFFFFFB0  }
0x80: {  	_ =	swait.ge [sflag:s23], $0x2800  }
0x81: {  	[sflag:s23] =	ssyncset.done $0x0  }
0x82: {  	[sflag:s23] =	ssyncadd.s32 $0xFFFFD800  }
0x83: {  	[spmem:s1] =	stream.indirect.scatter.add.f32 [tilespmem:s18], [sflag:$0x5], $0x80, s17, s21, $0xb8;
	[tilespmem:$0x19100] =	vst v63  }
0x84: {  	_ =	swait.ge [sflag:s15], $0x2800  }
0x85: {  	s25 =	sadd.s32 $0x1, s25;
	[sflag:s15] =	ssyncset.done $0x0  }
0x86: {  	p0 =	sne.s32 s25, s10;
	[sflag:s15] =	ssyncadd.s32 $0xFFFFD800  }
.Ltmp1:
0x87: {  	[bflag:$0x0] =	sbarrier.arrive $0xFFFF;
	(pc) =	sbr.rel @p0 .LBB2_1-.Ltmp1, $4  }
0x88: {  	[hbm:s24], [sflag:s5] =	dma.local [spmem:s14], $0x2800  }
0x89: {  	_ =	swait.ge [sflag:s15], $0x2800  }
0x8a: {  	[sflag:s15] =	ssyncset.done $0x0  }
0x8b: {  	[sflag:s15] =	ssyncadd.s32 $0xFFFFD800  }
0x8c: {  	_ =	sfence.sel $0x180000  }
0x8d: {  	[bflag:$0x0] =	sbarrier.arrive $0xFFFF  }
0x8e: {  	_ =	strace $0x90000056  }
0x8f: {  	[bflag:$0x2] =	sbarrier.arrive $0xFFFF  }
0x90: {  	p0 =	sne.s32 s2, $0x0;
	s0 =	rddreg [dreg:$0x2]  }
0x91: {  	s0 =	sadd.s32 @!p0 $0x100000, s0  }
0x92: {  	[sflag:s0] =	ssyncadd.tile.s32 @!p0 $0x1;
	_ =	shalt  }
.Lfunc_end2:
_tile_overlayer_lowered:
.L_overlay_start_2:
0x93: {  	(tag) =	ssettag $0x2  }
0x94: {  	s0 =	rddreg [dreg:$0x0];
	s2 =	stileid.u32  }
0x95: {  	s1 =	rddreg [dreg:$0x1];
	p0 =	sne.s32 s2, $0x0  }
0x96: {  	s3 =	rddreg [dreg:$0x2];
	[bflag:$0x3] =	sbarrier.arrive $0xFFFF;
	s2 =	simm.s32 @!p0 $0x1C05  }
0x97: {  	[timem:s3], [sflag:s2] =	dma.local @!p0 [hbm:s0], s1  }
0x98: {  	s0 =	simm.s32 @!p0 $0x5  }
0x99: {  	_ =	swait.ge @!p0 [sflag:s0], s1  }
0x9a: {  	s1 =	ssub.s32 @!p0 $0x0, s1;
	[sflag:s0] =	ssyncset.done @!p0 $0x0  }
0x9b: {  	[sflag:s0] =	ssyncadd.s32 @!p0 s1  }
0x9c: {  	[bflag:$0x3] =	sbarrier.arrive $0xFFFF  }
0x9d: {  	_ =	shalt  }

// kernel: kernel.40.cloned.1.call-start
scs
__scs_entry_jumppad:
0x0: {  	(pc) =	sbr.rel $0x88, $3  }
0x1: {  	(tag) =	ssettag $0x0;
	lr =	simm.s32 $0x1  }
0x2: {  	[smem:$0x3F98] =	sst lr;
	_ =	strace $0xD0000000  }
0x3: {  	_ = 	snop  }
0x4: {  	_ = 	snop  }
0x5: {  	_ = 	snop  }
0x6: {  	_ = 	snop  }
0x7: {  	_ = 	snop  }
__scs_overlays_trampoline_lowered:
0x8: {  	[smem:$0x3FA7] =	sst s0  }
0x9: {  	[smem:$0x3FA8] =	sst s1  }
0xa: {  	[smem:$0x3FA9] =	sst s2  }
0xb: {  	[smem:$0x3FAA] =	sst s3  }
0xc: {  	[smem:$0x3FAB] =	sst s4  }
0xd: {  	[smem:$0x3FAC] =	sst s5  }
0xe: {  	[smem:$0x3FAD] =	sst s6  }
0xf: {  	[smem:$0x3FAE] =	sst s7  }
0x10: {  	[smem:$0x3FAF] =	sst s8  }
0x11: {  	[smem:$0x3FB0] =	sst s9;
	s0 =	simm.s32 @!p0 $0x0  }
0x12: {  	s1 =	sld [smem:$0x3F96];
	s0 =	simm.s32 @p0 $0x1  }
0x13: {  	[smem:$0x3FB1] =	sst s0;
	s0 =	simm.s32 @!p1 $0x0  }
0x14: {  	s2 =	sld [smem:$0x3F95];
	s0 =	simm.s32 @p1 $0x1  }
0x15: {  	[smem:$0x3FB2] =	sst s0;
	s0 =	simm.s32 @!p2 $0x0  }
0x16: {  	s3 =	sld [smem:$0x3FDB];
	s0 =	simm.s32 @p2 $0x1  }
0x17: {  	s4 =	simm.s32 $0x1BF5;
	[smem:$0x3FB4] =	sst s0  }
0x18: {  	s0 =	sld [smem:$0x3F97];
	_ =	swait.ge [sflag:s4], $0x0  }
0x19: {  	s7 =	sld [smem:$0x3F98]  }
0x1a: {  	s8 =	sadd.s32 $0xFFFFE003, lr  }
0x1b: {  	s9 =	sadd.s32 $0xFFFFFEF7, lr;
	s5 =	simm.s32 $0xFFFFFFFF;
	p2 =	slt.u32 s8, $0xFFFFF086  }
0x1c: {  	p1 =	slt.u32 s9, $0xF7A;
	s5 =	simm.s32 @!p2 $0x0  }
0x1d: {  	s5 =	simm.s32 @p1 $0x1;
	p0 =	seq.s32 s7, s2  }
0x1e: {  	s7 =	smul.u32 @!p0 $0xF7A, s2;
	p2 =	seq.s32 @!p0 s5, $0x0  }
0x1f: {  	s9 =	smul.u32 $0xF7A, s1;
	s8 =	simm.s32 @!p0 $0x1BF5;
	p2 =	por !p2, p0  }
0x20: {  	[sflag:s8] =	ssyncset.s32 @!p0 $0xFFFFF086;
	s6 =	sadd.s32 @!p0 s3, s7;
	s7 =	simm.s32 @!p0 $0x108  }
0x21: {  	s3 =	sadd.s32 s3, s9;
	s6 =	sadd.s32 @!p0 $0x88, s6;
	s7 =	simm.s32 @p2 $0x1082  }
0x22: {  	[simem:s7], [sflag:s8] =	dma.local @!p0 [hbm:s6], $0xF7A  }
0x23: {  	s9 =	sor.u32 $0xD0000000, s2;
	s6 =	simm.s32 $0x108;
	_ =	swait.ge @!p0 [sflag:s8], $0x0  }
0x24: {  	s3 =	sadd.s32 $0x88, s3;
	s6 =	simm.s32 @!p1 $0x1082;
	[sflag:s4] =	ssyncset.s32 $0xFFFFF086  }
0x25: {  	[simem:s6], [sflag:s4] =	dma.local [hbm:s3], $0xF7A  }
0x26: {  	[smem:$0x3F98] =	sst s1;
	(tag) =	ssettag s2;
	_ =	strace s9  }
0x27: {  	s1 =	sld [smem:$0x3FA8]  }
0x28: {  	s2 =	sld [smem:$0x3FA9]  }
0x29: {  	s4 =	sld [smem:$0x3FAB]  }
0x2a: {  	p0 =	seq.s32 s5, $0x0;
	s5 =	sld [smem:$0x3FAC]  }
0x2b: {  	s6 =	sld [smem:$0x3FAD]  }
0x2c: {  	s7 =	sld [smem:$0x3FAE]  }
0x2d: {  	s3 =	simm.s32 $0x108;
	s8 =	sld [smem:$0x3FAF]  }
0x2e: {  	s3 =	simm.s32 @!p0 $0x1082;
	s9 =	sld [smem:$0x3FB0]  }
0x2f: {  	lr =	sadd.s32 s0, s3;
	s0 =	sld [smem:$0x3FA7]  }
0x30: {  	s3 =	sld [smem:$0x3FAA]  }
0x31: {  	[smem:$0x3FB3] =	sst s10  }
0x32: {  	s10 =	sld [smem:$0x3FB1];
	_ =	sdelay $0x3  }
0x33: {  	p0 =	seq.s32 s10, $0x1;
	s10 =	sld [smem:$0x3FB3];
	_ =	sdelay $0x3  }
0x34: {  	[smem:$0x3FB3] =	sst s10  }
0x35: {  	s10 =	sld [smem:$0x3FB2];
	_ =	sdelay $0x3  }
0x36: {  	p1 =	seq.s32 s10, $0x1;
	s10 =	sld [smem:$0x3FB3];
	_ =	sdelay $0x3  }
0x37: {  	[smem:$0x3FB3] =	sst s10  }
0x38: {  	s10 =	sld [smem:$0x3FB4]  }
0x39: {  	_ = 	snop;
	(pc) =	sbr.ind lr, $3  }
0x3a: {  	_ = 	snop  }
0x3b: {  	_ = 	snop  }
0x3c: {  	p2 =	seq.s32 s10, $0x1;
	s10 =	sld [smem:$0x3FB3]  }
0x3d: {  	_ =	shalt  }
0x3e: {  	_ =	shalt  }
0x3f: {  	_ =	shalt  }
0x40: {  	_ =	shalt  }
0x41: {  	_ =	shalt  }
0x42: {  	_ =	shalt  }
0x43: {  	_ =	shalt  }
0x44: {  	_ =	shalt  }
0x45: {  	_ =	shalt  }
0x46: {  	_ =	shalt  }
0x47: {  	_ =	shalt  }
0x48: {  	_ =	shalt  }
0x49: {  	_ =	shalt  }
0x4a: {  	_ =	shalt  }
0x4b: {  	_ =	shalt  }
0x4c: {  	_ =	shalt  }
0x4d: {  	_ =	shalt  }
0x4e: {  	_ =	shalt  }
0x4f: {  	_ =	shalt  }
0x50: {  	_ =	shalt  }
0x51: {  	_ =	shalt  }
0x52: {  	_ =	shalt  }
0x53: {  	_ =	shalt  }
0x54: {  	_ =	shalt  }
0x55: {  	_ =	shalt  }
0x56: {  	_ =	shalt  }
0x57: {  	_ =	shalt  }
0x58: {  	_ =	shalt  }
0x59: {  	_ =	shalt  }
0x5a: {  	_ =	shalt  }
0x5b: {  	_ =	shalt  }
0x5c: {  	_ =	shalt  }
0x5d: {  	_ =	shalt  }
0x5e: {  	_ =	shalt  }
0x5f: {  	_ =	shalt  }
0x60: {  	_ =	shalt  }
0x61: {  	_ =	shalt  }
0x62: {  	_ =	shalt  }
0x63: {  	_ =	shalt  }
0x64: {  	_ =	shalt  }
0x65: {  	_ =	shalt  }
0x66: {  	_ =	shalt  }
0x67: {  	_ =	shalt  }
0x68: {  	_ =	shalt  }
0x69: {  	_ =	shalt  }
0x6a: {  	_ =	shalt  }
0x6b: {  	_ =	shalt  }
0x6c: {  	_ =	shalt  }
0x6d: {  	_ =	shalt  }
0x6e: {  	_ =	shalt  }
0x6f: {  	_ =	shalt  }
0x70: {  	_ =	shalt  }
0x71: {  	_ =	shalt  }
0x72: {  	_ =	shalt  }
0x73: {  	_ =	shalt  }
0x74: {  	_ =	shalt  }
0x75: {  	_ =	shalt  }
0x76: {  	_ =	shalt  }
0x77: {  	_ =	shalt  }
0x78: {  	_ =	shalt  }
0x79: {  	_ =	shalt  }
0x7a: {  	_ =	shalt  }
0x7b: {  	_ =	shalt  }
0x7c: {  	_ =	shalt  }
0x7d: {  	_ =	shalt  }
0x7e: {  	_ =	shalt  }
0x7f: {  	_ =	shalt  }
0x80: {  	_ =	shalt  }
0x81: {  	_ =	shalt  }
0x82: {  	_ =	shalt  }
0x83: {  	_ =	shalt  }
0x84: {  	_ =	shalt  }
0x85: {  	_ =	shalt  }
0x86: {  	_ =	shalt  }
0x87: {  	_ =	shalt  }
.Lfunc_end0:
.L_simem_size_0:
called_computation.7_lowered:
.L_overlay_start_0:
0x88: {  	s2 =	sld [smem:$0x3FD9]  }
0x89: {  	s3 =	sld [smem:$0x3FFE];
	_ =	sdelay $0x1  }
0x8a: {  	s1 =	srdreg.scid  }
0x8b: {  	s0 =	sand.u32 $0x1, s1  }
0x8c: {  	s16 =	sshll.u32 s0, $0xA;
	s2 =	sadd.s32 s3, s2  }
0x8d: {  	s2 =	sadd.s32 s2, s16  }
0x8e: {  	[smem:$0x3FBF] =	sst s2  }
0x8f: {  	_ = 	snop  }
0x90: {  	(tm) =	ssettm $0x1  }
0x91: {  	s17 =	sld [smem:$0x3FFB];
	_ =	sdelay $0x3  }
0x92: {  	_ =	strace s17  }
0x93: {  	s2 =	sld [smem:$0x3FFC];
	_ =	sdelay $0x3  }
0x94: {  	_ =	strace s2  }
0x95: {  	s2 =	sld [smem:$0x3FFD];
	_ =	sdelay $0x3  }
0x96: {  	_ =	strace s2  }
0x97: {  	_ =	strace $0x8FFFFFFF  }
0x98: {  	s18 =	sld [smem:$0x3FDB];
	_ =	sdelay $0x1  }
0x99: {  	s19 =	simm.s32 $_scs_section_size  }
0x9a: {  	s4 =	simm.s32 $_size__tile_overlayer_lowered;
	s5 =	simm.s32 $_tile_overlayer_lowered  }
0x9b: {  	s22 =	simm.s32 $0x1BFF;
	s21 =	sshll.u32 s5, $0x1;
	s2 =	sadd.s32 s19, s18  }
0x9c: {  	s6 =	simm.s32 $0x0;
	s20 =	sshll.u32 s4, $0x1;
	s4 =	sadd.s32 s21, s2  }
0x9d: {  	[timem:s6], [sflag:s22] =	dma.local [hbm:s4], s20  }
0x9e: {  	_ =	swait.ge [sflag:s22], s20  }
0x9f: {  	s3 =	ssub.s32 $0x0, s20;
	[sflag:s22] =	ssyncset.done $0x0  }
0xa0: {  	[sflag:s22] =	ssyncadd.s32 s3;
	_ =	sdelay $0x1  }
0xa1: {  	s23 =	simm.s32 $0x1B8B  }
0xa2: {  	_ =	swait.ge [sflag:s23], $0x1  }
0xa3: {  	[sflag:s23] =	ssyncset.done $0x0  }
0xa4: {  	s25 =	simm.s32 $0x1B8E;
	s24 =	sld [smem:$0x3FFE];
	[sflag:s23] =	ssyncadd.s32 $0xFFFFFFFF  }
0xa5: {  	s26 =	simm.s32 $execute0_lowered;
	[smem:$0x3FD2] =	sst s25  }
0xa6: {  	s4 =	sshll.u32 s26, $0x1;
	_ =	strace $0x80000052;
	[dreg:$0x1] =	wrdreg $0xFFFFFFFF  }
0xa7: {  	s28 =	simm.s32 $_size_execute0_lowered;
	s2 =	sadd.s32 s2, s4;
	[dreg:$0x0] =	wrdreg $0x0  }
0xa8: {  	s4 =	sshll.u32 s28, $0x1;
	[dreg:$0x2] =	wrdreg s2  }
0xa9: {  	[dreg:$0x3] =	wrdreg s4  }
0xaa: {  	[dreg:$0x4] =	wrdreg $0xC0  }
0xab: {  	_ =	task [dreg:s6], $0x5FFFF  }
0xac: {  	[dreg:$0x1] =	wrdreg $0xFFFFFFFF  }
0xad: {  	[dreg:$0x0] =	wrdreg $0x60  }
0xae: {  	[dreg:$0x2] =	wrdreg s24  }
0xaf: {  	[dreg:$0x3] =	wrdreg $0x51000  }
0xb0: {  	[dreg:$0x4] =	wrdreg $0xC  }
0xb1: {  	_ =	task.clear_ibuf [dreg:s6], $0x5FFFF;
	_ =	strace $0x90000052  }
0xb2: {  	s29 =	simm.s32 $0xC;
	_ =	strace $0x80000054  }
0xb3: {  	_ =	swait.ge [sflag:s29], $0x1  }
0xb4: {  	[sflag:s29] =	ssyncadd.s32 $0xFFFFFFFF  }
0xb5: {  	_ =	strace $0x90000054  }
0xb6: {  	_ =	sfence  }
0xb7: {  	s30 =	sld [smem:$0x0];
	_ =	sdelay $0x2  }
0xb8: {  	s31 =	sshll.u32 s1, $0xD;
	s1 =	sshrl.u32 s1, $0x2  }
0xb9: {  	s3 =	sand.u32 $0x4000, s31;
	s1 =	sadd.s32 s1, s30  }
0xba: {  	s0 =	sor.u32 s3, s0;
	s1 =	sshll.u32 s1, $0x11  }
0xbb: {  	s0 =	sor.u32 s1, s0  }
0xbc: {  	s0 =	sadd.s32 $0x8F2B, s0  }
0xbd: {  	[sflag:s0] =	ssyncadd.remote.s32 $0x1  }
0xbe: {  	_ =	sfence.sel $0xFFFF  }
0xbf: {  	[dreg:$0x0] =	wrdreg $0xFFFFFFFF;
	(pc) =	sbr.abs _section_cstart, $3  }
0xc0: {  	[dreg:$0x1] =	wrdreg $0xFFFFFFFF  }
0xc1: {  	_ =	task.clear_ibuf [dreg:s6], $0x2FFFF;
	_ =	strace $0x9FFFFFFF  }
0xc2: {  	(tm) =	ssettm $0x7FFFFFFF  }
0xc3: {  	_ =	shalt  }
tec
execute0_lowered:
.L_overlay_start_1:
0x0: {  	(tag) =	ssettag $0x1  }
0x1: {  	s4 =	rddreg [dreg:$0x0]  }
0x2: {  	s2 =	rddreg [dreg:$0x1]  }
0x3: {  	s0 =	rddreg [dreg:$0x2]  }
0x4: {  	s3 =	simm.s32 $0x0;
	s1 =	stileid.u32;
	s6 =	srdreg.scid  }
0x5: {  	s17 =	simm.s32 $0x3;
	s18 =	simm.s32 $0x1;
	s22 =	smul.u32 $0x2800, s1  }
0x6: {  	s19 =	simm.s32 $0x50;
	s20 =	simm.s32 $0x4;
	s7 =	smul.u32 $0x50000, s1  }
0x7: {  	s21 =	simm.s32 $0x2;
	[smem:$0x7FF] =	sst s3;
	s15 =	smul.u32 $0xFA0, s1  }
0x8: {  	s9 =	sadd.s32 $0x361C00, s4;
	s10 =	sand.u32 $0x1, s6;
	s16 =	smul.u32 $0xFA00, s1  }
0x9: {  	s11 =	sadd.s32 $0x5E00, s4;
	s23 =	sshll.u32 s1, $0x1;
	s8 =	smul.u32 $0x28000, s10  }
0xa: {  	s28 =	sshll.u32 s1, $0x6;
	_ =	strace $0x80000053;
	s29 =	smul.u32 $0x7D0, s10  }
0xb: {  	s12 =	ssub.s32 $0x2, s10;
	s6 =	sor.u32 s10, s23;
	s10 =	smul.u32 $0x7D00, s10  }
0xc: {  	s5 =	sadd.s32 s22, s4;
	s13 =	sshrl.u32 s12, $0x1;
	s14 =	smul.u32 $0x7D0, s6  }
0xd: {  	s7 =	sshrl.u32 s7, $0x2;
	s26 =	smul.u32 $0x7D00, s6;
	s8 =	sadd.s32 s8, s4  }
0xe: {  	s12 =	ssub.s32 s12, s13;
	s24 =	sadd.s32 s7, s2;
	s4 =	sadd.s32 $0x267C00, s5  }
0xf: {  	s5 =	sor.u32 $0x1C05, s28;
	s30 =	sadd.s32 s29, s15;
	s13 =	simm.s32 $0x5  }
0x10: {  	s15 =	simm.s32 $0x80;
	s25 =	sshrl.u32 s14, $0x3;
	s7 =	sadd.s32 s9, s26  }
0x11: {  	s23 =	sadd.s32 $0x28FC00, s8;
	s8 =	smax.u32 s12, $0x1;
	s9 =	sadd.s32 s16, s9  }
0x12: {  	s12 =	sadd.s32 $0x3E850, s30;
	s16 =	simm.s32 $0x2900;
	s14 =	sadd.s32 s11, s25  }
0x13: {  	s9 =	sadd.s32 s10, s9;
	s12 =	sshrl.u32 s12, $0x3;
	s22 =	sadd.s32 s22, s23  }
0x14: {  	s23 =	simm.s32 $0x0;
	s6 =	sadd.s32 $0x7D00, s14;
	s14 =	sadd.s32 $0x3E8A0, s30  }
0x15: {  	s9 =	sadd.s32 $0xA00, s9;
	s31 =	sshrl.u32 s14, $0x3;
	s14 =	simm.s32 $0x100  }
0x16: {  	s10 =	sadd.s32 s31, s11;
	s11 =	sadd.s32 s12, s11;
	s12 =	sshrl.u32 s24, $0x3  }
.LBB2_1:
0x17: {  	[spmem:s12], [sflag:s5] =	dma.local [hbm:s4], $0x2800  }
0x18: {  	_ =	swait.ge [sflag:s13], $0x2800  }
0x19: {  	[sflag:s13] =	ssyncset.done $0x0  }
0x1a: {  	[sflag:s13] =	ssyncadd.s32 $0xFFFFD800  }
0x1b: {  	[bflag:$0x0] =	sbarrier.arrive $0xFFFF  }
0x1c: {  	[tilespmem:s3], [sflag:$0x3] =	stream.linear.gather [hbm4b:s6+s3], $0x50, $0x38;
	[tilespmem:$0x19100] =	vst v63  }
0x1d: {  	_ = 	snop  }
0x1e: {  	[tilespmem:s14], [sflag:$0x1] =	stream.linear.gather [hbm4b:s7+s3], $0x2800, $0x38;
	[tilespmem:$0x19100] =	vst v63  }
0x1f: {  	s24 =	sadd.s32 $0x0, s11  }
0x20: {  	[tilespmem:s15], [sflag:$0x4] =	stream.linear.gather [hbm4b:s24+s3], $0x50, $0x38;
	[tilespmem:$0x19100] =	vst v63  }
0x21: {  	s30 =	sadd.s32 $0xFFFFFB00, s9  }
0x22: {  	[tilespmem:s16], [sflag:$0x2] =	stream.linear.gather [hbm4b:s30+s3], $0x2800, $0x38;
	[tilespmem:$0x19100] =	vst v63  }
0x23: {  	_ =	swait.ge [sflag:s17], $0x50  }
0x24: {  	[sflag:s17] =	ssyncset.done $0x0  }
0x25: {  	[sflag:s17] =	ssyncadd.s32 $0xFFFFFFB0  }
0x26: {  	_ =	swait.ge [sflag:s18], $0x2800  }
0x27: {  	[sflag:s18] =	ssyncset.done $0x0  }
0x28: {  	[sflag:s18] =	ssyncadd.s32 $0xFFFFD800  }
0x29: {  	[spmem:s2] =	stream.indirect.scatter.add.f32 [tilespmem:s14], [sflag:$0x5], $0x80, s3, s19, $0xb8;
	[tilespmem:$0x19100] =	vst v63  }
0x2a: {  	_ =	swait.ge [sflag:s13], $0x2800  }
0x2b: {  	[sflag:s13] =	ssyncset.done $0x0  }
0x2c: {  	s31 =	sadd.s32 $0x0, s10;
	[sflag:s13] =	ssyncadd.s32 $0xFFFFD800  }
0x2d: {  	[tilespmem:s3], [sflag:$0x3] =	stream.linear.gather [hbm4b:s31+s3], $0x50, $0x38;
	[tilespmem:$0x19100] =	vst v63  }
0x2e: {  	_ = 	snop  }
0x2f: {  	[tilespmem:s14], [sflag:$0x1] =	stream.linear.gather [hbm4b:s9+s3], $0x2800, $0x38;
	[tilespmem:$0x19100] =	vst v63  }
0x30: {  	_ =	swait.ge [sflag:s20], $0x50  }
0x31: {  	[sflag:s20] =	ssyncset.done $0x0  }
0x32: {  	[sflag:s20] =	ssyncadd.s32 $0xFFFFFFB0  }
0x33: {  	_ =	swait.ge [sflag:s21], $0x2800  }
0x34: {  	[sflag:s21] =	ssyncset.done $0x0  }
0x35: {  	[sflag:s21] =	ssyncadd.s32 $0xFFFFD800  }
0x36: {  	[spmem:s2] =	stream.indirect.scatter.add.f32 [tilespmem:s16], [sflag:$0x5], $0x80, s15, s19, $0xb8;
	[tilespmem:$0x19100] =	vst v63  }
0x37: {  	s26 =	simm.s32 $0x28;
	_ =	swait.ge [sflag:s13], $0x2800  }
0x38: {  	s25 =	sadd.s32 $0xA00, s9;
	s24 =	simm.s32 $0x14;
	[sflag:s13] =	ssyncset.done $0x0  }
.LBB2_2:
0x39: {  	s28 =	sadd.s32 s24, s11  }
0x3a: {  	[sflag:s13] =	ssyncadd.s32 $0xFFFFD800;
	s29 =	smov.u32 s26;
	s30 =	sadd.s32 $0x14, s26  }
0x3b: {  	[tilespmem:s15], [sflag:$0x4] =	stream.linear.gather [hbm4b:s28+s3], $0x50, $0x38;
	[tilespmem:$0x19100] =	vst v63  }
0x3c: {  	p0 =	sne.s32 s26, $0xDC;
	s26 =	sadd.s32 $0xFFFFFB00, s25  }
0x3d: {  	[tilespmem:s16], [sflag:$0x2] =	stream.linear.gather [hbm4b:s26+s3], $0x2800, $0x38;
	[tilespmem:$0x19100] =	vst v63  }
0x3e: {  	_ =	swait.ge [sflag:s17], $0x50  }
0x3f: {  	[sflag:s17] =	ssyncset.done $0x0  }
0x40: {  	[sflag:s17] =	ssyncadd.s32 $0xFFFFFFB0  }
0x41: {  	_ =	swait.ge [sflag:s18], $0x2800  }
0x42: {  	[sflag:s18] =	ssyncset.done $0x0  }
0x43: {  	[sflag:s18] =	ssyncadd.s32 $0xFFFFD800  }
0x44: {  	[spmem:s2] =	stream.indirect.scatter.add.f32 [tilespmem:s14], [sflag:$0x5], $0x80, s3, s19, $0xb8;
	[tilespmem:$0x19100] =	vst v63  }
0x45: {  	_ =	swait.ge [sflag:s13], $0x2800  }
0x46: {  	[sflag:s13] =	ssyncset.done $0x0  }
0x47: {  	s26 =	sadd.s32 s24, s10;
	s24 =	smov.u32 s29;
	[sflag:s13] =	ssyncadd.s32 $0xFFFFD800  }
0x48: {  	[tilespmem:s3], [sflag:$0x3] =	stream.linear.gather [hbm4b:s26+s3], $0x50, $0x38;
	[tilespmem:$0x19100] =	vst v63  }
0x49: {  	_ = 	snop  }
0x4a: {  	[tilespmem:s14], [sflag:$0x1] =	stream.linear.gather [hbm4b:s25+s3], $0x2800, $0x38;
	[tilespmem:$0x19100] =	vst v63  }
0x4b: {  	_ =	swait.ge [sflag:s20], $0x50  }
0x4c: {  	[sflag:s20] =	ssyncset.done $0x0  }
0x4d: {  	[sflag:s20] =	ssyncadd.s32 $0xFFFFFFB0  }
0x4e: {  	_ =	swait.ge [sflag:s21], $0x2800  }
.Ltmp0:
0x4f: {  	[sflag:s21] =	ssyncset.done $0x0;
	(pc) =	sbr.rel @p0 .LBB2_2-.Ltmp0, $4  }
0x50: {  	[sflag:s21] =	ssyncadd.s32 $0xFFFFD800  }
0x51: {  	[spmem:s2] =	stream.indirect.scatter.add.f32 [tilespmem:s16], [sflag:$0x5], $0x80, s15, s19, $0xb8;
	[tilespmem:$0x19100] =	vst v63  }
0x52: {  	_ =	swait.ge [sflag:s13], $0x2800  }
0x53: {  	s26 =	smov.u32 s30;
	s25 =	sadd.s32 $0xA00, s25;
	[sflag:s13] =	ssyncset.done $0x0  }
0x54: {  	s26 =	sadd.s32 s24, s11;
	[sflag:s13] =	ssyncadd.s32 $0xFFFFD800  }
0x55: {  	[tilespmem:s15], [sflag:$0x4] =	stream.linear.gather [hbm4b:s26+s3], $0x50, $0x38;
	[tilespmem:$0x19100] =	vst v63  }
0x56: {  	s30 =	sadd.s32 $0xFFFFFB00, s25  }
0x57: {  	[tilespmem:s16], [sflag:$0x2] =	stream.linear.gather [hbm4b:s30+s3], $0x2800, $0x38;
	[tilespmem:$0x19100] =	vst v63  }
0x58: {  	_ =	swait.ge [sflag:s17], $0x50  }
0x59: {  	[sflag:s17] =	ssyncset.done $0x0  }
0x5a: {  	[sflag:s17] =	ssyncadd.s32 $0xFFFFFFB0  }
0x5b: {  	_ =	swait.ge [sflag:s18], $0x2800  }
0x5c: {  	[sflag:s18] =	ssyncset.done $0x0  }
0x5d: {  	[sflag:s18] =	ssyncadd.s32 $0xFFFFD800  }
0x5e: {  	[spmem:s2] =	stream.indirect.scatter.add.f32 [tilespmem:s14], [sflag:$0x5], $0x80, s3, s19, $0xb8;
	[tilespmem:$0x19100] =	vst v63  }
0x5f: {  	_ =	swait.ge [sflag:s13], $0x2800  }
0x60: {  	[sflag:s13] =	ssyncset.done $0x0  }
0x61: {  	s31 =	sadd.s32 s24, s10;
	[sflag:s13] =	ssyncadd.s32 $0xFFFFD800  }
0x62: {  	[tilespmem:s3], [sflag:$0x3] =	stream.linear.gather [hbm4b:s31+s3], $0x50, $0x38;
	[tilespmem:$0x19100] =	vst v63  }
0x63: {  	_ = 	snop  }
0x64: {  	[tilespmem:s14], [sflag:$0x1] =	stream.linear.gather [hbm4b:s25+s3], $0x2800, $0x38;
	[tilespmem:$0x19100] =	vst v63  }
0x65: {  	_ =	swait.ge [sflag:s20], $0x50  }
0x66: {  	[sflag:s20] =	ssyncset.done $0x0  }
0x67: {  	[sflag:s20] =	ssyncadd.s32 $0xFFFFFFB0  }
0x68: {  	_ =	swait.ge [sflag:s21], $0x2800  }
0x69: {  	[sflag:s21] =	ssyncset.done $0x0  }
0x6a: {  	[sflag:s21] =	ssyncadd.s32 $0xFFFFD800  }
0x6b: {  	[spmem:s2] =	stream.indirect.scatter.add.f32 [tilespmem:s16], [sflag:$0x5], $0x80, s15, s19, $0xb8;
	[tilespmem:$0x19100] =	vst v63  }
0x6c: {  	_ =	swait.ge [sflag:s13], $0x2800  }
0x6d: {  	[sflag:s13] =	ssyncset.done $0x0  }
0x6e: {  	[sflag:s13] =	ssyncadd.s32 $0xFFFFD800  }
0x6f: {  	_ =	swait.ge [sflag:s17], $0x50  }
0x70: {  	[sflag:s17] =	ssyncset.done $0x0  }
0x71: {  	[sflag:s17] =	ssyncadd.s32 $0xFFFFFFB0  }
0x72: {  	_ =	swait.ge [sflag:s18], $0x2800  }
0x73: {  	[sflag:s18] =	ssyncset.done $0x0  }
0x74: {  	[sflag:s18] =	ssyncadd.s32 $0xFFFFD800  }
0x75: {  	[spmem:s2] =	stream.indirect.scatter.add.f32 [tilespmem:s14], [sflag:$0x5], $0x80, s3, s19, $0xb8;
	[tilespmem:$0x19100] =	vst v63  }
0x76: {  	_ =	swait.ge [sflag:s13], $0x2800  }
0x77: {  	s23 =	sadd.s32 $0x1, s23;
	[sflag:s13] =	ssyncset.done $0x0  }
0x78: {  	p0 =	sne.s32 s23, s8;
	[sflag:s13] =	ssyncadd.s32 $0xFFFFD800  }
.Ltmp1:
0x79: {  	[bflag:$0x0] =	sbarrier.arrive $0xFFFF;
	(pc) =	sbr.rel @p0 .LBB2_1-.Ltmp1, $4  }
0x7a: {  	[hbm:s22], [sflag:s5] =	dma.local [spmem:s12], $0x2800  }
0x7b: {  	_ =	swait.ge [sflag:s13], $0x2800  }
0x7c: {  	[sflag:s13] =	ssyncset.done $0x0  }
0x7d: {  	[sflag:s13] =	ssyncadd.s32 $0xFFFFD800  }
0x7e: {  	_ =	sfence.sel $0x180000  }
0x7f: {  	[bflag:$0x0] =	sbarrier.arrive $0xFFFF  }
0x80: {  	p0 =	sne.s32 s1, $0x0;
	_ =	strace $0x90000053  }
0x81: {  	s0 =	sadd.s32 @!p0 $0x100000, s0;
	[bflag:$0x2] =	sbarrier.arrive $0xFFFF  }
0x82: {  	[sflag:s0] =	ssyncadd.tile.s32 @!p0 $0x1;
	_ =	shalt  }
.Lfunc_end2:
_tile_overlayer_lowered:
.L_overlay_start_2:
0x83: {  	(tag) =	ssettag $0x2  }
0x84: {  	s0 =	rddreg [dreg:$0x0];
	s2 =	stileid.u32  }
0x85: {  	s1 =	rddreg [dreg:$0x1];
	p0 =	sne.s32 s2, $0x0  }
0x86: {  	s3 =	rddreg [dreg:$0x2];
	[bflag:$0x3] =	sbarrier.arrive $0xFFFF;
	s2 =	simm.s32 @!p0 $0x1C05  }
0x87: {  	[timem:s3], [sflag:s2] =	dma.local @!p0 [hbm:s0], s1  }
0x88: {  	s0 =	simm.s32 @!p0 $0x5  }
0x89: {  	_ =	swait.ge @!p0 [sflag:s0], s1  }
0x8a: {  	s1 =	ssub.s32 @!p0 $0x0, s1;
	[sflag:s0] =	ssyncset.done @!p0 $0x0  }
0x8b: {  	[sflag:s0] =	ssyncadd.s32 @!p0 s1  }
0x8c: {  	[bflag:$0x3] =	sbarrier.arrive $0xFFFF  }
0x8d: {  	_ =	shalt  }

</sc_bundles>
